<compile_context>
chip_gen: v7x
topology: tpu7x:2x2x1
jax: 0.10.2.dev20260603
libtpu: 0.0.44.dev20260713+nightly
codegen_flags: <defaults>
</compile_context>

<pallas_src>
import functools

import jax
import jax.numpy as jnp
import numpy as np
from jax import lax
from jax.experimental import pallas as pl
from jax.experimental.pallas import tpu as pltpu
from jax.experimental.pallas import tpu_sc as plsc

N = 10000
E = 160000
IN_SIZE = 256
OUT_SIZE = 256
NUM_HEADS = 8
HEAD_DIM = OUT_SIZE // NUM_HEADS
SCALING = HEAD_DIM ** (-0.5)

HALF_F = 128
N_TILES = 16
EDGES_PER_TILE = E // N_TILES
CHUNK = 80
N_CHUNKS = EDGES_PER_TILE // CHUNK
ZBLK = 80
N_ZBLKS = N // ZBLK

_J = np.arange(HALF_F)
_PERM0 = (_J // 4) * 8 + (_J % 4)
_PERM1 = (_J // 4) * 8 + 4 + (_J % 4)


_BN = 400
_NBLK = N // _BN


def _proj_body(h_ref, wq_ref, wk_ref, wv_ref, bq_ref, bk_ref, bv_ref,
               q_out, k_out, v_out):
    hb = h_ref[...]
    for w_ref, b_ref, o_ref in ((wq_ref, bq_ref, q_out),
                                (wk_ref, bk_ref, k_out),
                                (wv_ref, bv_ref, v_out)):
        acc = lax.dot_general(hb, w_ref[0], (((1,), (1,)), ((), ())),
                              preferred_element_type=jnp.float32)
        o_ref[...] = acc + b_ref[0, 0][None, :]


def _project(h, wq2, wk2, wv2, bq2, bk2, bv2):
    out_sds = jax.ShapeDtypeStruct((2 * N, HALF_F), jnp.float32)
    w_spec = pl.BlockSpec((1, HALF_F, IN_SIZE), lambda j: (j % 2, 0, 0))
    b_spec = pl.BlockSpec((1, 1, HALF_F), lambda j: (j % 2, 0, 0))
    o_spec = pl.BlockSpec((_BN, HALF_F), lambda j: ((j % 2) * _NBLK + j // 2, 0))
    return pl.pallas_call(
        _proj_body,
        grid=(2 * _NBLK,),
        in_specs=[
            pl.BlockSpec((_BN, IN_SIZE), lambda j: (j // 2, 0)),
            w_spec, w_spec, w_spec, b_spec, b_spec, b_spec,
        ],
        out_specs=[o_spec] * 3,
        out_shape=[out_sds] * 3,
    )(h, wq2, wk2, wv2, bq2, bk2, bv2)


def _lane_gather(x, idx):
    dnums = lax.GatherDimensionNumbers(
        offset_dims=(), collapsed_slice_dims=(0,), start_index_map=(0,))
    return lax.gather(x, idx[:, None], dnums, (1,),
                      mode=lax.GatherScatterMode.PROMISE_IN_BOUNDS)


def _sc_kernel(q_all, k_all, v_all, rowg, colg, contrib2, ex2,
               idx_rg, idx_cg, qbuf, kbuf, denc, sem):
    cid = lax.axis_index("c")
    sid = lax.axis_index("s")
    goff = cid * E
    base = sid * EDGES_PER_TILE

    lanes = lax.iota(jnp.int32, 16)
    perm8 = (lanes + 8) % 16
    perm4 = (lanes + 4) % 16

    def chunk(ci, _):
        off = base + ci * CHUNK
        pltpu.sync_copy(rowg.at[pl.ds(goff + off, CHUNK)], idx_rg)
        pltpu.sync_copy(colg.at[pl.ds(goff + off, CHUNK)], idx_cg)
        pltpu.async_copy(k_all.at[idx_cg], kbuf, sem).wait()
        pltpu.async_copy(q_all.at[idx_rg], qbuf, sem).wait()

        def score_body(e, _):
            acc = qbuf[e, pl.ds(0, 16)] * kbuf[e, pl.ds(0, 16)]
            for j in range(1, 8):
                acc = acc + qbuf[e, pl.ds(j * 16, 16)] * kbuf[e, pl.ds(j * 16, 16)]
            t1 = acc + _lane_gather(acc, perm8)
            t2 = t1 + _lane_gather(t1, perm4)
            denc[e, :] = jnp.exp(t2)
            return 0

        lax.fori_loop(0, CHUNK, score_body, 0)

        pltpu.async_copy(v_all.at[idx_cg], qbuf, sem).wait()

        def weight_body(e, _):
            exb = denc[e, :]
            for j in range(8):
                kbuf[e, pl.ds(j * 16, 16)] = exb * qbuf[e, pl.ds(j * 16, 16)]
            return 0

        lax.fori_loop(0, CHUNK, weight_body, 0)
        pltpu.sync_copy(kbuf, contrib2.at[pl.ds(goff + off, CHUNK)])
        pltpu.sync_copy(denc, ex2.at[pl.ds(goff + off, CHUNK)])
        return 0

    lax.fori_loop(0, N_CHUNKS, chunk, 0)


def _sparse_attention(q_all, k_all, v_all, rowg, colg):
    mesh = plsc.VectorSubcoreMesh(core_axis_name="c", subcore_axis_name="s")
    kfn = functools.partial(
        pl.kernel,
        mesh=mesh,
        out_type=[
            jax.ShapeDtypeStruct((2 * E, HALF_F), jnp.float32),
            jax.ShapeDtypeStruct((2 * E, 16), jnp.float32),
        ],
        scratch_types=[
            pltpu.VMEM((CHUNK,), jnp.int32),
            pltpu.VMEM((CHUNK,), jnp.int32),
            pltpu.VMEM((CHUNK, HALF_F), jnp.float32),
            pltpu.VMEM((CHUNK, HALF_F), jnp.float32),
            pltpu.VMEM((CHUNK, 16), jnp.float32),
            pltpu.SemaphoreType.DMA,
        ],
    )(_sc_kernel)
    return kfn(q_all, k_all, v_all, rowg, colg)


def _norm_body(o_ref, d_ref, out_ref):
    d = d_ref[...]
    dwide = jnp.concatenate([d] * 8, axis=1)
    safe = jnp.where(dwide == 0.0, 1.0, dwide)
    out_ref[...] = o_ref[...] / safe


def _normalize(outraw, denraw):
    return pl.pallas_call(
        _norm_body,
        grid=(2 * N // _BN,),
        in_specs=[
            pl.BlockSpec((_BN, HALF_F), lambda i: (i, 0)),
            pl.BlockSpec((_BN, 16), lambda i: (i, 0)),
        ],
        out_specs=pl.BlockSpec((_BN, HALF_F), lambda i: (i, 0)),
        out_shape=jax.ShapeDtypeStruct((2 * N, HALF_F), jnp.float32),
    )(outraw, denraw)


def kernel(h, edge_index, Wq, bq, Wk, bk, Wv, bv):
    p0 = jnp.asarray(_PERM0)
    p1 = jnp.asarray(_PERM1)
    wq2 = jnp.stack([Wq[p0] * SCALING, Wq[p1] * SCALING])
    wk2 = jnp.stack([Wk[p0], Wk[p1]])
    wv2 = jnp.stack([Wv[p0], Wv[p1]])
    bq2 = jnp.stack([bq[p0] * SCALING, bq[p1] * SCALING])[:, None, :]
    bk2 = jnp.stack([bk[p0], bk[p1]])[:, None, :]
    bv2 = jnp.stack([bv[p0], bv[p1]])[:, None, :]
    q_all, k_all, v_all = _project(h, wq2, wk2, wv2, bq2, bk2, bv2)

    row = edge_index[0].astype(jnp.int32)
    col = edge_index[1].astype(jnp.int32)
    rowg = jnp.concatenate([row, row + N])
    colg = jnp.concatenate([col, col + N])
    contrib2, ex2 = _sparse_attention(q_all, k_all, v_all, rowg, colg)

    num0 = jax.ops.segment_sum(contrib2[:E], row, num_segments=N)
    num1 = jax.ops.segment_sum(contrib2[E:], row, num_segments=N)
    den0 = jax.ops.segment_sum(ex2[:E, :4], row, num_segments=N)
    den1 = jax.ops.segment_sum(ex2[E:, :4], row, num_segments=N)
    outraw = jnp.concatenate([num0, num1])
    denraw = jnp.concatenate(
        [jnp.tile(den0, (1, 4)), jnp.tile(den1, (1, 4))])
    out_all = _normalize(outraw, denraw)

    out = jnp.stack(
        [out_all[:N].reshape(N, HEAD_DIM, 4), out_all[N:].reshape(N, HEAD_DIM, 4)],
        axis=2,
    ).reshape(N, HEAD_DIM, NUM_HEADS)
    return out

# --- scband reference (transcript-rebuilt; emitter-appended) ---
"""Pipeline reference for scband-sparse-mha-39221641347260 (READ-ONLY COPY).

The authoritative reference and input builder live on the scoring server;
editing this copy changes nothing except your own understanding.
"""

import jax, jax.numpy as jnp
import numpy as np

N = 10000
E = 160000
IN_SIZE = 256
OUT_SIZE = 256
NUM_HEADS = 8
HEAD_DIM = OUT_SIZE // NUM_HEADS
SCALING = HEAD_DIM ** (-0.5)


def setup_inputs(seed: int = 0) -> dict:
    key = jax.random.key(seed)
    ks = jax.random.split(key, 8)
    h = jax.random.normal(ks[0], (N, IN_SIZE), dtype=jnp.float32)
    edge_index = jax.random.randint(ks[1], (2, E), 0, N, dtype=jnp.int64)
    lim = 1.0 / np.sqrt(IN_SIZE)
    Wq = jax.random.uniform(ks[2], (OUT_SIZE, IN_SIZE), jnp.float32, -lim, lim)
    bq = jax.random.uniform(ks[3], (OUT_SIZE,), jnp.float32, -lim, lim)
    Wk = jax.random.uniform(ks[4], (OUT_SIZE, IN_SIZE), jnp.float32, -lim, lim)
    bk = jax.random.uniform(ks[5], (OUT_SIZE,), jnp.float32, -lim, lim)
    Wv = jax.random.uniform(ks[6], (OUT_SIZE, IN_SIZE), jnp.float32, -lim, lim)
    bv = jax.random.uniform(ks[7], (OUT_SIZE,), jnp.float32, -lim, lim)
    return {"h": h, "edge_index": edge_index, "Wq": Wq, "bq": bq, "Wk": Wk, "bk": bk, "Wv": Wv, "bv": bv}


def reference(h, edge_index, Wq, bq, Wk, bk, Wv, bv):
    # prep_qkv: note the module reshapes to (N, head_dim, num_heads)
    q = (h @ Wq.T + bq).reshape(N, HEAD_DIM, NUM_HEADS) * SCALING
    k = (h @ Wk.T + bk).reshape(N, HEAD_DIM, NUM_HEADS)
    v = (h @ Wv.T + bv).reshape(N, HEAD_DIM, NUM_HEADS)
    row = edge_index[0]  # dst / sparse row index
    col = edge_index[1]  # src / sparse col index
    # bsddmm: per-edge per-head score = q[row] . k[col] over head_dim
    scores = jnp.einsum('edh,edh->eh', jnp.take(q, row, axis=0), jnp.take(k, col, axis=0))
    # row-wise (per dst node) softmax over nonzero entries
    m = jax.ops.segment_max(scores, row, num_segments=N)
    m = jnp.where(jnp.isfinite(m), m, 0.0)
    ex = jnp.exp(scores - jnp.take(m, row, axis=0))
    denom = jax.ops.segment_sum(ex, row, num_segments=N)
    attn = ex / jnp.take(denom, row, axis=0)
    # bspmm: out[i, :, h] = sum_j attn[i,j,h] * v[j, :, h]
    contrib = attn[:, None, :] * jnp.take(v, col, axis=0)
    out = jax.ops.segment_sum(contrib, row, num_segments=N)
    return out

if __name__ == "__main__":
    import jax
    _d = setup_inputs()
    print(jax.jit(kernel)(*tuple(_d.values())))

</pallas_src>

<mosaic_0001>
#map = affine_map<(d0, d1) -> (0, 0)>
#map1 = affine_map<(d0, d1) -> (0)>
module attributes {stable_mosaic.version = 14 : i64} {
  func.func @_sc_kernel(%arg0: i32, %arg1: i32, %arg2: memref<20000x128xf32, #tpu.memory_space<hbm>>, %arg3: memref<20000x128xf32, #tpu.memory_space<hbm>>, %arg4: memref<20000x128xf32, #tpu.memory_space<hbm>>, %arg5: memref<320000xi32, #tpu.memory_space<hbm>>, %arg6: memref<320000xi32, #tpu.memory_space<hbm>>, %arg7: memref<320000x128xf32, #tpu.memory_space<hbm>>, %arg8: memref<320000x16xf32, #tpu.memory_space<hbm>>, %arg9: memref<80xi32, #tpu.memory_space<vmem>>, %arg10: memref<80xi32, #tpu.memory_space<vmem>>, %arg11: memref<80x128xf32, #tpu.memory_space<vmem>>, %arg12: memref<80x128xf32, #tpu.memory_space<vmem>>, %arg13: memref<80x16xf32, #tpu.memory_space<vmem>>, %arg14: memref<!tpu.dma_semaphore, #tpu.memory_space<semaphore_mem>>) attributes {dimension_semantics = [#tpu.dimension_semantics<core_parallel>, #tpu.dimension_semantics<subcore_parallel>], iteration_bounds = array<i64: 2, 16>, scalar_prefetch = 0 : i64, scratch_operands = 6 : i64, tpu.core_type = #tpu.core_type<sc_vector_subcore>, window_params = [{transform_indices = #map}, {transform_indices = #map}, {transform_indices = #map}, {transform_indices = #map1}, {transform_indices = #map1}, {transform_indices = #map}, {transform_indices = #map}]} {
    %mul3A = arith.constant 160000 : i32
    %mul3A_0 = arith.muli %arg0, %mul3A : i32
    %mul3A_1 = arith.constant 10000 : i32
    %mul3A_2 = arith.muli %arg1, %mul3A_1 : i32
    %iota3A = tpu.iota {dimensions = array<i32: 0>} : vector<16xi32>
    %add3A = arith.constant 8 : i32
    %add3A_3 = vector.broadcast %add3A : i32 to vector<16xi32>
    %add3A_4 = arith.addi %iota3A, %add3A_3 : vector<16xi32>
    %jit3A = arith.constant 16 : i32
    %eq3A = arith.constant 0 : i32
    %eq3A_5 = arith.cmpi eq, %jit3A, %eq3A : i32
    %jit3A_6 = arith.constant 1 : i32
    %select_n3A = arith.select %eq3A_5, %jit3A_6, %jit3A : i32
    %rem3A = vector.broadcast %select_n3A : i32 to vector<16xi32>
    %rem3A_7 = arith.remsi %add3A_4, %rem3A : vector<16xi32>
    %ne3A = arith.constant 0 : i32
    %ne3A_8 = vector.broadcast %ne3A : i32 to vector<16xi32>
    %ne3A_9 = arith.cmpi ne, %rem3A_7, %ne3A_8 : vector<16xi32>
    %lt3A = arith.constant 0 : i32
    %lt3A_10 = vector.broadcast %lt3A : i32 to vector<16xi32>
    %lt3A_11 = arith.cmpi slt, %rem3A_7, %lt3A_10 : vector<16xi32>
    %lt3A_12 = arith.constant 0 : i32
    %lt3A_13 = arith.cmpi slt, %select_n3A, %lt3A_12 : i32
    %ne3A_14 = vector.broadcast %lt3A_13 : i1 to vector<16xi1>
    %ne3A_15 = vector.broadcast %ne3A_14 : vector<16xi1> to vector<16xi1>
    %ne3A_16 = arith.xori %lt3A_11, %ne3A_15 : vector<16xi1>
    %and3A = arith.andi %ne3A_16, %ne3A_9 : vector<16xi1>
    %add3A_17 = vector.broadcast %select_n3A : i32 to vector<16xi32>
    %add3A_18 = arith.addi %rem3A_7, %add3A_17 : vector<16xi32>
    %select_n3A_19 = arith.select %and3A, %add3A_18, %rem3A_7 : vector<16xi1>, vector<16xi32>
    %add3A_20 = arith.constant 4 : i32
    %add3A_21 = vector.broadcast %add3A_20 : i32 to vector<16xi32>
    %add3A_22 = arith.addi %iota3A, %add3A_21 : vector<16xi32>
    %jit3A_23 = arith.constant 16 : i32
    %eq3A_24 = arith.constant 0 : i32
    %eq3A_25 = arith.cmpi eq, %jit3A_23, %eq3A_24 : i32
    %jit3A_26 = arith.constant 1 : i32
    %select_n3A_27 = arith.select %eq3A_25, %jit3A_26, %jit3A_23 : i32
    %rem3A_28 = vector.broadcast %select_n3A_27 : i32 to vector<16xi32>
    %rem3A_29 = arith.remsi %add3A_22, %rem3A_28 : vector<16xi32>
    %ne3A_30 = arith.constant 0 : i32
    %ne3A_31 = vector.broadcast %ne3A_30 : i32 to vector<16xi32>
    %ne3A_32 = arith.cmpi ne, %rem3A_29, %ne3A_31 : vector<16xi32>
    %lt3A_33 = arith.constant 0 : i32
    %lt3A_34 = vector.broadcast %lt3A_33 : i32 to vector<16xi32>
    %lt3A_35 = arith.cmpi slt, %rem3A_29, %lt3A_34 : vector<16xi32>
    %lt3A_36 = arith.constant 0 : i32
    %lt3A_37 = arith.cmpi slt, %select_n3A_27, %lt3A_36 : i32
    %ne3A_38 = vector.broadcast %lt3A_37 : i1 to vector<16xi1>
    %ne3A_39 = vector.broadcast %ne3A_38 : vector<16xi1> to vector<16xi1>
    %ne3A_40 = arith.xori %lt3A_35, %ne3A_39 : vector<16xi1>
    %and3A_41 = arith.andi %ne3A_40, %ne3A_32 : vector<16xi1>
    %add3A_42 = vector.broadcast %select_n3A_27 : i32 to vector<16xi32>
    %add3A_43 = arith.addi %rem3A_29, %add3A_42 : vector<16xi32>
    %select_n3A_44 = arith.select %and3A_41, %add3A_43, %rem3A_29 : vector<16xi1>, vector<16xi32>
    %scan3A = arith.constant 0 : i32
    %scan3A_45 = arith.constant 0 : i32
    %scan3A_46 = arith.constant 125 : i32
    %scan3A_47 = arith.addi %scan3A_45, %scan3A_46 : i32
    %scan3A_48 = arith.constant 1 : i32
    %scan3A_49 = scf.for %scan3A_51 = %scan3A_45 to %scan3A_47 step %scan3A_48 iter_args(%scan3A_52 = %scan3A) -> (i32)  : i32 {
      %mul3A_53 = arith.constant 80 : i32
      %mul3A_54 = arith.muli %scan3A_51, %mul3A_53 : i32
      %add3A_55 = arith.addi %mul3A_2, %mul3A_54 : i32
      %add3A_56 = arith.addi %mul3A_0, %add3A_55 : i32
      "tpu.region"() ({
        %run_scoped3A = tpu.sem_alloc : memref<!tpu.dma_semaphore, #tpu.memory_space<semaphore_mem>>
        %dma_start3A_91 = tpu.memref_slice %arg5[%add3A_56] : memref<320000xi32, #tpu.memory_space<hbm>> -> memref<80xi32, #tpu.memory_space<hbm>>
        %dma_start3A_92 = tpu.memref_slice %arg5[%add3A_56] : memref<320000xi32, #tpu.memory_space<hbm>> -> memref<80xi32, #tpu.memory_space<hbm>>
        tpu.enqueue_dma source(%dma_start3A_92 : memref<80xi32, #tpu.memory_space<hbm>>) target(%arg9 : memref<80xi32, #tpu.memory_space<vmem>>) target_semaphore(%run_scoped3A : memref<!tpu.dma_semaphore, #tpu.memory_space<semaphore_mem>>)
        %dma_wait3A_93 = tpu.memref_slice %arg5[%add3A_56] : memref<320000xi32, #tpu.memory_space<hbm>> -> memref<80xi32, #tpu.memory_space<hbm>>
        %dma_wait3A_94 = tpu.memref_slice %arg5[%add3A_56] : memref<320000xi32, #tpu.memory_space<hbm>> -> memref<80xi32, #tpu.memory_space<hbm>>
        tpu.wait_dma2 semaphore(%run_scoped3A : memref<!tpu.dma_semaphore, #tpu.memory_space<semaphore_mem>>) src(%dma_wait3A_94 : memref<80xi32, #tpu.memory_space<hbm>>) dst(%arg9 : memref<80xi32, #tpu.memory_space<vmem>>)
        tpu.yield
      }) : () -> ()
      %add3A_57 = arith.addi %mul3A_0, %add3A_55 : i32
      "tpu.region"() ({
        %run_scoped3A = tpu.sem_alloc : memref<!tpu.dma_semaphore, #tpu.memory_space<semaphore_mem>>
        %dma_start3A_91 = tpu.memref_slice %arg6[%add3A_57] : memref<320000xi32, #tpu.memory_space<hbm>> -> memref<80xi32, #tpu.memory_space<hbm>>
        %dma_start3A_92 = tpu.memref_slice %arg6[%add3A_57] : memref<320000xi32, #tpu.memory_space<hbm>> -> memref<80xi32, #tpu.memory_space<hbm>>
        tpu.enqueue_dma source(%dma_start3A_92 : memref<80xi32, #tpu.memory_space<hbm>>) target(%arg10 : memref<80xi32, #tpu.memory_space<vmem>>) target_semaphore(%run_scoped3A : memref<!tpu.dma_semaphore, #tpu.memory_space<semaphore_mem>>)
        %dma_wait3A_93 = tpu.memref_slice %arg6[%add3A_57] : memref<320000xi32, #tpu.memory_space<hbm>> -> memref<80xi32, #tpu.memory_space<hbm>>
        %dma_wait3A_94 = tpu.memref_slice %arg6[%add3A_57] : memref<320000xi32, #tpu.memory_space<hbm>> -> memref<80xi32, #tpu.memory_space<hbm>>
        tpu.wait_dma2 semaphore(%run_scoped3A : memref<!tpu.dma_semaphore, #tpu.memory_space<semaphore_mem>>) src(%dma_wait3A_94 : memref<80xi32, #tpu.memory_space<hbm>>) dst(%arg10 : memref<80xi32, #tpu.memory_space<vmem>>)
        tpu.yield
      }) : () -> ()
      %dma_start3A = arith.constant 0 : i32
      %dma_start3A_58 = arith.constant 0 : i32
      %dma_start3A_59 = tpu.memref_slice %arg3[%dma_start3A, %dma_start3A_58] : memref<20000x128xf32, #tpu.memory_space<hbm>> -> memref<20000x128xf32, #tpu.memory_space<hbm>>
      tpu.enqueue_indirect_dma source(%dma_start3A_59 : memref<20000x128xf32, #tpu.memory_space<hbm>>) target(%arg12 : memref<80x128xf32, #tpu.memory_space<vmem>>) offsets(%arg10 : memref<80xi32, #tpu.memory_space<vmem>>) semaphore(%arg14 : memref<!tpu.dma_semaphore, #tpu.memory_space<semaphore_mem>>)
      %dma_wait3A = arith.constant 0 : i32
      %dma_wait3A_60 = arith.constant 0 : i32
      %dma_wait3A_61 = tpu.memref_slice %arg3[%dma_wait3A, %dma_wait3A_60] : memref<20000x128xf32, #tpu.memory_space<hbm>> -> memref<20000x128xf32, #tpu.memory_space<hbm>>
      tpu.wait_indirect_dma semaphore(%arg14 : memref<!tpu.dma_semaphore, #tpu.memory_space<semaphore_mem>>) src(%dma_wait3A_61 : memref<20000x128xf32, #tpu.memory_space<hbm>>) dst(%arg12 : memref<80x128xf32, #tpu.memory_space<vmem>>)
      %dma_start3A_62 = arith.constant 0 : i32
      %dma_start3A_63 = arith.constant 0 : i32
      %dma_start3A_64 = tpu.memref_slice %arg2[%dma_start3A_62, %dma_start3A_63] : memref<20000x128xf32, #tpu.memory_space<hbm>> -> memref<20000x128xf32, #tpu.memory_space<hbm>>
      tpu.enqueue_indirect_dma source(%dma_start3A_64 : memref<20000x128xf32, #tpu.memory_space<hbm>>) target(%arg11 : memref<80x128xf32, #tpu.memory_space<vmem>>) offsets(%arg9 : memref<80xi32, #tpu.memory_space<vmem>>) semaphore(%arg14 : memref<!tpu.dma_semaphore, #tpu.memory_space<semaphore_mem>>)
      %dma_wait3A_65 = arith.constant 0 : i32
      %dma_wait3A_66 = arith.constant 0 : i32
      %dma_wait3A_67 = tpu.memref_slice %arg2[%dma_wait3A_65, %dma_wait3A_66] : memref<20000x128xf32, #tpu.memory_space<hbm>> -> memref<20000x128xf32, #tpu.memory_space<hbm>>
      tpu.wait_indirect_dma semaphore(%arg14 : memref<!tpu.dma_semaphore, #tpu.memory_space<semaphore_mem>>) src(%dma_wait3A_67 : memref<20000x128xf32, #tpu.memory_space<hbm>>) dst(%arg11 : memref<80x128xf32, #tpu.memory_space<vmem>>)
      %scan3A_68 = arith.constant 0 : i32
      %scan3A_69 = arith.constant 0 : i32
      %scan3A_70 = arith.constant 80 : i32
      %scan3A_71 = arith.addi %scan3A_69, %scan3A_70 : i32
      %scan3A_72 = arith.constant 1 : i32
      %scan3A_73 = scf.for %scan3A_91 = %scan3A_69 to %scan3A_71 step %scan3A_72 iter_args(%scan3A_92 = %scan3A_68) -> (i32)  : i32 {
        %get3A = arith.index_cast %scan3A_91 : i32 to index
        %get3A_93 = arith.constant 0 : index
        %get3A_94 = tpu.vector_load %arg11[%get3A, %get3A_93] {strides = array<i32>} : memref<80x128xf32, #tpu.memory_space<vmem>>, vector<1x16xf32>,
        %get3A_95 = vector.shape_cast %get3A_94 : vector<1x16xf32> to vector<16xf32>
        %get3A_96 = arith.index_cast %scan3A_91 : i32 to index
        %get3A_97 = arith.constant 0 : index
        %get3A_98 = tpu.vector_load %arg12[%get3A_96, %get3A_97] {strides = array<i32>} : memref<80x128xf32, #tpu.memory_space<vmem>>, vector<1x16xf32>,
        %get3A_99 = vector.shape_cast %get3A_98 : vector<1x16xf32> to vector<16xf32>
        %mul3A_100 = arith.mulf %get3A_95, %get3A_99 : vector<16xf32>
        %get3A_101 = arith.index_cast %scan3A_91 : i32 to index
        %get3A_102 = arith.constant 16 : index
        %get3A_103 = tpu.vector_load %arg11[%get3A_101, %get3A_102] {strides = array<i32>} : memref<80x128xf32, #tpu.memory_space<vmem>>, vector<1x16xf32>,
        %get3A_104 = vector.shape_cast %get3A_103 : vector<1x16xf32> to vector<16xf32>
        %get3A_105 = arith.index_cast %scan3A_91 : i32 to index
        %get3A_106 = arith.constant 16 : index
        %get3A_107 = tpu.vector_load %arg12[%get3A_105, %get3A_106] {strides = array<i32>} : memref<80x128xf32, #tpu.memory_space<vmem>>, vector<1x16xf32>,
        %get3A_108 = vector.shape_cast %get3A_107 : vector<1x16xf32> to vector<16xf32>
        %mul3A_109 = arith.mulf %get3A_104, %get3A_108 : vector<16xf32>
        %add3A_110 = arith.addf %mul3A_100, %mul3A_109 : vector<16xf32>
        %get3A_111 = arith.index_cast %scan3A_91 : i32 to index
        %get3A_112 = arith.constant 32 : index
        %get3A_113 = tpu.vector_load %arg11[%get3A_111, %get3A_112] {strides = array<i32>} : memref<80x128xf32, #tpu.memory_space<vmem>>, vector<1x16xf32>,
        %get3A_114 = vector.shape_cast %get3A_113 : vector<1x16xf32> to vector<16xf32>
        %get3A_115 = arith.index_cast %scan3A_91 : i32 to index
        %get3A_116 = arith.constant 32 : index
        %get3A_117 = tpu.vector_load %arg12[%get3A_115, %get3A_116] {strides = array<i32>} : memref<80x128xf32, #tpu.memory_space<vmem>>, vector<1x16xf32>,
        %get3A_118 = vector.shape_cast %get3A_117 : vector<1x16xf32> to vector<16xf32>
        %mul3A_119 = arith.mulf %get3A_114, %get3A_118 : vector<16xf32>
        %add3A_120 = arith.addf %add3A_110, %mul3A_119 : vector<16xf32>
        %get3A_121 = arith.index_cast %scan3A_91 : i32 to index
        %get3A_122 = arith.constant 48 : index
        %get3A_123 = tpu.vector_load %arg11[%get3A_121, %get3A_122] {strides = array<i32>} : memref<80x128xf32, #tpu.memory_space<vmem>>, vector<1x16xf32>,
        %get3A_124 = vector.shape_cast %get3A_123 : vector<1x16xf32> to vector<16xf32>
        %get3A_125 = arith.index_cast %scan3A_91 : i32 to index
        %get3A_126 = arith.constant 48 : index
        %get3A_127 = tpu.vector_load %arg12[%get3A_125, %get3A_126] {strides = array<i32>} : memref<80x128xf32, #tpu.memory_space<vmem>>, vector<1x16xf32>,
        %get3A_128 = vector.shape_cast %get3A_127 : vector<1x16xf32> to vector<16xf32>
        %mul3A_129 = arith.mulf %get3A_124, %get3A_128 : vector<16xf32>
        %add3A_130 = arith.addf %add3A_120, %mul3A_129 : vector<16xf32>
        %get3A_131 = arith.index_cast %scan3A_91 : i32 to index
        %get3A_132 = arith.constant 64 : index
        %get3A_133 = tpu.vector_load %arg11[%get3A_131, %get3A_132] {strides = array<i32>} : memref<80x128xf32, #tpu.memory_space<vmem>>, vector<1x16xf32>,
        %get3A_134 = vector.shape_cast %get3A_133 : vector<1x16xf32> to vector<16xf32>
        %get3A_135 = arith.index_cast %scan3A_91 : i32 to index
        %get3A_136 = arith.constant 64 : index
        %get3A_137 = tpu.vector_load %arg12[%get3A_135, %get3A_136] {strides = array<i32>} : memref<80x128xf32, #tpu.memory_space<vmem>>, vector<1x16xf32>,
        %get3A_138 = vector.shape_cast %get3A_137 : vector<1x16xf32> to vector<16xf32>
        %mul3A_139 = arith.mulf %get3A_134, %get3A_138 : vector<16xf32>
        %add3A_140 = arith.addf %add3A_130, %mul3A_139 : vector<16xf32>
        %get3A_141 = arith.index_cast %scan3A_91 : i32 to index
        %get3A_142 = arith.constant 80 : index
        %get3A_143 = tpu.vector_load %arg11[%get3A_141, %get3A_142] {strides = array<i32>} : memref<80x128xf32, #tpu.memory_space<vmem>>, vector<1x16xf32>,
        %get3A_144 = vector.shape_cast %get3A_143 : vector<1x16xf32> to vector<16xf32>
        %get3A_145 = arith.index_cast %scan3A_91 : i32 to index
        %get3A_146 = arith.constant 80 : index
        %get3A_147 = tpu.vector_load %arg12[%get3A_145, %get3A_146] {strides = array<i32>} : memref<80x128xf32, #tpu.memory_space<vmem>>, vector<1x16xf32>,
        %get3A_148 = vector.shape_cast %get3A_147 : vector<1x16xf32> to vector<16xf32>
        %mul3A_149 = arith.mulf %get3A_144, %get3A_148 : vector<16xf32>
        %add3A_150 = arith.addf %add3A_140, %mul3A_149 : vector<16xf32>
        %get3A_151 = arith.index_cast %scan3A_91 : i32 to index
        %get3A_152 = arith.constant 96 : index
        %get3A_153 = tpu.vector_load %arg11[%get3A_151, %get3A_152] {strides = array<i32>} : memref<80x128xf32, #tpu.memory_space<vmem>>, vector<1x16xf32>,
        %get3A_154 = vector.shape_cast %get3A_153 : vector<1x16xf32> to vector<16xf32>
        %get3A_155 = arith.index_cast %scan3A_91 : i32 to index
        %get3A_156 = arith.constant 96 : index
        %get3A_157 = tpu.vector_load %arg12[%get3A_155, %get3A_156] {strides = array<i32>} : memref<80x128xf32, #tpu.memory_space<vmem>>, vector<1x16xf32>,
        %get3A_158 = vector.shape_cast %get3A_157 : vector<1x16xf32> to vector<16xf32>
        %mul3A_159 = arith.mulf %get3A_154, %get3A_158 : vector<16xf32>
        %add3A_160 = arith.addf %add3A_150, %mul3A_159 : vector<16xf32>
        %get3A_161 = arith.index_cast %scan3A_91 : i32 to index
        %get3A_162 = arith.constant 112 : index
        %get3A_163 = tpu.vector_load %arg11[%get3A_161, %get3A_162] {strides = array<i32>} : memref<80x128xf32, #tpu.memory_space<vmem>>, vector<1x16xf32>,
        %get3A_164 = vector.shape_cast %get3A_163 : vector<1x16xf32> to vector<16xf32>
        %get3A_165 = arith.index_cast %scan3A_91 : i32 to index
        %get3A_166 = arith.constant 112 : index
        %get3A_167 = tpu.vector_load %arg12[%get3A_165, %get3A_166] {strides = array<i32>} : memref<80x128xf32, #tpu.memory_space<vmem>>, vector<1x16xf32>,
        %get3A_168 = vector.shape_cast %get3A_167 : vector<1x16xf32> to vector<16xf32>
        %mul3A_169 = arith.mulf %get3A_164, %get3A_168 : vector<16xf32>
        %add3A_170 = arith.addf %add3A_160, %mul3A_169 : vector<16xf32>
        %broadcast_in_dim3A = vector.shape_cast %select_n3A_19 : vector<16xi32> to vector<16x1xi32>
        %gather3A = vector.shape_cast %broadcast_in_dim3A : vector<16x1xi32> to vector<16xi32>
        %gather3A_171 = tpu.dynamic_gather %add3A_170[%gather3A] in [0] : vector<16xf32>, vector<16xi32> -> vector<16xf32>
        %add3A_172 = arith.addf %add3A_170, %gather3A_171 : vector<16xf32>
        %broadcast_in_dim3A_173 = vector.shape_cast %select_n3A_44 : vector<16xi32> to vector<16x1xi32>
        %gather3A_174 = vector.shape_cast %broadcast_in_dim3A_173 : vector<16x1xi32> to vector<16xi32>
        %gather3A_175 = tpu.dynamic_gather %add3A_172[%gather3A_174] in [0] : vector<16xf32>, vector<16xi32> -> vector<16xf32>
        %add3A_176 = arith.addf %add3A_172, %gather3A_175 : vector<16xf32>
        %exp3A = math.exp %add3A_176 : vector<16xf32>
        %swap3A = arith.index_cast %scan3A_91 : i32 to index
        %swap3A_177 = arith.constant 0 : index
        %swap3A_178 = tpu.vector_load %arg13[%swap3A, %swap3A_177] {strides = array<i32>} : memref<80x16xf32, #tpu.memory_space<vmem>>, vector<1x16xf32>,
        %swap3A_179 = vector.shape_cast %swap3A_178 : vector<1x16xf32> to vector<16xf32>
        %swap3A_180 = vector.shape_cast %exp3A : vector<16xf32> to vector<1x16xf32>
        tpu.vector_store %arg13[%swap3A, %swap3A_177], %swap3A_180 {strides = array<i32>} : memref<80x16xf32, #tpu.memory_space<vmem>>, vector<1x16xf32>,
        %scan3A_181 = arith.constant 0 : i32
        scf.yield %scan3A_181 : i32
      }
      %scan3A_74 = arith.constant 80 : i32
      %dma_start3A_75 = arith.constant 0 : i32
      %dma_start3A_76 = arith.constant 0 : i32
      %dma_start3A_77 = tpu.memref_slice %arg4[%dma_start3A_75, %dma_start3A_76] : memref<20000x128xf32, #tpu.memory_space<hbm>> -> memref<20000x128xf32, #tpu.memory_space<hbm>>
      tpu.enqueue_indirect_dma source(%dma_start3A_77 : memref<20000x128xf32, #tpu.memory_space<hbm>>) target(%arg11 : memref<80x128xf32, #tpu.memory_space<vmem>>) offsets(%arg10 : memref<80xi32, #tpu.memory_space<vmem>>) semaphore(%arg14 : memref<!tpu.dma_semaphore, #tpu.memory_space<semaphore_mem>>)
      %dma_wait3A_78 = arith.constant 0 : i32
      %dma_wait3A_79 = arith.constant 0 : i32
      %dma_wait3A_80 = tpu.memref_slice %arg4[%dma_wait3A_78, %dma_wait3A_79] : memref<20000x128xf32, #tpu.memory_space<hbm>> -> memref<20000x128xf32, #tpu.memory_space<hbm>>
      tpu.wait_indirect_dma semaphore(%arg14 : memref<!tpu.dma_semaphore, #tpu.memory_space<semaphore_mem>>) src(%dma_wait3A_80 : memref<20000x128xf32, #tpu.memory_space<hbm>>) dst(%arg11 : memref<80x128xf32, #tpu.memory_space<vmem>>)
      %scan3A_81 = arith.constant 0 : i32
      %scan3A_82 = arith.constant 0 : i32
      %scan3A_83 = arith.constant 80 : i32
      %scan3A_84 = arith.addi %scan3A_82, %scan3A_83 : i32
      %scan3A_85 = arith.constant 1 : i32
      %scan3A_86 = scf.for %scan3A_91 = %scan3A_82 to %scan3A_84 step %scan3A_85 iter_args(%scan3A_92 = %scan3A_81) -> (i32)  : i32 {
        %get3A = arith.index_cast %scan3A_91 : i32 to index
        %get3A_93 = arith.constant 0 : index
        %get3A_94 = tpu.vector_load %arg13[%get3A, %get3A_93] {strides = array<i32>} : memref<80x16xf32, #tpu.memory_space<vmem>>, vector<1x16xf32>,
        %get3A_95 = vector.shape_cast %get3A_94 : vector<1x16xf32> to vector<16xf32>
        %get3A_96 = arith.index_cast %scan3A_91 : i32 to index
        %get3A_97 = arith.constant 0 : index
        %get3A_98 = tpu.vector_load %arg11[%get3A_96, %get3A_97] {strides = array<i32>} : memref<80x128xf32, #tpu.memory_space<vmem>>, vector<1x16xf32>,
        %get3A_99 = vector.shape_cast %get3A_98 : vector<1x16xf32> to vector<16xf32>
        %mul3A_100 = arith.mulf %get3A_95, %get3A_99 : vector<16xf32>
        %swap3A = arith.index_cast %scan3A_91 : i32 to index
        %swap3A_101 = arith.constant 0 : index
        %swap3A_102 = tpu.vector_load %arg12[%swap3A, %swap3A_101] {strides = array<i32>} : memref<80x128xf32, #tpu.memory_space<vmem>>, vector<1x16xf32>,
        %swap3A_103 = vector.shape_cast %swap3A_102 : vector<1x16xf32> to vector<16xf32>
        %swap3A_104 = vector.shape_cast %mul3A_100 : vector<16xf32> to vector<1x16xf32>
        tpu.vector_store %arg12[%swap3A, %swap3A_101], %swap3A_104 {strides = array<i32>} : memref<80x128xf32, #tpu.memory_space<vmem>>, vector<1x16xf32>,
        %get3A_105 = arith.index_cast %scan3A_91 : i32 to index
        %get3A_106 = arith.constant 16 : index
        %get3A_107 = tpu.vector_load %arg11[%get3A_105, %get3A_106] {strides = array<i32>} : memref<80x128xf32, #tpu.memory_space<vmem>>, vector<1x16xf32>,
        %get3A_108 = vector.shape_cast %get3A_107 : vector<1x16xf32> to vector<16xf32>
        %mul3A_109 = arith.mulf %get3A_95, %get3A_108 : vector<16xf32>
        %swap3A_110 = arith.index_cast %scan3A_91 : i32 to index
        %swap3A_111 = arith.constant 16 : index
        %swap3A_112 = tpu.vector_load %arg12[%swap3A_110, %swap3A_111] {strides = array<i32>} : memref<80x128xf32, #tpu.memory_space<vmem>>, vector<1x16xf32>,
        %swap3A_113 = vector.shape_cast %swap3A_112 : vector<1x16xf32> to vector<16xf32>
        %swap3A_114 = vector.shape_cast %mul3A_109 : vector<16xf32> to vector<1x16xf32>
        tpu.vector_store %arg12[%swap3A_110, %swap3A_111], %swap3A_114 {strides = array<i32>} : memref<80x128xf32, #tpu.memory_space<vmem>>, vector<1x16xf32>,
        %get3A_115 = arith.index_cast %scan3A_91 : i32 to index
        %get3A_116 = arith.constant 32 : index
        %get3A_117 = tpu.vector_load %arg11[%get3A_115, %get3A_116] {strides = array<i32>} : memref<80x128xf32, #tpu.memory_space<vmem>>, vector<1x16xf32>,
        %get3A_118 = vector.shape_cast %get3A_117 : vector<1x16xf32> to vector<16xf32>
        %mul3A_119 = arith.mulf %get3A_95, %get3A_118 : vector<16xf32>
        %swap3A_120 = arith.index_cast %scan3A_91 : i32 to index
        %swap3A_121 = arith.constant 32 : index
        %swap3A_122 = tpu.vector_load %arg12[%swap3A_120, %swap3A_121] {strides = array<i32>} : memref<80x128xf32, #tpu.memory_space<vmem>>, vector<1x16xf32>,
        %swap3A_123 = vector.shape_cast %swap3A_122 : vector<1x16xf32> to vector<16xf32>
        %swap3A_124 = vector.shape_cast %mul3A_119 : vector<16xf32> to vector<1x16xf32>
        tpu.vector_store %arg12[%swap3A_120, %swap3A_121], %swap3A_124 {strides = array<i32>} : memref<80x128xf32, #tpu.memory_space<vmem>>, vector<1x16xf32>,
        %get3A_125 = arith.index_cast %scan3A_91 : i32 to index
        %get3A_126 = arith.constant 48 : index
        %get3A_127 = tpu.vector_load %arg11[%get3A_125, %get3A_126] {strides = array<i32>} : memref<80x128xf32, #tpu.memory_space<vmem>>, vector<1x16xf32>,
        %get3A_128 = vector.shape_cast %get3A_127 : vector<1x16xf32> to vector<16xf32>
        %mul3A_129 = arith.mulf %get3A_95, %get3A_128 : vector<16xf32>
        %swap3A_130 = arith.index_cast %scan3A_91 : i32 to index
        %swap3A_131 = arith.constant 48 : index
        %swap3A_132 = tpu.vector_load %arg12[%swap3A_130, %swap3A_131] {strides = array<i32>} : memref<80x128xf32, #tpu.memory_space<vmem>>, vector<1x16xf32>,
        %swap3A_133 = vector.shape_cast %swap3A_132 : vector<1x16xf32> to vector<16xf32>
        %swap3A_134 = vector.shape_cast %mul3A_129 : vector<16xf32> to vector<1x16xf32>
        tpu.vector_store %arg12[%swap3A_130, %swap3A_131], %swap3A_134 {strides = array<i32>} : memref<80x128xf32, #tpu.memory_space<vmem>>, vector<1x16xf32>,
        %get3A_135 = arith.index_cast %scan3A_91 : i32 to index
        %get3A_136 = arith.constant 64 : index
        %get3A_137 = tpu.vector_load %arg11[%get3A_135, %get3A_136] {strides = array<i32>} : memref<80x128xf32, #tpu.memory_space<vmem>>, vector<1x16xf32>,
        %get3A_138 = vector.shape_cast %get3A_137 : vector<1x16xf32> to vector<16xf32>
        %mul3A_139 = arith.mulf %get3A_95, %get3A_138 : vector<16xf32>
        %swap3A_140 = arith.index_cast %scan3A_91 : i32 to index
        %swap3A_141 = arith.constant 64 : index
        %swap3A_142 = tpu.vector_load %arg12[%swap3A_140, %swap3A_141] {strides = array<i32>} : memref<80x128xf32, #tpu.memory_space<vmem>>, vector<1x16xf32>,
        %swap3A_143 = vector.shape_cast %swap3A_142 : vector<1x16xf32> to vector<16xf32>
        %swap3A_144 = vector.shape_cast %mul3A_139 : vector<16xf32> to vector<1x16xf32>
        tpu.vector_store %arg12[%swap3A_140, %swap3A_141], %swap3A_144 {strides = array<i32>} : memref<80x128xf32, #tpu.memory_space<vmem>>, vector<1x16xf32>,
        %get3A_145 = arith.index_cast %scan3A_91 : i32 to index
        %get3A_146 = arith.constant 80 : index
        %get3A_147 = tpu.vector_load %arg11[%get3A_145, %get3A_146] {strides = array<i32>} : memref<80x128xf32, #tpu.memory_space<vmem>>, vector<1x16xf32>,
        %get3A_148 = vector.shape_cast %get3A_147 : vector<1x16xf32> to vector<16xf32>
        %mul3A_149 = arith.mulf %get3A_95, %get3A_148 : vector<16xf32>
        %swap3A_150 = arith.index_cast %scan3A_91 : i32 to index
        %swap3A_151 = arith.constant 80 : index
        %swap3A_152 = tpu.vector_load %arg12[%swap3A_150, %swap3A_151] {strides = array<i32>} : memref<80x128xf32, #tpu.memory_space<vmem>>, vector<1x16xf32>,
        %swap3A_153 = vector.shape_cast %swap3A_152 : vector<1x16xf32> to vector<16xf32>
        %swap3A_154 = vector.shape_cast %mul3A_149 : vector<16xf32> to vector<1x16xf32>
        tpu.vector_store %arg12[%swap3A_150, %swap3A_151], %swap3A_154 {strides = array<i32>} : memref<80x128xf32, #tpu.memory_space<vmem>>, vector<1x16xf32>,
        %get3A_155 = arith.index_cast %scan3A_91 : i32 to index
        %get3A_156 = arith.constant 96 : index
        %get3A_157 = tpu.vector_load %arg11[%get3A_155, %get3A_156] {strides = array<i32>} : memref<80x128xf32, #tpu.memory_space<vmem>>, vector<1x16xf32>,
        %get3A_158 = vector.shape_cast %get3A_157 : vector<1x16xf32> to vector<16xf32>
        %mul3A_159 = arith.mulf %get3A_95, %get3A_158 : vector<16xf32>
        %swap3A_160 = arith.index_cast %scan3A_91 : i32 to index
        %swap3A_161 = arith.constant 96 : index
        %swap3A_162 = tpu.vector_load %arg12[%swap3A_160, %swap3A_161] {strides = array<i32>} : memref<80x128xf32, #tpu.memory_space<vmem>>, vector<1x16xf32>,
        %swap3A_163 = vector.shape_cast %swap3A_162 : vector<1x16xf32> to vector<16xf32>
        %swap3A_164 = vector.shape_cast %mul3A_159 : vector<16xf32> to vector<1x16xf32>
        tpu.vector_store %arg12[%swap3A_160, %swap3A_161], %swap3A_164 {strides = array<i32>} : memref<80x128xf32, #tpu.memory_space<vmem>>, vector<1x16xf32>,
        %get3A_165 = arith.index_cast %scan3A_91 : i32 to index
        %get3A_166 = arith.constant 112 : index
        %get3A_167 = tpu.vector_load %arg11[%get3A_165, %get3A_166] {strides = array<i32>} : memref<80x128xf32, #tpu.memory_space<vmem>>, vector<1x16xf32>,
        %get3A_168 = vector.shape_cast %get3A_167 : vector<1x16xf32> to vector<16xf32>
        %mul3A_169 = arith.mulf %get3A_95, %get3A_168 : vector<16xf32>
        %swap3A_170 = arith.index_cast %scan3A_91 : i32 to index
        %swap3A_171 = arith.constant 112 : index
        %swap3A_172 = tpu.vector_load %arg12[%swap3A_170, %swap3A_171] {strides = array<i32>} : memref<80x128xf32, #tpu.memory_space<vmem>>, vector<1x16xf32>,
        %swap3A_173 = vector.shape_cast %swap3A_172 : vector<1x16xf32> to vector<16xf32>
        %swap3A_174 = vector.shape_cast %mul3A_169 : vector<16xf32> to vector<1x16xf32>
        tpu.vector_store %arg12[%swap3A_170, %swap3A_171], %swap3A_174 {strides = array<i32>} : memref<80x128xf32, #tpu.memory_space<vmem>>, vector<1x16xf32>,
        %scan3A_175 = arith.constant 0 : i32
        scf.yield %scan3A_175 : i32
      }
      %scan3A_87 = arith.constant 80 : i32
      %add3A_88 = arith.addi %mul3A_0, %add3A_55 : i32
      "tpu.region"() ({
        %run_scoped3A = tpu.sem_alloc : memref<!tpu.dma_semaphore, #tpu.memory_space<semaphore_mem>>
        %dma_start3A_91 = arith.constant 0 : i32
        %dma_start3A_92 = tpu.memref_slice %arg7[%add3A_88, %dma_start3A_91] : memref<320000x128xf32, #tpu.memory_space<hbm>> -> memref<80x128xf32, #tpu.memory_space<hbm>>
        %dma_start3A_93 = arith.constant 0 : i32
        %dma_start3A_94 = tpu.memref_slice %arg7[%add3A_88, %dma_start3A_93] : memref<320000x128xf32, #tpu.memory_space<hbm>> -> memref<80x128xf32, #tpu.memory_space<hbm>>
        tpu.enqueue_dma source(%arg12 : memref<80x128xf32, #tpu.memory_space<vmem>>) target(%dma_start3A_94 : memref<80x128xf32, #tpu.memory_space<hbm>>) target_semaphore(%run_scoped3A : memref<!tpu.dma_semaphore, #tpu.memory_space<semaphore_mem>>)
        %dma_wait3A_95 = arith.constant 0 : i32
        %dma_wait3A_96 = tpu.memref_slice %arg7[%add3A_88, %dma_wait3A_95] : memref<320000x128xf32, #tpu.memory_space<hbm>> -> memref<80x128xf32, #tpu.memory_space<hbm>>
        %dma_wait3A_97 = arith.constant 0 : i32
        %dma_wait3A_98 = tpu.memref_slice %arg7[%add3A_88, %dma_wait3A_97] : memref<320000x128xf32, #tpu.memory_space<hbm>> -> memref<80x128xf32, #tpu.memory_space<hbm>>
        tpu.wait_dma2 semaphore(%run_scoped3A : memref<!tpu.dma_semaphore, #tpu.memory_space<semaphore_mem>>) src(%arg12 : memref<80x128xf32, #tpu.memory_space<vmem>>) dst(%dma_wait3A_98 : memref<80x128xf32, #tpu.memory_space<hbm>>)
        tpu.yield
      }) : () -> ()
      %add3A_89 = arith.addi %mul3A_0, %add3A_55 : i32
      "tpu.region"() ({
        %run_scoped3A = tpu.sem_alloc : memref<!tpu.dma_semaphore, #tpu.memory_space<semaphore_mem>>
        %dma_start3A_91 = arith.constant 0 : i32
        %dma_start3A_92 = tpu.memref_slice %arg8[%add3A_89, %dma_start3A_91] : memref<320000x16xf32, #tpu.memory_space<hbm>> -> memref<80x16xf32, #tpu.memory_space<hbm>>
        %dma_start3A_93 = arith.constant 0 : i32
        %dma_start3A_94 = tpu.memref_slice %arg8[%add3A_89, %dma_start3A_93] : memref<320000x16xf32, #tpu.memory_space<hbm>> -> memref<80x16xf32, #tpu.memory_space<hbm>>
        tpu.enqueue_dma source(%arg13 : memref<80x16xf32, #tpu.memory_space<vmem>>) target(%dma_start3A_94 : memref<80x16xf32, #tpu.memory_space<hbm>>) target_semaphore(%run_scoped3A : memref<!tpu.dma_semaphore, #tpu.memory_space<semaphore_mem>>)
        %dma_wait3A_95 = arith.constant 0 : i32
        %dma_wait3A_96 = tpu.memref_slice %arg8[%add3A_89, %dma_wait3A_95] : memref<320000x16xf32, #tpu.memory_space<hbm>> -> memref<80x16xf32, #tpu.memory_space<hbm>>
        %dma_wait3A_97 = arith.constant 0 : i32
        %dma_wait3A_98 = tpu.memref_slice %arg8[%add3A_89, %dma_wait3A_97] : memref<320000x16xf32, #tpu.memory_space<hbm>> -> memref<80x16xf32, #tpu.memory_space<hbm>>
        tpu.wait_dma2 semaphore(%run_scoped3A : memref<!tpu.dma_semaphore, #tpu.memory_space<semaphore_mem>>) src(%arg13 : memref<80x16xf32, #tpu.memory_space<vmem>>) dst(%dma_wait3A_98 : memref<80x16xf32, #tpu.memory_space<hbm>>)
        tpu.yield
      }) : () -> ()
      %scan3A_90 = arith.constant 0 : i32
      scf.yield %scan3A_90 : i32
    }
    %scan3A_50 = arith.constant 125 : i32
    return
  }
}

module attributes {stable_mosaic.version = 14 : i64} {
  func.func @_proj_body(%arg0: i32, %arg1: memref<400x256xf32, #tpu.memory_space<vmem>>, %arg2: memref<1x128x256xf32, #tpu.memory_space<vmem>>, %arg3: memref<1x128x256xf32, #tpu.memory_space<vmem>>, %arg4: memref<1x128x256xf32, #tpu.memory_space<vmem>>, %arg5: memref<1x1x128xf32, #tpu.memory_space<vmem>>, %arg6: memref<1x1x128xf32, #tpu.memory_space<vmem>>, %arg7: memref<1x1x128xf32, #tpu.memory_space<vmem>>, %arg8: memref<400x128xf32, #tpu.memory_space<vmem>>, %arg9: memref<400x128xf32, #tpu.memory_space<vmem>>, %arg10: memref<400x128xf32, #tpu.memory_space<vmem>>) attributes {dimension_semantics = [#tpu.dimension_semantics<arbitrary>], iteration_bounds = array<i64: 50>, scalar_prefetch = 0 : i64, scratch_operands = 0 : i64, tpu.core_type = #tpu.core_type<tc>, window_params = [{transform_indices = @transform_0, window_bounds = array<i64: 400, 256>}, {transform_indices = @transform_1, window_bounds = array<i64: 1, 128, 256>}, {transform_indices = @transform_2, window_bounds = array<i64: 1, 128, 256>}, {transform_indices = @transform_3, window_bounds = array<i64: 1, 128, 256>}, {transform_indices = @transform_4, window_bounds = array<i64: 1, 1, 128>}, {transform_indices = @transform_5, window_bounds = array<i64: 1, 1, 128>}, {transform_indices = @transform_6, window_bounds = array<i64: 1, 1, 128>}, {transform_indices = @transform_7, window_bounds = array<i64: 400, 128>}, {transform_indices = @transform_8, window_bounds = array<i64: 400, 128>}, {transform_indices = @transform_9, window_bounds = array<i64: 400, 128>}]} {
    %get3A = arith.constant 0 : index
    %get3A_0 = arith.constant 0 : index
    %get3A_1 = vector.load %arg1[%get3A, %get3A_0] : memref<400x256xf32, #tpu.memory_space<vmem>>, vector<400x256xf32>
    %get3A_2 = arith.constant 0 : index
    %get3A_3 = arith.constant 0 : index
    %get3A_4 = arith.constant 0 : index
    %get3A_5 = vector.load %arg2[%get3A_2, %get3A_3, %get3A_4] : memref<1x128x256xf32, #tpu.memory_space<vmem>>, vector<1x128x256xf32>
    %get3A_6 = vector.shape_cast %get3A_5 : vector<1x128x256xf32> to vector<128x256xf32>
    %dot_general3A = arith.constant dense<0.000000e+00> : vector<400x128xf32>
    %dot_general3A_7 = tpu.matmul %get3A_1, %get3A_6, %dot_general3A {dimension_numbers = #tpu.dot_dimension_numbers<[1], [1], [0], [0], [0, 0, 1, 0], [], []>, transpose_lhs_hint = false} : vector<400x256xf32>, vector<128x256xf32>, vector<400x128xf32> -> vector<400x128xf32>
    %get3A_8 = arith.constant 0 : index
    %get3A_9 = arith.constant 0 : index
    %get3A_10 = arith.constant 0 : index
    %get3A_11 = vector.load %arg5[%get3A_8, %get3A_9, %get3A_10] : memref<1x1x128xf32, #tpu.memory_space<vmem>>, vector<1x1x128xf32>
    %get3A_12 = vector.shape_cast %get3A_11 : vector<1x1x128xf32> to vector<128xf32>
    %broadcast_in_dim3A = vector.shape_cast %get3A_12 : vector<128xf32> to vector<1x128xf32>
    %add3A = vector.broadcast %broadcast_in_dim3A : vector<1x128xf32> to vector<400x128xf32>
    %add3A_13 = arith.addf %dot_general3A_7, %add3A : vector<400x128xf32>
    %swap3A = arith.constant 0 : index
    %swap3A_14 = arith.constant 0 : index
    %swap3A_15 = vector.load %arg8[%swap3A, %swap3A_14] : memref<400x128xf32, #tpu.memory_space<vmem>>, vector<400x128xf32>
    tpu.vector_store %arg8[%swap3A, %swap3A_14], %add3A_13 {strides = array<i32>} : memref<400x128xf32, #tpu.memory_space<vmem>>, vector<400x128xf32>,
    %get3A_16 = arith.constant 0 : index
    %get3A_17 = arith.constant 0 : index
    %get3A_18 = arith.constant 0 : index
    %get3A_19 = vector.load %arg3[%get3A_16, %get3A_17, %get3A_18] : memref<1x128x256xf32, #tpu.memory_space<vmem>>, vector<1x128x256xf32>
    %get3A_20 = vector.shape_cast %get3A_19 : vector<1x128x256xf32> to vector<128x256xf32>
    %dot_general3A_21 = arith.constant dense<0.000000e+00> : vector<400x128xf32>
    %dot_general3A_22 = tpu.matmul %get3A_1, %get3A_20, %dot_general3A_21 {dimension_numbers = #tpu.dot_dimension_numbers<[1], [1], [0], [0], [0, 0, 1, 0], [], []>, transpose_lhs_hint = false} : vector<400x256xf32>, vector<128x256xf32>, vector<400x128xf32> -> vector<400x128xf32>
    %get3A_23 = arith.constant 0 : index
    %get3A_24 = arith.constant 0 : index
    %get3A_25 = arith.constant 0 : index
    %get3A_26 = vector.load %arg6[%get3A_23, %get3A_24, %get3A_25] : memref<1x1x128xf32, #tpu.memory_space<vmem>>, vector<1x1x128xf32>
    %get3A_27 = vector.shape_cast %get3A_26 : vector<1x1x128xf32> to vector<128xf32>
    %broadcast_in_dim3A_28 = vector.shape_cast %get3A_27 : vector<128xf32> to vector<1x128xf32>
    %add3A_29 = vector.broadcast %broadcast_in_dim3A_28 : vector<1x128xf32> to vector<400x128xf32>
    %add3A_30 = arith.addf %dot_general3A_22, %add3A_29 : vector<400x128xf32>
    %swap3A_31 = arith.constant 0 : index
    %swap3A_32 = arith.constant 0 : index
    %swap3A_33 = vector.load %arg9[%swap3A_31, %swap3A_32] : memref<400x128xf32, #tpu.memory_space<vmem>>, vector<400x128xf32>
    tpu.vector_store %arg9[%swap3A_31, %swap3A_32], %add3A_30 {strides = array<i32>} : memref<400x128xf32, #tpu.memory_space<vmem>>, vector<400x128xf32>,
    %get3A_34 = arith.constant 0 : index
    %get3A_35 = arith.constant 0 : index
    %get3A_36 = arith.constant 0 : index
    %get3A_37 = vector.load %arg4[%get3A_34, %get3A_35, %get3A_36] : memref<1x128x256xf32, #tpu.memory_space<vmem>>, vector<1x128x256xf32>
    %get3A_38 = vector.shape_cast %get3A_37 : vector<1x128x256xf32> to vector<128x256xf32>
    %dot_general3A_39 = arith.constant dense<0.000000e+00> : vector<400x128xf32>
    %dot_general3A_40 = tpu.matmul %get3A_1, %get3A_38, %dot_general3A_39 {dimension_numbers = #tpu.dot_dimension_numbers<[1], [1], [0], [0], [0, 0, 1, 0], [], []>, transpose_lhs_hint = false} : vector<400x256xf32>, vector<128x256xf32>, vector<400x128xf32> -> vector<400x128xf32>
    %get3A_41 = arith.constant 0 : index
    %get3A_42 = arith.constant 0 : index
    %get3A_43 = arith.constant 0 : index
    %get3A_44 = vector.load %arg7[%get3A_41, %get3A_42, %get3A_43] : memref<1x1x128xf32, #tpu.memory_space<vmem>>, vector<1x1x128xf32>
    %get3A_45 = vector.shape_cast %get3A_44 : vector<1x1x128xf32> to vector<128xf32>
    %broadcast_in_dim3A_46 = vector.shape_cast %get3A_45 : vector<128xf32> to vector<1x128xf32>
    %add3A_47 = vector.broadcast %broadcast_in_dim3A_46 : vector<1x128xf32> to vector<400x128xf32>
    %add3A_48 = arith.addf %dot_general3A_40, %add3A_47 : vector<400x128xf32>
    %swap3A_49 = arith.constant 0 : index
    %swap3A_50 = arith.constant 0 : index
    %swap3A_51 = vector.load %arg10[%swap3A_49, %swap3A_50] : memref<400x128xf32, #tpu.memory_space<vmem>>, vector<400x128xf32>
    tpu.vector_store %arg10[%swap3A_49, %swap3A_50], %add3A_48 {strides = array<i32>} : memref<400x128xf32, #tpu.memory_space<vmem>>, vector<400x128xf32>,
    return
  }
  func.func @transform_0(%arg0: i32) -> (i32, i32) {
    %jit3A = arith.constant 2 : i32
    %div3A = arith.divsi %arg0, %jit3A : i32
    %sign3A = arith.constant 0 : i32
    %sign3A_0 = arith.cmpi sgt, %arg0, %sign3A : i32
    %sign3A_1 = arith.extui %sign3A_0 : i1 to i32
    %sign3A_2 = arith.constant 0 : i32
    %sign3A_3 = arith.cmpi slt, %arg0, %sign3A_2 : i32
    %sign3A_4 = arith.extui %sign3A_3 : i1 to i32
    %sign3A_5 = arith.subi %sign3A_1, %sign3A_4 : i32
    %sign3A_6 = arith.constant 0 : i32
    %sign3A_7 = arith.cmpi sgt, %jit3A, %sign3A_6 : i32
    %sign3A_8 = arith.extui %sign3A_7 : i1 to i32
    %sign3A_9 = arith.constant 0 : i32
    %sign3A_10 = arith.cmpi slt, %jit3A, %sign3A_9 : i32
    %sign3A_11 = arith.extui %sign3A_10 : i1 to i32
    %sign3A_12 = arith.subi %sign3A_8, %sign3A_11 : i32
    %ne3A = arith.cmpi ne, %sign3A_5, %sign3A_12 : i32
    %rem3A = arith.remsi %arg0, %jit3A : i32
    %ne3A_13 = arith.constant 0 : i32
    %ne3A_14 = arith.cmpi ne, %rem3A, %ne3A_13 : i32
    %and3A = arith.andi %ne3A, %ne3A_14 : i1
    %sub3A = arith.constant 1 : i32
    %sub3A_15 = arith.subi %div3A, %sub3A : i32
    %select_n3A = arith.select %and3A, %sub3A_15, %div3A : i32
    %c0_i32 = arith.constant 0 : i32
    %c0_i32_16 = arith.constant 0 : i32
    return %select_n3A, %c0_i32 : i32, i32
  }
  func.func @transform_1(%arg0: i32) -> (i32, i32, i32) {
    %jit3A = arith.constant 2 : i32
    %eq3A = arith.constant 0 : i32
    %eq3A_0 = arith.cmpi eq, %jit3A, %eq3A : i32
    %jit3A_1 = arith.constant 1 : i32
    %select_n3A = arith.select %eq3A_0, %jit3A_1, %jit3A : i32
    %rem3A = arith.remsi %arg0, %select_n3A : i32
    %ne3A = arith.constant 0 : i32
    %ne3A_2 = arith.cmpi ne, %rem3A, %ne3A : i32
    %lt3A = arith.constant 0 : i32
    %lt3A_3 = arith.cmpi slt, %rem3A, %lt3A : i32
    %lt3A_4 = arith.constant 0 : i32
    %lt3A_5 = arith.cmpi slt, %select_n3A, %lt3A_4 : i32
    %ne3A_6 = arith.xori %lt3A_3, %lt3A_5 : i1
    %and3A = arith.andi %ne3A_6, %ne3A_2 : i1
    %add3A = arith.addi %rem3A, %select_n3A : i32
    %select_n3A_7 = arith.select %and3A, %add3A, %rem3A : i32
    %c0_i32 = arith.constant 0 : i32
    %c0_i32_8 = arith.constant 0 : i32
    %c0_i32_9 = arith.constant 0 : i32
    return %select_n3A_7, %c0_i32, %c0_i32_8 : i32, i32, i32
  }
  func.func @transform_2(%arg0: i32) -> (i32, i32, i32) {
    %jit3A = arith.constant 2 : i32
    %eq3A = arith.constant 0 : i32
    %eq3A_0 = arith.cmpi eq, %jit3A, %eq3A : i32
    %jit3A_1 = arith.constant 1 : i32
    %select_n3A = arith.select %eq3A_0, %jit3A_1, %jit3A : i32
    %rem3A = arith.remsi %arg0, %select_n3A : i32
    %ne3A = arith.constant 0 : i32
    %ne3A_2 = arith.cmpi ne, %rem3A, %ne3A : i32
    %lt3A = arith.constant 0 : i32
    %lt3A_3 = arith.cmpi slt, %rem3A, %lt3A : i32
    %lt3A_4 = arith.constant 0 : i32
    %lt3A_5 = arith.cmpi slt, %select_n3A, %lt3A_4 : i32
    %ne3A_6 = arith.xori %lt3A_3, %lt3A_5 : i1
    %and3A = arith.andi %ne3A_6, %ne3A_2 : i1
    %add3A = arith.addi %rem3A, %select_n3A : i32
    %select_n3A_7 = arith.select %and3A, %add3A, %rem3A : i32
    %c0_i32 = arith.constant 0 : i32
    %c0_i32_8 = arith.constant 0 : i32
    %c0_i32_9 = arith.constant 0 : i32
    return %select_n3A_7, %c0_i32, %c0_i32_8 : i32, i32, i32
  }
  func.func @transform_3(%arg0: i32) -> (i32, i32, i32) {
    %jit3A = arith.constant 2 : i32
    %eq3A = arith.constant 0 : i32
    %eq3A_0 = arith.cmpi eq, %jit3A, %eq3A : i32
    %jit3A_1 = arith.constant 1 : i32
    %select_n3A = arith.select %eq3A_0, %jit3A_1, %jit3A : i32
    %rem3A = arith.remsi %arg0, %select_n3A : i32
    %ne3A = arith.constant 0 : i32
    %ne3A_2 = arith.cmpi ne, %rem3A, %ne3A : i32
    %lt3A = arith.constant 0 : i32
    %lt3A_3 = arith.cmpi slt, %rem3A, %lt3A : i32
    %lt3A_4 = arith.constant 0 : i32
    %lt3A_5 = arith.cmpi slt, %select_n3A, %lt3A_4 : i32
    %ne3A_6 = arith.xori %lt3A_3, %lt3A_5 : i1
    %and3A = arith.andi %ne3A_6, %ne3A_2 : i1
    %add3A = arith.addi %rem3A, %select_n3A : i32
    %select_n3A_7 = arith.select %and3A, %add3A, %rem3A : i32
    %c0_i32 = arith.constant 0 : i32
    %c0_i32_8 = arith.constant 0 : i32
    %c0_i32_9 = arith.constant 0 : i32
    return %select_n3A_7, %c0_i32, %c0_i32_8 : i32, i32, i32
  }
  func.func @transform_4(%arg0: i32) -> (i32, i32, i32) {
    %jit3A = arith.constant 2 : i32
    %eq3A = arith.constant 0 : i32
    %eq3A_0 = arith.cmpi eq, %jit3A, %eq3A : i32
    %jit3A_1 = arith.constant 1 : i32
    %select_n3A = arith.select %eq3A_0, %jit3A_1, %jit3A : i32
    %rem3A = arith.remsi %arg0, %select_n3A : i32
    %ne3A = arith.constant 0 : i32
    %ne3A_2 = arith.cmpi ne, %rem3A, %ne3A : i32
    %lt3A = arith.constant 0 : i32
    %lt3A_3 = arith.cmpi slt, %rem3A, %lt3A : i32
    %lt3A_4 = arith.constant 0 : i32
    %lt3A_5 = arith.cmpi slt, %select_n3A, %lt3A_4 : i32
    %ne3A_6 = arith.xori %lt3A_3, %lt3A_5 : i1
    %and3A = arith.andi %ne3A_6, %ne3A_2 : i1
    %add3A = arith.addi %rem3A, %select_n3A : i32
    %select_n3A_7 = arith.select %and3A, %add3A, %rem3A : i32
    %c0_i32 = arith.constant 0 : i32
    %c0_i32_8 = arith.constant 0 : i32
    %c0_i32_9 = arith.constant 0 : i32
    return %select_n3A_7, %c0_i32, %c0_i32_8 : i32, i32, i32
  }
  func.func @transform_5(%arg0: i32) -> (i32, i32, i32) {
    %jit3A = arith.constant 2 : i32
    %eq3A = arith.constant 0 : i32
    %eq3A_0 = arith.cmpi eq, %jit3A, %eq3A : i32
    %jit3A_1 = arith.constant 1 : i32
    %select_n3A = arith.select %eq3A_0, %jit3A_1, %jit3A : i32
    %rem3A = arith.remsi %arg0, %select_n3A : i32
    %ne3A = arith.constant 0 : i32
    %ne3A_2 = arith.cmpi ne, %rem3A, %ne3A : i32
    %lt3A = arith.constant 0 : i32
    %lt3A_3 = arith.cmpi slt, %rem3A, %lt3A : i32
    %lt3A_4 = arith.constant 0 : i32
    %lt3A_5 = arith.cmpi slt, %select_n3A, %lt3A_4 : i32
    %ne3A_6 = arith.xori %lt3A_3, %lt3A_5 : i1
    %and3A = arith.andi %ne3A_6, %ne3A_2 : i1
    %add3A = arith.addi %rem3A, %select_n3A : i32
    %select_n3A_7 = arith.select %and3A, %add3A, %rem3A : i32
    %c0_i32 = arith.constant 0 : i32
    %c0_i32_8 = arith.constant 0 : i32
    %c0_i32_9 = arith.constant 0 : i32
    return %select_n3A_7, %c0_i32, %c0_i32_8 : i32, i32, i32
  }
  func.func @transform_6(%arg0: i32) -> (i32, i32, i32) {
    %jit3A = arith.constant 2 : i32
    %eq3A = arith.constant 0 : i32
    %eq3A_0 = arith.cmpi eq, %jit3A, %eq3A : i32
    %jit3A_1 = arith.constant 1 : i32
    %select_n3A = arith.select %eq3A_0, %jit3A_1, %jit3A : i32
    %rem3A = arith.remsi %arg0, %select_n3A : i32
    %ne3A = arith.constant 0 : i32
    %ne3A_2 = arith.cmpi ne, %rem3A, %ne3A : i32
    %lt3A = arith.constant 0 : i32
    %lt3A_3 = arith.cmpi slt, %rem3A, %lt3A : i32
    %lt3A_4 = arith.constant 0 : i32
    %lt3A_5 = arith.cmpi slt, %select_n3A, %lt3A_4 : i32
    %ne3A_6 = arith.xori %lt3A_3, %lt3A_5 : i1
    %and3A = arith.andi %ne3A_6, %ne3A_2 : i1
    %add3A = arith.addi %rem3A, %select_n3A : i32
    %select_n3A_7 = arith.select %and3A, %add3A, %rem3A : i32
    %c0_i32 = arith.constant 0 : i32
    %c0_i32_8 = arith.constant 0 : i32
    %c0_i32_9 = arith.constant 0 : i32
    return %select_n3A_7, %c0_i32, %c0_i32_8 : i32, i32, i32
  }
  func.func @transform_7(%arg0: i32) -> (i32, i32) {
    %jit3A = arith.constant 2 : i32
    %eq3A = arith.constant 0 : i32
    %eq3A_0 = arith.cmpi eq, %jit3A, %eq3A : i32
    %jit3A_1 = arith.constant 1 : i32
    %select_n3A = arith.select %eq3A_0, %jit3A_1, %jit3A : i32
    %rem3A = arith.remsi %arg0, %select_n3A : i32
    %ne3A = arith.constant 0 : i32
    %ne3A_2 = arith.cmpi ne, %rem3A, %ne3A : i32
    %lt3A = arith.constant 0 : i32
    %lt3A_3 = arith.cmpi slt, %rem3A, %lt3A : i32
    %lt3A_4 = arith.constant 0 : i32
    %lt3A_5 = arith.cmpi slt, %select_n3A, %lt3A_4 : i32
    %ne3A_6 = arith.xori %lt3A_3, %lt3A_5 : i1
    %and3A = arith.andi %ne3A_6, %ne3A_2 : i1
    %add3A = arith.addi %rem3A, %select_n3A : i32
    %select_n3A_7 = arith.select %and3A, %add3A, %rem3A : i32
    %mul3A = arith.constant 25 : i32
    %mul3A_8 = arith.muli %select_n3A_7, %mul3A : i32
    %jit3A_9 = arith.constant 2 : i32
    %div3A = arith.divsi %arg0, %jit3A_9 : i32
    %sign3A = arith.constant 0 : i32
    %sign3A_10 = arith.cmpi sgt, %arg0, %sign3A : i32
    %sign3A_11 = arith.extui %sign3A_10 : i1 to i32
    %sign3A_12 = arith.constant 0 : i32
    %sign3A_13 = arith.cmpi slt, %arg0, %sign3A_12 : i32
    %sign3A_14 = arith.extui %sign3A_13 : i1 to i32
    %sign3A_15 = arith.subi %sign3A_11, %sign3A_14 : i32
    %sign3A_16 = arith.constant 0 : i32
    %sign3A_17 = arith.cmpi sgt, %jit3A_9, %sign3A_16 : i32
    %sign3A_18 = arith.extui %sign3A_17 : i1 to i32
    %sign3A_19 = arith.constant 0 : i32
    %sign3A_20 = arith.cmpi slt, %jit3A_9, %sign3A_19 : i32
    %sign3A_21 = arith.extui %sign3A_20 : i1 to i32
    %sign3A_22 = arith.subi %sign3A_18, %sign3A_21 : i32
    %ne3A_23 = arith.cmpi ne, %sign3A_15, %sign3A_22 : i32
    %rem3A_24 = arith.remsi %arg0, %jit3A_9 : i32
    %ne3A_25 = arith.constant 0 : i32
    %ne3A_26 = arith.cmpi ne, %rem3A_24, %ne3A_25 : i32
    %and3A_27 = arith.andi %ne3A_23, %ne3A_26 : i1
    %sub3A = arith.constant 1 : i32
    %sub3A_28 = arith.subi %div3A, %sub3A : i32
    %select_n3A_29 = arith.select %and3A_27, %sub3A_28, %div3A : i32
    %add3A_30 = arith.addi %mul3A_8, %select_n3A_29 : i32
    %c0_i32 = arith.constant 0 : i32
    %c0_i32_31 = arith.constant 0 : i32
    return %add3A_30, %c0_i32 : i32, i32
  }
  func.func @transform_8(%arg0: i32) -> (i32, i32) {
    %jit3A = arith.constant 2 : i32
    %eq3A = arith.constant 0 : i32
    %eq3A_0 = arith.cmpi eq, %jit3A, %eq3A : i32
    %jit3A_1 = arith.constant 1 : i32
    %select_n3A = arith.select %eq3A_0, %jit3A_1, %jit3A : i32
    %rem3A = arith.remsi %arg0, %select_n3A : i32
    %ne3A = arith.constant 0 : i32
    %ne3A_2 = arith.cmpi ne, %rem3A, %ne3A : i32
    %lt3A = arith.constant 0 : i32
    %lt3A_3 = arith.cmpi slt, %rem3A, %lt3A : i32
    %lt3A_4 = arith.constant 0 : i32
    %lt3A_5 = arith.cmpi slt, %select_n3A, %lt3A_4 : i32
    %ne3A_6 = arith.xori %lt3A_3, %lt3A_5 : i1
    %and3A = arith.andi %ne3A_6, %ne3A_2 : i1
    %add3A = arith.addi %rem3A, %select_n3A : i32
    %select_n3A_7 = arith.select %and3A, %add3A, %rem3A : i32
    %mul3A = arith.constant 25 : i32
    %mul3A_8 = arith.muli %select_n3A_7, %mul3A : i32
    %jit3A_9 = arith.constant 2 : i32
    %div3A = arith.divsi %arg0, %jit3A_9 : i32
    %sign3A = arith.constant 0 : i32
    %sign3A_10 = arith.cmpi sgt, %arg0, %sign3A : i32
    %sign3A_11 = arith.extui %sign3A_10 : i1 to i32
    %sign3A_12 = arith.constant 0 : i32
    %sign3A_13 = arith.cmpi slt, %arg0, %sign3A_12 : i32
    %sign3A_14 = arith.extui %sign3A_13 : i1 to i32
    %sign3A_15 = arith.subi %sign3A_11, %sign3A_14 : i32
    %sign3A_16 = arith.constant 0 : i32
    %sign3A_17 = arith.cmpi sgt, %jit3A_9, %sign3A_16 : i32
    %sign3A_18 = arith.extui %sign3A_17 : i1 to i32
    %sign3A_19 = arith.constant 0 : i32
    %sign3A_20 = arith.cmpi slt, %jit3A_9, %sign3A_19 : i32
    %sign3A_21 = arith.extui %sign3A_20 : i1 to i32
    %sign3A_22 = arith.subi %sign3A_18, %sign3A_21 : i32
    %ne3A_23 = arith.cmpi ne, %sign3A_15, %sign3A_22 : i32
    %rem3A_24 = arith.remsi %arg0, %jit3A_9 : i32
    %ne3A_25 = arith.constant 0 : i32
    %ne3A_26 = arith.cmpi ne, %rem3A_24, %ne3A_25 : i32
    %and3A_27 = arith.andi %ne3A_23, %ne3A_26 : i1
    %sub3A = arith.constant 1 : i32
    %sub3A_28 = arith.subi %div3A, %sub3A : i32
    %select_n3A_29 = arith.select %and3A_27, %sub3A_28, %div3A : i32
    %add3A_30 = arith.addi %mul3A_8, %select_n3A_29 : i32
    %c0_i32 = arith.constant 0 : i32
    %c0_i32_31 = arith.constant 0 : i32
    return %add3A_30, %c0_i32 : i32, i32
  }
  func.func @transform_9(%arg0: i32) -> (i32, i32) {
    %jit3A = arith.constant 2 : i32
    %eq3A = arith.constant 0 : i32
    %eq3A_0 = arith.cmpi eq, %jit3A, %eq3A : i32
    %jit3A_1 = arith.constant 1 : i32
    %select_n3A = arith.select %eq3A_0, %jit3A_1, %jit3A : i32
    %rem3A = arith.remsi %arg0, %select_n3A : i32
    %ne3A = arith.constant 0 : i32
    %ne3A_2 = arith.cmpi ne, %rem3A, %ne3A : i32
    %lt3A = arith.constant 0 : i32
    %lt3A_3 = arith.cmpi slt, %rem3A, %lt3A : i32
    %lt3A_4 = arith.constant 0 : i32
    %lt3A_5 = arith.cmpi slt, %select_n3A, %lt3A_4 : i32
    %ne3A_6 = arith.xori %lt3A_3, %lt3A_5 : i1
    %and3A = arith.andi %ne3A_6, %ne3A_2 : i1
    %add3A = arith.addi %rem3A, %select_n3A : i32
    %select_n3A_7 = arith.select %and3A, %add3A, %rem3A : i32
    %mul3A = arith.constant 25 : i32
    %mul3A_8 = arith.muli %select_n3A_7, %mul3A : i32
    %jit3A_9 = arith.constant 2 : i32
    %div3A = arith.divsi %arg0, %jit3A_9 : i32
    %sign3A = arith.constant 0 : i32
    %sign3A_10 = arith.cmpi sgt, %arg0, %sign3A : i32
    %sign3A_11 = arith.extui %sign3A_10 : i1 to i32
    %sign3A_12 = arith.constant 0 : i32
    %sign3A_13 = arith.cmpi slt, %arg0, %sign3A_12 : i32
    %sign3A_14 = arith.extui %sign3A_13 : i1 to i32
    %sign3A_15 = arith.subi %sign3A_11, %sign3A_14 : i32
    %sign3A_16 = arith.constant 0 : i32
    %sign3A_17 = arith.cmpi sgt, %jit3A_9, %sign3A_16 : i32
    %sign3A_18 = arith.extui %sign3A_17 : i1 to i32
    %sign3A_19 = arith.constant 0 : i32
    %sign3A_20 = arith.cmpi slt, %jit3A_9, %sign3A_19 : i32
    %sign3A_21 = arith.extui %sign3A_20 : i1 to i32
    %sign3A_22 = arith.subi %sign3A_18, %sign3A_21 : i32
    %ne3A_23 = arith.cmpi ne, %sign3A_15, %sign3A_22 : i32
    %rem3A_24 = arith.remsi %arg0, %jit3A_9 : i32
    %ne3A_25 = arith.constant 0 : i32
    %ne3A_26 = arith.cmpi ne, %rem3A_24, %ne3A_25 : i32
    %and3A_27 = arith.andi %ne3A_23, %ne3A_26 : i1
    %sub3A = arith.constant 1 : i32
    %sub3A_28 = arith.subi %div3A, %sub3A : i32
    %select_n3A_29 = arith.select %and3A_27, %sub3A_28, %div3A : i32
    %add3A_30 = arith.addi %mul3A_8, %select_n3A_29 : i32
    %c0_i32 = arith.constant 0 : i32
    %c0_i32_31 = arith.constant 0 : i32
    return %add3A_30, %c0_i32 : i32, i32
  }
}

module attributes {stable_mosaic.version = 14 : i64} {
  func.func @_norm_body(%arg0: i32, %arg1: memref<400x128xf32, #tpu.memory_space<vmem>>, %arg2: memref<400x16xf32, #tpu.memory_space<vmem>>, %arg3: memref<400x128xf32, #tpu.memory_space<vmem>>) attributes {dimension_semantics = [#tpu.dimension_semantics<arbitrary>], iteration_bounds = array<i64: 50>, scalar_prefetch = 0 : i64, scratch_operands = 0 : i64, tpu.core_type = #tpu.core_type<tc>, window_params = [{transform_indices = @transform_0, window_bounds = array<i64: 400, 128>}, {transform_indices = @transform_1, window_bounds = array<i64: 400, 16>}, {transform_indices = @transform_2, window_bounds = array<i64: 400, 128>}]} {
    %get3A = arith.constant 0 : index
    %get3A_0 = arith.constant 0 : index
    %get3A_1 = vector.load %arg2[%get3A, %get3A_0] : memref<400x16xf32, #tpu.memory_space<vmem>>, vector<400x16xf32>
    %concatenate3A = tpu.concatenate %get3A_1, %get3A_1, %get3A_1, %get3A_1, %get3A_1, %get3A_1, %get3A_1, %get3A_1 in 1 : vector<400x16xf32>, vector<400x16xf32>, vector<400x16xf32>, vector<400x16xf32>, vector<400x16xf32>, vector<400x16xf32>, vector<400x16xf32>, vector<400x16xf32> -> vector<400x128xf32>
    %eq3A = arith.constant 0.000000e+00 : f32
    %eq3A_2 = vector.broadcast %eq3A : f32 to vector<400x128xf32>
    %eq3A_3 = arith.cmpf oeq, %concatenate3A, %eq3A_2 : vector<400x128xf32>
    %jit3A = arith.constant 1.000000e+00 : f32
    %broadcast_in_dim3A = vector.broadcast %jit3A : f32 to vector<400x128xf32>
    %select_n3A = arith.select %eq3A_3, %broadcast_in_dim3A, %concatenate3A : vector<400x128xi1>, vector<400x128xf32>
    %get3A_4 = arith.constant 0 : index
    %get3A_5 = arith.constant 0 : index
    %get3A_6 = vector.load %arg1[%get3A_4, %get3A_5] : memref<400x128xf32, #tpu.memory_space<vmem>>, vector<400x128xf32>
    %div3A = arith.divf %get3A_6, %select_n3A : vector<400x128xf32>
    %swap3A = arith.constant 0 : index
    %swap3A_7 = arith.constant 0 : index
    %swap3A_8 = vector.load %arg3[%swap3A, %swap3A_7] : memref<400x128xf32, #tpu.memory_space<vmem>>, vector<400x128xf32>
    tpu.vector_store %arg3[%swap3A, %swap3A_7], %div3A {strides = array<i32>} : memref<400x128xf32, #tpu.memory_space<vmem>>, vector<400x128xf32>,
    return
  }
  func.func @transform_0(%arg0: i32) -> (i32, i32) {
    %c0_i32 = arith.constant 0 : i32
    %c0_i32_0 = arith.constant 0 : i32
    return %arg0, %c0_i32 : i32, i32
  }
  func.func @transform_1(%arg0: i32) -> (i32, i32) {
    %c0_i32 = arith.constant 0 : i32
    %c0_i32_0 = arith.constant 0 : i32
    return %arg0, %c0_i32 : i32, i32
  }
  func.func @transform_2(%arg0: i32) -> (i32, i32) {
    %c0_i32 = arith.constant 0 : i32
    %c0_i32_0 = arith.constant 0 : i32
    return %arg0, %c0_i32 : i32, i32
  }
}

</mosaic_0001>

<sc_bundles>
// kernel: kernel.5.cloned.1.call-start
scs
__scs_entry_jumppad:
0x0: {  	(pc) =	sbr.rel $0x88, $3  }
0x1: {  	(tag) =	ssettag $0x0;
	lr =	simm.s32 $0x1  }
0x2: {  	[smem:$0x3F99] =	sst lr;
	_ =	strace $0xD0000000  }
0x3: {  	_ = 	snop  }
0x4: {  	_ = 	snop  }
0x5: {  	_ = 	snop  }
0x6: {  	_ = 	snop  }
0x7: {  	_ = 	snop  }
__scs_overlays_trampoline_lowered:
0x8: {  	[smem:$0x3FA8] =	sst s0  }
0x9: {  	[smem:$0x3FA9] =	sst s1  }
0xa: {  	[smem:$0x3FAA] =	sst s2  }
0xb: {  	[smem:$0x3FAB] =	sst s3  }
0xc: {  	[smem:$0x3FAC] =	sst s4  }
0xd: {  	[smem:$0x3FAD] =	sst s5  }
0xe: {  	[smem:$0x3FAE] =	sst s6  }
0xf: {  	[smem:$0x3FAF] =	sst s7  }
0x10: {  	[smem:$0x3FB0] =	sst s8  }
0x11: {  	[smem:$0x3FB1] =	sst s9;
	s0 =	simm.s32 @!p0 $0x0  }
0x12: {  	s1 =	sld [smem:$0x3F97];
	s0 =	simm.s32 @p0 $0x1  }
0x13: {  	[smem:$0x3FB2] =	sst s0;
	s0 =	simm.s32 @!p1 $0x0  }
0x14: {  	s2 =	sld [smem:$0x3F96];
	s0 =	simm.s32 @p1 $0x1  }
0x15: {  	[smem:$0x3FB3] =	sst s0;
	s0 =	simm.s32 @!p2 $0x0  }
0x16: {  	s3 =	sld [smem:$0x3FDB];
	s0 =	simm.s32 @p2 $0x1  }
0x17: {  	s4 =	simm.s32 $0x1BF5;
	[smem:$0x3FB5] =	sst s0  }
0x18: {  	s0 =	sld [smem:$0x3F98];
	_ =	swait.ge [sflag:s4], $0x0  }
0x19: {  	s7 =	sld [smem:$0x3F99]  }
0x1a: {  	s8 =	sadd.s32 $0xFFFFE003, lr  }
0x1b: {  	s9 =	sadd.s32 $0xFFFFFEF7, lr;
	s5 =	simm.s32 $0xFFFFFFFF;
	p2 =	slt.u32 s8, $0xFFFFF086  }
0x1c: {  	p1 =	slt.u32 s9, $0xF7A;
	s5 =	simm.s32 @!p2 $0x0  }
0x1d: {  	s5 =	simm.s32 @p1 $0x1;
	p0 =	seq.s32 s7, s2  }
0x1e: {  	s7 =	smul.u32 @!p0 $0xF7A, s2;
	p2 =	seq.s32 @!p0 s5, $0x0  }
0x1f: {  	s9 =	smul.u32 $0xF7A, s1;
	s8 =	simm.s32 @!p0 $0x1BF5;
	p2 =	por !p2, p0  }
0x20: {  	[sflag:s8] =	ssyncset.s32 @!p0 $0xFFFFF086;
	s6 =	sadd.s32 @!p0 s3, s7;
	s7 =	simm.s32 @!p0 $0x108  }
0x21: {  	s3 =	sadd.s32 s3, s9;
	s6 =	sadd.s32 @!p0 $0x88, s6;
	s7 =	simm.s32 @p2 $0x1082  }
0x22: {  	[simem:s7], [sflag:s8] =	dma.local @!p0 [hbm:s6], $0xF7A  }
0x23: {  	s9 =	sor.u32 $0xD0000000, s2;
	s6 =	simm.s32 $0x108;
	_ =	swait.ge @!p0 [sflag:s8], $0x0  }
0x24: {  	s3 =	sadd.s32 $0x88, s3;
	s6 =	simm.s32 @!p1 $0x1082;
	[sflag:s4] =	ssyncset.s32 $0xFFFFF086  }
0x25: {  	[simem:s6], [sflag:s4] =	dma.local [hbm:s3], $0xF7A  }
0x26: {  	[smem:$0x3F99] =	sst s1;
	(tag) =	ssettag s2;
	_ =	strace s9  }
0x27: {  	s1 =	sld [smem:$0x3FA9]  }
0x28: {  	s2 =	sld [smem:$0x3FAA]  }
0x29: {  	s4 =	sld [smem:$0x3FAC]  }
0x2a: {  	p0 =	seq.s32 s5, $0x0;
	s5 =	sld [smem:$0x3FAD]  }
0x2b: {  	s6 =	sld [smem:$0x3FAE]  }
0x2c: {  	s7 =	sld [smem:$0x3FAF]  }
0x2d: {  	s3 =	simm.s32 $0x108;
	s8 =	sld [smem:$0x3FB0]  }
0x2e: {  	s3 =	simm.s32 @!p0 $0x1082;
	s9 =	sld [smem:$0x3FB1]  }
0x2f: {  	lr =	sadd.s32 s0, s3;
	s0 =	sld [smem:$0x3FA8]  }
0x30: {  	s3 =	sld [smem:$0x3FAB]  }
0x31: {  	[smem:$0x3FB4] =	sst s10  }
0x32: {  	s10 =	sld [smem:$0x3FB2];
	_ =	sdelay $0x3  }
0x33: {  	p0 =	seq.s32 s10, $0x1;
	s10 =	sld [smem:$0x3FB4];
	_ =	sdelay $0x3  }
0x34: {  	[smem:$0x3FB4] =	sst s10  }
0x35: {  	s10 =	sld [smem:$0x3FB3];
	_ =	sdelay $0x3  }
0x36: {  	p1 =	seq.s32 s10, $0x1;
	s10 =	sld [smem:$0x3FB4];
	_ =	sdelay $0x3  }
0x37: {  	[smem:$0x3FB4] =	sst s10  }
0x38: {  	s10 =	sld [smem:$0x3FB5]  }
0x39: {  	_ = 	snop;
	(pc) =	sbr.ind lr, $3  }
0x3a: {  	_ = 	snop  }
0x3b: {  	_ = 	snop  }
0x3c: {  	p2 =	seq.s32 s10, $0x1;
	s10 =	sld [smem:$0x3FB4]  }
0x3d: {  	_ =	shalt  }
0x3e: {  	_ =	shalt  }
0x3f: {  	_ =	shalt  }
0x40: {  	_ =	shalt  }
0x41: {  	_ =	shalt  }
0x42: {  	_ =	shalt  }
0x43: {  	_ =	shalt  }
0x44: {  	_ =	shalt  }
0x45: {  	_ =	shalt  }
0x46: {  	_ =	shalt  }
0x47: {  	_ =	shalt  }
0x48: {  	_ =	shalt  }
0x49: {  	_ =	shalt  }
0x4a: {  	_ =	shalt  }
0x4b: {  	_ =	shalt  }
0x4c: {  	_ =	shalt  }
0x4d: {  	_ =	shalt  }
0x4e: {  	_ =	shalt  }
0x4f: {  	_ =	shalt  }
0x50: {  	_ =	shalt  }
0x51: {  	_ =	shalt  }
0x52: {  	_ =	shalt  }
0x53: {  	_ =	shalt  }
0x54: {  	_ =	shalt  }
0x55: {  	_ =	shalt  }
0x56: {  	_ =	shalt  }
0x57: {  	_ =	shalt  }
0x58: {  	_ =	shalt  }
0x59: {  	_ =	shalt  }
0x5a: {  	_ =	shalt  }
0x5b: {  	_ =	shalt  }
0x5c: {  	_ =	shalt  }
0x5d: {  	_ =	shalt  }
0x5e: {  	_ =	shalt  }
0x5f: {  	_ =	shalt  }
0x60: {  	_ =	shalt  }
0x61: {  	_ =	shalt  }
0x62: {  	_ =	shalt  }
0x63: {  	_ =	shalt  }
0x64: {  	_ =	shalt  }
0x65: {  	_ =	shalt  }
0x66: {  	_ =	shalt  }
0x67: {  	_ =	shalt  }
0x68: {  	_ =	shalt  }
0x69: {  	_ =	shalt  }
0x6a: {  	_ =	shalt  }
0x6b: {  	_ =	shalt  }
0x6c: {  	_ =	shalt  }
0x6d: {  	_ =	shalt  }
0x6e: {  	_ =	shalt  }
0x6f: {  	_ =	shalt  }
0x70: {  	_ =	shalt  }
0x71: {  	_ =	shalt  }
0x72: {  	_ =	shalt  }
0x73: {  	_ =	shalt  }
0x74: {  	_ =	shalt  }
0x75: {  	_ =	shalt  }
0x76: {  	_ =	shalt  }
0x77: {  	_ =	shalt  }
0x78: {  	_ =	shalt  }
0x79: {  	_ =	shalt  }
0x7a: {  	_ =	shalt  }
0x7b: {  	_ =	shalt  }
0x7c: {  	_ =	shalt  }
0x7d: {  	_ =	shalt  }
0x7e: {  	_ =	shalt  }
0x7f: {  	_ =	shalt  }
0x80: {  	_ =	shalt  }
0x81: {  	_ =	shalt  }
0x82: {  	_ =	shalt  }
0x83: {  	_ =	shalt  }
0x84: {  	_ =	shalt  }
0x85: {  	_ =	shalt  }
0x86: {  	_ =	shalt  }
0x87: {  	_ =	shalt  }
.Lfunc_end0:
.L_simem_size_0:
called_computation.4_lowered:
.L_overlay_start_0:
0x88: {  	s2 =	sld [smem:$0x3FD9]  }
0x89: {  	s3 =	sld [smem:$0x3FFE];
	_ =	sdelay $0x1  }
0x8a: {  	s1 =	srdreg.scid  }
0x8b: {  	s0 =	sand.u32 $0x1, s1  }
0x8c: {  	s17 =	sshll.u32 s0, $0xA;
	s2 =	sadd.s32 s3, s2  }
0x8d: {  	s2 =	sadd.s32 s2, s17  }
0x8e: {  	[smem:$0x3FC0] =	sst s2  }
0x8f: {  	_ = 	snop  }
0x90: {  	s2 =	sld [smem:$0x3FD0];
	(tm) =	ssettm $0x1  }
0x91: {  	s18 =	sld [smem:$0x3FFB];
	_ =	sdelay $0x3  }
0x92: {  	_ =	strace s18  }
0x93: {  	s3 =	sld [smem:$0x3FFC];
	_ =	sdelay $0x3  }
0x94: {  	_ =	strace s3  }
0x95: {  	s3 =	sld [smem:$0x3FFD];
	_ =	sdelay $0x3  }
0x96: {  	_ =	strace s3  }
0x97: {  	_ =	strace $0x8FFFFFFF  }
0x98: {  	s19 =	sld [smem:$0x3FDB];
	_ =	sdelay $0x1  }
0x99: {  	s4 =	simm.s32 $_scs_section_size  }
0x9a: {  	s5 =	simm.s32 $_size__tile_overlayer_lowered;
	s6 =	simm.s32 $_tile_overlayer_lowered  }
0x9b: {  	s22 =	simm.s32 $0x1BFF;
	s21 =	sshll.u32 s6, $0x1;
	s3 =	sadd.s32 s4, s19  }
0x9c: {  	s7 =	simm.s32 $0x0;
	s20 =	sshll.u32 s5, $0x1;
	s5 =	sadd.s32 s21, s3  }
0x9d: {  	[timem:s7], [sflag:s22] =	dma.local [hbm:s5], s20  }
0x9e: {  	_ =	swait.ge [sflag:s22], s20  }
0x9f: {  	s4 =	ssub.s32 $0x0, s20;
	[sflag:s22] =	ssyncset.done $0x0  }
0xa0: {  	[sflag:s22] =	ssyncadd.s32 s4;
	_ =	sdelay $0x1  }
0xa1: {  	s23 =	simm.s32 $0x1B8B  }
0xa2: {  	_ =	swait.ge [sflag:s23], $0x1  }
0xa3: {  	[sflag:s23] =	ssyncset.done $0x0  }
0xa4: {  	s25 =	simm.s32 $0x1B8E;
	s24 =	sld [smem:$0x3FFE];
	[sflag:s23] =	ssyncadd.s32 $0xFFFFFFFF  }
0xa5: {  	s26 =	simm.s32 $execute0_lowered;
	[smem:$0x3FD2] =	sst s25  }
0xa6: {  	s5 =	sshll.u32 s26, $0x1;
	_ =	strace $0x80000046;
	[dreg:$0x1] =	wrdreg $0xFFFFFFFF  }
0xa7: {  	s28 =	simm.s32 $_size_execute0_lowered;
	s3 =	sadd.s32 s3, s5;
	[dreg:$0x0] =	wrdreg $0x0  }
0xa8: {  	s5 =	sshll.u32 s28, $0x1;
	[dreg:$0x2] =	wrdreg s3  }
0xa9: {  	[dreg:$0x3] =	wrdreg s5  }
0xaa: {  	[dreg:$0x4] =	wrdreg $0xC0  }
0xab: {  	_ =	task [dreg:s7], $0x5FFFF  }
0xac: {  	[dreg:$0x1] =	wrdreg $0xFFFFFFFF  }
0xad: {  	[dreg:$0x0] =	wrdreg $0x60  }
0xae: {  	[dreg:$0x2] =	wrdreg s24  }
0xaf: {  	[dreg:$0x3] =	wrdreg s2  }
0xb0: {  	[dreg:$0x4] =	wrdreg $0x9  }
0xb1: {  	_ =	task.clear_ibuf [dreg:s7], $0x5FFFF;
	_ =	strace $0x90000046  }
0xb2: {  	s29 =	simm.s32 $0x9;
	_ =	strace $0x80000048  }
0xb3: {  	_ =	swait.ge [sflag:s29], $0x1  }
0xb4: {  	[sflag:s29] =	ssyncadd.s32 $0xFFFFFFFF  }
0xb5: {  	_ =	strace $0x90000048  }
0xb6: {  	_ =	sfence  }
0xb7: {  	s30 =	sld [smem:$0x0];
	_ =	sdelay $0x2  }
0xb8: {  	s31 =	sshll.u32 s1, $0xD;
	s1 =	sshrl.u32 s1, $0x2  }
0xb9: {  	s3 =	sand.u32 $0x4000, s31;
	s1 =	sadd.s32 s1, s30  }
0xba: {  	s0 =	sor.u32 s3, s0;
	s1 =	sshll.u32 s1, $0x11  }
0xbb: {  	s0 =	sor.u32 s1, s0  }
0xbc: {  	s0 =	sadd.s32 $0x8F2B, s0  }
0xbd: {  	[sflag:s0] =	ssyncadd.remote.s32 $0x1  }
0xbe: {  	_ =	sfence.sel $0xFFFF  }
0xbf: {  	[dreg:$0x0] =	wrdreg $0xFFFFFFFF;
	(pc) =	sbr.abs _section_cstart, $3  }
0xc0: {  	[dreg:$0x1] =	wrdreg $0xFFFFFFFF  }
0xc1: {  	_ =	task.clear_ibuf [dreg:s7], $0x2FFFF;
	_ =	strace $0x9FFFFFFF  }
0xc2: {  	(tm) =	ssettm $0x7FFFFFFF  }
0xc3: {  	_ =	shalt  }
tec
execute0_lowered:
.L_overlay_start_1:
0x0: {  	(tag) =	ssettag $0x1  }
0x1: {  	s9 =	rddreg [dreg:$0x0]  }
0x2: {  	s1 =	rddreg [dreg:$0x1]  }
0x3: {  	s0 =	rddreg [dreg:$0x2]  }
0x4: {  	s2 =	simm.s32 $0x0;
	s3 =	srdreg.scid;
	s14 =	simm.s32 $0x50  }
0x5: {  	s15 =	simm.s32 $0x2900;
	s16 =	simm.s32 $0x1;
	s17 =	simm.s32 $0x100  }
0x6: {  	v0 =	vimm.s32 $0x76543210;
	v1 =	vimm.s32 $0xFEDCBA98;
	s18 =	simm.s32 $0x5100;
	s19 =	simm.s32 $0x0;
	[smem:$0x7FF] =	sst s2  }
0x7: {  	v2 =	vimm.s32 $0x3210FEDC;
	v3 =	vimm.s32 $0xBA987654;
	s4 =	sadd.s32 $0x14000, s9;
	s7 =	sand.u32 $0x1, s3;
	s5 =	sadd.s32 $0x62200, s9;
	v1 =	vunpack.c.l.s4.s8 v1  }
0x8: {  	s3 =	stileid.u32;
	s6 =	sadd.s32 $0x400, s9;
	v0 =	vunpack.c.l.s4.s8 v0;
	v2 =	vunpack.c.l.s4.s8 v2;
	v3 =	vunpack.c.l.s4.s8 v3;
	s10 =	smul.u32 $0x27100, s7  }
0x9: {  	s8 =	sadd.s32 $0x592400, s9;
	s11 =	ssub.s32 $0x2, s7;
	s12 =	smul.u32 $0x2710, s3;
	v1 =	vunpack.c.0.s8.s32 v1  }
0xa: {  	_ =	strace $0x80000047;
	s7 =	sadd.s32 $0xA200, s9;
	s13 =	sshrl.u32 s11, $0x1;
	v0 =	vunpack.c.0.s8.s32 v0;
	v2 =	vunpack.c.0.s8.s32 v2;
	v3 =	vunpack.c.0.s8.s32 v3  }
0xb: {  	s9 =	sadd.s32 $0xB0400, s9;
	s11 =	ssub.s32 s11, s13;
	s10 =	sadd.s32 s12, s10;
	v1 =	vand.u32 $0xF, v1  }
0xc: {  	s12 =	simm.s32 $0x2;
	s13 =	simm.s32 $0x80;
	s11 =	smax.u32 s11, $0x1;
	v0 =	vcombine.low v1, v0;
	v1 =	vcombine.low v3, v2  }
.LBB2_1:
0xd: {  	s20 =	simm.s32 $0x0  }
.LBB2_2:
0xe: {  	s21 =	smul.u32 $0x50, s20;
	_ =	sdelay $0x1  }
0xf: {  	s21 =	sadd.s32 s21, s10  }
0x10: {  	s22 =	sshrl.u32 s21, $0x3  }
0x11: {  	s24 =	simm.s32 $0x0;
	s23 =	sadd.s32 s6, s22  }
0x12: {  	[tilespmem:s24], [sflag:$0x2] =	stream.linear.gather [hbm4b:s23+s24], $0x50, $0x38;
	[tilespmem:$0x7900] =	vst v63  }
0x13: {  	_ =	swait.ge [sflag:s12], $0x50  }
0x14: {  	[sflag:s12] =	ssyncset.done $0x0  }
0x15: {  	s22 =	sadd.s32 s7, s22;
	[sflag:s12] =	ssyncadd.s32 $0xFFFFFFB0  }
0x16: {  	[tilespmem:s13], [sflag:$0x2] =	stream.linear.gather [hbm4b:s22+s24], $0x50, $0x38;
	[tilespmem:$0x7900] =	vst v63  }
0x17: {  	_ =	swait.ge [sflag:s12], $0x50  }
0x18: {  	[sflag:s12] =	ssyncset.done $0x0  }
0x19: {  	[sflag:s12] =	ssyncadd.s32 $0xFFFFFFB0  }
0x1a: {  	[tilespmem:s15], [sflag:$0x1] =	stream.indirect.gather [hbm4b:s5+s14], $0x80, s13, s14, $0xb8;
	[tilespmem:$0x7900] =	vst v63  }
0x1b: {  	_ =	swait.ge [sflag:s16], $0x2800  }
0x1c: {  	[sflag:s16] =	ssyncset.done $0x0  }
0x1d: {  	[sflag:s16] =	ssyncadd.s32 $0xFFFFD800  }
0x1e: {  	[tilespmem:s17], [sflag:$0x1] =	stream.indirect.gather [hbm4b:s4+s14], $0x80, s24, s14, $0xb8;
	[tilespmem:$0x7900] =	vst v63  }
0x1f: {  	_ =	swait.ge [sflag:s16], $0x2800  }
0x20: {  	[sflag:s16] =	ssyncset.done $0x0  }
0x21: {  	s23 =	simm.s32 $0x0;
	[sflag:s16] =	ssyncadd.s32 $0xFFFFD800  }
0x22: {  	v2 =	vld [tilespmem:s23+$0x100]  }
0x23: {  	v3 =	vld [tilespmem:s23+$0x2900]  }
0x24: {  	v4 =	vld [tilespmem:s23+$0x110]  }
0x25: {  	v5 =	vld [tilespmem:s23+$0x2910]  }
0x26: {  	v6 =	vld [tilespmem:s23+$0x120]  }
0x27: {  	v7 =	vld [tilespmem:s23+$0x2920]  }
0x28: {  	v8 =	vld [tilespmem:s23+$0x130]  }
0x29: {  	v9 =	vld [tilespmem:s23+$0x2930]  }
0x2a: {  	v2 =	vmul.f32 v3, v2;
	v3 =	vmul.f32 v5, v4;
	v4 =	vld [tilespmem:s23+$0x140]  }
0x2b: {  	v5 =	vld [tilespmem:s23+$0x2940]  }
0x2c: {  	v2 =	vadd.f32 v3, v2;
	v3 =	vmul.f32 v7, v6;
	v6 =	vld [tilespmem:s23+$0x150]  }
0x2d: {  	v7 =	vld [tilespmem:s23+$0x2950]  }
0x2e: {  	v2 =	vadd.f32 v3, v2;
	v3 =	vmul.f32 v9, v8;
	v8 =	vld [tilespmem:s23+$0x160]  }
0x2f: {  	v9 =	vld [tilespmem:s23+$0x2960]  }
0x30: {  	v2 =	vadd.f32 v3, v2;
	v3 =	vmul.f32 v5, v4;
	v4 =	vld [tilespmem:s23+$0x170]  }
0x31: {  	s22 =	simm.s32 $0x80;
	v5 =	vld [tilespmem:s23+$0x2970]  }
0x32: {  	v10 =	vld [tilespmem:s22+$0x100];
	v2 =	vadd.f32 v3, v2;
	v3 =	vmul.f32 v7, v6  }
0x33: {  	v6 =	vld [tilespmem:s22+$0x2900]  }
0x34: {  	v7 =	vld [tilespmem:s22+$0x110];
	v2 =	vadd.f32 v3, v2;
	v3 =	vmul.f32 v9, v8  }
0x35: {  	v8 =	vld [tilespmem:s22+$0x2910]  }
0x36: {  	v9 =	vld [tilespmem:s22+$0x120];
	v2 =	vadd.f32 v3, v2;
	v3 =	vmul.f32 v5, v4  }
0x37: {  	v4 =	vld [tilespmem:s22+$0x2920]  }
0x38: {  	v5 =	vld [tilespmem:s22+$0x130];
	v2 =	vadd.f32 v3, v2  }
0x39: {  	v3 =	vmul.f32 v6, v10;
	v6 =	vld [tilespmem:s22+$0x2930]  }
0x3a: {  	v11 =	vld [tilespmem:s22+$0x2940];
	v7 =	vmul.f32 v8, v7;
	v10 =	vperm.xlane v2, v0  }
0x3b: {  	v8 =	vld [tilespmem:s22+$0x140]  }
0x3c: {  	v3 =	vadd.f32 v7, v3;
	v4 =	vmul.f32 v4, v9;
	v7 =	vld [tilespmem:s22+$0x150];
	v9 =	vadd.f32 v2, v10  }
0x3d: {  	v10 =	vld [tilespmem:s22+$0x2950]  }
0x3e: {  	v12 =	vld [tilespmem:s22+$0x2960];
	v2 =	vadd.f32 v4, v3;
	v3 =	vmul.f32 v6, v5;
	v4 =	vperm.xlane v9, v1  }
0x3f: {  	v6 =	vld [tilespmem:s22+$0x160]  }
0x40: {  	v8 =	vmul.f32 v11, v8;
	v5 =	vadd.f32 v3, v2;
	v2 =	vld [tilespmem:s22+$0x170];
	v9 =	vadd.f32 v9, v4  }
0x41: {  	s24 =	simm.s32 $0x100;
	v3 =	vld [tilespmem:s22+$0x2970]  }
0x42: {  	v4 =	vld [tilespmem:s24+$0x100];
	v5 =	vadd.f32 v8, v5;
	v10 =	vmul.f32 v10, v7;
	v9 =	vmul.f32 $1.442695020e+00, v9  }
0x43: {  	v8 =	vld [tilespmem:s24+$0x2900]  }
0x44: {  	s25 =	simm.s32 $0x600;
	v7 =	vld [tilespmem:s24+$0x110];
	v6 =	vmul.f32 v12, v6;
	v5 =	vadd.f32 v10, v5;
	(erf) = vpow2.f32 v9  }
.LBB2_3:
0x45: {  	p0 =	sne.s32 s25, $0x9E00;
	v9 =	vld [tilespmem:s24+$0x2910]  }
0x46: {  	v10 =	vld [tilespmem:s24+$0x120];
	v5 =	vadd.f32 v6, v5;
	v2 =	vmul.f32 v3, v2  }
0x47: {  	v3 =	vld [tilespmem:s24+$0x2920]  }
0x48: {  	v6 =	vld [tilespmem:s24+$0x130];
	v2 =	vadd.f32 v2, v5  }
0x49: {  	v4 =	vmul.f32 v8, v4;
	v5 =	vld [tilespmem:s24+$0x2930]  }
0x4a: {  	v7 =	vmul.f32 v9, v7;
	v8 =	vld [tilespmem:s24+$0x140];
	v9 =	vperm.xlane v2, v0  }
0x4b: {  	v11 =	vld [tilespmem:s24+$0x2940]  }
0x4c: {  	v4 =	vadd.f32 v7, v4;
	v3 =	vmul.f32 v3, v10;
	v7 =	vld [tilespmem:s24+$0x150];
	v9 =	vadd.f32 v2, v9  }
0x4d: {  	v10 =	vld [tilespmem:s24+$0x2950];
	v2 =	vpop (erf)  }
0x4e: {  	v3 =	vadd.f32 v3, v4;
	v4 =	vmul.f32 v5, v6;
	v6 =	vld [tilespmem:s24+$0x160];
	v5 =	vperm.xlane v9, v1;
	[tilespmem:s23+$0x5100] =	vst v2;
	s23 =	smov.u32 s22;
	s22 =	smov.u32 s24  }
0x4f: {  	v12 =	vld [tilespmem:s22+$0x2960]  }
.Ltmp0:
0x50: {  	v13 =	vadd.f32 v4, v3;
	v8 =	vmul.f32 v11, v8;
	v2 =	vld [tilespmem:s22+$0x170];
	v5 =	vadd.f32 v9, v5;
	(pc) =	sbr.rel @p0 .LBB2_3-.Ltmp0, $4  }
0x51: {  	s24 =	sshra.s32 s25, $0x2;
	v3 =	vld [tilespmem:s22+$0x2970]  }
0x52: {  	v4 =	vld [tilespmem:s24+$0x100];
	v9 =	vadd.f32 v8, v13;
	v10 =	vmul.f32 v10, v7;
	v11 =	vmul.f32 $1.442695020e+00, v5  }
0x53: {  	v8 =	vld [tilespmem:s24+$0x2900]  }
0x54: {  	s25 =	sadd.s32 $0x200, s25;
	v7 =	vld [tilespmem:s24+$0x110];
	v5 =	vadd.f32 v10, v9;
	v6 =	vmul.f32 v12, v6;
	(erf) = vpow2.f32 v11  }
0x55: {  	v9 =	vld [tilespmem:s24+$0x2910]  }
0x56: {  	v10 =	vld [tilespmem:s24+$0x120]  }
0x57: {  	v11 =	vld [tilespmem:s24+$0x2920]  }
0x58: {  	v12 =	vld [tilespmem:s24+$0x130]  }
0x59: {  	v13 =	vld [tilespmem:s24+$0x2930]  }
0x5a: {  	v14 =	vld [tilespmem:s24+$0x140];
	v4 =	vmul.f32 v8, v4;
	v7 =	vmul.f32 v9, v7  }
0x5b: {  	v8 =	vld [tilespmem:s24+$0x2940]  }
0x5c: {  	v9 =	vld [tilespmem:s24+$0x150];
	v4 =	vadd.f32 v7, v4;
	v7 =	vmul.f32 v11, v10  }
0x5d: {  	v10 =	vld [tilespmem:s24+$0x2950];
	v11 =	vpop (erf)  }
0x5e: {  	v15 =	vld [tilespmem:s24+$0x160];
	v4 =	vadd.f32 v7, v4;
	v7 =	vmul.f32 v13, v12;
	[tilespmem:s23+$0x5100] =	vst v11  }
0x5f: {  	v11 =	vld [tilespmem:s24+$0x2960]  }
0x60: {  	v63 =	vld [tilespmem:s24+$0x2970];
	v4 =	vadd.f32 v7, v4;
	v7 =	vmul.f32 v8, v14  }
0x61: {  	v8 =	vld [tilespmem:s24+$0x170]  }
0x62: {  	v4 =	vadd.f32 v7, v4;
	v7 =	vmul.f32 v10, v9;
	_ =	sdelay $0x1  }
0x63: {  	v4 =	vadd.f32 v7, v4;
	v7 =	vmul.f32 v11, v15  }
0x64: {  	v5 =	vadd.f32 v6, v5;
	v2 =	vmul.f32 v3, v2  }
0x65: {  	v3 =	vadd.f32 v7, v4;
	v4 =	vmul.f32 v63, v8  }
0x66: {  	v2 =	vadd.f32 v2, v5  }
0x67: {  	v3 =	vadd.f32 v4, v3  }
0x68: {  	v4 =	vperm.xlane v2, v0  }
0x69: {  	v5 =	vperm.xlane v3, v0  }
0x6a: {  	v2 =	vadd.f32 v2, v4  }
0x6b: {  	v3 =	vadd.f32 v3, v5  }
0x6c: {  	v4 =	vperm.xlane v2, v1  }
0x6d: {  	v5 =	vperm.xlane v3, v1  }
0x6e: {  	v2 =	vadd.f32 v2, v4  }
0x6f: {  	v3 =	vadd.f32 v3, v5  }
0x70: {  	v2 =	vmul.f32 $1.442695020e+00, v2  }
0x71: {  	v3 =	vmul.f32 $1.442695020e+00, v3  }
0x72: {  	(erf) = vpow2.f32 v2  }
0x73: {  	(erf) = vpow2.f32 v3;
	_ =	sdelay $0x7  }
0x74: {  	v2 =	vpop (erf)  }
0x75: {  	[tilespmem:s22+$0x5100] =	vst v2;
	v2 =	vpop (erf)  }
0x76: {  	[tilespmem:s24+$0x5100] =	vst v2  }
0x77: {  	[tilespmem:s17], [sflag:$0x1] =	stream.indirect.gather [hbm4b:s1+s14], $0x80, s13, s14, $0xb8;
	[tilespmem:$0x7900] =	vst v63  }
0x78: {  	_ =	swait.ge [sflag:s16], $0x2800  }
0x79: {  	[sflag:s16] =	ssyncset.done $0x0  }
0x7a: {  	s23 =	simm.s32 $0x0;
	[sflag:s16] =	ssyncadd.s32 $0xFFFFD800  }
0x7b: {  	v2 =	vld [tilespmem:s23+$0x5100]  }
0x7c: {  	v3 =	vld [tilespmem:s23+$0x170]  }
0x7d: {  	v8 =	vld [tilespmem:s23+$0x100]  }
0x7e: {  	v9 =	vld [tilespmem:s23+$0x110]  }
0x7f: {  	v10 =	vld [tilespmem:s23+$0x120]  }
0x80: {  	v7 =	vld [tilespmem:s23+$0x130]  }
0x81: {  	v5 =	vld [tilespmem:s23+$0x140];
	v3 =	vmul.f32 v3, v2  }
0x82: {  	v6 =	vld [tilespmem:s23+$0x150];
	v11 =	vmul.f32 v8, v2  }
0x83: {  	s22 =	simm.s32 $0x80;
	v4 =	vld [tilespmem:s23+$0x160];
	v8 =	vmul.f32 v9, v2;
	[tilespmem:s23+$0x2970] =	vst v3  }
0x84: {  	s24 =	simm.s32 $0x400;
	v9 =	vmul.f32 v10, v2;
	v3 =	vld [tilespmem:s22+$0x5100];
	[tilespmem:s23+$0x2900] =	vst v11  }
.LBB2_5:
0x85: {  	p0 =	sne.s32 s24, $0x9E00;
	v10 =	vld [tilespmem:s22+$0x170];
	[tilespmem:s23+$0x2910] =	vst v8;
	v7 =	vmul.f32 v7, v2  }
0x86: {  	v8 =	vld [tilespmem:s22+$0x100];
	[tilespmem:s23+$0x2920] =	vst v9;
	v5 =	vmul.f32 v5, v2  }
0x87: {  	v9 =	vld [tilespmem:s22+$0x110];
	[tilespmem:s23+$0x2930] =	vst v7;
	v6 =	vmul.f32 v6, v2  }
0x88: {  	v11 =	vld [tilespmem:s22+$0x120];
	[tilespmem:s23+$0x2940] =	vst v5;
	v4 =	vmul.f32 v4, v2  }
.Ltmp1:
0x89: {  	v7 =	vld [tilespmem:s22+$0x130];
	[tilespmem:s23+$0x2950] =	vst v6;
	v2 =	vmov v3;
	(pc) =	sbr.rel @p0 .LBB2_5-.Ltmp1, $4  }
0x8a: {  	v5 =	vld [tilespmem:s22+$0x140];
	v3 =	vmul.f32 v10, v2;
	[tilespmem:s23+$0x2960] =	vst v4;
	s23 =	smov.u32 s22  }
0x8b: {  	v10 =	vmul.f32 v8, v2;
	v6 =	vld [tilespmem:s23+$0x150]  }
0x8c: {  	s22 =	sshra.s32 s24, $0x2;
	v8 =	vmul.f32 v9, v2;
	v4 =	vld [tilespmem:s23+$0x160];
	[tilespmem:s23+$0x2970] =	vst v3  }
0x8d: {  	s24 =	sadd.s32 $0x200, s24;
	v3 =	vld [tilespmem:s22+$0x5100];
	[tilespmem:s23+$0x2900] =	vst v10;
	v9 =	vmul.f32 v11, v2  }
0x8e: {  	v10 =	vld [tilespmem:s22+$0x170];
	[tilespmem:s23+$0x2910] =	vst v8;
	v7 =	vmul.f32 v7, v2  }
0x8f: {  	v8 =	vld [tilespmem:s22+$0x100];
	[tilespmem:s23+$0x2920] =	vst v9;
	v5 =	vmul.f32 v5, v2  }
0x90: {  	v9 =	vld [tilespmem:s22+$0x110];
	[tilespmem:s23+$0x2930] =	vst v7;
	v6 =	vmul.f32 v6, v2  }
0x91: {  	v7 =	vld [tilespmem:s22+$0x120];
	[tilespmem:s23+$0x2940] =	vst v5;
	v2 =	vmul.f32 v4, v2  }
0x92: {  	v5 =	vld [tilespmem:s22+$0x130];
	[tilespmem:s23+$0x2950] =	vst v6  }
0x93: {  	v61 =	vld [tilespmem:s22+$0x140];
	[tilespmem:s23+$0x2960] =	vst v2;
	v2 =	vmul.f32 v10, v3  }
0x94: {  	v6 =	vld [tilespmem:s22+$0x150];
	v8 =	vmul.f32 v8, v3  }
0x95: {  	v62 =	vld [tilespmem:s22+$0x160];
	v9 =	vmul.f32 v9, v3;
	[tilespmem:s22+$0x2970] =	vst v2  }
0x96: {  	[tilespmem:s22+$0x2900] =	vst v8;
	v2 =	vmul.f32 v7, v3  }
0x97: {  	[tilespmem:s22+$0x2910] =	vst v9;
	v5 =	vmul.f32 v5, v3  }
0x98: {  	[tilespmem:s22+$0x2920] =	vst v2;
	v2 =	vmul.f32 v61, v3  }
0x99: {  	[tilespmem:s22+$0x2930] =	vst v5;
	v63 =	vmul.f32 v6, v3  }
0x9a: {  	[tilespmem:s22+$0x2940] =	vst v2;
	v2 =	vmul.f32 v62, v3  }
0x9b: {  	s21 =	sshll.u32 s21, $0x4;
	[tilespmem:s22+$0x2950] =	vst v63  }
0x9c: {  	s31 =	sadd.s32 s8, s21;
	[tilespmem:s22+$0x2960] =	vst v2  }
0x9d: {  	[hbm4b:s31+s2] =	stream.linear.scatter [tilespmem:s15], [sflag:$0x2], $0x2800, $0x38;
	[tilespmem:$0x7900] =	vst v63  }
0x9e: {  	s20 =	sadd.s32 $0x1, s20;
	_ =	swait.ge [sflag:s12], $0x2800  }
0x9f: {  	p0 =	sne.s32 s20, $0x7D;
	[sflag:s12] =	ssyncset.done $0x0  }
.Ltmp2:
0xa0: {  	s21 =	sadd.s32 s9, s21;
	[sflag:s12] =	ssyncadd.s32 $0xFFFFD800;
	(pc) =	sbr.rel @p0 .LBB2_2-.Ltmp2, $4  }
0xa1: {  	[hbm4b:s21+s2] =	stream.linear.scatter [tilespmem:s18], [sflag:$0x2], $0x2800, $0x38;
	[tilespmem:$0x7900] =	vst v63  }
0xa2: {  	_ =	swait.ge [sflag:s12], $0x2800  }
0xa3: {  	[sflag:s12] =	ssyncset.done $0x0  }
0xa4: {  	[sflag:s12] =	ssyncadd.s32 $0xFFFFD800  }
0xa5: {  	s19 =	sadd.s32 $0x1, s19  }
0xa6: {  	p0 =	sne.s32 s19, s11  }
.Ltmp3:
0xa7: {  	_ = 	snop;
	(pc) =	sbr.rel @p0 .LBB2_1-.Ltmp3, $1  }
0xa8: {  	_ =	sdelay $0x3  }
0xa9: {  	_ =	sfence.sel $0x180000  }
0xaa: {  	[bflag:$0x0] =	sbarrier.arrive $0xFFFF  }
0xab: {  	p0 =	sne.s32 s3, $0x0;
	_ =	strace $0x90000047  }
0xac: {  	s0 =	sadd.s32 @!p0 $0x100000, s0;
	[bflag:$0x2] =	sbarrier.arrive $0xFFFF  }
0xad: {  	[sflag:s0] =	ssyncadd.tile.s32 @!p0 $0x1;
	_ =	shalt  }
.Lfunc_end2:
_tile_overlayer_lowered:
.L_overlay_start_2:
0xae: {  	(tag) =	ssettag $0x2  }
0xaf: {  	s0 =	rddreg [dreg:$0x0];
	s2 =	stileid.u32  }
0xb0: {  	s1 =	rddreg [dreg:$0x1];
	p0 =	sne.s32 s2, $0x0  }
0xb1: {  	s3 =	rddreg [dreg:$0x2];
	[bflag:$0x3] =	sbarrier.arrive $0xFFFF;
	s2 =	simm.s32 @!p0 $0x1C02  }
0xb2: {  	[timem:s3], [sflag:s2] =	dma.local @!p0 [hbm:s0], s1  }
0xb3: {  	s0 =	simm.s32 @!p0 $0x2  }
0xb4: {  	_ =	swait.ge @!p0 [sflag:s0], s1  }
0xb5: {  	s1 =	ssub.s32 @!p0 $0x0, s1;
	[sflag:s0] =	ssyncset.done @!p0 $0x0  }
0xb6: {  	[sflag:s0] =	ssyncadd.s32 @!p0 s1  }
0xb7: {  	[bflag:$0x3] =	sbarrier.arrive $0xFFFF  }
0xb8: {  	_ =	shalt  }

// kernel: scatter_offload_async_start.1
scs
__scs_entry_jumppad:
0x0: {  	(pc) =	sbr.rel $0x88, $3  }
0x1: {  	(tag) =	ssettag $0x0;
	lr =	simm.s32 $0x1  }
0x2: {  	[smem:$0x3F99] =	sst lr;
	_ =	strace $0xD0000000  }
0x3: {  	_ = 	snop  }
0x4: {  	_ = 	snop  }
0x5: {  	_ = 	snop  }
0x6: {  	_ = 	snop  }
0x7: {  	_ = 	snop  }
__scs_overlays_trampoline_lowered:
0x8: {  	[smem:$0x3FA8] =	sst s0  }
0x9: {  	[smem:$0x3FA9] =	sst s1  }
0xa: {  	[smem:$0x3FAA] =	sst s2  }
0xb: {  	[smem:$0x3FAB] =	sst s3  }
0xc: {  	[smem:$0x3FAC] =	sst s4  }
0xd: {  	[smem:$0x3FAD] =	sst s5  }
0xe: {  	[smem:$0x3FAE] =	sst s6  }
0xf: {  	[smem:$0x3FAF] =	sst s7  }
0x10: {  	[smem:$0x3FB0] =	sst s8  }
0x11: {  	[smem:$0x3FB1] =	sst s9;
	s0 =	simm.s32 @!p0 $0x0  }
0x12: {  	s1 =	sld [smem:$0x3F97];
	s0 =	simm.s32 @p0 $0x1  }
0x13: {  	[smem:$0x3FB2] =	sst s0;
	s0 =	simm.s32 @!p1 $0x0  }
0x14: {  	s2 =	sld [smem:$0x3F96];
	s0 =	simm.s32 @p1 $0x1  }
0x15: {  	[smem:$0x3FB3] =	sst s0;
	s0 =	simm.s32 @!p2 $0x0  }
0x16: {  	s3 =	sld [smem:$0x3FDB];
	s0 =	simm.s32 @p2 $0x1  }
0x17: {  	s4 =	simm.s32 $0x1BF5;
	[smem:$0x3FB5] =	sst s0  }
0x18: {  	s0 =	sld [smem:$0x3F98];
	_ =	swait.ge [sflag:s4], $0x0  }
0x19: {  	s7 =	sld [smem:$0x3F99]  }
0x1a: {  	s8 =	sadd.s32 $0xFFFFE003, lr  }
0x1b: {  	s9 =	sadd.s32 $0xFFFFFEF7, lr;
	s5 =	simm.s32 $0xFFFFFFFF;
	p2 =	slt.u32 s8, $0xFFFFF086  }
0x1c: {  	p1 =	slt.u32 s9, $0xF7A;
	s5 =	simm.s32 @!p2 $0x0  }
0x1d: {  	s5 =	simm.s32 @p1 $0x1;
	p0 =	seq.s32 s7, s2  }
0x1e: {  	s7 =	smul.u32 @!p0 $0xF7A, s2;
	p2 =	seq.s32 @!p0 s5, $0x0  }
0x1f: {  	s9 =	smul.u32 $0xF7A, s1;
	s8 =	simm.s32 @!p0 $0x1BF5;
	p2 =	por !p2, p0  }
0x20: {  	[sflag:s8] =	ssyncset.s32 @!p0 $0xFFFFF086;
	s6 =	sadd.s32 @!p0 s3, s7;
	s7 =	simm.s32 @!p0 $0x108  }
0x21: {  	s3 =	sadd.s32 s3, s9;
	s6 =	sadd.s32 @!p0 $0x88, s6;
	s7 =	simm.s32 @p2 $0x1082  }
0x22: {  	[simem:s7], [sflag:s8] =	dma.local @!p0 [hbm:s6], $0xF7A  }
0x23: {  	s9 =	sor.u32 $0xD0000000, s2;
	s6 =	simm.s32 $0x108;
	_ =	swait.ge @!p0 [sflag:s8], $0x0  }
0x24: {  	s3 =	sadd.s32 $0x88, s3;
	s6 =	simm.s32 @!p1 $0x1082;
	[sflag:s4] =	ssyncset.s32 $0xFFFFF086  }
0x25: {  	[simem:s6], [sflag:s4] =	dma.local [hbm:s3], $0xF7A  }
0x26: {  	[smem:$0x3F99] =	sst s1;
	(tag) =	ssettag s2;
	_ =	strace s9  }
0x27: {  	s1 =	sld [smem:$0x3FA9]  }
0x28: {  	s2 =	sld [smem:$0x3FAA]  }
0x29: {  	s4 =	sld [smem:$0x3FAC]  }
0x2a: {  	p0 =	seq.s32 s5, $0x0;
	s5 =	sld [smem:$0x3FAD]  }
0x2b: {  	s6 =	sld [smem:$0x3FAE]  }
0x2c: {  	s7 =	sld [smem:$0x3FAF]  }
0x2d: {  	s3 =	simm.s32 $0x108;
	s8 =	sld [smem:$0x3FB0]  }
0x2e: {  	s3 =	simm.s32 @!p0 $0x1082;
	s9 =	sld [smem:$0x3FB1]  }
0x2f: {  	lr =	sadd.s32 s0, s3;
	s0 =	sld [smem:$0x3FA8]  }
0x30: {  	s3 =	sld [smem:$0x3FAB]  }
0x31: {  	[smem:$0x3FB4] =	sst s10  }
0x32: {  	s10 =	sld [smem:$0x3FB2];
	_ =	sdelay $0x3  }
0x33: {  	p0 =	seq.s32 s10, $0x1;
	s10 =	sld [smem:$0x3FB4];
	_ =	sdelay $0x3  }
0x34: {  	[smem:$0x3FB4] =	sst s10  }
0x35: {  	s10 =	sld [smem:$0x3FB3];
	_ =	sdelay $0x3  }
0x36: {  	p1 =	seq.s32 s10, $0x1;
	s10 =	sld [smem:$0x3FB4];
	_ =	sdelay $0x3  }
0x37: {  	[smem:$0x3FB4] =	sst s10  }
0x38: {  	s10 =	sld [smem:$0x3FB5]  }
0x39: {  	_ = 	snop;
	(pc) =	sbr.ind lr, $3  }
0x3a: {  	_ = 	snop  }
0x3b: {  	_ = 	snop  }
0x3c: {  	p2 =	seq.s32 s10, $0x1;
	s10 =	sld [smem:$0x3FB4]  }
0x3d: {  	_ =	shalt  }
0x3e: {  	_ =	shalt  }
0x3f: {  	_ =	shalt  }
0x40: {  	_ =	shalt  }
0x41: {  	_ =	shalt  }
0x42: {  	_ =	shalt  }
0x43: {  	_ =	shalt  }
0x44: {  	_ =	shalt  }
0x45: {  	_ =	shalt  }
0x46: {  	_ =	shalt  }
0x47: {  	_ =	shalt  }
0x48: {  	_ =	shalt  }
0x49: {  	_ =	shalt  }
0x4a: {  	_ =	shalt  }
0x4b: {  	_ =	shalt  }
0x4c: {  	_ =	shalt  }
0x4d: {  	_ =	shalt  }
0x4e: {  	_ =	shalt  }
0x4f: {  	_ =	shalt  }
0x50: {  	_ =	shalt  }
0x51: {  	_ =	shalt  }
0x52: {  	_ =	shalt  }
0x53: {  	_ =	shalt  }
0x54: {  	_ =	shalt  }
0x55: {  	_ =	shalt  }
0x56: {  	_ =	shalt  }
0x57: {  	_ =	shalt  }
0x58: {  	_ =	shalt  }
0x59: {  	_ =	shalt  }
0x5a: {  	_ =	shalt  }
0x5b: {  	_ =	shalt  }
0x5c: {  	_ =	shalt  }
0x5d: {  	_ =	shalt  }
0x5e: {  	_ =	shalt  }
0x5f: {  	_ =	shalt  }
0x60: {  	_ =	shalt  }
0x61: {  	_ =	shalt  }
0x62: {  	_ =	shalt  }
0x63: {  	_ =	shalt  }
0x64: {  	_ =	shalt  }
0x65: {  	_ =	shalt  }
0x66: {  	_ =	shalt  }
0x67: {  	_ =	shalt  }
0x68: {  	_ =	shalt  }
0x69: {  	_ =	shalt  }
0x6a: {  	_ =	shalt  }
0x6b: {  	_ =	shalt  }
0x6c: {  	_ =	shalt  }
0x6d: {  	_ =	shalt  }
0x6e: {  	_ =	shalt  }
0x6f: {  	_ =	shalt  }
0x70: {  	_ =	shalt  }
0x71: {  	_ =	shalt  }
0x72: {  	_ =	shalt  }
0x73: {  	_ =	shalt  }
0x74: {  	_ =	shalt  }
0x75: {  	_ =	shalt  }
0x76: {  	_ =	shalt  }
0x77: {  	_ =	shalt  }
0x78: {  	_ =	shalt  }
0x79: {  	_ =	shalt  }
0x7a: {  	_ =	shalt  }
0x7b: {  	_ =	shalt  }
0x7c: {  	_ =	shalt  }
0x7d: {  	_ =	shalt  }
0x7e: {  	_ =	shalt  }
0x7f: {  	_ =	shalt  }
0x80: {  	_ =	shalt  }
0x81: {  	_ =	shalt  }
0x82: {  	_ =	shalt  }
0x83: {  	_ =	shalt  }
0x84: {  	_ =	shalt  }
0x85: {  	_ =	shalt  }
0x86: {  	_ =	shalt  }
0x87: {  	_ =	shalt  }
.Lfunc_end0:
.L_simem_size_0:
called_computation.1_lowered:
.L_overlay_start_0:
0x88: {  	s2 =	sld [smem:$0x3FD9]  }
0x89: {  	s3 =	sld [smem:$0x3FFE];
	_ =	sdelay $0x1  }
0x8a: {  	s1 =	srdreg.scid  }
0x8b: {  	s0 =	sand.u32 $0x1, s1  }
0x8c: {  	s12 =	sshll.u32 s0, $0xA;
	s2 =	sadd.s32 s3, s2  }
0x8d: {  	s2 =	sadd.s32 s2, s12  }
0x8e: {  	[smem:$0x3FC0] =	sst s2  }
0x8f: {  	_ = 	snop  }
0x90: {  	(tm) =	ssettm $0x1  }
0x91: {  	s13 =	sld [smem:$0x3FFB];
	_ =	sdelay $0x3  }
0x92: {  	_ =	strace s13  }
0x93: {  	s2 =	sld [smem:$0x3FFC];
	_ =	sdelay $0x3  }
0x94: {  	_ =	strace s2  }
0x95: {  	s2 =	sld [smem:$0x3FFD];
	_ =	sdelay $0x3  }
0x96: {  	_ =	strace s2  }
0x97: {  	_ =	strace $0x8FFFFFFF  }
0x98: {  	s14 =	sld [smem:$0x3FDB];
	_ =	sdelay $0x1  }
0x99: {  	s15 =	simm.s32 $_scs_section_size  }
0x9a: {  	s4 =	simm.s32 $_size__tile_overlayer_lowered;
	s5 =	simm.s32 $_tile_overlayer_lowered  }
0x9b: {  	s19 =	simm.s32 $0x1BFF;
	s17 =	sshll.u32 s5, $0x1;
	s6 =	sadd.s32 s15, s14  }
0x9c: {  	s20 =	simm.s32 $0x0;
	s16 =	sshll.u32 s4, $0x1;
	s18 =	sadd.s32 s17, s6  }
0x9d: {  	[timem:s20], [sflag:s19] =	dma.local [hbm:s18], s16  }
0x9e: {  	_ =	swait.ge [sflag:s19], s16  }
0x9f: {  	s3 =	ssub.s32 $0x0, s16;
	[sflag:s19] =	ssyncset.done $0x0  }
0xa0: {  	[sflag:s19] =	ssyncadd.s32 s3;
	_ =	sdelay $0x1  }
0xa1: {  	s21 =	simm.s32 $0x1B8B  }
0xa2: {  	_ =	swait.ge [sflag:s21], $0x1  }
0xa3: {  	[sflag:s21] =	ssyncset.done $0x0  }
0xa4: {  	[sflag:s21] =	ssyncadd.s32 $0xFFFFFFFF  }
0xa5: {  	s3 =	sld [smem:$0x0]  }
0xa6: {  	s4 =	sand.u32 $0xFFFFFFFE, s1  }
0xa7: {  	p0 =	sne.s32 s1, s4  }
0xa8: {  	s4 =	sshll.u32 @p0 s4, $0xE  }
0xa9: {  	s5 =	sadd.s32 @p0 $0x11B8D, s4;
	s7 =	sshll.u32 @p0 s3, $0x11  }
0xaa: {  	s5 =	sor.u32 @p0 s7, s5  }
0xab: {  	[sflag:s5] =	ssyncadd.remote.s32 @p0 $0x1;
	_ =	sdelay $0x1  }
0xac: {  	s5 =	simm.s32 @p0 $0x1B8D  }
0xad: {  	_ =	swait.eq @p0 [sflag:s5], $0x1  }
0xae: {  	[sflag:s5] =	ssyncadd.s32 @p0 $0xFFFFFFFF  }
0xaf: {  	s7 =	sshll.u32 @!p0 s1, $0xE  }
0xb0: {  	s7 =	sor.u32 @!p0 $0x4000, s7;
	s5 =	simm.s32 @!p0 $0x1B8D  }
0xb1: {  	s9 =	sshll.u32 @!p0 s3, $0x11;
	s8 =	sadd.s32 @!p0 $0x11B8D, s7;
	_ =	swait.eq @!p0 [sflag:s5], $0x1  }
0xb2: {  	[sflag:s5] =	ssyncadd.s32 @!p0 $0xFFFFFFFF;
	s5 =	sor.u32 @!p0 s9, s8  }
0xb3: {  	s23 =	simm.s32 $0x1B8E;
	s22 =	sld [smem:$0x3FFE];
	[sflag:s5] =	ssyncadd.remote.s32 @!p0 $0x1  }
0xb4: {  	s24 =	simm.s32 $execute0_lowered;
	[smem:$0x3FD2] =	sst s23  }
0xb5: {  	s8 =	sshll.u32 s24, $0x1;
	_ =	strace $0x8000005B;
	[dreg:$0x1] =	wrdreg $0xFFFFFFFF  }
0xb6: {  	s25 =	simm.s32 $_size_execute0_lowered;
	s8 =	sadd.s32 s6, s8;
	[dreg:$0x0] =	wrdreg $0x0  }
0xb7: {  	s9 =	sshll.u32 s25, $0x1;
	[dreg:$0x2] =	wrdreg s8  }
0xb8: {  	[dreg:$0x3] =	wrdreg s9  }
0xb9: {  	[dreg:$0x4] =	wrdreg $0xC0  }
0xba: {  	s26 =	simm.s32 $execute1_lowered;
	_ =	task [dreg:s20], $0x5FFFF  }
0xbb: {  	s8 =	sshll.u32 s26, $0x1;
	[dreg:$0x1] =	wrdreg $0xFFFFFFFF  }
0xbc: {  	s6 =	sadd.s32 s6, s8;
	[dreg:$0x0] =	wrdreg $0x60  }
0xbd: {  	[dreg:$0x2] =	wrdreg s6  }
0xbe: {  	[dreg:$0x3] =	wrdreg s22  }
0xbf: {  	[dreg:$0x4] =	wrdreg $0xB  }
0xc0: {  	_ =	task.clear_ibuf [dreg:s20], $0x5FFFF;
	_ =	strace $0x9000005B  }
0xc1: {  	s28 =	simm.s32 $0xB;
	_ =	strace $0x8000005D  }
0xc2: {  	_ =	swait.ge [sflag:s28], $0x1  }
0xc3: {  	[sflag:s28] =	ssyncadd.s32 $0xFFFFFFFF  }
0xc4: {  	_ =	strace $0x9000005D  }
0xc5: {  	s6 =	sld [smem:$0x0];
	_ =	sdelay $0x3  }
0xc6: {  	s4 =	sadd.s32 @p0 $0x11BF3, s4;
	s8 =	sshll.u32 @p0 s6, $0x11  }
0xc7: {  	s4 =	sor.u32 @p0 s8, s4  }
0xc8: {  	[sflag:s4] =	ssyncadd.remote.s32 @p0 $0x1;
	_ =	sdelay $0x1  }
0xc9: {  	s4 =	simm.s32 @p0 $0x1BF3  }
0xca: {  	_ =	swait.eq @p0 [sflag:s4], $0x1  }
0xcb: {  	[sflag:s4] =	ssyncadd.s32 @p0 $0xFFFFFFFF;
	_ =	sdelay $0x1  }
0xcc: {  	s4 =	simm.s32 @!p0 $0x1BF3  }
0xcd: {  	s7 =	sadd.s32 @!p0 $0x11BF3, s7;
	s6 =	sshll.u32 @!p0 s6, $0x11;
	_ =	swait.eq @!p0 [sflag:s4], $0x1  }
0xce: {  	[sflag:s4] =	ssyncadd.s32 @!p0 $0xFFFFFFFF;
	s4 =	sor.u32 @!p0 s6, s7  }
0xcf: {  	[sflag:s4] =	ssyncadd.remote.s32 @!p0 $0x1  }
0xd0: {  	_ =	strace $0x8000005E;
	[dreg:$0x1] =	wrdreg $0xFFFFFFFF  }
0xd1: {  	[dreg:$0x0] =	wrdreg $0x2030  }
0xd2: {  	[dreg:$0x2] =	wrdreg s22  }
0xd3: {  	[dreg:$0x3] =	wrdreg s1  }
0xd4: {  	[dreg:$0x4] =	wrdreg s3  }
0xd5: {  	[dreg:$0x5] =	wrdreg $0xC  }
0xd6: {  	_ =	task.clear_ibuf [dreg:s20], $0x6FFFF;
	_ =	strace $0x9000005E  }
0xd7: {  	s29 =	simm.s32 $0xC;
	_ =	strace $0x80000060  }
0xd8: {  	_ =	swait.ge [sflag:s29], $0x1  }
0xd9: {  	[sflag:s29] =	ssyncadd.s32 $0xFFFFFFFF  }
0xda: {  	_ =	strace $0x90000060  }
0xdb: {  	_ =	sfence  }
0xdc: {  	s30 =	sld [smem:$0x0];
	_ =	sdelay $0x2  }
0xdd: {  	s31 =	sshll.u32 s1, $0xD;
	s1 =	sshrl.u32 s1, $0x2  }
0xde: {  	s4 =	sand.u32 $0x4000, s31;
	s1 =	sadd.s32 s1, s30  }
0xdf: {  	s0 =	sor.u32 s4, s0;
	s1 =	sshll.u32 s1, $0x11  }
0xe0: {  	s0 =	sor.u32 s1, s0  }
0xe1: {  	s0 =	sadd.s32 $0x8F2B, s0  }
0xe2: {  	[sflag:s0] =	ssyncadd.remote.s32 $0x1  }
0xe3: {  	_ =	sfence.sel $0xFFFF  }
0xe4: {  	[dreg:$0x0] =	wrdreg $0xFFFFFFFF;
	(pc) =	sbr.abs _section_cstart, $3  }
0xe5: {  	[dreg:$0x1] =	wrdreg $0xFFFFFFFF  }
0xe6: {  	_ =	task.clear_ibuf [dreg:s20], $0x2FFFF;
	_ =	strace $0x9FFFFFFF  }
0xe7: {  	(tm) =	ssettm $0x7FFFFFFF  }
tec
execute0_lowered:
.L_overlay_start_1:
0x0: {  	(tag) =	ssettag $0x1  }
0x1: {  	s2 =	rddreg [dreg:$0x0]  }
0x2: {  	s4 =	rddreg [dreg:$0x1]  }
0x3: {  	s0 =	rddreg [dreg:$0x2];
	s3 =	stileid.u32  }
0x4: {  	[bflag:$0x3] =	sbarrier.arrive $0xFFFF;
	s1 =	simm.s32 $_size_execute1_lowered;
	s29 =	srdreg.scid  }
0x5: {  	s7 =	simm.s32 $0x2;
	s8 =	simm.s32 $0x0;
	p0 =	sne.s32 s3, $0x0  }
0x6: {  	s1 =	sshll.u32 s1, $0x1;
	s5 =	simm.s32 @!p0 $0x1C3F;
	s6 =	simm.s32 @!p0 $0x4060  }
0x7: {  	[timem:s6], [sflag:s5] =	dma.local @!p0 [hbm:s2], s1  }
0x8: {  	s12 =	simm.s32 $0x0;
	s10 =	simm.s32 $0x0;
	s2 =	sshll.u32 s29, $0x7  }
.Ltmp0:
0x9: {  	s3 =	sshll.u32 s3, $0x8;
	s30 =	sand.u32 $0x80, s2;
	(pc) =	sbr.rel .LBB2_1-.Ltmp0, $4  }
0xa: {  	s11 =	simm.s32 $0x0;
	_ =	strace $0x8000005C;
	s3 =	sor.u32 s3, s30  }
0xb: {  	s5 =	simm.s32 $0x1;
	s2 =	sadd.s32 $0x530800, s4;
	s31 =	ssub.s32 $0x2700, s3  }
0xc: {  	s4 =	sadd.s32 $0x57EC00, s4;
	[sflag:s5] =	ssyncpa.u1 $0x0;
	s6 =	sshrl.u32 s31, $0xC  }
0xd: {  	[sflag:s7] =	ssyncpa.u1 $0x0;
	s9 =	smov.u32 s3;
	s7 =	sadd.s32 $0x2, s6  }
.LBB2_4:
0xe: {  	_ = 	snop  }
.LBB2_7:
0xf: {  	_ =	sdelay $0x3  }
0x10: {  	[tilespmem:v0+s16+$0x0 ss:$0x1] =	vst.idx.msk @p1 $0xffff, v2  }
0x11: {  	v56 =	vld.idx.msk [tilespmem:v1+s15+$0x0 ss:$0x1], $0xffff;
	s24 =	sor.u32 $0x70, s15;
	[tilespmem:v0+s17+$0x0 ss:$0x1] =	vst.idx.msk @p1 $0xffff, v4  }
0x12: {  	s25 =	sor.u32 $0x10, s15;
	[tilespmem:v0+s18+$0x0 ss:$0x1] =	vst.idx.msk @p1 $0xffff, v3;
	v57 =	vld.idx.msk [tilespmem:v1+s24+$0x0 ss:$0x1], $0xffff  }
0x13: {  	s26 =	sor.u32 $0x20, s15;
	[tilespmem:v0+s19+$0x0 ss:$0x1] =	vst.idx.msk @p1 $0xffff, v5;
	v58 =	vld.idx.msk [tilespmem:v1+s25+$0x0 ss:$0x1], $0xffff  }
0x14: {  	s28 =	sor.u32 $0x30, s15;
	[tilespmem:v0+s20+$0x0 ss:$0x1] =	vst.idx.msk @p1 $0xffff, v6;
	v59 =	vld.idx.msk [tilespmem:v1+s26+$0x0 ss:$0x1], $0xffff  }
0x15: {  	s29 =	sor.u32 $0x40, s15;
	[tilespmem:v0+s21+$0x0 ss:$0x1] =	vst.idx.msk @p1 $0xffff, v7;
	v60 =	vld.idx.msk [tilespmem:v1+s28+$0x0 ss:$0x1], $0xffff  }
0x16: {  	s30 =	sor.u32 $0x50, s15;
	v61 =	vld.idx.msk [tilespmem:v1+s29+$0x0 ss:$0x1], $0xffff;
	[tilespmem:v0+s15+$0x0 ss:$0x1] =	vst.idx.msk $0xffff, v56  }
0x17: {  	s31 =	sor.u32 $0x60, s15;
	v62 =	vld.idx.msk [tilespmem:v1+s30+$0x0 ss:$0x1], $0xffff;
	[tilespmem:v0+s24+$0x0 ss:$0x1] =	vst.idx.msk $0xffff, v57  }
0x18: {  	v63 =	vld.idx.msk [tilespmem:v1+s31+$0x0 ss:$0x1], $0xffff;
	[tilespmem:v0+s25+$0x0 ss:$0x1] =	vst.idx.msk $0xffff, v58  }
0x19: {  	[tilespmem:v0+s26+$0x0 ss:$0x1] =	vst.idx.msk $0xffff, v59  }
0x1a: {  	[tilespmem:v0+s28+$0x0 ss:$0x1] =	vst.idx.msk $0xffff, v60  }
0x1b: {  	[tilespmem:v0+s29+$0x0 ss:$0x1] =	vst.idx.msk $0xffff, v61  }
0x1c: {  	[tilespmem:v0+s30+$0x0 ss:$0x1] =	vst.idx.msk $0xffff, v62  }
0x1d: {  	[tilespmem:v0+s31+$0x0 ss:$0x1] =	vst.idx.msk $0xffff, v63  }
.LBB2_8:
0x1e: {  	s15 =	sand.u32 $0x1FFFFFF, s10  }
0x1f: {  	s16 =	smulhi.u32 $0x1A36E2F, s15;
	_ =	sdelay $0x1  }
0x20: {  	s16 =	sshrl.u32 s16, $0x6  }
0x21: {  	s16 =	smul.u32 $0x2710, s16;
	_ =	sdelay $0x1  }
0x22: {  	s15 =	ssub.s32 s15, s16  }
0x23: {  	s15 =	sshll.u32 s15, $0x4  }
0x24: {  	s15 =	sadd.s32 s4, s15  }
0x25: {  	[hbm4b:s15+s8] =	stream.linear.scatter [tilespmem:s14], [sflag:$0x2], s13, $0x38;
	[tilespmem:$0x10000] =	vst v63  }
.LBB2_9:
0x26: {  	p1 =	slt.u32 s11, $0x2  }
0x27: {  	p2 =	sgt.s32 @!p1 s12, $0x2690  }
0x28: {  	s13 =	smov.u32 s12;
	s14 =	sshra.s32 @!p1 s12, $0x1F;
	p2 =	por !p2, p1  }
0x29: {  	s12 =	sand.u32 @!p1 s14, s12;
	s13 =	simm.s32 @p2 $0x2690  }
0x2a: {  	s12 =	ssub.s32 @!p1 s13, s12  }
0x2b: {  	s12 =	sadd.s32 @!p1 $0xFFFFD970, s12  }
0x2c: {  	s13 =	sshll.u32 @!p1 s12, $0x9  }
0x2d: {  	p2 =	sgt.s32 @!p1 s12, $0x7F;
	s12 =	ssub.s32 @!p1 $0x10000, s13  }
0x2e: {  	s14 =	sadd.s32 $0x1000, s9;
	p2 =	por !p2, p1;
	s12 =	sshrl.u32 @!p1 s12, $0x2  }
0x2f: {  	s12 =	simm.s32 @!p2 $0x0;
	p2 =	sgt.s32 s14, $0x270F  }
0x30: {  	s14 =	smov.u32 @p2 s3;
	p2 =	sne.s32 s11, s7  }
.Ltmp1:
0x31: {  	_ = 	snop;
	(pc) =	sbr.rel @!p2 .LBB2_10-.Ltmp1, $4  }
0x32: {  	s13 =	simm.s32 @!p1 $0x2  }
0x33: {  	_ =	swait.ge @!p1 [sflag:s13], s12;
	s15 =	ssub.s32 @!p1 $0x0, s12  }
0x34: {  	s12 =	smov.u32 s10;
	s11 =	sadd.s32 $0x1, s11;
	[sflag:s13] =	ssyncset.done @!p1 $0x0  }
0x35: {  	s10 =	smov.u32 s9;
	s9 =	smov.u32 s14;
	[sflag:s13] =	ssyncadd.s32 @!p1 s15  }
.LBB2_1:
0x36: {  	p1 =	sgt.u32 s11, s6  }
0x37: {  	s13 =	sand.u32 @!p1 $0x1FFFFFF, s9  }
0x38: {  	p2 =	sgt.s32 @!p1 s9, $0x2690;
	s14 =	smulhi.u32 @!p1 $0x1A36E2F, s13  }
0x39: {  	s15 =	smov.u32 s9;
	s16 =	sshra.s32 @!p1 s9, $0x1F;
	p2 =	por !p2, p1  }
0x3a: {  	s16 =	sand.u32 @!p1 s16, s9;
	s15 =	simm.s32 @p2 $0x2690;
	s14 =	sshrl.u32 @!p1 s14, $0x6  }
0x3b: {  	s15 =	ssub.s32 @!p1 s15, s16;
	s14 =	smul.u32 @!p1 $0x2710, s14  }
0x3c: {  	s16 =	sxor.u32 @!p1 $0xFFFFFFFF, s11;
	s15 =	sadd.s32 @!p1 $0xFFFFD970, s15  }
0x3d: {  	s16 =	sshll.u32 @!p1 s16, $0xE;
	s13 =	ssub.s32 @!p1 s13, s14;
	s14 =	sshll.u32 @!p1 s15, $0x9  }
0x3e: {  	s16 =	sand.u32 @!p1 $0x4000, s16;
	p2 =	sgt.s32 @!p1 s15, $0x7F;
	s14 =	ssub.s32 @!p1 $0x10000, s14  }
0x3f: {  	p2 =	por !p2, p1;
	s13 =	sshll.u32 @!p1 s13, $0x4;
	s14 =	sshrl.u32 @!p1 s14, $0x2  }
0x40: {  	s15 =	simm.s32 @!p1 $0x0;
	s13 =	sadd.s32 @!p1 s2, s13;
	s14 =	simm.s32 @!p2 $0x0  }
0x41: {  	[tilespmem:s16], [sflag:$0x1] =	stream.linear.gather @!p1 [hbm4b:s13+s15], s14, $0x38;
	[tilespmem:$0x10000] =	vst v63  }
0x42: {  	p1 =	seq.s32 s11, $0x0  }
0x43: {  	p2 =	sge.u32 @!p1 s11, s7  }
0x44: {  	p1 =	por p1, p2  }
.Ltmp2:
0x45: {  	_ = 	snop;
	(pc) =	sbr.rel @p1 .LBB2_9-.Ltmp2, $1  }
0x46: {  	_ =	sdelay $0x3  }
0x47: {  	p1 =	sgt.s32 s10, $0x2690;
	s13 =	smov.u32 s10;
	s14 =	sshra.s32 s10, $0x1F  }
0x48: {  	s13 =	simm.s32 @!p1 $0x2690;
	s14 =	sand.u32 s14, s10  }
0x49: {  	s13 =	ssub.s32 s13, s14  }
0x4a: {  	s13 =	sadd.s32 $0xFFFFD970, s13  }
0x4b: {  	s31 =	sshll.u32 s13, $0x9  }
0x4c: {  	s14 =	ssub.s32 $0x10000, s31  }
0x4d: {  	p1 =	sgt.s32 s13, $0x7F;
	s13 =	sshrl.u32 s14, $0x2;
	s14 =	sadd.s32 $0x80, s10  }
0x4e: {  	s13 =	simm.s32 @p1 $0x0;
	p1 =	slt.s32 s14, $0x2710  }
0x4f: {  	s14 =	simm.s32 @!p1 $0x2710  }
0x50: {  	s16 =	ssub.s32 s14, s10  }
0x51: {  	p1 =	slt.s32 s16, $0x1  }
.Ltmp3:
0x52: {  	_ = 	snop;
	(pc) =	sbr.rel @p1 .LBB2_8-.Ltmp3, $4  }
0x53: {  	_ = 	snop  }
0x54: {  	s15 =	sshll.u32 s11, $0xE;
	_ =	swait.ge [sflag:s5], s13  }
0x55: {  	s15 =	sand.u32 $0x4000, s15;
	s17 =	ssub.s32 $0x0, s13;
	[sflag:s5] =	ssyncset.done $0x0  }
0x56: {  	s14 =	sor.u32 $0x8000, s15;
	[sflag:s5] =	ssyncadd.s32 s17  }
0x57: {  	p2 =	sne.s32 s16, $0x1  }
.Ltmp4:
0x58: {  	v1 =	vmov s15;
	v0 =	vmov s14;
	(pc) =	sbr.rel @!p2 .LBB2_4-.Ltmp4, $3  }
0x59: {  	_ =	sdelay $0x1  }
0x5a: {  	s17 =	simm.s32 $0x0  }
0x5b: {  	s23 =	sadd.s32 $0xFFFFFFFF, s16;
	p1 =	por $0x0, $0x0;
	s15 =	sand.u32 $0x3F80, s17  }
0x5c: {  	_ =	sdelay $0x3  }
0x5d: {  	v6 =	vld.idx.msk [tilespmem:v1+s15+$0x0 ss:$0x1], $0xffff;
	s24 =	sor.u32 $0x70, s15  }
0x5e: {  	s16 =	sor.u32 $0x10, s15;
	v8 =	vld.idx.msk [tilespmem:v1+s24+$0x0 ss:$0x1], $0xffff  }
0x5f: {  	s17 =	sor.u32 $0x20, s15;
	p2 =	sne.s32 s23, $0x1;
	v2 =	vld.idx.msk [tilespmem:v1+s16+$0x0 ss:$0x1], $0xffff  }
.Ltmp5:
0x60: {  	s18 =	sor.u32 $0x30, s15;
	v4 =	vld.idx.msk [tilespmem:v1+s17+$0x0 ss:$0x1], $0xffff;
	(pc) =	sbr.rel @!p2 .LBB2_7-.Ltmp5, $4  }
0x61: {  	s19 =	sor.u32 $0x40, s15;
	v3 =	vld.idx.msk [tilespmem:v1+s18+$0x0 ss:$0x1], $0xffff  }
0x62: {  	s21 =	sor.u32 $0x60, s15;
	v5 =	vld.idx.msk [tilespmem:v1+s19+$0x0 ss:$0x1], $0xffff  }
0x63: {  	s20 =	sor.u32 $0x50, s15;
	s22 =	simm.s32 $0x80;
	v7 =	vld.idx.msk [tilespmem:v1+s21+$0x0 ss:$0x1], $0xffff;
	[tilespmem:v0+s15+$0x0 ss:$0x1] =	vst.idx.msk $0xffff, v6  }
0x64: {  	s23 =	sadd.s32 $0xFFFFFFFF, s23;
	p1 =	por $0x1, $0x1;
	v6 =	vld.idx.msk [tilespmem:v1+s20+$0x0 ss:$0x1], $0xffff;
	s15 =	sand.u32 $0x3F80, s22;
	[tilespmem:v0+s24+$0x0 ss:$0x1] =	vst.idx.msk $0xffff, v8  }
.LBB2_6:
0x65: {  	p2 =	sne.s32 s23, $0x1;
	v8 =	vld.idx.msk [tilespmem:v1+s15+$0x0 ss:$0x1], $0xffff;
	s24 =	sor.u32 $0x70, s15;
	[tilespmem:v0+s16+$0x0 ss:$0x1] =	vst.idx.msk $0xffff, v2;
	s16 =	sor.u32 $0x10, s15  }
0x66: {  	s25 =	sor.u32 $0x30, s15;
	s26 =	sor.u32 $0x40, s15;
	v9 =	vld.idx.msk [tilespmem:v1+s24+$0x0 ss:$0x1], $0xffff;
	[tilespmem:v0+s17+$0x0 ss:$0x1] =	vst.idx.msk $0xffff, v4;
	s17 =	sor.u32 $0x20, s15  }
0x67: {  	s28 =	sor.u32 $0x50, s15;
	s29 =	sor.u32 $0x60, s15;
	v2 =	vld.idx.msk [tilespmem:v1+s16+$0x0 ss:$0x1], $0xffff;
	[tilespmem:v0+s18+$0x0 ss:$0x1] =	vst.idx.msk $0xffff, v3;
	s18 =	smov.u32 s25  }
.Ltmp6:
0x68: {  	v4 =	vld.idx.msk [tilespmem:v1+s17+$0x0 ss:$0x1], $0xffff;
	[tilespmem:v0+s19+$0x0 ss:$0x1] =	vst.idx.msk $0xffff, v5;
	s19 =	smov.u32 s26;
	(pc) =	sbr.rel @p2 .LBB2_6-.Ltmp6, $4  }
0x69: {  	v3 =	vld.idx.msk [tilespmem:v1+s18+$0x0 ss:$0x1], $0xffff;
	[tilespmem:v0+s20+$0x0 ss:$0x1] =	vst.idx.msk $0xffff, v6;
	s20 =	smov.u32 s28  }
0x6a: {  	v5 =	vld.idx.msk [tilespmem:v1+s19+$0x0 ss:$0x1], $0xffff;
	[tilespmem:v0+s21+$0x0 ss:$0x1] =	vst.idx.msk $0xffff, v7;
	s21 =	smov.u32 s29  }
0x6b: {  	s22 =	sadd.s32 $0x80, s22;
	[tilespmem:v0+s15+$0x0 ss:$0x1] =	vst.idx.msk $0xffff, v8;
	v6 =	vld.idx.msk [tilespmem:v1+s20+$0x0 ss:$0x1], $0xffff  }
0x6c: {  	s23 =	sadd.s32 $0xFFFFFFFF, s23;
	s15 =	sand.u32 $0x3F80, s22;
	v7 =	vld.idx.msk [tilespmem:v1+s21+$0x0 ss:$0x1], $0xffff;
	[tilespmem:v0+s24+$0x0 ss:$0x1] =	vst.idx.msk $0xffff, v9  }
.Ltmp7:
0x6d: {  	_ = 	snop;
	(pc) =	sbr.rel .LBB2_7-.Ltmp7, $1  }
0x6e: {  	_ =	sdelay $0x3  }
.LBB2_10:
0x6f: {  	_ =	sfence.sel $0x180000  }
0x70: {  	s2 =	simm.s32 $0x1;
	[bflag:$0x0] =	sbarrier.arrive $0xFFFF  }
0x71: {  	s31 =	simm.s32 $0x2;
	[sflag:s2] =	ssyncpa.u1 $0x1  }
0x72: {  	[sflag:s31] =	ssyncpa.u1 $0x1  }
0x73: {  	_ =	strace $0x9000005C  }
0x74: {  	s0 =	sadd.s32 @!p0 $0x100000, s0;
	[bflag:$0x2] =	sbarrier.arrive $0xFFFF  }
0x75: {  	[sflag:s0] =	ssyncadd.tile.s32 @!p0 $0x1;
	s0 =	simm.s32 @!p0 $0x3F  }
0x76: {  	_ =	swait.ge @!p0 [sflag:s0], s1  }
0x77: {  	s1 =	ssub.s32 @!p0 $0x0, s1;
	[sflag:s0] =	ssyncset.done @!p0 $0x0  }
0x78: {  	[sflag:s0] =	ssyncadd.s32 @!p0 s1  }
0x79: {  	[bflag:$0x3] =	sbarrier.arrive $0xFFFF  }
0x7a: {  	_ =	shalt  }
.Lfunc_end2:
execute1_lowered:
.L_overlay_start_2:
0x7b: {  	(tag) =	ssettag $0x2  }
0x7c: {  	s2 =	rddreg [dreg:$0x0]  }
0x7d: {  	s3 =	rddreg [dreg:$0x1];
	_ =	strace $0x8000005F;
	s0 =	simm.s32 $0x1  }
0x7e: {  	v0 =	vimm.s32 $0x0;
	[sflag:s0] =	ssyncpa.u1 $0x0;
	s0 =	simm.s32 $0x108  }
0x7f: {  	[tilespmem:s0+$0x70] =	vst v0  }
0x80: {  	[tilespmem:s0+$0x60] =	vst v0  }
0x81: {  	[tilespmem:s0+$0x50] =	vst v0  }
0x82: {  	[tilespmem:s0+$0x40] =	vst v0  }
0x83: {  	s1 =	sadd.s32 $0x57EC00, s2;
	[tilespmem:s0+$0x30] =	vst v0  }
0x84: {  	s15 =	sadd.s32 $0xA74400, s2;
	s6 =	sadd.s32 $0x2BF800, s2;
	[tilespmem:s0+$0x20] =	vst v0  }
0x85: {  	s14 =	sadd.s32 $0xA79400, s2;
	s5 =	sand.u32 $0x1, s3;
	s3 =	simm.s32 $0x40;
	[tilespmem:s0+$0x10] =	vst v0  }
.LBB3_1:
0x86: {  	s3 =	sadd.s32 $0x40, s3;
	[tilespmem:s0+$0x0] =	vst v0;
	s0 =	sadd.s32 $0x80, s0  }
0x87: {  	p0 =	slt.u32 s3, $0x3C40;
	[tilespmem:s0+$0x70] =	vst v0  }
0x88: {  	[tilespmem:s0+$0x60] =	vst v0  }
.Ltmp8:
0x89: {  	[tilespmem:s0+$0x50] =	vst v0;
	(pc) =	sbr.rel @p0 .LBB3_1-.Ltmp8, $4  }
0x8a: {  	[tilespmem:s0+$0x40] =	vst v0  }
0x8b: {  	[tilespmem:s0+$0x30] =	vst v0  }
0x8c: {  	[tilespmem:s0+$0x20] =	vst v0  }
0x8d: {  	[tilespmem:s0+$0x10] =	vst v0  }
0x8e: {  	s9 =	stileid.u32  }
0x8f: {  	s2 =	smul.u32 $0x14, s9  }
0x90: {  	s3 =	smin.u32 s9, $0xE  }
0x91: {  	s2 =	sadd.s32 s3, s2  }
0x92: {  	p0 =	slt.u32 s9, $0xE;
	s7 =	smul.u32 $0xF0, s2;
	s2 =	simm.s32 $0x13B0  }
0x93: {  	s2 =	simm.s32 @!p0 $0x12C0  }
0x94: {  	s2 =	sadd.s32 s2, s7  }
0x95: {  	s8 =	smin.u32 s2, $0x13880  }
0x96: {  	s2 =	ssub.s32 s8, s7  }
0x97: {  	p0 =	sgt.s32 s2, $0x0  }
0x98: {  	s29 =	simm.s32 $0x2;
	s10 =	simm.s32 $0x9;
	s2 =	simm.s32 @!p0 $0x0  }
0x99: {  	s4 =	simm.s32 $0xA;
	s11 =	simm.s32 $0xB;
	s28 =	smulhi.u32 $0x88888889, s2  }
0x9a: {  	[dreg:$0x4] =	wrdreg s5;
	s31 =	smul.u32 $0x2710, s5;
	s12 =	simm.s32 $0x1  }
0x9b: {  	s22 =	simm.s32 $0x0;
	s18 =	simm.s32 $0xC;
	s30 =	sshrl.u32 s28, $0x7  }
0x9c: {  	s20 =	simm.s32 $0x0;
	s21 =	simm.s32 $0x0;
	s3 =	smul.u32 $0xF0, s30  }
.Ltmp9:
0x9d: {  	[tilespmem:s0+$0x0] =	vst v0;
	v0 =	vimm.s32 $0xFFFFFFFF;
	[sflag:s29] =	ssyncpa.u1 $0x0;
	s16 =	sshll.u32 s9, $0x8;
	(pc) =	sbr.rel .LBB3_3-.Ltmp9, $4  }
0x9e: {  	[tilespmem:$0xF208] =	vst v0;
	[sflag:s10] =	ssyncpa.u1 $0x0;
	p0 =	sne.s32 s2, s3;
	s2 =	simm.s32 $0x1  }
0x9f: {  	s14 =	sadd.s32 s31, s14;
	[sflag:s4] =	ssyncpa.u1 $0x0;
	s2 =	simm.s32 @!p0 $0x0  }
0xa0: {  	s15 =	sadd.s32 s31, s15;
	[sflag:s11] =	ssyncpa.u1 $0x0;
	s13 =	sadd.s32 s2, s30  }
0xa1: {  	v0 =	vlaneseq.u32;
	s19 =	smov.u32 s7;
	p0 =	por $0x0, $0x0;
	s17 =	sadd.s32 $0x1, s13  }
.LBB3_18:
0xa2: {  	s0 =	sshrl.u32 s31, $0x2  }
.LBB3_20:
0xa3: {  	_ =	swait.ge [sflag:s18], s0  }
0xa4: {  	s31 =	ssub.s32 $0x0, s0;
	v1 =	vmov s24;
	vm0 =	veq.s32 v0, $0x0;
	[sflag:s18] =	ssyncset.done $0x0  }
0xa5: {  	vm15 =	veq.s32 v0, $0x2;
	v1 =	vsel vm0, s30, v1;
	[sflag:s18] =	ssyncadd.s32 s31  }
0xa6: {  	v1 =	vsel vm15, s22, v1;
	[sflag:s18] =	ssyncpa.u1 $0x1  }
0xa7: {  	[tilespmem:$0xF208] =	vst v1  }
.LBB3_21:
0xa8: {  	s0 =	sadd.s32 $0xF0, s19  }
0xa9: {  	s2 =	smov.u32 s7;
	p1 =	slt.s32 s0, s8  }
0xaa: {  	s2 =	smov.u32 @p1 s0;
	p1 =	sne.s32 s21, s17  }
.Ltmp10:
0xab: {  	_ = 	snop;
	(pc) =	sbr.rel @!p1 .LBB3_22-.Ltmp10, $3  }
0xac: {  	_ =	sdelay $0x1  }
0xad: {  	s22 =	smov.u32 s20;
	s31 =	sadd.s32 $0x1, s21;
	s20 =	smov.u32 s19  }
0xae: {  	p0 =	por !p0, !p0;
	s21 =	smov.u32 s31;
	s19 =	smov.u32 s2  }
.LBB3_3:
0xaf: {  	p1 =	sge.u32 s21, s13  }
0xb0: {  	s0 =	smulhi.u32 @!p1 $0xAAAAAAAB, s21  }
0xb1: {  	s2 =	smov.u32 s19;
	p2 =	sgt.s32 @!p1 s19, $0x13790  }
0xb2: {  	s3 =	sshra.s32 @!p1 s19, $0x1F;
	p2 =	por !p2, p1;
	s0 =	sshrl.u32 @!p1 s0, $0x1  }
0xb3: {  	s3 =	sand.u32 @!p1 s3, s19;
	s2 =	simm.s32 @p2 $0x13790;
	s0 =	smul.u32 @!p1 $0x3, s0  }
0xb4: {  	s2 =	ssub.s32 @!p1 s2, s3  }
0xb5: {  	s2 =	sadd.s32 @!p1 $0xFFFEC870, s2;
	s0 =	ssub.s32 @!p1 s21, s0  }
0xb6: {  	s3 =	sshll.u32 @!p1 s2, $0x2;
	p2 =	sgt.s32 @!p1 s2, $0xEF;
	s0 =	smul.u32 @!p1 $0x3C0, s0  }
0xb7: {  	s4 =	sand.u32 @!p1 $0x7, s19;
	s2 =	ssub.s32 @!p1 $0x3C0, s3;
	p2 =	por !p2, p1  }
0xb8: {  	s3 =	sshrl.u32 @!p1 s19, $0x3;
	s2 =	sshrl.u32 @!p1 s2, $0x2;
	s0 =	sshrl.u32 @!p1 s0, $0x2  }
0xb9: {  	s3 =	sadd.s32 @!p1 s3, s14;
	s2 =	simm.s32 @!p2 $0x0;
	s0 =	sadd.s32 @!p1 $0x10248, s0  }
0xba: {  	[tilespmem:s0], [sflag:$0xA] =	stream.linear.gather @!p1 [hbm4b:s3+s4], s2, $0x38;
	[tilespmem:$0x1F6F8] =	vst v63  }
0xbb: {  	s0 =	sadd.s32 $0xFFFFFFFF, s21  }
0xbc: {  	p1 =	sge.u32 s0, s13  }
0xbd: {  	p2 =	sgt.s32 @!p1 s20, $0x13790  }
0xbe: {  	s2 =	smov.u32 s20;
	s3 =	sshra.s32 @!p1 s20, $0x1F;
	p2 =	por !p2, p1  }
0xbf: {  	s3 =	sand.u32 @!p1 s3, s20;
	s2 =	simm.s32 @p2 $0x13790  }
0xc0: {  	s2 =	ssub.s32 @!p1 s2, s3  }
0xc1: {  	s2 =	sadd.s32 @!p1 $0xFFFEC870, s2  }
0xc2: {  	s4 =	sand.u32 @!p1 $0x1, s0;
	s3 =	sshll.u32 @!p1 s2, $0x2  }
0xc3: {  	p2 =	sgt.s32 @!p1 s2, $0xEF;
	s2 =	ssub.s32 @!p1 $0x3C0, s3;
	s3 =	smulhi.u32 @!p1 $0xAAAAAAAB, s0  }
0xc4: {  	s23 =	smul.u32 @!p1 $0x3C0, s4;
	p2 =	por !p2, p1;
	s2 =	sshrl.u32 @!p1 s2, $0x2  }
0xc5: {  	s5 =	simm.s32 @!p1 $0xA;
	s2 =	simm.s32 @!p2 $0x0;
	s3 =	sshrl.u32 @!p1 s3, $0x1  }
0xc6: {  	s23 =	sshrl.u32 @!p1 s23, $0x2;
	_ =	swait.ge @!p1 [sflag:s5], s2;
	s3 =	smul.u32 @!p1 $0x3, s3  }
0xc7: {  	s23 =	sadd.s32 @!p1 $0x10518, s23;
	s24 =	ssub.s32 @!p1 $0x0, s2;
	[sflag:s5] =	ssyncset.done @!p1 $0x0  }
0xc8: {  	[sflag:s5] =	ssyncadd.s32 @!p1 s24;
	s5 =	sshrl.u32 @!p1 s20, $0x3;
	s0 =	ssub.s32 @!p1 s0, s3  }
0xc9: {  	s24 =	sand.u32 @!p1 $0x7, s20;
	s5 =	sadd.s32 @!p1 s5, s15;
	s0 =	smul.u32 @!p1 $0x3C0, s0  }
0xca: {  	[tilespmem:s23], [sflag:$0xB] =	stream.linear.gather @!p1 [hbm4b:s5+s24], s2, $0x38;
	[tilespmem:$0x1F6F8] =	vst v63  }
0xcb: {  	s3 =	ssub.s32 @!p1 $0x13880, s20;
	s2 =	smul.u32 @!p1 $0x1E000, s4  }
0xcc: {  	p2 =	slt.s32 @!p1 s3, $0xF0  }
0xcd: {  	p2 =	por !p2, p1;
	s0 =	sshrl.u32 @!p1 s0, $0x2;
	s2 =	sshrl.u32 @!p1 s2, $0x2  }
0xce: {  	s3 =	simm.s32 @p2 $0xF0;
	s0 =	sadd.s32 @!p1 $0x10248, s0;
	s2 =	sor.u32 @!p1 $0x106F8, s2  }
0xcf: {  	[tilespmem:s2], [sflag:$0x9] =	stream.indirect.gather @!p1 [hbm4b:s6+s3], $0x80, s0, s3, $0xb8;
	[tilespmem:$0x1F6F8] =	vst v63  }
0xd0: {  	p1 =	slt.u32 s21, $0x2  }
.Ltmp11:
0xd1: {  	_ = 	snop;
	(pc) =	sbr.rel @p1 .LBB3_21-.Ltmp11, $1  }
0xd2: {  	_ =	sdelay $0x3  }
0xd3: {  	p1 =	sgt.s32 s22, $0x13790  }
0xd4: {  	s0 =	smov.u32 s22;
	s2 =	sshra.s32 s22, $0x1F;
	s3 =	ssub.s32 $0x13880, s22  }
0xd5: {  	s0 =	simm.s32 @!p1 $0x13790;
	s2 =	sand.u32 s2, s22;
	p1 =	slt.s32 s3, $0xF0  }
0xd6: {  	s0 =	ssub.s32 s0, s2;
	s3 =	simm.s32 @!p1 $0xF0  }
0xd7: {  	s0 =	sadd.s32 $0xFFFEC870, s0;
	s25 =	sshll.u32 s3, $0x7  }
0xd8: {  	s26 =	sshll.u32 s0, $0x2;
	s2 =	sand.u32 $0x3FFFFF80, s25  }
0xd9: {  	p1 =	sgt.s32 s0, $0xEF;
	s29 =	ssub.s32 $0x3C0, s26;
	_ =	swait.ge [sflag:s10], s2  }
0xda: {  	s2 =	ssub.s32 $0x0, s2;
	[sflag:s10] =	ssyncset.done $0x0;
	s0 =	sshrl.u32 s29, $0x2  }
0xdb: {  	[sflag:s10] =	ssyncadd.s32 s2;
	s0 =	simm.s32 @p1 $0x0  }
0xdc: {  	_ =	swait.ge [sflag:s11], s0  }
0xdd: {  	s0 =	ssub.s32 $0x0, s0;
	[sflag:s11] =	ssyncset.done $0x0  }
0xde: {  	[sflag:s11] =	ssyncadd.s32 s0  }
0xdf: {  	v1 =	vld [tilespmem:$0xF208];
	_ =	sdelay $0x4  }
0xe0: {  	(v2sf) =	vpush v1, $0x0  }
0xe1: {  	(v2sf) =	vpush v1, $0x1  }
0xe2: {  	(v2sf) =	vpush v1, $0x2;
	_ =	sdelay $0x3  }
0xe3: {  	s0 =	sadd.s32 $0xF0, s22  }
0xe4: {  	s2 =	ssub.s32 $0x27100, s22;
	p1 =	slt.s32 s8, s0  }
0xe5: {  	s0 =	smov.u32 @p1 s8;
	p1 =	sgt.s32 s2, $0x0  }
0xe6: {  	s26 =	ssub.s32 s0, s22;
	s2 =	simm.s32 @!p1 $0x0  }
0xe7: {  	p1 =	slt.s32 s2, s26  }
0xe8: {  	s26 =	smov.u32 @p1 s2  }
0xe9: {  	s25 =	simm.s32 $0x1;
	p1 =	slt.s32 s26, $0x1  }
.Ltmp12:
0xea: {  	s25 =	simm.s32 @!p0 $0x0;
	(pc) =	sbr.rel @p1 .LBB3_8-.Ltmp12, $4  }
0xeb: {  	s31 =	smul.u32 $0x3C0, s25  }
0xec: {  	s28 =	spop (v2sf)  }
0xed: {  	s0 =	sshrl.u32 s31, $0x2;
	s30 =	spop (v2sf)  }
0xee: {  	s23 =	sadd.s32 $0x10518, s0;
	s22 =	spop (v2sf)  }
0xef: {  	s0 =	smin.u32 s26, $0x10  }
0xf0: {  	v1 =	vmov s0  }
0xf1: {  	p2 =	sgt.s32 s26, $0x10;
	vm1 =	vgt.u32 v1, v0  }
.Ltmp13:
0xf2: {  	_ = 	snop;
	(pc) =	sbr.rel @!p2 .LBB3_7-.Ltmp13, $2  }
0xf3: {  	_ =	sdelay $0x2  }
0xf4: {  	s4 =	simm.s32 $0x10;
	s24 =	sadd.s32 $0xFFFFFFF0, s26;
	s0 =	smov.u32 s23;
	vm0 =	vmmov vm1  }
.LBB3_6:
0xf5: {  	s2 =	smin.u32 s24, $0x10;
	s4 =	sadd.s32 $0x10, s4;
	v1 =	vld.msk [tilespmem:s0+$0x0 ss:$0x1], vm1  }
0xf6: {  	v2 =	vmov s2;
	p2 =	slt.s32 s4, s26  }
0xf7: {  	vm1 =	vgt.u32 v2, v0  }
.Ltmp14:
0xf8: {  	(pc) =	sbr.rel @p2 .LBB3_6-.Ltmp14, $3  }
0xf9: {  	_ =	sdelay $0x1  }
0xfa: {  	v1 =	vshll.u32 v1, $0x4  }
0xfb: {  	s24 =	sadd.s32 $0xFFFFFFF0, s24;
	[tilespmem:s0+$0x0] =	vst.msk vm0, v1;
	s0 =	sadd.s32 $0x10, s0;
	vm0 =	vmmov vm1  }
.LBB3_7:
0xfc: {  	_ =	sdelay $0x4  }
0xfd: {  	v1 =	vld.msk [tilespmem:s0+$0x0 ss:$0x1], vm1;
	_ =	sdelay $0x4  }
0xfe: {  	v1 =	vshll.u32 v1, $0x4  }
0xff: {  	[tilespmem:s0+$0x0] =	vst.msk vm0, v1  }
.LBB3_8:
0x100: {  	s0 =	sand.u32 $0x1, s21  }
0x101: {  	s0 =	smul.u32 $0xF0, s0  }
0x102: {  	p2 =	sne.s32 s30, $0xFFFFFFFF  }
0x103: {  	v1 =	vld.msk @!p2 [tilespmem:s0+$0x10518], $0x1;
	_ =	sdelay $0x4  }
0x104: {  	(v2sf) =	vpush @!p2 v1, $0x0;
	_ =	sdelay $0xc  }
.Ltmp15:
0x105: {  	_ = 	snop;
	(pc) =	sbr.rel @p1 .LBB3_19-.Ltmp15, $4  }
0x106: {  	_ = 	snop  }
0x107: {  	s29 =	spop @!p2 (v2sf)  }
0x108: {  	s22 =	simm.s32 @!p2 $0x0;
	s24 =	smov.u32 s29  }
0x109: {  	[sflag:s18] =	ssyncpa.u1 $0x0;
	s29 =	smov.u32 @p2 s28;
	s24 =	smov.u32 @p2 s30  }
0x10a: {  	v1 =	vld.msk [tilespmem:s23+$0x0], $0x1;
	_ =	sdelay $0x4  }
0x10b: {  	(v2sf) =	vpush v1, $0x0;
	_ =	sdelay $0xe  }
0x10c: {  	s2 =	smul.u32 $0x1E000, s25;
	s0 =	spop (v2sf)  }
0x10d: {  	s26 =	ssub.s32 $0x0, s26;
	p1 =	seq.s32 s29, s0  }
0x10e: {  	s30 =	sadd.s32 $0x1, s26;
	s2 =	sshrl.u32 s2, $0x2;
	p2 =	sgt.s32 @!p1 s29, $0x0  }
0x10f: {  	s25 =	sor.u32 $0x10738, s2;
	s2 =	smov.u32 s29;
	p2 =	por !p2, p1  }
0x110: {  	s2 =	simm.s32 @p2 $0x0;
	p2 =	seq.s32 s30, $0x0  }
.Ltmp16:
0x111: {  	_ = 	snop;
	(pc) =	sbr.rel @p2 .LBB3_11-.Ltmp16, $4  }
0x112: {  	_ = 	snop  }
0x113: {  	s28 =	simm.s32 $0x0;
	s31 =	sadd.s32 $0x1, s23;
	s2 =	smin.u32 @!p1 s2, $0x270F0  }
0x114: {  	s4 =	simm.s32 @!p1 $0x1;
	s5 =	simm.s32 @!p1 $0x7988;
	s3 =	sand.u32 @!p1 $0x3FFF8, s2  }
0x115: {  	s4 =	smov.u32 @p1 s28;
	s2 =	sand.u32 @!p1 $0x7, s2;
	s3 =	sadd.s32 @!p1 s1, s3  }
.LBB3_10:
0x116: {  	s9 =	smov.u32 s4  }
0x117: {  	[tilespmem:s5], [sflag:$0x2] =	stream.linear.gather @!p1 [hbm4b:s3+s2], $0x80, $0x38;
	[tilespmem:$0x1F6F8] =	vst v63  }
0x118: {  	s30 =	sadd.s32 $0x1, s30;
	s2 =	smov.u32 s0;
	v1 =	vld.msk [tilespmem:s31+$0x0], $0x1  }
0x119: {  	p2 =	seq.s32 s30, $0x0;
	_ =	sdelay $0x3  }
0x11a: {  	(v2sf) =	vpush v1, $0x0;
	_ =	sdelay $0xe  }
0x11b: {  	s0 =	spop (v2sf)  }
0x11c: {  	p1 =	seq.s32 s2, s0  }
0x11d: {  	p3 =	sgt.s32 @!p1 s2, $0x0;
	s3 =	sshll.u32 @!p1 s4, $0x9;
	s4 =	sadd.s32 @!p1 $0x1, s4  }
.Ltmp17:
0x11e: {  	p3 =	por !p3, p1;
	s3 =	sshra.s32 @!p1 s3, $0x2;
	(pc) =	sbr.rel @!p2 .LBB3_10-.Ltmp17, $4  }
0x11f: {  	s4 =	smov.u32 @p1 s9;
	s2 =	simm.s32 @p3 $0x0;
	s5 =	sadd.s32 @!p1 $0x7988, s3  }
0x120: {  	s2 =	smin.u32 @!p1 s2, $0x270F0  }
0x121: {  	s3 =	sand.u32 @!p1 $0x3FFF8, s2;
	s2 =	sand.u32 @!p1 $0x7, s2  }
0x122: {  	s31 =	sadd.s32 $0x1, s31;
	s3 =	sadd.s32 @!p1 s1, s3  }
.LBB3_11:
0x123: {  	[tilespmem:s5], [sflag:$0x2] =	stream.linear.gather @!p1 [hbm4b:s3+s2], $0x80, $0x38;
	[tilespmem:$0x1F6F8] =	vst v63  }
.Ltmp18:
0x124: {  	s0 =	sshll.u32 s4, $0x7;
	(pc) =	sbr.rel .LBB3_12-.Ltmp18, $4  }
0x125: {  	s30 =	simm.s32 $0x2;
	s0 =	sand.u32 $0x3FFFFF80, s0  }
0x126: {  	_ =	swait.ge [sflag:s30], s0  }
0x127: {  	s0 =	ssub.s32 $0x0, s0;
	[sflag:s30] =	ssyncset.done $0x0  }
0x128: {  	s31 =	simm.s32 $0x0;
	[sflag:s30] =	ssyncadd.s32 s0  }
.LBB3_13:
0x129: {  	v1 =	vld [tilespmem:s25+$0xFFFFFFC0];
	_ =	sdelay $0x3  }
0x12a: {  	s0 =	sshra.s32 s0, $0x2  }
0x12b: {  	[tilespmem:s0+$0x108] =	vst.add.f32.msk $0xffff, v1  }
0x12c: {  	v1 =	vld [tilespmem:s25+$0xFFFFFFD0];
	_ =	sdelay $0x4  }
0x12d: {  	[tilespmem:s0+$0x118] =	vst.add.f32.msk $0xffff, v1  }
0x12e: {  	v1 =	vld [tilespmem:s25+$0xFFFFFFE0];
	_ =	sdelay $0x4  }
0x12f: {  	[tilespmem:s0+$0x128] =	vst.add.f32.msk $0xffff, v1  }
0x130: {  	v1 =	vld [tilespmem:s25+$0xFFFFFFF0];
	_ =	sdelay $0x4  }
0x131: {  	[tilespmem:s0+$0x138] =	vst.add.f32.msk $0xffff, v1  }
0x132: {  	v1 =	vld [tilespmem:s25+$0x0];
	_ =	sdelay $0x4  }
0x133: {  	[tilespmem:s0+$0x148] =	vst.add.f32.msk $0xffff, v1  }
0x134: {  	v1 =	vld [tilespmem:s25+$0x10];
	_ =	sdelay $0x4  }
0x135: {  	[tilespmem:s0+$0x158] =	vst.add.f32.msk $0xffff, v1  }
0x136: {  	v1 =	vld [tilespmem:s25+$0x20];
	_ =	sdelay $0x4  }
0x137: {  	[tilespmem:s0+$0x168] =	vst.add.f32.msk $0xffff, v1  }
0x138: {  	v1 =	vld [tilespmem:s25+$0x30];
	_ =	sdelay $0x4  }
0x139: {  	[tilespmem:s0+$0x178] =	vst.add.f32.msk $0xffff, v1  }
.LBB3_17:
0x13a: {  	s26 =	sadd.s32 $0x1, s26  }
0x13b: {  	p1 =	seq.s32 s26, $0x0  }
.Ltmp19:
0x13c: {  	_ = 	snop;
	(pc) =	sbr.rel @p1 .LBB3_18-.Ltmp19, $2  }
0x13d: {  	_ =	sdelay $0x2  }
0x13e: {  	s23 =	sadd.s32 $0x1, s23;
	s25 =	sadd.s32 $0x80, s25;
	s29 =	smov.u32 s30  }
.LBB3_12:
0x13f: {  	v1 =	vld.msk [tilespmem:s23+$0x0], $0x1;
	_ =	sdelay $0x4  }
0x140: {  	(v2sf) =	vpush v1, $0x0;
	_ =	sdelay $0xe  }
0x141: {  	s30 =	spop (v2sf)  }
0x142: {  	p1 =	sne.s32 s29, s30  }
.Ltmp20:
0x143: {  	_ = 	snop;
	(pc) =	sbr.rel @!p1 .LBB3_13-.Ltmp20, $2  }
0x144: {  	_ =	sdelay $0x2  }
0x145: {  	s0 =	sshll.u32 s22, $0x9  }
0x146: {  	p1 =	seq.s32 s29, s24  }
.Ltmp21:
0x147: {  	_ = 	snop;
	(pc) =	sbr.rel @!p1 .LBB3_15-.Ltmp21, $1  }
0x148: {  	_ =	sdelay $0x3  }
0x149: {  	s0 =	sshra.s32 s0, $0x2  }
.Ltmp22:
0x14a: {  	s0 =	sadd.s32 $0x108, s0;
	(pc) =	sbr.rel .LBB3_16-.Ltmp22, $4  }
0x14b: {  	[spmem:s16] =	stream.linear.scatter [tilespmem:s0], [sflag:$0x1], $0x80, $0x38;
	[tilespmem:$0x1F6F8] =	vst v63  }
0x14c: {  	_ =	swait.ge [sflag:s12], $0x80  }
0x14d: {  	[sflag:s12] =	ssyncset.done $0x0  }
0x14e: {  	[sflag:s12] =	ssyncadd.s32 $0xFFFFFF80  }
.LBB3_15:
0x14f: {  	s2 =	sshll.u32 s28, $0x9  }
0x150: {  	s2 =	sshra.s32 s2, $0x2  }
0x151: {  	v1 =	vld [tilespmem:s2+$0x7988];
	_ =	sdelay $0x3  }
0x152: {  	s0 =	sshra.s32 s0, $0x2  }
0x153: {  	[tilespmem:s0+$0x108] =	vst.add.f32.msk $0xffff, v1  }
0x154: {  	v1 =	vld [tilespmem:s2+$0x7998];
	_ =	sdelay $0x4  }
0x155: {  	[tilespmem:s0+$0x118] =	vst.add.f32.msk $0xffff, v1  }
0x156: {  	v1 =	vld [tilespmem:s2+$0x79A8];
	_ =	sdelay $0x4  }
0x157: {  	[tilespmem:s0+$0x128] =	vst.add.f32.msk $0xffff, v1  }
0x158: {  	v1 =	vld [tilespmem:s2+$0x79B8];
	_ =	sdelay $0x4  }
0x159: {  	[tilespmem:s0+$0x138] =	vst.add.f32.msk $0xffff, v1  }
0x15a: {  	v1 =	vld [tilespmem:s2+$0x79C8];
	_ =	sdelay $0x4  }
0x15b: {  	[tilespmem:s0+$0x148] =	vst.add.f32.msk $0xffff, v1  }
0x15c: {  	v1 =	vld [tilespmem:s2+$0x79D8];
	_ =	sdelay $0x4  }
0x15d: {  	[tilespmem:s0+$0x158] =	vst.add.f32.msk $0xffff, v1  }
0x15e: {  	v1 =	vld [tilespmem:s2+$0x79E8];
	_ =	sdelay $0x4  }
0x15f: {  	[tilespmem:s0+$0x168] =	vst.add.f32.msk $0xffff, v1  }
0x160: {  	v1 =	vld [tilespmem:s2+$0x79F8];
	_ =	sdelay $0x2  }
0x161: {  	p1 =	sgt.u32 s29, $0x270F0  }
0x162: {  	s2 =	sand.u32 @!p1 $0x3FFF8, s29  }
0x163: {  	s3 =	sadd.s32 $0x108, s0;
	[tilespmem:s0+$0x178] =	vst.add.f32.msk $0xffff, v1;
	s0 =	sadd.s32 @!p1 s1, s2;
	s2 =	sand.u32 @!p1 $0x7, s29  }
0x164: {  	[hbm4b:s0+s2] =	stream.linear.scatter @!p1 [tilespmem:s3], [sflag:$0xC], $0x80, $0x38;
	[tilespmem:$0x1F6F8] =	vst v63  }
0x165: {  	s0 =	simm.s32 $0x0  }
0x166: {  	s0 =	simm.s32 @!p1 $0x200  }
0x167: {  	s31 =	sadd.s32 s0, s31  }
.LBB3_16:
0x168: {  	s0 =	sadd.s32 $0x1, s22  }
0x169: {  	s2 =	smulhi.u32 $0x88888889, s0;
	_ =	sdelay $0x1  }
0x16a: {  	v1 =	vld [tilespmem:s25+$0xFFFFFFC0];
	s2 =	sshrl.u32 s2, $0x7  }
0x16b: {  	s2 =	smul.u32 $0xF0, s2;
	_ =	sdelay $0x1  }
0x16c: {  	s22 =	ssub.s32 s0, s2  }
0x16d: {  	s0 =	sshll.u32 s22, $0x7  }
0x16e: {  	[tilespmem:s0+$0x108] =	vst v1  }
0x16f: {  	v1 =	vld [tilespmem:s25+$0xFFFFFFD0];
	_ =	sdelay $0x4  }
0x170: {  	[tilespmem:s0+$0x118] =	vst v1  }
0x171: {  	v1 =	vld [tilespmem:s25+$0xFFFFFFE0];
	_ =	sdelay $0x4  }
0x172: {  	[tilespmem:s0+$0x128] =	vst v1  }
0x173: {  	v1 =	vld [tilespmem:s25+$0xFFFFFFF0];
	_ =	sdelay $0x4  }
0x174: {  	[tilespmem:s0+$0x138] =	vst v1  }
0x175: {  	v1 =	vld [tilespmem:s25+$0x0];
	_ =	sdelay $0x4  }
0x176: {  	[tilespmem:s0+$0x148] =	vst v1  }
0x177: {  	v1 =	vld [tilespmem:s25+$0x10];
	_ =	sdelay $0x4  }
0x178: {  	[tilespmem:s0+$0x158] =	vst v1  }
0x179: {  	v1 =	vld [tilespmem:s25+$0x20];
	_ =	sdelay $0x4  }
0x17a: {  	[tilespmem:s0+$0x168] =	vst v1  }
0x17b: {  	v1 =	vld [tilespmem:s25+$0x30]  }
.Ltmp23:
0x17c: {  	_ = 	snop;
	(pc) =	sbr.rel .LBB3_17-.Ltmp23, $2  }
0x17d: {  	_ =	sdelay $0x2  }
0x17e: {  	s28 =	sadd.s32 $0x1, s28;
	[tilespmem:s0+$0x178] =	vst v1  }
.LBB3_19:
.Ltmp24:
0x17f: {  	(pc) =	sbr.rel .LBB3_20-.Ltmp24, $4  }
0x180: {  	_ = 	snop  }
0x181: {  	s0 =	simm.s32 $0x2  }
0x182: {  	_ =	swait.ge [sflag:s0], $0x0  }
0x183: {  	s30 =	smov.u32 s29;
	[sflag:s0] =	ssyncset.done $0x0;
	s0 =	simm.s32 $0x0  }
.LBB3_22:
0x184: {  	_ =	sfence.sel $0x180000  }
0x185: {  	s0 =	simm.s32 $0x9;
	[bflag:$0x0] =	sbarrier.arrive $0xFFFF  }
0x186: {  	s24 =	simm.s32 $0xA;
	[sflag:s0] =	ssyncpa.u1 $0x1  }
0x187: {  	s25 =	simm.s32 $0xB;
	[sflag:s24] =	ssyncpa.u1 $0x1  }
0x188: {  	s26 =	simm.s32 $0x2;
	[sflag:s25] =	ssyncpa.u1 $0x1  }
0x189: {  	[sflag:s26] =	ssyncpa.u1 $0x1  }
0x18a: {  	v0 =	vld [tilespmem:$0xF208];
	_ =	sdelay $0x4  }
0x18b: {  	(v2sf) =	vpush v0, $0x0  }
0x18c: {  	(v2sf) =	vpush v0, $0x1;
	_ =	sdelay $0x1  }
0x18d: {  	(v2sf) =	vpush v0, $0x2;
	_ =	sdelay $0xb  }
0x18e: {  	s0 =	spop (v2sf)  }
0x18f: {  	s2 =	spop (v2sf)  }
0x190: {  	s3 =	smov.u32 s0;
	p0 =	sne.s32 s0, s2  }
0x191: {  	s4 =	spop (v2sf);
	s3 =	simm.s32 @!p0 $0xFFFFFFFF  }
0x192: {  	v2 =	vimm.s32 $0x1;
	v3 =	vlaneseq.u32;
	p0 =	seq.s32 s4, $0xFFFFFFFF;
	v1 =	vmov s3  }
0x193: {  	s16 =	stileid.u32;
	v0 =	vperm.xlane v0, v2;
	p1 =	sne.s32 @!p0 s0, s2;
	v1 =	vperm.xlane v1, v3  }
0x194: {  	vm0 =	vcmask $0x3F04;
	s6 =	simm.s32 $0xF208;
	s0 =	simm.s32 @!p0 $0x1;
	p1 =	por !p1, p0  }
0x195: {  	s3 =	sshll.u32 s16, $0x1;
	s2 =	sshll.u32 @!p0 s4, $0x9;
	s0 =	simm.s32 @p1 $0x0;
	v0 =	vsel vm0, v1, v0  }
0x196: {  	s5 =	sor.u32 $0x1000, s3;
	s2 =	sshra.s32 @!p0 s2, $0x2;
	s0 =	sor.u32 @!p0 s0, s3;
	[tilespmem:$0xF208] =	vst v0  }
0x197: {  	[spmem:s5] =	stream.linear.scatter [tilespmem:s6], [sflag:$0x1], $0x2, $0x38;
	[tilespmem:$0x1F6F8] =	vst v63  }
0x198: {  	s2 =	sadd.s32 @!p0 $0x108, s2;
	s0 =	sshll.u32 @!p0 s0, $0x7  }
0x199: {  	[spmem:s0] =	stream.linear.scatter @!p0 [tilespmem:s2], [sflag:$0x1], $0x80, $0x38;
	[tilespmem:$0x1F6F8] =	vst v63  }
0x19a: {  	s0 =	simm.s32 @!p0 $0x82  }
0x19b: {  	s28 =	simm.s32 $0x1;
	s0 =	simm.s32 @p0 $0x2  }
0x19c: {  	_ =	swait.ge [sflag:s28], s0  }
0x19d: {  	s0 =	ssub.s32 $0x0, s0;
	[sflag:s28] =	ssyncset.done $0x0  }
0x19e: {  	p0 =	sne.s32 s16, $0x0;
	[sflag:s28] =	ssyncadd.s32 s0  }
.Ltmp25:
0x19f: {  	_ =	sfence.stream.spmem;
	(pc) =	sbr.rel @p0 .LBB3_39-.Ltmp25, $4  }
0x1a0: {  	s29 =	simm.s32 $0x3;
	[bflag:$0x0] =	sbarrier.arrive $0xFFFF  }
0x1a1: {  	s30 =	simm.s32 $0x4;
	[sflag:s29] =	ssyncpa.u1 $0x1  }
0x1a2: {  	s31 =	simm.s32 $0x3C;
	[sflag:s30] =	ssyncpa.u1 $0x1  }
0x1a3: {  	s15 =	rddreg [dreg:$0x4];
	[sflag:s31] =	ssyncpa.u1 $0x1  }
0x1a4: {  	_ =	sfence.stream.spmem;
	s0 =	simm.s32 $0x5  }
0x1a5: {  	s2 =	simm.s32 $0x1000;
	s3 =	simm.s32 $0xF218;
	[sflag:s0] =	ssyncpa.u1 $0x0  }
0x1a6: {  	[tilespmem:s3], [sflag:$0x5] =	stream.linear.gather [spmem:s2], $0x20, $0x38;
	[tilespmem:$0x1F6F8] =	vst v63  }
0x1a7: {  	s26 =	simm.s32 $0x0;
	s28 =	simm.s32 $0xF238  }
0x1a8: {  	[tilespmem:s28], [sflag:$0x5] =	stream.linear.gather [spmem:s26], $0x1000, $0x38;
	[tilespmem:$0x1F6F8] =	vst v63  }
0x1a9: {  	_ =	swait.ge [sflag:s0], $0x1020  }
0x1aa: {  	[sflag:s0] =	ssyncset.done $0x0  }
0x1ab: {  	s29 =	simm.s32 $0x0;
	[sflag:s0] =	ssyncadd.s32 $0xFFFFEFE0  }
0x1ac: {  	v0 =	vld.msk [tilespmem:s29+$0xF218], $0x1;
	_ =	sdelay $0x1  }
0x1ad: {  	s30 =	simm.s32 $0x1  }
0x1ae: {  	v1 =	vld.msk [tilespmem:s30+$0xF218], $0x1;
	_ =	sdelay $0x1  }
0x1af: {  	(v2sf) =	vpush v0, $0x0;
	_ =	sdelay $0x2  }
0x1b0: {  	(v2sf) =	vpush v1, $0x0;
	_ =	sdelay $0x2  }
0x1b1: {  	s31 =	simm.s32 $0x2  }
0x1b2: {  	v0 =	vld.msk [tilespmem:s31+$0xF218], $0x1;
	_ =	sdelay $0x2  }
0x1b3: {  	s4 =	simm.s32 $0xFFFFFFFF;
	s5 =	simm.s32 $0xFFFFFFFF;
	s0 =	simm.s32 $0xC  }
.LBB3_24:
0x1b4: {  	s2 =	smov.u32 s5;
	s3 =	smov.u32 s4  }
0x1b5: {  	s4 =	sshra.s32 s0, $0x2;
	p1 =	sne.s32 s0, $0x7C;
	s0 =	sadd.s32 $0x4, s0;
	(v2sf) =	vpush v0, $0x0  }
0x1b6: {  	v0 =	vld.msk [tilespmem:s4+$0xF218], $0x1  }
.Ltmp26:
0x1b7: {  	(pc) =	sbr.rel @p1 .LBB3_24-.Ltmp26, $4  }
0x1b8: {  	s5 =	spop (v2sf)  }
0x1b9: {  	p2 =	sne.s32 s3, $0xFFFFFFFF;
	s4 =	smov.u32 s5  }
0x1ba: {  	p3 =	seq.s32 s5, $0xFFFFFFFF;
	s4 =	smov.u32 @p2 s3  }
0x1bb: {  	s5 =	smov.u32 @p3 s2;
	s4 =	smov.u32 @p3 s3  }
0x1bc: {  	(v2sf) =	vpush v0, $0x0;
	_ =	sdelay $0x8  }
0x1bd: {  	s0 =	spop (v2sf)  }
0x1be: {  	p1 =	sne.s32 s4, $0xFFFFFFFF;
	s2 =	smov.u32 s0  }
0x1bf: {  	s9 =	simm.s32 $0x6;
	p2 =	seq.s32 s0, $0xFFFFFFFF;
	s2 =	smov.u32 @p1 s4  }
0x1c0: {  	s6 =	simm.s32 $0x0;
	s2 =	smov.u32 @p2 s4;
	s3 =	spop (v2sf)  }
0x1c1: {  	s0 =	smov.u32 @p2 s5;
	p1 =	sne.s32 s2, $0xFFFFFFFF;
	s4 =	smov.u32 s3  }
.Ltmp27:
0x1c2: {  	p2 =	seq.s32 s3, $0xFFFFFFFF;
	s4 =	smov.u32 @p1 s2;
	(pc) =	sbr.rel .LBB3_26-.Ltmp27, $4  }
0x1c3: {  	s10 =	simm.s32 $0xF188;
	s4 =	smov.u32 @p2 s2;
	s7 =	spop (v2sf)  }
0x1c4: {  	s11 =	simm.s32 $0x0;
	p1 =	sne.s32 s4, $0xFFFFFFFF;
	s8 =	smov.u32 s7  }
0x1c5: {  	s3 =	smov.u32 @p2 s0;
	p2 =	seq.s32 s7, $0xFFFFFFFF;
	s8 =	smov.u32 @p1 s4  }
0x1c6: {  	[sflag:s9] =	ssyncpa.u1 $0x0;
	s7 =	smov.u32 @p2 s3;
	s8 =	smov.u32 @p2 s4  }
.LBB3_32:
0x1c7: {  	p1 =	sgt.u32 s12, $0x270F0  }
0x1c8: {  	p2 =	seq.s32 @!p1 s12, s8  }
0x1c9: {  	p1 =	por p1, p2  }
0x1ca: {  	p2 =	sne.s32 @!p1 s12, s7  }
0x1cb: {  	p1 =	por p1, !p2  }
0x1cc: {  	s0 =	sshll.u32 @p1 s11, $0x9  }
0x1cd: {  	s0 =	sand.u32 @!p1 $0x3FFF8, s12  }
0x1ce: {  	s2 =	sand.u32 @!p1 $0x7, s12;
	s0 =	sadd.s32 @!p1 s1, s0  }
0x1cf: {  	[tilespmem:s10], [sflag:$0x6] =	stream.linear.gather @!p1 [hbm4b:s0+s2], $0x80, $0x38;
	[tilespmem:$0x1F6F8] =	vst v63  }
0x1d0: {  	_ =	swait.ge @!p1 [sflag:s9], $0x80  }
0x1d1: {  	[sflag:s9] =	ssyncset.done @!p1 $0x0  }
0x1d2: {  	[sflag:s9] =	ssyncadd.s32 @!p1 $0xFFFFFF80  }
0x1d3: {  	v1 =	vld @!p1 [tilespmem:$0xF188];
	_ =	sdelay $0x2  }
0x1d4: {  	s0 =	sshll.u32 @!p1 s11, $0x9  }
0x1d5: {  	s2 =	sshrl.u32 @!p1 s0, $0x2  }
0x1d6: {  	[tilespmem:s2+$0xF238] =	vst.add.f32.msk @!p1 $0xffff, v1  }
0x1d7: {  	v1 =	vld @!p1 [tilespmem:$0xF198];
	_ =	sdelay $0x4  }
0x1d8: {  	[tilespmem:s2+$0xF248] =	vst.add.f32.msk @!p1 $0xffff, v1  }
0x1d9: {  	v1 =	vld @!p1 [tilespmem:$0xF1A8];
	_ =	sdelay $0x4  }
0x1da: {  	[tilespmem:s2+$0xF258] =	vst.add.f32.msk @!p1 $0xffff, v1  }
0x1db: {  	v1 =	vld @!p1 [tilespmem:$0xF1B8];
	_ =	sdelay $0x4  }
0x1dc: {  	[tilespmem:s2+$0xF268] =	vst.add.f32.msk @!p1 $0xffff, v1  }
0x1dd: {  	v1 =	vld @!p1 [tilespmem:$0xF1C8];
	_ =	sdelay $0x4  }
0x1de: {  	[tilespmem:s2+$0xF278] =	vst.add.f32.msk @!p1 $0xffff, v1  }
0x1df: {  	v1 =	vld @!p1 [tilespmem:$0xF1D8];
	_ =	sdelay $0x4  }
0x1e0: {  	[tilespmem:s2+$0xF288] =	vst.add.f32.msk @!p1 $0xffff, v1  }
0x1e1: {  	v1 =	vld @!p1 [tilespmem:$0xF1E8];
	_ =	sdelay $0x4  }
0x1e2: {  	[tilespmem:s2+$0xF298] =	vst.add.f32.msk @!p1 $0xffff, v1  }
0x1e3: {  	v1 =	vld @!p1 [tilespmem:$0xF1F8];
	_ =	sdelay $0x4  }
0x1e4: {  	[tilespmem:s2+$0xF2A8] =	vst.add.f32.msk @!p1 $0xffff, v1  }
0x1e5: {  	s0 =	sshrl.u32 s0, $0x2;
	[tilespmem:s6+$0xF218] =	vst.msk $0x1, v0  }
0x1e6: {  	v0 =	vld [tilespmem:s0+$0xF238];
	_ =	sdelay $0x2  }
0x1e7: {  	s31 =	sshll.u32 s6, $0x9  }
0x1e8: {  	s2 =	sshra.s32 s31, $0x2  }
0x1e9: {  	[tilespmem:s2+$0xF238] =	vst v0  }
0x1ea: {  	v0 =	vld [tilespmem:s0+$0xF248];
	_ =	sdelay $0x4  }
0x1eb: {  	[tilespmem:s2+$0xF248] =	vst v0  }
0x1ec: {  	v0 =	vld [tilespmem:s0+$0xF258];
	_ =	sdelay $0x4  }
0x1ed: {  	[tilespmem:s2+$0xF258] =	vst v0  }
0x1ee: {  	v0 =	vld [tilespmem:s0+$0xF268];
	_ =	sdelay $0x4  }
0x1ef: {  	[tilespmem:s2+$0xF268] =	vst v0  }
0x1f0: {  	v0 =	vld [tilespmem:s0+$0xF278];
	_ =	sdelay $0x4  }
0x1f1: {  	[tilespmem:s2+$0xF278] =	vst v0  }
0x1f2: {  	v0 =	vld [tilespmem:s0+$0xF288];
	_ =	sdelay $0x4  }
0x1f3: {  	[tilespmem:s2+$0xF288] =	vst v0  }
0x1f4: {  	v0 =	vld [tilespmem:s0+$0xF298];
	_ =	sdelay $0x4  }
0x1f5: {  	[tilespmem:s2+$0xF298] =	vst v0  }
0x1f6: {  	v0 =	vld [tilespmem:s0+$0xF2A8];
	_ =	sdelay $0x4  }
0x1f7: {  	s6 =	sadd.s32 $0x1, s6;
	[tilespmem:s2+$0xF2A8] =	vst v0  }
.LBB3_33:
0x1f8: {  	s11 =	sadd.s32 $0x1, s11  }
0x1f9: {  	p1 =	sne.s32 s11, $0x20  }
.Ltmp28:
0x1fa: {  	_ = 	snop;
	(pc) =	sbr.rel @!p1 .LBB3_34-.Ltmp28, $1  }
0x1fb: {  	_ =	sdelay $0x3  }
.LBB3_26:
0x1fc: {  	v0 =	vld.msk [tilespmem:s11+$0xF218], $0x1;
	_ =	sdelay $0x4  }
0x1fd: {  	(v2sf) =	vpush v0, $0x0;
	_ =	sdelay $0xe  }
0x1fe: {  	s12 =	spop (v2sf)  }
0x1ff: {  	p1 =	seq.s32 s12, $0xFFFFFFFF  }
.Ltmp29:
0x200: {  	_ = 	snop;
	(pc) =	sbr.rel @p1 .LBB3_33-.Ltmp29, $1  }
0x201: {  	_ =	sdelay $0x3  }
0x202: {  	p1 =	slt.s32 s6, $0x1  }
.Ltmp30:
0x203: {  	_ = 	snop;
	(pc) =	sbr.rel @p1 .LBB3_32-.Ltmp30, $1  }
0x204: {  	_ =	sdelay $0x3  }
0x205: {  	s13 =	simm.s32 $0xF218;
	p1 =	por $0x0, $0x0  }
0x206: {  	v1 =	vld.msk @!p1 [tilespmem:s13+$0x0], $0x1;
	_ =	sdelay $0x4  }
0x207: {  	(v2sf) =	vpush @!p1 v1, $0x0;
	_ =	sdelay $0xd  }
0x208: {  	p3 =	sne.s32 s6, $0x1  }
.Ltmp31:
0x209: {  	s0 =	spop @!p1 (v2sf);
	(pc) =	sbr.rel @!p3 .LBB3_30-.Ltmp31, $4  }
0x20a: {  	p2 =	seq.s32 @!p1 s12, s0  }
0x20b: {  	s14 =	simm.s32 $0x0;
	p2 =	por !p2, p1  }
0x20c: {  	s2 =	simm.s32 $0xFFFFFFFF;
	s14 =	simm.s32 @p2 $0xFFFFFFFF  }
0x20d: {  	s0 =	simm.s32 $0x1;
	s14 =	smov.u32 @p1 s2  }
.LBB3_29:
0x20e: {  	s2 =	smov.u32 s14;
	p1 =	sne.s32 s14, $0xFFFFFFFF  }
0x20f: {  	s13 =	sadd.s32 $0x1, s13;
	s14 =	smov.u32 s0;
	s0 =	sadd.s32 $0x1, s0  }
0x210: {  	p2 =	sne.s32 s6, s0;
	v1 =	vld.msk @!p1 [tilespmem:s13+$0x0], $0x1;
	_ =	sdelay $0x4  }
0x211: {  	(v2sf) =	vpush @!p1 v1, $0x0;
	_ =	sdelay $0xe  }
.Ltmp32:
0x212: {  	s3 =	spop @!p1 (v2sf);
	(pc) =	sbr.rel @p2 .LBB3_29-.Ltmp32, $4  }
0x213: {  	p3 =	seq.s32 @!p1 s12, s3  }
0x214: {  	p3 =	por !p3, p1  }
0x215: {  	s14 =	simm.s32 @p3 $0xFFFFFFFF  }
0x216: {  	s14 =	smov.u32 @p1 s2  }
.LBB3_30:
0x217: {  	p1 =	seq.s32 s14, $0xFFFFFFFF  }
.Ltmp33:
0x218: {  	_ = 	snop;
	(pc) =	sbr.rel @p1 .LBB3_32-.Ltmp33, $1  }
0x219: {  	_ =	sdelay $0x3  }
0x21a: {  	s0 =	sshll.u32 s11, $0x7  }
0x21b: {  	s0 =	sand.u32 $0x3FFFFF80, s0  }
0x21c: {  	v0 =	vld [tilespmem:s0+$0xF238];
	_ =	sdelay $0x2  }
0x21d: {  	s2 =	sshll.u32 s14, $0x9  }
0x21e: {  	s2 =	sshra.s32 s2, $0x2  }
0x21f: {  	[tilespmem:s2+$0xF238] =	vst.add.f32.msk $0xffff, v0  }
0x220: {  	v0 =	vld [tilespmem:s0+$0xF248];
	_ =	sdelay $0x4  }
0x221: {  	[tilespmem:s2+$0xF248] =	vst.add.f32.msk $0xffff, v0  }
0x222: {  	v0 =	vld [tilespmem:s0+$0xF258];
	_ =	sdelay $0x4  }
0x223: {  	[tilespmem:s2+$0xF258] =	vst.add.f32.msk $0xffff, v0  }
0x224: {  	v0 =	vld [tilespmem:s0+$0xF268];
	_ =	sdelay $0x4  }
0x225: {  	[tilespmem:s2+$0xF268] =	vst.add.f32.msk $0xffff, v0  }
0x226: {  	v0 =	vld [tilespmem:s0+$0xF278];
	_ =	sdelay $0x4  }
0x227: {  	[tilespmem:s2+$0xF278] =	vst.add.f32.msk $0xffff, v0  }
0x228: {  	v0 =	vld [tilespmem:s0+$0xF288];
	_ =	sdelay $0x4  }
0x229: {  	[tilespmem:s2+$0xF288] =	vst.add.f32.msk $0xffff, v0  }
0x22a: {  	v0 =	vld [tilespmem:s0+$0xF298];
	_ =	sdelay $0x4  }
0x22b: {  	[tilespmem:s2+$0xF298] =	vst.add.f32.msk $0xffff, v0  }
0x22c: {  	v0 =	vld [tilespmem:s0+$0xF2A8]  }
.Ltmp34:
0x22d: {  	_ = 	snop;
	(pc) =	sbr.rel .LBB3_33-.Ltmp34, $2  }
0x22e: {  	_ =	sdelay $0x2  }
0x22f: {  	[tilespmem:s2+$0xF2A8] =	vst.add.f32.msk $0xffff, v0  }
.LBB3_34:
0x230: {  	s0 =	simm.s32 $0x6;
	p1 =	seq.s32 s6, $0x0  }
0x231: {  	[sflag:s0] =	ssyncpa.u1 $0x1;
	v0 =	vimm.s32 @p1 $0xFFFFFFFF  }
0x232: {  	s9 =	sadd.s32 $0xFFFFFFFF, s6;
	[tilespmem:$0x10238] =	vst @p1 v0  }
0x233: {  	v0 =	vld.msk @!p1 [tilespmem:s9+$0xF218], $0x1;
	_ =	sdelay $0x1  }
0x234: {  	v1 =	vld.msk @!p1 [tilespmem:$0xF218], $0x1;
	_ =	sdelay $0x2  }
0x235: {  	p2 =	seq.s32 @!p1 s9, $0x0;
	v0 =	vbroadcast @!p1 v0, $0x0  }
0x236: {  	vm0 =	vmmov @!p1 $0x1;
	p2 =	por !p2, p1  }
0x237: {  	v1 =	vnsel @!p1 vm0, $0xFFFFFFFF, v1;
	vm0 =	vcmask @!p1 $0x308;
	v0 =	vpsel !p2, $0xFFFFFFFF, v0  }
0x238: {  	p2 =	sne.s32 @!p1 s8, s7;
	v0 =	vsel @!p1 vm0, v1, v0  }
0x239: {  	s0 =	simm.s32 @!p1 $0xF238;
	s2 =	simm.s32 @!p1 $0x0;
	p3 =	por !p2, p1;
	[tilespmem:$0x10238] =	vst @!p1 v0  }
0x23a: {  	[spmem:s2] =	stream.linear.scatter @!p1 [tilespmem:s0], [sflag:$0x1], $0x80, $0x38;
	[tilespmem:$0x1F6F8] =	vst v63  }
0x23b: {  	s0 =	sshll.u32 @!p3 s9, $0x9  }
0x23c: {  	s0 =	sshra.s32 @!p3 s0, $0x2  }
0x23d: {  	s2 =	simm.s32 @!p3 $0x80;
	s0 =	sadd.s32 @!p3 $0xF238, s0  }
0x23e: {  	[spmem:s2] =	stream.linear.scatter @!p3 [tilespmem:s0], [sflag:$0x1], $0x80, $0x38;
	[tilespmem:$0x1F6F8] =	vst v63  }
0x23f: {  	s0 =	simm.s32 @!p3 $0x1  }
0x240: {  	_ =	swait.ge @!p3 [sflag:s0], $0x100  }
0x241: {  	p1 =	por p2, p1;
	[sflag:s0] =	ssyncset.done @!p3 $0x0  }
0x242: {  	[sflag:s0] =	ssyncadd.s32 @!p3 $0xFFFFFF00;
	s0 =	simm.s32 @!p1 $0x1  }
0x243: {  	_ =	swait.ge @!p1 [sflag:s0], $0x80  }
0x244: {  	s29 =	simm.s32 $0x10238;
	[sflag:s0] =	ssyncset.done @!p1 $0x0  }
0x245: {  	s30 =	simm.s32 $0x1000;
	s31 =	simm.s32 $0x1;
	[sflag:s0] =	ssyncadd.s32 @!p1 $0xFFFFFF80  }
0x246: {  	[spmem:s30] =	stream.linear.scatter [tilespmem:s29], [sflag:$0x1], $0x10, $0x38;
	[tilespmem:$0x1F6F8] =	vst v63  }
0x247: {  	_ =	swait.ge [sflag:s31], $0x10  }
0x248: {  	[sflag:s31] =	ssyncset.done $0x0  }
0x249: {  	p1 =	seq.s32 s15, $0x0;
	s8 =	rddreg [dreg:$0x1];
	[sflag:s31] =	ssyncadd.s32 $0xFFFFFFF0  }
0x24a: {  	s2 =	sshll.u32 @p1 s8, $0xE;
	s7 =	rddreg [dreg:$0x2]  }
0x24b: {  	s0 =	sadd.s32 @p1 $0x15C3C, s2;
	s2 =	sshll.u32 @p1 s7, $0x11  }
0x24c: {  	_ =	sfence.stream.spmem;
	s0 =	sor.u32 @p1 s2, s0  }
0x24d: {  	[sflag:s0] =	ssyncadd.remote.s32 @p1 $0x1;
	s0 =	simm.s32 @p1 $0x4  }
0x24e: {  	s3 =	simm.s32 @!p1 $0x3C;
	s2 =	sand.u32 $0xFFFFFFFE, s8;
	_ =	swait.ge @p1 [sflag:s0], $0x22  }
0x24f: {  	s4 =	simm.s32 @!p1 $0x0;
	s2 =	sadd.s32 @!p1 $0x4, s2;
	[sflag:s0] =	ssyncset.done @p1 $0x0  }
0x250: {  	s5 =	simm.s32 @!p1 $0x100;
	[sflag:s0] =	ssyncadd.s32 @p1 $0xFFFFFFDE;
	s0 =	sshll.u32 @!p1 s2, $0x1A  }
0x251: {  	s2 =	sshll.u32 @!p1 s2, $0xD;
	s0 =	sor.u32 @!p1 s0, s7;
	_ =	swait.eq @!p1 [sflag:s3], $0x1  }
0x252: {  	s2 =	sor.u32 @!p1 $0x1C04, s2;
	s3 =	simm.s32 @!p1 $0x1C03;
	s0 =	sor.u32 @!p1 $0x80004000, s0  }
0x253: {  	[spmem:s5], [sflag:s2] =	dma.general @!p1 [spmem:s4], [sflag:s3], length:$0x20, [dreg:$0x0], stride_count:$0x0, ici_dest:s0, dma_misc:DstOpCode:WRITE  }
0x254: {  	p2 =	slt.s32 s9, $0x2;
	s4 =	simm.s32 @!p1 $0x200;
	s5 =	simm.s32 @!p1 $0x202  }
0x255: {  	[spmem:s5], [sflag:s2] =	dma.general @!p1 [spmem:s4], [sflag:s3], length:$0x2, [dreg:$0x0], stride_count:$0x0, ici_dest:s0, dma_misc:DstOpCode:WRITE  }
.Ltmp35:
0x256: {  	s0 =	simm.s32 @!p1 $0x3;
	(pc) =	sbr.rel @p2 .LBB3_38-.Ltmp35, $4  }
0x257: {  	s2 =	sshll.u32 @!p1 s8, $0xE;
	_ =	swait.ge @!p1 [sflag:s0], $0x22  }
0x258: {  	s3 =	sshll.u32 @!p1 s7, $0x11;
	s2 =	sadd.s32 @!p1 $0x11C3C, s2;
	[sflag:s0] =	ssyncset.done @!p1 $0x0  }
0x259: {  	[sflag:s0] =	ssyncadd.s32 @!p1 $0xFFFFFFDE;
	s0 =	sor.u32 @!p1 s3, s2  }
0x25a: {  	[sflag:s0] =	ssyncadd.remote.s32 @!p1 $0xFFFFFFFF;
	s0 =	simm.s32 $0x0  }
0x25b: {  	s0 =	simm.s32 $0xF219  }
0x25c: {  	v0 =	vld.msk [tilespmem:s0+$0x0], $0x1;
	_ =	sdelay $0x4  }
0x25d: {  	(v2sf) =	vpush v0, $0x0;
	_ =	sdelay $0xb  }
0x25e: {  	s31 =	sadd.s32 $0xFFFFFFFE, s6  }
0x25f: {  	s0 =	sadd.s32 $0xFFFFFFFF, s31  }
0x260: {  	p2 =	sne.s32 s0, $0x0  }
.Ltmp36:
0x261: {  	s2 =	spop (v2sf);
	(pc) =	sbr.rel @!p2 .LBB3_37-.Ltmp36, $4  }
0x262: {  	s4 =	simm.s32 $0xF2B8;
	s7 =	simm.s32 $0x0;
	p1 =	sgt.u32 s2, $0x270F0  }
0x263: {  	s5 =	simm.s32 $0x0;
	s6 =	simm.s32 $0xF21A;
	s3 =	sand.u32 @!p1 $0x3FFF8, s2  }
0x264: {  	s2 =	sand.u32 @!p1 $0x7, s2;
	s7 =	simm.s32 @!p1 $0x200;
	s3 =	sadd.s32 @!p1 s1, s3  }
0x265: {  	[hbm4b:s3+s2] =	stream.linear.scatter @!p1 [tilespmem:s4], [sflag:$0x5], $0x80, $0x38;
	[tilespmem:$0x1F6F8] =	vst v63  }
.LBB3_36:
0x266: {  	v0 =	vld.msk [tilespmem:s6+$0x0], $0x1;
	s0 =	sadd.s32 $0xFFFFFFFF, s0;
	s5 =	sadd.s32 s5, s7  }
0x267: {  	p1 =	sne.s32 s0, $0x0;
	_ =	sdelay $0x3  }
0x268: {  	(v2sf) =	vpush v0, $0x0;
	_ =	sdelay $0xe  }
.Ltmp37:
0x269: {  	s2 =	spop (v2sf);
	(pc) =	sbr.rel @p1 .LBB3_36-.Ltmp37, $4  }
0x26a: {  	s7 =	simm.s32 $0x0;
	p2 =	sgt.u32 s2, $0x270F0  }
0x26b: {  	s4 =	sadd.s32 $0x80, s4;
	s7 =	simm.s32 @!p2 $0x200;
	s3 =	sand.u32 @!p2 $0x3FFF8, s2  }
0x26c: {  	s6 =	sadd.s32 $0x1, s6;
	s2 =	sand.u32 @!p2 $0x7, s2;
	s3 =	sadd.s32 @!p2 s1, s3  }
0x26d: {  	[hbm4b:s3+s2] =	stream.linear.scatter @!p2 [tilespmem:s4], [sflag:$0x5], $0x80, $0x38;
	[tilespmem:$0x1F6F8] =	vst v63  }
.LBB3_37:
0x26e: {  	s0 =	sadd.s32 s5, s7  }
0x26f: {  	s0 =	sshrl.u32 s0, $0x2  }
.LBB3_38:
0x270: {  	s2 =	simm.s32 $0x5  }
0x271: {  	_ =	swait.ge [sflag:s2], s0  }
0x272: {  	s31 =	ssub.s32 $0x0, s0;
	[sflag:s2] =	ssyncset.done $0x0  }
0x273: {  	[sflag:s2] =	ssyncadd.s32 s31  }
0x274: {  	[sflag:s2] =	ssyncpa.u1 $0x1  }
.LBB3_39:
0x275: {  	s0 =	sor.u32 s15, s16  }
0x276: {  	p1 =	sne.s32 s0, $0x0  }
.Ltmp38:
0x277: {  	_ = 	snop;
	(pc) =	sbr.rel @p1 .LBB3_54-.Ltmp38, $3  }
0x278: {  	_ =	sdelay $0x1  }
0x279: {  	[bflag:$0x0] =	sbarrier.arrive $0xFFFF  }
0x27a: {  	_ =	sfence  }
0x27b: {  	s0 =	simm.s32 $0x7  }
0x27c: {  	s2 =	simm.s32 $0x1000;
	s3 =	simm.s32 $0xF218;
	[sflag:s0] =	ssyncpa.u1 $0x0  }
0x27d: {  	[tilespmem:s3], [sflag:$0x7] =	stream.linear.gather [spmem:s2], $0x20, $0x38;
	[tilespmem:$0x1F6F8] =	vst v63  }
0x27e: {  	s30 =	simm.s32 $0xF238;
	s2 =	simm.s32 $0x0  }
0x27f: {  	[tilespmem:s30], [sflag:$0x7] =	stream.linear.gather [spmem:s2], $0x1000, $0x38;
	[tilespmem:$0x1F6F8] =	vst v63  }
.Ltmp39:
0x280: {  	_ = 	snop;
	(pc) =	sbr.rel .LBB3_41-.Ltmp39, $4  }
0x281: {  	_ =	swait.ge [sflag:s0], $0x1020  }
0x282: {  	[sflag:s0] =	ssyncset.done $0x0  }
0x283: {  	s31 =	simm.s32 $0x8;
	[sflag:s0] =	ssyncadd.s32 $0xFFFFEFE0  }
0x284: {  	s3 =	simm.s32 $0x0;
	[sflag:s31] =	ssyncpa.u1 $0x0  }
.LBB3_47:
0x285: {  	p1 =	slt.u32 s4, $0x270F1  }
0x286: {  	s0 =	sand.u32 @p1 $0x3FFF8, s4  }
0x287: {  	s4 =	sand.u32 @p1 $0x7, s4;
	s5 =	simm.s32 @p1 $0xF188;
	s0 =	sadd.s32 @p1 s1, s0  }
0x288: {  	[tilespmem:s5], [sflag:$0x8] =	stream.linear.gather @p1 [hbm4b:s0+s4], $0x80, $0x38;
	[tilespmem:$0x1F6F8] =	vst v63  }
0x289: {  	s0 =	simm.s32 @p1 $0x8  }
0x28a: {  	_ =	swait.ge @p1 [sflag:s0], $0x80  }
0x28b: {  	[sflag:s0] =	ssyncset.done @p1 $0x0  }
0x28c: {  	[sflag:s0] =	ssyncadd.s32 @p1 $0xFFFFFF80  }
0x28d: {  	v1 =	vld @p1 [tilespmem:$0xF188];
	_ =	sdelay $0x2  }
0x28e: {  	s0 =	sshll.u32 @p1 s3, $0x9  }
0x28f: {  	s4 =	sshrl.u32 @p1 s0, $0x2  }
0x290: {  	[tilespmem:s4+$0xF238] =	vst.add.f32.msk @p1 $0xffff, v1  }
0x291: {  	v1 =	vld @p1 [tilespmem:$0xF198];
	_ =	sdelay $0x4  }
0x292: {  	[tilespmem:s4+$0xF248] =	vst.add.f32.msk @p1 $0xffff, v1  }
0x293: {  	v1 =	vld @p1 [tilespmem:$0xF1A8];
	_ =	sdelay $0x4  }
0x294: {  	[tilespmem:s4+$0xF258] =	vst.add.f32.msk @p1 $0xffff, v1  }
0x295: {  	v1 =	vld @p1 [tilespmem:$0xF1B8];
	_ =	sdelay $0x4  }
0x296: {  	[tilespmem:s4+$0xF268] =	vst.add.f32.msk @p1 $0xffff, v1  }
0x297: {  	v1 =	vld @p1 [tilespmem:$0xF1C8];
	_ =	sdelay $0x4  }
0x298: {  	[tilespmem:s4+$0xF278] =	vst.add.f32.msk @p1 $0xffff, v1  }
0x299: {  	v1 =	vld @p1 [tilespmem:$0xF1D8];
	_ =	sdelay $0x4  }
0x29a: {  	[tilespmem:s4+$0xF288] =	vst.add.f32.msk @p1 $0xffff, v1  }
0x29b: {  	v1 =	vld @p1 [tilespmem:$0xF1E8];
	_ =	sdelay $0x4  }
0x29c: {  	[tilespmem:s4+$0xF298] =	vst.add.f32.msk @p1 $0xffff, v1  }
0x29d: {  	v1 =	vld @p1 [tilespmem:$0xF1F8];
	_ =	sdelay $0x3  }
0x29e: {  	s5 =	sshll.u32 @!p1 s3, $0x9  }
0x29f: {  	s5 =	smov.u32 @p1 s0;
	[tilespmem:s4+$0xF2A8] =	vst.add.f32.msk @p1 $0xffff, v1  }
0x2a0: {  	s0 =	sshrl.u32 s5, $0x2;
	[tilespmem:s2+$0xF218] =	vst.msk $0x1, v0  }
0x2a1: {  	v0 =	vld [tilespmem:s0+$0xF238];
	_ =	sdelay $0x2  }
0x2a2: {  	s31 =	sshll.u32 s2, $0x9  }
0x2a3: {  	s4 =	sshra.s32 s31, $0x2  }
0x2a4: {  	[tilespmem:s4+$0xF238] =	vst v0  }
0x2a5: {  	v0 =	vld [tilespmem:s0+$0xF248];
	_ =	sdelay $0x4  }
0x2a6: {  	[tilespmem:s4+$0xF248] =	vst v0  }
0x2a7: {  	v0 =	vld [tilespmem:s0+$0xF258];
	_ =	sdelay $0x4  }
0x2a8: {  	[tilespmem:s4+$0xF258] =	vst v0  }
0x2a9: {  	v0 =	vld [tilespmem:s0+$0xF268];
	_ =	sdelay $0x4  }
0x2aa: {  	[tilespmem:s4+$0xF268] =	vst v0  }
0x2ab: {  	v0 =	vld [tilespmem:s0+$0xF278];
	_ =	sdelay $0x4  }
0x2ac: {  	[tilespmem:s4+$0xF278] =	vst v0  }
0x2ad: {  	v0 =	vld [tilespmem:s0+$0xF288];
	_ =	sdelay $0x4  }
0x2ae: {  	[tilespmem:s4+$0xF288] =	vst v0  }
0x2af: {  	v0 =	vld [tilespmem:s0+$0xF298];
	_ =	sdelay $0x4  }
0x2b0: {  	[tilespmem:s4+$0xF298] =	vst v0  }
0x2b1: {  	v0 =	vld [tilespmem:s0+$0xF2A8];
	_ =	sdelay $0x4  }
0x2b2: {  	s2 =	sadd.s32 $0x1, s2;
	[tilespmem:s4+$0xF2A8] =	vst v0  }
.LBB3_48:
0x2b3: {  	s3 =	sadd.s32 $0x1, s3  }
0x2b4: {  	p1 =	sne.s32 s3, $0x20  }
.Ltmp40:
0x2b5: {  	_ = 	snop;
	(pc) =	sbr.rel @!p1 .LBB3_49-.Ltmp40, $1  }
0x2b6: {  	_ =	sdelay $0x3  }
.LBB3_41:
0x2b7: {  	v0 =	vld.msk [tilespmem:s3+$0xF218], $0x1;
	_ =	sdelay $0x4  }
0x2b8: {  	(v2sf) =	vpush v0, $0x0;
	_ =	sdelay $0xe  }
0x2b9: {  	s4 =	spop (v2sf)  }
0x2ba: {  	p1 =	seq.s32 s4, $0xFFFFFFFF  }
.Ltmp41:
0x2bb: {  	_ = 	snop;
	(pc) =	sbr.rel @p1 .LBB3_48-.Ltmp41, $1  }
0x2bc: {  	_ =	sdelay $0x3  }
0x2bd: {  	p1 =	slt.s32 s2, $0x1  }
.Ltmp42:
0x2be: {  	_ = 	snop;
	(pc) =	sbr.rel @p1 .LBB3_47-.Ltmp42, $1  }
0x2bf: {  	_ =	sdelay $0x3  }
0x2c0: {  	s5 =	simm.s32 $0xF218;
	p1 =	por $0x0, $0x0  }
0x2c1: {  	v1 =	vld.msk @!p1 [tilespmem:s5+$0x0], $0x1;
	_ =	sdelay $0x4  }
0x2c2: {  	(v2sf) =	vpush @!p1 v1, $0x0;
	_ =	sdelay $0xd  }
0x2c3: {  	p3 =	sne.s32 s2, $0x1  }
.Ltmp43:
0x2c4: {  	s0 =	spop @!p1 (v2sf);
	(pc) =	sbr.rel @!p3 .LBB3_45-.Ltmp43, $4  }
0x2c5: {  	p2 =	seq.s32 @!p1 s4, s0  }
0x2c6: {  	s6 =	simm.s32 $0x0;
	p2 =	por !p2, p1  }
0x2c7: {  	s7 =	simm.s32 $0xFFFFFFFF;
	s6 =	simm.s32 @p2 $0xFFFFFFFF  }
0x2c8: {  	s0 =	simm.s32 $0x1;
	s6 =	smov.u32 @p1 s7  }
.LBB3_44:
0x2c9: {  	s7 =	smov.u32 s6;
	p1 =	sne.s32 s6, $0xFFFFFFFF  }
0x2ca: {  	s5 =	sadd.s32 $0x1, s5;
	s6 =	smov.u32 s0;
	s0 =	sadd.s32 $0x1, s0  }
0x2cb: {  	p2 =	sne.s32 s2, s0;
	v1 =	vld.msk @!p1 [tilespmem:s5+$0x0], $0x1;
	_ =	sdelay $0x4  }
0x2cc: {  	(v2sf) =	vpush @!p1 v1, $0x0;
	_ =	sdelay $0xe  }
.Ltmp44:
0x2cd: {  	s8 =	spop @!p1 (v2sf);
	(pc) =	sbr.rel @p2 .LBB3_44-.Ltmp44, $4  }
0x2ce: {  	p3 =	seq.s32 @!p1 s4, s8  }
0x2cf: {  	p3 =	por !p3, p1  }
0x2d0: {  	s6 =	simm.s32 @p3 $0xFFFFFFFF  }
0x2d1: {  	s6 =	smov.u32 @p1 s7  }
.LBB3_45:
0x2d2: {  	p1 =	seq.s32 s6, $0xFFFFFFFF  }
.Ltmp45:
0x2d3: {  	_ = 	snop;
	(pc) =	sbr.rel @p1 .LBB3_47-.Ltmp45, $1  }
0x2d4: {  	_ =	sdelay $0x3  }
0x2d5: {  	s0 =	sshll.u32 s3, $0x7  }
0x2d6: {  	s0 =	sand.u32 $0x3FFFFF80, s0  }
0x2d7: {  	v0 =	vld [tilespmem:s0+$0xF238];
	_ =	sdelay $0x2  }
0x2d8: {  	s4 =	sshll.u32 s6, $0x9  }
0x2d9: {  	s4 =	sshra.s32 s4, $0x2  }
0x2da: {  	[tilespmem:s4+$0xF238] =	vst.add.f32.msk $0xffff, v0  }
0x2db: {  	v0 =	vld [tilespmem:s0+$0xF248];
	_ =	sdelay $0x4  }
0x2dc: {  	[tilespmem:s4+$0xF248] =	vst.add.f32.msk $0xffff, v0  }
0x2dd: {  	v0 =	vld [tilespmem:s0+$0xF258];
	_ =	sdelay $0x4  }
0x2de: {  	[tilespmem:s4+$0xF258] =	vst.add.f32.msk $0xffff, v0  }
0x2df: {  	v0 =	vld [tilespmem:s0+$0xF268];
	_ =	sdelay $0x4  }
0x2e0: {  	[tilespmem:s4+$0xF268] =	vst.add.f32.msk $0xffff, v0  }
0x2e1: {  	v0 =	vld [tilespmem:s0+$0xF278];
	_ =	sdelay $0x4  }
0x2e2: {  	[tilespmem:s4+$0xF278] =	vst.add.f32.msk $0xffff, v0  }
0x2e3: {  	v0 =	vld [tilespmem:s0+$0xF288];
	_ =	sdelay $0x4  }
0x2e4: {  	[tilespmem:s4+$0xF288] =	vst.add.f32.msk $0xffff, v0  }
0x2e5: {  	v0 =	vld [tilespmem:s0+$0xF298];
	_ =	sdelay $0x4  }
0x2e6: {  	[tilespmem:s4+$0xF298] =	vst.add.f32.msk $0xffff, v0  }
0x2e7: {  	v0 =	vld [tilespmem:s0+$0xF2A8]  }
.Ltmp46:
0x2e8: {  	_ = 	snop;
	(pc) =	sbr.rel .LBB3_48-.Ltmp46, $2  }
0x2e9: {  	_ =	sdelay $0x2  }
0x2ea: {  	[tilespmem:s4+$0xF2A8] =	vst.add.f32.msk $0xffff, v0  }
.LBB3_49:
0x2eb: {  	p1 =	slt.s32 s2, $0x1  }
.Ltmp47:
0x2ec: {  	_ = 	snop;
	(pc) =	sbr.rel @p1 .LBB3_53-.Ltmp47, $3  }
0x2ed: {  	_ =	sdelay $0x1  }
0x2ee: {  	s0 =	simm.s32 $0x8  }
0x2ef: {  	s3 =	simm.s32 $0x0;
	[sflag:s0] =	ssyncpa.u1 $0x1  }
0x2f0: {  	s0 =	simm.s32 $0xF218  }
0x2f1: {  	v0 =	vld.msk [tilespmem:s0+$0x0], $0x1;
	_ =	sdelay $0x4  }
0x2f2: {  	(v2sf) =	vpush v0, $0x0;
	_ =	sdelay $0xe  }
0x2f3: {  	s0 =	sadd.s32 $0xFFFFFFFF, s2;
	s5 =	spop (v2sf)  }
0x2f4: {  	p2 =	sne.s32 s0, $0x0;
	p1 =	sgt.u32 s5, $0x270F0  }
.Ltmp48:
0x2f5: {  	s6 =	sand.u32 @!p1 $0x3FFF8, s5;
	(pc) =	sbr.rel @!p2 .LBB3_52-.Ltmp48, $4  }
0x2f6: {  	s4 =	simm.s32 $0xF238;
	s5 =	sand.u32 @!p1 $0x7, s5;
	s2 =	sadd.s32 @!p1 s1, s6  }
0x2f7: {  	[hbm4b:s2+s5] =	stream.linear.scatter @!p1 [tilespmem:s4], [sflag:$0x7], $0x80, $0x38;
	[tilespmem:$0x1F6F8] =	vst v63  }
0x2f8: {  	s5 =	simm.s32 $0x0  }
0x2f9: {  	s2 =	simm.s32 $0xF219;
	s5 =	simm.s32 @!p1 $0x200  }
.LBB3_51:
0x2fa: {  	v0 =	vld.msk [tilespmem:s2+$0x0], $0x1;
	s0 =	sadd.s32 $0xFFFFFFFF, s0;
	s3 =	sadd.s32 s3, s5  }
0x2fb: {  	p1 =	sne.s32 s0, $0x0;
	_ =	sdelay $0x3  }
0x2fc: {  	(v2sf) =	vpush v0, $0x0;
	_ =	sdelay $0xe  }
.Ltmp49:
0x2fd: {  	s6 =	spop (v2sf);
	(pc) =	sbr.rel @p1 .LBB3_51-.Ltmp49, $4  }
0x2fe: {  	s5 =	simm.s32 $0x0;
	p2 =	sgt.u32 s6, $0x270F0  }
0x2ff: {  	s4 =	sadd.s32 $0x80, s4;
	s5 =	simm.s32 @!p2 $0x200;
	s7 =	sand.u32 @!p2 $0x3FFF8, s6  }
0x300: {  	s2 =	sadd.s32 $0x1, s2;
	s6 =	sand.u32 @!p2 $0x7, s6;
	s7 =	sadd.s32 @!p2 s1, s7  }
0x301: {  	[hbm4b:s7+s6] =	stream.linear.scatter @!p2 [tilespmem:s4], [sflag:$0x7], $0x80, $0x38;
	[tilespmem:$0x1F6F8] =	vst v63  }
.LBB3_52:
0x302: {  	s0 =	sadd.s32 s3, s5  }
0x303: {  	s3 =	sshrl.u32 s0, $0x2  }
.LBB3_53:
0x304: {  	s0 =	simm.s32 $0x7  }
0x305: {  	_ =	swait.ge [sflag:s0], s3  }
0x306: {  	s1 =	ssub.s32 $0x0, s3;
	[sflag:s0] =	ssyncset.done $0x0  }
0x307: {  	[sflag:s0] =	ssyncadd.s32 s1  }
0x308: {  	[sflag:s0] =	ssyncpa.u1 $0x1  }
.LBB3_54:
0x309: {  	_ =	sfence;
	s0 =	simm.s32 $0x1  }
0x30a: {  	[sflag:s0] =	ssyncpa.u1 $0x1  }
0x30b: {  	_ =	strace $0x9000005F  }
0x30c: {  	[bflag:$0x2] =	sbarrier.arrive $0xFFFF  }
0x30d: {  	s0 =	rddreg [dreg:$0x3]  }
0x30e: {  	s0 =	sadd.s32 @!p0 $0x100000, s0  }
0x30f: {  	[sflag:s0] =	ssyncadd.tile.s32 @!p0 $0x1;
	_ =	shalt  }
.Lfunc_end3:
_tile_overlayer_lowered:
.L_overlay_start_3:
0x310: {  	(tag) =	ssettag $0x3  }
0x311: {  	s0 =	rddreg [dreg:$0x0];
	s2 =	stileid.u32  }
0x312: {  	s1 =	rddreg [dreg:$0x1];
	p0 =	sne.s32 s2, $0x0  }
0x313: {  	s3 =	rddreg [dreg:$0x2];
	[bflag:$0x3] =	sbarrier.arrive $0xFFFF;
	s2 =	simm.s32 @!p0 $0x1C01  }
0x314: {  	[timem:s3], [sflag:s2] =	dma.local @!p0 [hbm:s0], s1  }
0x315: {  	s0 =	simm.s32 @!p0 $0x1  }
0x316: {  	_ =	swait.ge @!p0 [sflag:s0], s1  }
0x317: {  	s1 =	ssub.s32 @!p0 $0x0, s1;
	[sflag:s0] =	ssyncset.done @!p0 $0x0  }
0x318: {  	[sflag:s0] =	ssyncadd.s32 @!p0 s1  }
0x319: {  	[bflag:$0x3] =	sbarrier.arrive $0xFFFF  }
0x31a: {  	_ =	shalt  }

// kernel: scatter_offload_async_start.2
scs
__scs_entry_jumppad:
0x0: {  	(pc) =	sbr.rel $0x88, $3  }
0x1: {  	(tag) =	ssettag $0x0;
	lr =	simm.s32 $0x1  }
0x2: {  	[smem:$0x3F99] =	sst lr;
	_ =	strace $0xD0000000  }
0x3: {  	_ = 	snop  }
0x4: {  	_ = 	snop  }
0x5: {  	_ = 	snop  }
0x6: {  	_ = 	snop  }
0x7: {  	_ = 	snop  }
__scs_overlays_trampoline_lowered:
0x8: {  	[smem:$0x3FA8] =	sst s0  }
0x9: {  	[smem:$0x3FA9] =	sst s1  }
0xa: {  	[smem:$0x3FAA] =	sst s2  }
0xb: {  	[smem:$0x3FAB] =	sst s3  }
0xc: {  	[smem:$0x3FAC] =	sst s4  }
0xd: {  	[smem:$0x3FAD] =	sst s5  }
0xe: {  	[smem:$0x3FAE] =	sst s6  }
0xf: {  	[smem:$0x3FAF] =	sst s7  }
0x10: {  	[smem:$0x3FB0] =	sst s8  }
0x11: {  	[smem:$0x3FB1] =	sst s9;
	s0 =	simm.s32 @!p0 $0x0  }
0x12: {  	s1 =	sld [smem:$0x3F97];
	s0 =	simm.s32 @p0 $0x1  }
0x13: {  	[smem:$0x3FB2] =	sst s0;
	s0 =	simm.s32 @!p1 $0x0  }
0x14: {  	s2 =	sld [smem:$0x3F96];
	s0 =	simm.s32 @p1 $0x1  }
0x15: {  	[smem:$0x3FB3] =	sst s0;
	s0 =	simm.s32 @!p2 $0x0  }
0x16: {  	s3 =	sld [smem:$0x3FDB];
	s0 =	simm.s32 @p2 $0x1  }
0x17: {  	s4 =	simm.s32 $0x1BF5;
	[smem:$0x3FB5] =	sst s0  }
0x18: {  	s0 =	sld [smem:$0x3F98];
	_ =	swait.ge [sflag:s4], $0x0  }
0x19: {  	s7 =	sld [smem:$0x3F99]  }
0x1a: {  	s8 =	sadd.s32 $0xFFFFE003, lr  }
0x1b: {  	s9 =	sadd.s32 $0xFFFFFEF7, lr;
	s5 =	simm.s32 $0xFFFFFFFF;
	p2 =	slt.u32 s8, $0xFFFFF086  }
0x1c: {  	p1 =	slt.u32 s9, $0xF7A;
	s5 =	simm.s32 @!p2 $0x0  }
0x1d: {  	s5 =	simm.s32 @p1 $0x1;
	p0 =	seq.s32 s7, s2  }
0x1e: {  	s7 =	smul.u32 @!p0 $0xF7A, s2;
	p2 =	seq.s32 @!p0 s5, $0x0  }
0x1f: {  	s9 =	smul.u32 $0xF7A, s1;
	s8 =	simm.s32 @!p0 $0x1BF5;
	p2 =	por !p2, p0  }
0x20: {  	[sflag:s8] =	ssyncset.s32 @!p0 $0xFFFFF086;
	s6 =	sadd.s32 @!p0 s3, s7;
	s7 =	simm.s32 @!p0 $0x108  }
0x21: {  	s3 =	sadd.s32 s3, s9;
	s6 =	sadd.s32 @!p0 $0x88, s6;
	s7 =	simm.s32 @p2 $0x1082  }
0x22: {  	[simem:s7], [sflag:s8] =	dma.local @!p0 [hbm:s6], $0xF7A  }
0x23: {  	s9 =	sor.u32 $0xD0000000, s2;
	s6 =	simm.s32 $0x108;
	_ =	swait.ge @!p0 [sflag:s8], $0x0  }
0x24: {  	s3 =	sadd.s32 $0x88, s3;
	s6 =	simm.s32 @!p1 $0x1082;
	[sflag:s4] =	ssyncset.s32 $0xFFFFF086  }
0x25: {  	[simem:s6], [sflag:s4] =	dma.local [hbm:s3], $0xF7A  }
0x26: {  	[smem:$0x3F99] =	sst s1;
	(tag) =	ssettag s2;
	_ =	strace s9  }
0x27: {  	s1 =	sld [smem:$0x3FA9]  }
0x28: {  	s2 =	sld [smem:$0x3FAA]  }
0x29: {  	s4 =	sld [smem:$0x3FAC]  }
0x2a: {  	p0 =	seq.s32 s5, $0x0;
	s5 =	sld [smem:$0x3FAD]  }
0x2b: {  	s6 =	sld [smem:$0x3FAE]  }
0x2c: {  	s7 =	sld [smem:$0x3FAF]  }
0x2d: {  	s3 =	simm.s32 $0x108;
	s8 =	sld [smem:$0x3FB0]  }
0x2e: {  	s3 =	simm.s32 @!p0 $0x1082;
	s9 =	sld [smem:$0x3FB1]  }
0x2f: {  	lr =	sadd.s32 s0, s3;
	s0 =	sld [smem:$0x3FA8]  }
0x30: {  	s3 =	sld [smem:$0x3FAB]  }
0x31: {  	[smem:$0x3FB4] =	sst s10  }
0x32: {  	s10 =	sld [smem:$0x3FB2];
	_ =	sdelay $0x3  }
0x33: {  	p0 =	seq.s32 s10, $0x1;
	s10 =	sld [smem:$0x3FB4];
	_ =	sdelay $0x3  }
0x34: {  	[smem:$0x3FB4] =	sst s10  }
0x35: {  	s10 =	sld [smem:$0x3FB3];
	_ =	sdelay $0x3  }
0x36: {  	p1 =	seq.s32 s10, $0x1;
	s10 =	sld [smem:$0x3FB4];
	_ =	sdelay $0x3  }
0x37: {  	[smem:$0x3FB4] =	sst s10  }
0x38: {  	s10 =	sld [smem:$0x3FB5]  }
0x39: {  	_ = 	snop;
	(pc) =	sbr.ind lr, $3  }
0x3a: {  	_ = 	snop  }
0x3b: {  	_ = 	snop  }
0x3c: {  	p2 =	seq.s32 s10, $0x1;
	s10 =	sld [smem:$0x3FB4]  }
0x3d: {  	_ =	shalt  }
0x3e: {  	_ =	shalt  }
0x3f: {  	_ =	shalt  }
0x40: {  	_ =	shalt  }
0x41: {  	_ =	shalt  }
0x42: {  	_ =	shalt  }
0x43: {  	_ =	shalt  }
0x44: {  	_ =	shalt  }
0x45: {  	_ =	shalt  }
0x46: {  	_ =	shalt  }
0x47: {  	_ =	shalt  }
0x48: {  	_ =	shalt  }
0x49: {  	_ =	shalt  }
0x4a: {  	_ =	shalt  }
0x4b: {  	_ =	shalt  }
0x4c: {  	_ =	shalt  }
0x4d: {  	_ =	shalt  }
0x4e: {  	_ =	shalt  }
0x4f: {  	_ =	shalt  }
0x50: {  	_ =	shalt  }
0x51: {  	_ =	shalt  }
0x52: {  	_ =	shalt  }
0x53: {  	_ =	shalt  }
0x54: {  	_ =	shalt  }
0x55: {  	_ =	shalt  }
0x56: {  	_ =	shalt  }
0x57: {  	_ =	shalt  }
0x58: {  	_ =	shalt  }
0x59: {  	_ =	shalt  }
0x5a: {  	_ =	shalt  }
0x5b: {  	_ =	shalt  }
0x5c: {  	_ =	shalt  }
0x5d: {  	_ =	shalt  }
0x5e: {  	_ =	shalt  }
0x5f: {  	_ =	shalt  }
0x60: {  	_ =	shalt  }
0x61: {  	_ =	shalt  }
0x62: {  	_ =	shalt  }
0x63: {  	_ =	shalt  }
0x64: {  	_ =	shalt  }
0x65: {  	_ =	shalt  }
0x66: {  	_ =	shalt  }
0x67: {  	_ =	shalt  }
0x68: {  	_ =	shalt  }
0x69: {  	_ =	shalt  }
0x6a: {  	_ =	shalt  }
0x6b: {  	_ =	shalt  }
0x6c: {  	_ =	shalt  }
0x6d: {  	_ =	shalt  }
0x6e: {  	_ =	shalt  }
0x6f: {  	_ =	shalt  }
0x70: {  	_ =	shalt  }
0x71: {  	_ =	shalt  }
0x72: {  	_ =	shalt  }
0x73: {  	_ =	shalt  }
0x74: {  	_ =	shalt  }
0x75: {  	_ =	shalt  }
0x76: {  	_ =	shalt  }
0x77: {  	_ =	shalt  }
0x78: {  	_ =	shalt  }
0x79: {  	_ =	shalt  }
0x7a: {  	_ =	shalt  }
0x7b: {  	_ =	shalt  }
0x7c: {  	_ =	shalt  }
0x7d: {  	_ =	shalt  }
0x7e: {  	_ =	shalt  }
0x7f: {  	_ =	shalt  }
0x80: {  	_ =	shalt  }
0x81: {  	_ =	shalt  }
0x82: {  	_ =	shalt  }
0x83: {  	_ =	shalt  }
0x84: {  	_ =	shalt  }
0x85: {  	_ =	shalt  }
0x86: {  	_ =	shalt  }
0x87: {  	_ =	shalt  }
.Lfunc_end0:
.L_simem_size_0:
called_computation.2_lowered:
.L_overlay_start_0:
0x88: {  	s2 =	sld [smem:$0x3FD9]  }
0x89: {  	s3 =	sld [smem:$0x3FFE];
	_ =	sdelay $0x1  }
0x8a: {  	s1 =	srdreg.scid  }
0x8b: {  	s0 =	sand.u32 $0x1, s1  }
0x8c: {  	s15 =	sshll.u32 s0, $0xA;
	s2 =	sadd.s32 s3, s2  }
0x8d: {  	s2 =	sadd.s32 s2, s15  }
0x8e: {  	[smem:$0x3FC0] =	sst s2  }
0x8f: {  	_ = 	snop  }
0x90: {  	s16 =	sld [smem:$0x3FD0];
	(tm) =	ssettm $0x1  }
0x91: {  	s17 =	sld [smem:$0x3FFB];
	_ =	sdelay $0x3  }
0x92: {  	_ =	strace s17  }
0x93: {  	s2 =	sld [smem:$0x3FFC];
	_ =	sdelay $0x3  }
0x94: {  	_ =	strace s2  }
0x95: {  	s2 =	sld [smem:$0x3FFD];
	_ =	sdelay $0x3  }
0x96: {  	_ =	strace s2  }
0x97: {  	_ =	strace $0x8FFFFFFF  }
0x98: {  	s18 =	sld [smem:$0x3FDB];
	_ =	sdelay $0x1  }
0x99: {  	s4 =	simm.s32 $_scs_section_size  }
0x9a: {  	s5 =	simm.s32 $_size__tile_overlayer_lowered;
	s6 =	simm.s32 $_tile_overlayer_lowered  }
0x9b: {  	s7 =	simm.s32 $0x1BFF;
	s19 =	sshll.u32 s6, $0x1;
	s4 =	sadd.s32 s4, s18  }
0x9c: {  	s20 =	simm.s32 $0x0;
	s5 =	sshll.u32 s5, $0x1;
	s6 =	sadd.s32 s19, s4  }
0x9d: {  	[timem:s20], [sflag:s7] =	dma.local [hbm:s6], s5  }
0x9e: {  	_ =	swait.ge [sflag:s7], s5  }
0x9f: {  	s5 =	ssub.s32 $0x0, s5;
	[sflag:s7] =	ssyncset.done $0x0  }
0xa0: {  	[sflag:s7] =	ssyncadd.s32 s5;
	_ =	sdelay $0x1  }
0xa1: {  	s21 =	simm.s32 $0x1B8B  }
0xa2: {  	_ =	swait.ge [sflag:s21], $0x1  }
0xa3: {  	[sflag:s21] =	ssyncset.done $0x0  }
0xa4: {  	s22 =	sld [smem:$0x3FFE];
	[sflag:s21] =	ssyncadd.s32 $0xFFFFFFFF  }
0xa5: {  	s24 =	simm.s32 $0x1B8E;
	s23 =	sld [smem:$0x0]  }
0xa6: {  	s25 =	simm.s32 $execute0_lowered;
	[smem:$0x3FD2] =	sst s24  }
0xa7: {  	s7 =	sshll.u32 s25, $0x1;
	_ =	strace $0x80000049;
	[dreg:$0x1] =	wrdreg $0xFFFFFFFF  }
0xa8: {  	s8 =	simm.s32 $_size_execute0_lowered;
	s7 =	sadd.s32 s4, s7;
	[dreg:$0x0] =	wrdreg $0x0  }
0xa9: {  	s8 =	sshll.u32 s8, $0x1;
	[dreg:$0x2] =	wrdreg s7  }
0xaa: {  	[dreg:$0x3] =	wrdreg s8  }
0xab: {  	[dreg:$0x4] =	wrdreg $0xC0  }
0xac: {  	s26 =	simm.s32 $execute1_lowered;
	_ =	task [dreg:s20], $0x5FFFF  }
0xad: {  	s7 =	sshll.u32 s26, $0x1;
	[dreg:$0x1] =	wrdreg $0xFFFFFFFF  }
0xae: {  	s4 =	sadd.s32 s4, s7;
	[dreg:$0x0] =	wrdreg $0x60  }
0xaf: {  	[dreg:$0x2] =	wrdreg s4  }
0xb0: {  	[dreg:$0x3] =	wrdreg s16  }
0xb1: {  	[dreg:$0x4] =	wrdreg s22  }
0xb2: {  	[dreg:$0x5] =	wrdreg $0xD  }
0xb3: {  	_ =	task.clear_ibuf [dreg:s20], $0x6FFFF;
	_ =	strace $0x90000049  }
0xb4: {  	s28 =	simm.s32 $0xD;
	_ =	strace $0x8000004B  }
0xb5: {  	_ =	swait.ge [sflag:s28], $0x1  }
0xb6: {  	[sflag:s28] =	ssyncadd.s32 $0xFFFFFFFF  }
0xb7: {  	_ =	strace $0x9000004B  }
0xb8: {  	s3 =	sld [smem:$0x0]  }
0xb9: {  	s4 =	sand.u32 $0xFFFFFFFE, s1  }
0xba: {  	p0 =	sne.s32 s1, s4  }
0xbb: {  	s4 =	sshll.u32 @p0 s4, $0xE  }
0xbc: {  	s4 =	sadd.s32 @p0 $0x11BF3, s4;
	s7 =	sshll.u32 @p0 s3, $0x11  }
0xbd: {  	s4 =	sor.u32 @p0 s7, s4  }
0xbe: {  	[sflag:s4] =	ssyncadd.remote.s32 @p0 $0x1;
	_ =	sdelay $0x1  }
0xbf: {  	s4 =	simm.s32 @p0 $0x1BF3  }
0xc0: {  	_ =	swait.eq @p0 [sflag:s4], $0x1  }
0xc1: {  	[sflag:s4] =	ssyncadd.s32 @p0 $0xFFFFFFFF  }
0xc2: {  	s7 =	sshll.u32 @!p0 s1, $0xE  }
0xc3: {  	s7 =	sor.u32 @!p0 $0x4000, s7;
	s4 =	simm.s32 @!p0 $0x1BF3  }
0xc4: {  	s3 =	sshll.u32 @!p0 s3, $0x11;
	s7 =	sadd.s32 @!p0 $0x11BF3, s7;
	_ =	swait.eq @!p0 [sflag:s4], $0x1  }
0xc5: {  	s3 =	sor.u32 @!p0 s3, s7;
	[sflag:s4] =	ssyncadd.s32 @!p0 $0xFFFFFFFF  }
0xc6: {  	[sflag:s3] =	ssyncadd.remote.s32 @!p0 $0x1  }
0xc7: {  	_ =	strace $0x8000004C;
	[dreg:$0x1] =	wrdreg $0xFFFFFFFF  }
0xc8: {  	[dreg:$0x0] =	wrdreg $0x2030  }
0xc9: {  	[dreg:$0x2] =	wrdreg s22  }
0xca: {  	[dreg:$0x3] =	wrdreg s1  }
0xcb: {  	[dreg:$0x4] =	wrdreg s23  }
0xcc: {  	[dreg:$0x5] =	wrdreg $0xE  }
0xcd: {  	_ =	task.clear_ibuf [dreg:s20], $0x6FFFF;
	_ =	strace $0x9000004C  }
0xce: {  	s29 =	simm.s32 $0xE;
	_ =	strace $0x8000004E  }
0xcf: {  	_ =	swait.ge [sflag:s29], $0x1  }
0xd0: {  	[sflag:s29] =	ssyncadd.s32 $0xFFFFFFFF  }
0xd1: {  	_ =	strace $0x9000004E  }
0xd2: {  	_ =	sfence  }
0xd3: {  	s30 =	sld [smem:$0x0];
	_ =	sdelay $0x2  }
0xd4: {  	s31 =	sshll.u32 s1, $0xD;
	s1 =	sshrl.u32 s1, $0x2  }
0xd5: {  	s4 =	sand.u32 $0x4000, s31;
	s1 =	sadd.s32 s1, s30  }
0xd6: {  	s0 =	sor.u32 s4, s0;
	s1 =	sshll.u32 s1, $0x11  }
0xd7: {  	s0 =	sor.u32 s1, s0  }
0xd8: {  	s0 =	sadd.s32 $0x8F2B, s0  }
0xd9: {  	[sflag:s0] =	ssyncadd.remote.s32 $0x1  }
0xda: {  	_ =	sfence.sel $0xFFFF  }
0xdb: {  	[dreg:$0x0] =	wrdreg $0xFFFFFFFF;
	(pc) =	sbr.abs _section_cstart, $3  }
0xdc: {  	[dreg:$0x1] =	wrdreg $0xFFFFFFFF  }
0xdd: {  	_ =	task.clear_ibuf [dreg:s20], $0x2FFFF;
	_ =	strace $0x9FFFFFFF  }
0xde: {  	(tm) =	ssettm $0x7FFFFFFF  }
0xdf: {  	_ =	shalt  }
tec
execute0_lowered:
.L_overlay_start_1:
0x0: {  	(tag) =	ssettag $0x1  }
0x1: {  	s2 =	rddreg [dreg:$0x0]  }
0x2: {  	s8 =	rddreg [dreg:$0x1]  }
0x3: {  	s3 =	rddreg [dreg:$0x2]  }
0x4: {  	s0 =	rddreg [dreg:$0x3];
	s4 =	stileid.u32;
	[bflag:$0x3] =	sbarrier.arrive $0xFFFF  }
0x5: {  	s1 =	simm.s32 $_size_execute1_lowered;
	s31 =	srdreg.scid;
	p0 =	sne.s32 s4, $0x0  }
0x6: {  	s1 =	sshll.u32 s1, $0x1;
	s5 =	simm.s32 @!p0 $0x1C3F;
	s6 =	simm.s32 @!p0 $0x4060  }
0x7: {  	[timem:s6], [sflag:s5] =	dma.local @!p0 [hbm:s2], s1  }
0x8: {  	s9 =	simm.s32 $0x2;
	s13 =	simm.s32 $0x0;
	s2 =	sshll.u32 s31, $0x9  }
0x9: {  	s12 =	simm.s32 $0x0;
	s4 =	sshll.u32 s4, $0xA;
	s2 =	sand.u32 $0x200, s2  }
0xa: {  	s3 =	sadd.s32 $0x400, s3;
	s6 =	simm.s32 $0x3;
	s2 =	sor.u32 s4, s2  }
0xb: {  	_ =	strace $0x8000004A;
	s4 =	simm.s32 $0x1;
	s5 =	ssub.s32 $0x2710, s2  }
0xc: {  	[sflag:s4] =	ssyncpa.u1 $0x0;
	s7 =	smax.u32 s2, $0x2510;
	s10 =	sshll.u32 s2, $0x4  }
0xd: {  	p2 =	sgt.u32 s2, $0x270F;
	p1 =	sgt.s32 s5, $0x0;
	s7 =	sshll.u32 s7, $0x7  }
0xe: {  	s11 =	sadd.s32 $0xFFFD8F00, s10;
	[sflag:s9] =	ssyncpa.u1 $0x0;
	s5 =	simm.s32 @!p1 $0x0  }
.Ltmp0:
0xf: {  	s7 =	ssub.s32 $0x138800, s7;
	s5 =	sand.u32 $0x3F10, s5;
	(pc) =	sbr.rel .LBB2_1-.Ltmp0, $4  }
0x10: {  	s7 =	sshrl.u32 s7, $0x2;
	p1 =	sne.s32 s5, $0x0;
	s5 =	simm.s32 $0x1  }
0x11: {  	s5 =	simm.s32 @!p1 $0x0;
	s6 =	simm.s32 @!p1 $0x2;
	p1 =	slt.u32 s2, $0x2710  }
0x12: {  	s9 =	simm.s32 $0x20;
	s7 =	simm.s32 @p2 $0x0;
	s11 =	smov.u32 @p1 s10  }
0x13: {  	s10 =	simm.s32 $0x80;
	s8 =	sadd.s32 s8, s11;
	s11 =	simm.s32 $0x0  }
.LBB2_5:
0x14: {  	_ =	sdelay $0x3  }
0x15: {  	[tilespmem:v1+s16+$0x0 ss:$0x1] =	vst.idx.msk $0xffff, v2  }
.LBB2_6:
0x16: {  	s16 =	smulhi.u32 $0xD1B71759, s12;
	_ =	sdelay $0x1  }
0x17: {  	s16 =	sshrl.u32 s16, $0xD  }
0x18: {  	s16 =	smul.u32 $0x2710, s16;
	_ =	sdelay $0x1  }
0x19: {  	s16 =	ssub.s32 s12, s16  }
0x1a: {  	s16 =	sshll.u32 s16, $0x4  }
0x1b: {  	s16 =	sadd.s32 s3, s16  }
0x1c: {  	[hbm4b:s16+s9] =	stream.strided.scatter [tilespmem:s15], [sflag:$0x2], s14, s10, s9, $0x38;
	[tilespmem:$0x10000] =	vst v63  }
.LBB2_7:
0x1d: {  	p1 =	slt.u32 s11, $0x2  }
0x1e: {  	p2 =	sgt.s32 @!p1 s13, $0x2510  }
0x1f: {  	p2 =	por !p2, p1  }
0x20: {  	p3 =	sgt.s32 @!p1 s13, $0x270F;
	s13 =	simm.s32 @p2 $0x2510  }
0x21: {  	s13 =	sshll.u32 @!p1 s13, $0x7  }
0x22: {  	s13 =	ssub.s32 @!p1 $0x138800, s13  }
0x23: {  	s11 =	sadd.s32 $0x1, s11;
	p2 =	por !p3, p1;
	s13 =	sshrl.u32 @!p1 s13, $0x2  }
0x24: {  	s13 =	simm.s32 @!p2 $0x0;
	p2 =	sne.s32 s11, s6  }
.Ltmp1:
0x25: {  	_ = 	snop;
	(pc) =	sbr.rel @!p2 .LBB2_8-.Ltmp1, $4  }
0x26: {  	s14 =	simm.s32 @!p1 $0x2  }
0x27: {  	_ =	swait.ge @!p1 [sflag:s14], s13  }
0x28: {  	s15 =	ssub.s32 @!p1 $0x0, s13;
	[sflag:s14] =	ssyncset.done @!p1 $0x0  }
0x29: {  	s13 =	smov.u32 s12;
	s12 =	smov.u32 s2;
	[sflag:s14] =	ssyncadd.s32 @!p1 s15  }
.LBB2_1:
0x2a: {  	p1 =	sge.u32 s11, s5;
	s31 =	sadd.s32 $0xFFFFFFFF, s11  }
0x2b: {  	s14 =	simm.s32 @!p1 $0x20;
	s15 =	simm.s32 @!p1 $0x80;
	s16 =	simm.s32 @!p1 $0x4000  }
0x2c: {  	[tilespmem:s16], [sflag:$0x1] =	stream.strided.gather @!p1 [hbm4b:s8+s14], s7, s15, s14, $0x38;
	[tilespmem:$0x10000] =	vst v63  }
0x2d: {  	p1 =	sge.u32 s31, s5  }
.Ltmp2:
0x2e: {  	_ = 	snop;
	(pc) =	sbr.rel @p1 .LBB2_7-.Ltmp2, $1  }
0x2f: {  	_ =	sdelay $0x3  }
0x30: {  	p1 =	sgt.s32 s12, $0x2510;
	s14 =	smov.u32 s12  }
0x31: {  	s14 =	simm.s32 @!p1 $0x2510  }
0x32: {  	s14 =	sshll.u32 s14, $0x7  }
0x33: {  	s14 =	ssub.s32 $0x138800, s14  }
0x34: {  	p1 =	sgt.u32 s12, $0x270F;
	s14 =	sshrl.u32 s14, $0x2  }
0x35: {  	s15 =	smov.u32 s12;
	s14 =	simm.s32 @p1 $0x0;
	p1 =	slt.s32 s12, $0x2510  }
0x36: {  	s15 =	simm.s32 @!p1 $0x2510  }
0x37: {  	s16 =	ssub.s32 s15, s12  }
0x38: {  	p1 =	slt.s32 s16, $0xFFFFFE01  }
.Ltmp3:
0x39: {  	_ = 	snop;
	(pc) =	sbr.rel @p1 .LBB2_6-.Ltmp3, $4  }
0x3a: {  	_ = 	snop  }
0x3b: {  	s17 =	sshll.u32 s11, $0xE;
	_ =	swait.ge [sflag:s4], s14  }
0x3c: {  	s17 =	sand.u32 $0x4000, s17;
	s18 =	ssub.s32 $0x0, s14;
	[sflag:s4] =	ssyncset.done $0x0  }
0x3d: {  	s15 =	sor.u32 $0x8000, s17;
	[sflag:s4] =	ssyncadd.s32 s18  }
0x3e: {  	v0 =	vmov s17;
	_ =	sdelay $0x1  }
0x3f: {  	s30 =	sadd.s32 $0x200, s16  }
0x40: {  	s31 =	simm.s32 $0x0;
	p1 =	sne.s32 s30, $0x1  }
.Ltmp4:
0x41: {  	s16 =	sand.u32 $0x3FE0, s31;
	(pc) =	sbr.rel @!p1 .LBB2_5-.Ltmp4, $2  }
0x42: {  	v1 =	vmov s15;
	v2 =	vld.idx.msk [tilespmem:v0+s16+$0x0 ss:$0x1], $0xffff;
	_ =	sdelay $0x2  }
0x43: {  	s18 =	simm.s32 $0x20;
	s17 =	sadd.s32 $0xFFFFFFFF, s30  }
.LBB2_4:
0x44: {  	s19 =	sand.u32 $0x3FE0, s18;
	p1 =	sne.s32 s17, $0x1;
	s17 =	sadd.s32 $0xFFFFFFFF, s17  }
.Ltmp5:
0x45: {  	[tilespmem:v1+s16+$0x0 ss:$0x1] =	vst.idx.msk $0xffff, v2;
	v2 =	vld.idx.msk [tilespmem:v0+s19+$0x0 ss:$0x1], $0xffff;
	s16 =	smov.u32 s19;
	(pc) =	sbr.rel @p1 .LBB2_4-.Ltmp5, $2  }
0x46: {  	_ =	sdelay $0x2  }
0x47: {  	s18 =	sadd.s32 $0x20, s18  }
.Ltmp6:
0x48: {  	_ = 	snop;
	(pc) =	sbr.rel .LBB2_5-.Ltmp6, $1  }
0x49: {  	_ =	sdelay $0x3  }
.LBB2_8:
0x4a: {  	_ =	sfence.sel $0x180000  }
0x4b: {  	s2 =	simm.s32 $0x1;
	[bflag:$0x0] =	sbarrier.arrive $0xFFFF  }
0x4c: {  	s31 =	simm.s32 $0x2;
	[sflag:s2] =	ssyncpa.u1 $0x1  }
0x4d: {  	[sflag:s31] =	ssyncpa.u1 $0x1  }
0x4e: {  	_ =	strace $0x9000004A  }
0x4f: {  	s0 =	sadd.s32 @!p0 $0x100000, s0;
	[bflag:$0x2] =	sbarrier.arrive $0xFFFF  }
0x50: {  	[sflag:s0] =	ssyncadd.tile.s32 @!p0 $0x1;
	s0 =	simm.s32 @!p0 $0x3F  }
0x51: {  	_ =	swait.ge @!p0 [sflag:s0], s1  }
0x52: {  	s1 =	ssub.s32 @!p0 $0x0, s1;
	[sflag:s0] =	ssyncset.done @!p0 $0x0  }
0x53: {  	[sflag:s0] =	ssyncadd.s32 @!p0 s1  }
0x54: {  	[bflag:$0x3] =	sbarrier.arrive $0xFFFF  }
0x55: {  	_ =	shalt  }
.Lfunc_end2:
execute1_lowered:
.L_overlay_start_2:
0x56: {  	(tag) =	ssettag $0x2  }
0x57: {  	s11 =	rddreg [dreg:$0x0]  }
0x58: {  	s2 =	rddreg [dreg:$0x1];
	_ =	strace $0x8000004D;
	s12 =	simm.s32 $0x1  }
0x59: {  	v0 =	vimm.s32 $0x0;
	[sflag:s12] =	ssyncpa.u1 $0x0  }
0x5a: {  	[tilespmem:$0x28] =	vst v0  }
0x5b: {  	[tilespmem:$0x38] =	vst v0  }
0x5c: {  	[tilespmem:$0x48] =	vst v0  }
0x5d: {  	[tilespmem:$0x58] =	vst v0  }
0x5e: {  	[tilespmem:$0x68] =	vst v0  }
0x5f: {  	[tilespmem:$0x78] =	vst v0  }
0x60: {  	[tilespmem:$0x88] =	vst v0  }
0x61: {  	[tilespmem:$0x98] =	vst v0  }
0x62: {  	[tilespmem:$0xA8] =	vst v0  }
0x63: {  	[tilespmem:$0xB8] =	vst v0  }
0x64: {  	[tilespmem:$0xC8] =	vst v0  }
0x65: {  	[tilespmem:$0xD8] =	vst v0  }
0x66: {  	[tilespmem:$0xE8] =	vst v0  }
0x67: {  	[tilespmem:$0xF8] =	vst v0  }
0x68: {  	[tilespmem:$0x108] =	vst v0  }
0x69: {  	[tilespmem:$0x118] =	vst v0  }
0x6a: {  	[tilespmem:$0x128] =	vst v0  }
0x6b: {  	[tilespmem:$0x138] =	vst v0  }
0x6c: {  	[tilespmem:$0x148] =	vst v0  }
0x6d: {  	[tilespmem:$0x158] =	vst v0  }
0x6e: {  	[tilespmem:$0x168] =	vst v0  }
0x6f: {  	[tilespmem:$0x178] =	vst v0  }
0x70: {  	[tilespmem:$0x188] =	vst v0  }
0x71: {  	[tilespmem:$0x198] =	vst v0  }
0x72: {  	[tilespmem:$0x1A8] =	vst v0  }
0x73: {  	[tilespmem:$0x1B8] =	vst v0  }
0x74: {  	[tilespmem:$0x1C8] =	vst v0  }
0x75: {  	[tilespmem:$0x1D8] =	vst v0  }
0x76: {  	[tilespmem:$0x1E8] =	vst v0  }
0x77: {  	[tilespmem:$0x1F8] =	vst v0  }
0x78: {  	[tilespmem:$0x208] =	vst v0  }
0x79: {  	[tilespmem:$0x218] =	vst v0  }
0x7a: {  	[tilespmem:$0x228] =	vst v0  }
0x7b: {  	[tilespmem:$0x238] =	vst v0  }
0x7c: {  	[tilespmem:$0x248] =	vst v0  }
0x7d: {  	[tilespmem:$0x258] =	vst v0  }
0x7e: {  	[tilespmem:$0x268] =	vst v0  }
0x7f: {  	[tilespmem:$0x278] =	vst v0  }
0x80: {  	[tilespmem:$0x288] =	vst v0  }
0x81: {  	[tilespmem:$0x298] =	vst v0  }
0x82: {  	[tilespmem:$0x2A8] =	vst v0  }
0x83: {  	[tilespmem:$0x2B8] =	vst v0  }
0x84: {  	[tilespmem:$0x2C8] =	vst v0  }
0x85: {  	[tilespmem:$0x2D8] =	vst v0  }
0x86: {  	[tilespmem:$0x2E8] =	vst v0  }
0x87: {  	[tilespmem:$0x2F8] =	vst v0  }
0x88: {  	[tilespmem:$0x308] =	vst v0  }
0x89: {  	[tilespmem:$0x318] =	vst v0  }
0x8a: {  	[tilespmem:$0x328] =	vst v0  }
0x8b: {  	[tilespmem:$0x338] =	vst v0  }
0x8c: {  	[tilespmem:$0x348] =	vst v0  }
0x8d: {  	[tilespmem:$0x358] =	vst v0  }
0x8e: {  	[tilespmem:$0x368] =	vst v0  }
0x8f: {  	[tilespmem:$0x378] =	vst v0  }
0x90: {  	[tilespmem:$0x388] =	vst v0  }
0x91: {  	[tilespmem:$0x398] =	vst v0  }
0x92: {  	[tilespmem:$0x3A8] =	vst v0  }
0x93: {  	[tilespmem:$0x3B8] =	vst v0  }
0x94: {  	[tilespmem:$0x3C8] =	vst v0  }
0x95: {  	[tilespmem:$0x3D8] =	vst v0  }
0x96: {  	[tilespmem:$0x3E8] =	vst v0  }
0x97: {  	[tilespmem:$0x3F8] =	vst v0  }
0x98: {  	[tilespmem:$0x408] =	vst v0  }
0x99: {  	[tilespmem:$0x418] =	vst v0  }
0x9a: {  	[tilespmem:$0x428] =	vst v0  }
0x9b: {  	[tilespmem:$0x438] =	vst v0  }
0x9c: {  	[tilespmem:$0x448] =	vst v0  }
0x9d: {  	[tilespmem:$0x458] =	vst v0  }
0x9e: {  	[tilespmem:$0x468] =	vst v0  }
0x9f: {  	[tilespmem:$0x478] =	vst v0  }
0xa0: {  	[tilespmem:$0x488] =	vst v0  }
0xa1: {  	[tilespmem:$0x498] =	vst v0  }
0xa2: {  	[tilespmem:$0x4A8] =	vst v0  }
0xa3: {  	[tilespmem:$0x4B8] =	vst v0  }
0xa4: {  	[tilespmem:$0x4C8] =	vst v0  }
0xa5: {  	[tilespmem:$0x4D8] =	vst v0  }
0xa6: {  	[tilespmem:$0x4E8] =	vst v0  }
0xa7: {  	[tilespmem:$0x4F8] =	vst v0  }
0xa8: {  	[tilespmem:$0x508] =	vst v0  }
0xa9: {  	[tilespmem:$0x518] =	vst v0  }
0xaa: {  	[tilespmem:$0x528] =	vst v0  }
0xab: {  	[tilespmem:$0x538] =	vst v0  }
0xac: {  	[tilespmem:$0x548] =	vst v0  }
0xad: {  	[tilespmem:$0x558] =	vst v0  }
0xae: {  	[tilespmem:$0x568] =	vst v0  }
0xaf: {  	[tilespmem:$0x578] =	vst v0  }
0xb0: {  	[tilespmem:$0x588] =	vst v0  }
0xb1: {  	[tilespmem:$0x598] =	vst v0  }
0xb2: {  	[tilespmem:$0x5A8] =	vst v0  }
0xb3: {  	[tilespmem:$0x5B8] =	vst v0  }
0xb4: {  	[tilespmem:$0x5C8] =	vst v0  }
0xb5: {  	[tilespmem:$0x5D8] =	vst v0  }
0xb6: {  	[tilespmem:$0x5E8] =	vst v0  }
0xb7: {  	[tilespmem:$0x5F8] =	vst v0  }
0xb8: {  	[tilespmem:$0x608] =	vst v0  }
0xb9: {  	[tilespmem:$0x618] =	vst v0  }
0xba: {  	[tilespmem:$0x628] =	vst v0  }
0xbb: {  	[tilespmem:$0x638] =	vst v0  }
0xbc: {  	[tilespmem:$0x648] =	vst v0  }
0xbd: {  	[tilespmem:$0x658] =	vst v0  }
0xbe: {  	[tilespmem:$0x668] =	vst v0  }
0xbf: {  	[tilespmem:$0x678] =	vst v0  }
0xc0: {  	[tilespmem:$0x688] =	vst v0  }
0xc1: {  	[tilespmem:$0x698] =	vst v0  }
0xc2: {  	[tilespmem:$0x6A8] =	vst v0  }
0xc3: {  	[tilespmem:$0x6B8] =	vst v0  }
0xc4: {  	[tilespmem:$0x6C8] =	vst v0  }
0xc5: {  	[tilespmem:$0x6D8] =	vst v0  }
0xc6: {  	[tilespmem:$0x6E8] =	vst v0  }
0xc7: {  	[tilespmem:$0x6F8] =	vst v0  }
0xc8: {  	[tilespmem:$0x708] =	vst v0  }
0xc9: {  	[tilespmem:$0x718] =	vst v0  }
0xca: {  	[tilespmem:$0x728] =	vst v0  }
0xcb: {  	[tilespmem:$0x738] =	vst v0  }
0xcc: {  	[tilespmem:$0x748] =	vst v0  }
0xcd: {  	[tilespmem:$0x758] =	vst v0  }
0xce: {  	[tilespmem:$0x768] =	vst v0  }
0xcf: {  	[tilespmem:$0x778] =	vst v0  }
0xd0: {  	[tilespmem:$0x788] =	vst v0  }
0xd1: {  	[tilespmem:$0x798] =	vst v0  }
0xd2: {  	[tilespmem:$0x7A8] =	vst v0  }
0xd3: {  	[tilespmem:$0x7B8] =	vst v0  }
0xd4: {  	[tilespmem:$0x7C8] =	vst v0  }
0xd5: {  	[tilespmem:$0x7D8] =	vst v0  }
0xd6: {  	[tilespmem:$0x7E8] =	vst v0  }
0xd7: {  	[tilespmem:$0x7F8] =	vst v0  }
0xd8: {  	[tilespmem:$0x808] =	vst v0  }
0xd9: {  	[tilespmem:$0x818] =	vst v0  }
0xda: {  	[tilespmem:$0x828] =	vst v0  }
0xdb: {  	[tilespmem:$0x838] =	vst v0  }
0xdc: {  	[tilespmem:$0x848] =	vst v0  }
0xdd: {  	[tilespmem:$0x858] =	vst v0  }
0xde: {  	[tilespmem:$0x868] =	vst v0  }
0xdf: {  	[tilespmem:$0x878] =	vst v0  }
0xe0: {  	[tilespmem:$0x888] =	vst v0  }
0xe1: {  	[tilespmem:$0x898] =	vst v0  }
0xe2: {  	[tilespmem:$0x8A8] =	vst v0  }
0xe3: {  	[tilespmem:$0x8B8] =	vst v0  }
0xe4: {  	[tilespmem:$0x8C8] =	vst v0  }
0xe5: {  	[tilespmem:$0x8D8] =	vst v0  }
0xe6: {  	[tilespmem:$0x8E8] =	vst v0  }
0xe7: {  	[tilespmem:$0x8F8] =	vst v0  }
0xe8: {  	[tilespmem:$0x908] =	vst v0  }
0xe9: {  	[tilespmem:$0x918] =	vst v0  }
0xea: {  	[tilespmem:$0x928] =	vst v0  }
0xeb: {  	[tilespmem:$0x938] =	vst v0  }
0xec: {  	[tilespmem:$0x948] =	vst v0  }
0xed: {  	[tilespmem:$0x958] =	vst v0  }
0xee: {  	[tilespmem:$0x968] =	vst v0  }
0xef: {  	[tilespmem:$0x978] =	vst v0  }
0xf0: {  	[tilespmem:$0x988] =	vst v0  }
0xf1: {  	[tilespmem:$0x998] =	vst v0  }
0xf2: {  	[tilespmem:$0x9A8] =	vst v0  }
0xf3: {  	[tilespmem:$0x9B8] =	vst v0  }
0xf4: {  	[tilespmem:$0x9C8] =	vst v0  }
0xf5: {  	[tilespmem:$0x9D8] =	vst v0  }
0xf6: {  	[tilespmem:$0x9E8] =	vst v0  }
0xf7: {  	[tilespmem:$0x9F8] =	vst v0  }
0xf8: {  	[tilespmem:$0xA08] =	vst v0  }
0xf9: {  	[tilespmem:$0xA18] =	vst v0  }
0xfa: {  	[tilespmem:$0xA28] =	vst v0  }
0xfb: {  	[tilespmem:$0xA38] =	vst v0  }
0xfc: {  	[tilespmem:$0xA48] =	vst v0  }
0xfd: {  	[tilespmem:$0xA58] =	vst v0  }
0xfe: {  	[tilespmem:$0xA68] =	vst v0  }
0xff: {  	[tilespmem:$0xA78] =	vst v0  }
0x100: {  	[tilespmem:$0xA88] =	vst v0  }
0x101: {  	[tilespmem:$0xA98] =	vst v0  }
0x102: {  	[tilespmem:$0xAA8] =	vst v0  }
0x103: {  	[tilespmem:$0xAB8] =	vst v0  }
0x104: {  	[tilespmem:$0xAC8] =	vst v0  }
0x105: {  	[tilespmem:$0xAD8] =	vst v0  }
0x106: {  	[tilespmem:$0xAE8] =	vst v0  }
0x107: {  	[tilespmem:$0xAF8] =	vst v0  }
0x108: {  	[tilespmem:$0xB08] =	vst v0  }
0x109: {  	[tilespmem:$0xB18] =	vst v0  }
0x10a: {  	[tilespmem:$0xB28] =	vst v0  }
0x10b: {  	[tilespmem:$0xB38] =	vst v0  }
0x10c: {  	[tilespmem:$0xB48] =	vst v0  }
0x10d: {  	[tilespmem:$0xB58] =	vst v0  }
0x10e: {  	[tilespmem:$0xB68] =	vst v0  }
0x10f: {  	[tilespmem:$0xB78] =	vst v0  }
0x110: {  	[tilespmem:$0xB88] =	vst v0  }
0x111: {  	[tilespmem:$0xB98] =	vst v0  }
0x112: {  	[tilespmem:$0xBA8] =	vst v0  }
0x113: {  	[tilespmem:$0xBB8] =	vst v0  }
0x114: {  	[tilespmem:$0xBC8] =	vst v0  }
0x115: {  	[tilespmem:$0xBD8] =	vst v0  }
0x116: {  	[tilespmem:$0xBE8] =	vst v0  }
0x117: {  	[tilespmem:$0xBF8] =	vst v0  }
0x118: {  	[tilespmem:$0xC08] =	vst v0  }
0x119: {  	[tilespmem:$0xC18] =	vst v0  }
0x11a: {  	[tilespmem:$0xC28] =	vst v0  }
0x11b: {  	[tilespmem:$0xC38] =	vst v0  }
0x11c: {  	[tilespmem:$0xC48] =	vst v0  }
0x11d: {  	[tilespmem:$0xC58] =	vst v0  }
0x11e: {  	[tilespmem:$0xC68] =	vst v0  }
0x11f: {  	[tilespmem:$0xC78] =	vst v0  }
0x120: {  	[tilespmem:$0xC88] =	vst v0  }
0x121: {  	[tilespmem:$0xC98] =	vst v0  }
0x122: {  	[tilespmem:$0xCA8] =	vst v0  }
0x123: {  	[tilespmem:$0xCB8] =	vst v0  }
0x124: {  	[tilespmem:$0xCC8] =	vst v0  }
0x125: {  	[tilespmem:$0xCD8] =	vst v0  }
0x126: {  	[tilespmem:$0xCE8] =	vst v0  }
0x127: {  	[tilespmem:$0xCF8] =	vst v0  }
0x128: {  	[tilespmem:$0xD08] =	vst v0  }
0x129: {  	[tilespmem:$0xD18] =	vst v0  }
0x12a: {  	[tilespmem:$0xD28] =	vst v0  }
0x12b: {  	[tilespmem:$0xD38] =	vst v0  }
0x12c: {  	[tilespmem:$0xD48] =	vst v0  }
0x12d: {  	[tilespmem:$0xD58] =	vst v0  }
0x12e: {  	[tilespmem:$0xD68] =	vst v0  }
0x12f: {  	[tilespmem:$0xD78] =	vst v0  }
0x130: {  	[tilespmem:$0xD88] =	vst v0  }
0x131: {  	[tilespmem:$0xD98] =	vst v0  }
0x132: {  	[tilespmem:$0xDA8] =	vst v0  }
0x133: {  	[tilespmem:$0xDB8] =	vst v0  }
0x134: {  	[tilespmem:$0xDC8] =	vst v0  }
0x135: {  	[tilespmem:$0xDD8] =	vst v0  }
0x136: {  	[tilespmem:$0xDE8] =	vst v0  }
0x137: {  	[tilespmem:$0xDF8] =	vst v0  }
0x138: {  	[tilespmem:$0xE08] =	vst v0  }
0x139: {  	[tilespmem:$0xE18] =	vst v0  }
0x13a: {  	[tilespmem:$0xE28] =	vst v0  }
0x13b: {  	[tilespmem:$0xE38] =	vst v0  }
0x13c: {  	[tilespmem:$0xE48] =	vst v0  }
0x13d: {  	[tilespmem:$0xE58] =	vst v0  }
0x13e: {  	[tilespmem:$0xE68] =	vst v0  }
0x13f: {  	[tilespmem:$0xE78] =	vst v0  }
0x140: {  	[tilespmem:$0xE88] =	vst v0  }
0x141: {  	[tilespmem:$0xE98] =	vst v0  }
0x142: {  	[tilespmem:$0xEA8] =	vst v0  }
0x143: {  	[tilespmem:$0xEB8] =	vst v0  }
0x144: {  	[tilespmem:$0xEC8] =	vst v0  }
0x145: {  	[tilespmem:$0xED8] =	vst v0  }
0x146: {  	[tilespmem:$0xEE8] =	vst v0  }
0x147: {  	[tilespmem:$0xEF8] =	vst v0  }
0x148: {  	[tilespmem:$0xF08] =	vst v0  }
0x149: {  	[tilespmem:$0xF18] =	vst v0  }
0x14a: {  	[tilespmem:$0xF28] =	vst v0  }
0x14b: {  	[tilespmem:$0xF38] =	vst v0  }
0x14c: {  	[tilespmem:$0xF48] =	vst v0  }
0x14d: {  	[tilespmem:$0xF58] =	vst v0  }
0x14e: {  	[tilespmem:$0xF68] =	vst v0  }
0x14f: {  	[tilespmem:$0xF78] =	vst v0  }
0x150: {  	[tilespmem:$0xF88] =	vst v0  }
0x151: {  	[tilespmem:$0xF98] =	vst v0  }
0x152: {  	[tilespmem:$0xFA8] =	vst v0  }
0x153: {  	[tilespmem:$0xFB8] =	vst v0  }
0x154: {  	[tilespmem:$0xFC8] =	vst v0  }
0x155: {  	[tilespmem:$0xFD8] =	vst v0  }
0x156: {  	[tilespmem:$0xFE8] =	vst v0  }
0x157: {  	[tilespmem:$0xFF8] =	vst v0  }
0x158: {  	[tilespmem:$0x1028] =	vst v0  }
0x159: {  	[tilespmem:$0x10E8] =	vst v0  }
0x15a: {  	[tilespmem:$0x1068] =	vst v0  }
0x15b: {  	[tilespmem:$0x1B28] =	vst v0  }
0x15c: {  	[tilespmem:$0x1B18] =	vst v0  }
0x15d: {  	[tilespmem:$0x1B08] =	vst v0  }
0x15e: {  	[tilespmem:$0x1AF8] =	vst v0  }
0x15f: {  	[tilespmem:$0x1AE8] =	vst v0  }
0x160: {  	[tilespmem:$0x1AD8] =	vst v0  }
0x161: {  	[tilespmem:$0x1AC8] =	vst v0  }
0x162: {  	[tilespmem:$0x1AB8] =	vst v0  }
0x163: {  	[tilespmem:$0x1AA8] =	vst v0  }
0x164: {  	[tilespmem:$0x1A98] =	vst v0  }
0x165: {  	[tilespmem:$0x1A88] =	vst v0  }
0x166: {  	[tilespmem:$0x1A78] =	vst v0  }
0x167: {  	[tilespmem:$0x1A68] =	vst v0  }
0x168: {  	[tilespmem:$0x1A58] =	vst v0  }
0x169: {  	[tilespmem:$0x1A48] =	vst v0  }
0x16a: {  	[tilespmem:$0x1A38] =	vst v0  }
0x16b: {  	[tilespmem:$0x1A28] =	vst v0  }
0x16c: {  	[tilespmem:$0x1A18] =	vst v0  }
0x16d: {  	[tilespmem:$0x1A08] =	vst v0  }
0x16e: {  	[tilespmem:$0x19F8] =	vst v0  }
0x16f: {  	[tilespmem:$0x19E8] =	vst v0  }
0x170: {  	[tilespmem:$0x19D8] =	vst v0  }
0x171: {  	[tilespmem:$0x19C8] =	vst v0  }
0x172: {  	[tilespmem:$0x19B8] =	vst v0  }
0x173: {  	[tilespmem:$0x19A8] =	vst v0  }
0x174: {  	[tilespmem:$0x1998] =	vst v0  }
0x175: {  	[tilespmem:$0x1988] =	vst v0  }
0x176: {  	[tilespmem:$0x1978] =	vst v0  }
0x177: {  	[tilespmem:$0x1968] =	vst v0  }
0x178: {  	[tilespmem:$0x1958] =	vst v0  }
0x179: {  	[tilespmem:$0x1948] =	vst v0  }
0x17a: {  	[tilespmem:$0x1938] =	vst v0  }
0x17b: {  	[tilespmem:$0x1928] =	vst v0  }
0x17c: {  	[tilespmem:$0x1918] =	vst v0  }
0x17d: {  	[tilespmem:$0x1908] =	vst v0  }
0x17e: {  	[tilespmem:$0x18F8] =	vst v0  }
0x17f: {  	[tilespmem:$0x18E8] =	vst v0  }
0x180: {  	[tilespmem:$0x18D8] =	vst v0  }
0x181: {  	[tilespmem:$0x18C8] =	vst v0  }
0x182: {  	[tilespmem:$0x18B8] =	vst v0  }
0x183: {  	[tilespmem:$0x18A8] =	vst v0  }
0x184: {  	[tilespmem:$0x1898] =	vst v0  }
0x185: {  	[tilespmem:$0x1888] =	vst v0  }
0x186: {  	[tilespmem:$0x1878] =	vst v0  }
0x187: {  	[tilespmem:$0x1868] =	vst v0  }
0x188: {  	[tilespmem:$0x1858] =	vst v0  }
0x189: {  	[tilespmem:$0x1848] =	vst v0  }
0x18a: {  	[tilespmem:$0x1838] =	vst v0  }
0x18b: {  	[tilespmem:$0x1828] =	vst v0  }
0x18c: {  	[tilespmem:$0x1818] =	vst v0  }
0x18d: {  	[tilespmem:$0x1808] =	vst v0  }
0x18e: {  	[tilespmem:$0x17F8] =	vst v0  }
0x18f: {  	[tilespmem:$0x17E8] =	vst v0  }
0x190: {  	[tilespmem:$0x17D8] =	vst v0  }
0x191: {  	[tilespmem:$0x17C8] =	vst v0  }
0x192: {  	[tilespmem:$0x17B8] =	vst v0  }
0x193: {  	[tilespmem:$0x17A8] =	vst v0  }
0x194: {  	[tilespmem:$0x1798] =	vst v0  }
0x195: {  	[tilespmem:$0x1788] =	vst v0  }
0x196: {  	[tilespmem:$0x1778] =	vst v0  }
0x197: {  	[tilespmem:$0x1768] =	vst v0  }
0x198: {  	[tilespmem:$0x1758] =	vst v0  }
0x199: {  	[tilespmem:$0x1748] =	vst v0  }
0x19a: {  	[tilespmem:$0x1738] =	vst v0  }
0x19b: {  	[tilespmem:$0x1728] =	vst v0  }
0x19c: {  	[tilespmem:$0x1718] =	vst v0  }
0x19d: {  	[tilespmem:$0x1708] =	vst v0  }
0x19e: {  	[tilespmem:$0x16F8] =	vst v0  }
0x19f: {  	[tilespmem:$0x16E8] =	vst v0  }
0x1a0: {  	[tilespmem:$0x16D8] =	vst v0  }
0x1a1: {  	[tilespmem:$0x16C8] =	vst v0  }
0x1a2: {  	[tilespmem:$0x16B8] =	vst v0  }
0x1a3: {  	[tilespmem:$0x16A8] =	vst v0  }
0x1a4: {  	[tilespmem:$0x1698] =	vst v0  }
0x1a5: {  	[tilespmem:$0x1688] =	vst v0  }
0x1a6: {  	[tilespmem:$0x1678] =	vst v0  }
0x1a7: {  	[tilespmem:$0x1668] =	vst v0  }
0x1a8: {  	[tilespmem:$0x1658] =	vst v0  }
0x1a9: {  	[tilespmem:$0x1648] =	vst v0  }
0x1aa: {  	[tilespmem:$0x1638] =	vst v0  }
0x1ab: {  	[tilespmem:$0x1628] =	vst v0  }
0x1ac: {  	[tilespmem:$0x1618] =	vst v0  }
0x1ad: {  	[tilespmem:$0x1608] =	vst v0  }
0x1ae: {  	[tilespmem:$0x15F8] =	vst v0  }
0x1af: {  	[tilespmem:$0x15E8] =	vst v0  }
0x1b0: {  	[tilespmem:$0x15D8] =	vst v0  }
0x1b1: {  	[tilespmem:$0x15C8] =	vst v0  }
0x1b2: {  	[tilespmem:$0x15B8] =	vst v0  }
0x1b3: {  	[tilespmem:$0x15A8] =	vst v0  }
0x1b4: {  	[tilespmem:$0x1598] =	vst v0  }
0x1b5: {  	[tilespmem:$0x1588] =	vst v0  }
0x1b6: {  	[tilespmem:$0x1578] =	vst v0  }
0x1b7: {  	[tilespmem:$0x1568] =	vst v0  }
0x1b8: {  	[tilespmem:$0x1558] =	vst v0  }
0x1b9: {  	[tilespmem:$0x1548] =	vst v0  }
0x1ba: {  	[tilespmem:$0x1538] =	vst v0  }
0x1bb: {  	[tilespmem:$0x1528] =	vst v0  }
0x1bc: {  	[tilespmem:$0x1518] =	vst v0  }
0x1bd: {  	[tilespmem:$0x1508] =	vst v0  }
0x1be: {  	[tilespmem:$0x14F8] =	vst v0  }
0x1bf: {  	[tilespmem:$0x14E8] =	vst v0  }
0x1c0: {  	[tilespmem:$0x14D8] =	vst v0  }
0x1c1: {  	[tilespmem:$0x14C8] =	vst v0  }
0x1c2: {  	[tilespmem:$0x14B8] =	vst v0  }
0x1c3: {  	[tilespmem:$0x14A8] =	vst v0  }
0x1c4: {  	[tilespmem:$0x1498] =	vst v0  }
0x1c5: {  	[tilespmem:$0x1488] =	vst v0  }
0x1c6: {  	[tilespmem:$0x1478] =	vst v0  }
0x1c7: {  	[tilespmem:$0x1468] =	vst v0  }
0x1c8: {  	[tilespmem:$0x1458] =	vst v0  }
0x1c9: {  	[tilespmem:$0x1448] =	vst v0  }
0x1ca: {  	[tilespmem:$0x1438] =	vst v0  }
0x1cb: {  	[tilespmem:$0x1428] =	vst v0  }
0x1cc: {  	[tilespmem:$0x1418] =	vst v0  }
0x1cd: {  	[tilespmem:$0x1408] =	vst v0  }
0x1ce: {  	[tilespmem:$0x13F8] =	vst v0  }
0x1cf: {  	[tilespmem:$0x13E8] =	vst v0  }
0x1d0: {  	[tilespmem:$0x13D8] =	vst v0  }
0x1d1: {  	[tilespmem:$0x13C8] =	vst v0  }
0x1d2: {  	[tilespmem:$0x13B8] =	vst v0  }
0x1d3: {  	[tilespmem:$0x13A8] =	vst v0  }
0x1d4: {  	[tilespmem:$0x1398] =	vst v0  }
0x1d5: {  	[tilespmem:$0x1388] =	vst v0  }
0x1d6: {  	[tilespmem:$0x1378] =	vst v0  }
0x1d7: {  	[tilespmem:$0x1368] =	vst v0  }
0x1d8: {  	[tilespmem:$0x1358] =	vst v0  }
0x1d9: {  	[tilespmem:$0x1348] =	vst v0  }
0x1da: {  	[tilespmem:$0x1338] =	vst v0  }
0x1db: {  	[tilespmem:$0x1328] =	vst v0  }
0x1dc: {  	[tilespmem:$0x1318] =	vst v0  }
0x1dd: {  	[tilespmem:$0x1308] =	vst v0  }
0x1de: {  	[tilespmem:$0x12F8] =	vst v0  }
0x1df: {  	[tilespmem:$0x12E8] =	vst v0  }
0x1e0: {  	[tilespmem:$0x12D8] =	vst v0  }
0x1e1: {  	[tilespmem:$0x12C8] =	vst v0  }
0x1e2: {  	[tilespmem:$0x12B8] =	vst v0  }
0x1e3: {  	[tilespmem:$0x12A8] =	vst v0  }
0x1e4: {  	[tilespmem:$0x1298] =	vst v0  }
0x1e5: {  	[tilespmem:$0x1288] =	vst v0  }
0x1e6: {  	[tilespmem:$0x1278] =	vst v0  }
0x1e7: {  	[tilespmem:$0x1268] =	vst v0  }
0x1e8: {  	[tilespmem:$0x1258] =	vst v0  }
0x1e9: {  	[tilespmem:$0x1248] =	vst v0  }
0x1ea: {  	[tilespmem:$0x1238] =	vst v0  }
0x1eb: {  	[tilespmem:$0x1228] =	vst v0  }
0x1ec: {  	[tilespmem:$0x1218] =	vst v0  }
0x1ed: {  	[tilespmem:$0x1208] =	vst v0  }
0x1ee: {  	[tilespmem:$0x11F8] =	vst v0  }
0x1ef: {  	[tilespmem:$0x11E8] =	vst v0  }
0x1f0: {  	[tilespmem:$0x11D8] =	vst v0  }
0x1f1: {  	[tilespmem:$0x11C8] =	vst v0  }
0x1f2: {  	[tilespmem:$0x11B8] =	vst v0  }
0x1f3: {  	[tilespmem:$0x11A8] =	vst v0  }
0x1f4: {  	[tilespmem:$0x1198] =	vst v0  }
0x1f5: {  	[tilespmem:$0x1188] =	vst v0  }
0x1f6: {  	[tilespmem:$0x1178] =	vst v0  }
0x1f7: {  	[tilespmem:$0x1168] =	vst v0  }
0x1f8: {  	[tilespmem:$0x1158] =	vst v0  }
0x1f9: {  	[tilespmem:$0x1148] =	vst v0  }
0x1fa: {  	[tilespmem:$0x1138] =	vst v0  }
0x1fb: {  	[tilespmem:$0x1128] =	vst v0  }
0x1fc: {  	[tilespmem:$0x1118] =	vst v0  }
0x1fd: {  	s4 =	stileid.u32;
	[tilespmem:$0x1108] =	vst v0  }
0x1fe: {  	s0 =	smul.u32 $0xB, s4;
	[tilespmem:$0x10F8] =	vst v0  }
0x1ff: {  	s1 =	smin.u32 s4, $0xA;
	[tilespmem:$0x10C8] =	vst v0  }
0x200: {  	[tilespmem:$0x10D8] =	vst v0;
	s0 =	sadd.s32 s1, s0  }
0x201: {  	p0 =	slt.u32 s4, $0xA;
	[tilespmem:$0x10B8] =	vst v0;
	s1 =	simm.s32 $0x1440;
	s6 =	smul.u32 $0x1B0, s0  }
0x202: {  	s1 =	simm.s32 @!p0 $0x1290;
	[tilespmem:$0x1038] =	vst v0  }
0x203: {  	[tilespmem:$0x10A8] =	vst v0;
	s0 =	sadd.s32 s1, s6  }
0x204: {  	s3 =	simm.s32 $0x2;
	s8 =	simm.s32 $0x9;
	[tilespmem:$0x1098] =	vst v0;
	s7 =	smin.u32 s0, $0x13880  }
0x205: {  	s10 =	simm.s32 $0xA;
	s30 =	simm.s32 $0xB;
	[tilespmem:$0x1088] =	vst v0;
	s0 =	ssub.s32 s7, s6  }
0x206: {  	s16 =	simm.s32 $0x0;
	p4 =	por $0x0, $0x0;
	[tilespmem:$0x1078] =	vst v0;
	p0 =	sgt.s32 s0, $0x0  }
0x207: {  	s17 =	simm.s32 $0xC;
	s21 =	simm.s32 $0x0;
	[tilespmem:$0x1058] =	vst v0;
	s0 =	simm.s32 @!p0 $0x0  }
0x208: {  	s18 =	simm.s32 $0x0;
	s2 =	sand.u32 $0x1, s2;
	[tilespmem:$0x1048] =	vst v0;
	s29 =	smulhi.u32 $0x4BDA12F7, s0  }
0x209: {  	s20 =	simm.s32 $0x0;
	s31 =	sshll.u32 s4, $0x5;
	[tilespmem:$0x1018] =	vst v0;
	[dreg:$0x5] =	wrdreg s2  }
0x20a: {  	s2 =	smul.u32 $0x2710, s2;
	[tilespmem:$0x1008] =	vst v0;
	[sflag:s3] =	ssyncpa.u1 $0x0;
	s1 =	sshrl.u32 s29, $0x7  }
0x20b: {  	v0 =	vimm.s32 $0xFFFFFFFF;
	s3 =	sadd.s32 $0x400, s11;
	[dreg:$0x4] =	wrdreg s31;
	s5 =	smul.u32 $0x1B0, s1  }
.Ltmp7:
0x20c: {  	[tilespmem:$0x3648] =	vst v0;
	[sflag:s8] =	ssyncpa.u1 $0x0;
	s2 =	sadd.s32 s2, s11;
	(pc) =	sbr.rel .LBB3_1-.Ltmp7, $4  }
0x20d: {  	[sflag:s10] =	ssyncpa.u1 $0x0;
	s11 =	sadd.s32 $0xA7E400, s11;
	p0 =	sne.s32 s0, s5  }
0x20e: {  	[sflag:s30] =	ssyncpa.u1 $0x0;
	s14 =	sadd.s32 $0xA79400, s2;
	s12 =	simm.s32 @!p0 $0x0  }
0x20f: {  	s15 =	sadd.s32 $0xA74400, s2;
	s19 =	smov.u32 s6;
	s12 =	sadd.s32 s12, s1  }
0x210: {  	v0 =	vlaneseq.u32;
	[dreg:$0x6] =	wrdreg s6;
	p0 =	por $0x1, $0x1;
	s4 =	sadd.s32 $0x1, s12  }
.LBB3_18:
0x211: {  	s0 =	simm.s32 $0x2  }
0x212: {  	_ =	swait.ge [sflag:s0], $0x0  }
0x213: {  	[sflag:s0] =	ssyncset.done $0x0;
	s0 =	simm.s32 $0x0  }
.LBB3_19:
0x214: {  	_ =	swait.ge [sflag:s17], s0  }
0x215: {  	s31 =	ssub.s32 $0x0, s0;
	v1 =	vmov s23;
	vm0 =	veq.s32 v0, $0x0;
	[sflag:s17] =	ssyncset.done $0x0  }
0x216: {  	vm15 =	veq.s32 v0, $0x2;
	v1 =	vsel vm0, s28, v1;
	[sflag:s17] =	ssyncadd.s32 s31  }
0x217: {  	v1 =	vsel vm15, s21, v1;
	[sflag:s17] =	ssyncpa.u1 $0x1  }
0x218: {  	[tilespmem:$0x3648] =	vst v1  }
.LBB3_20:
0x219: {  	s0 =	sadd.s32 $0x1B0, s19  }
0x21a: {  	s1 =	smov.u32 s6;
	p1 =	slt.s32 s0, s7  }
0x21b: {  	s1 =	smov.u32 @p1 s0;
	p1 =	sne.s32 s20, s4  }
.Ltmp8:
0x21c: {  	_ = 	snop;
	(pc) =	sbr.rel @!p1 .LBB3_21-.Ltmp8, $4  }
0x21d: {  	_ = 	snop  }
0x21e: {  	s21 =	smov.u32 s18  }
0x21f: {  	s31 =	sadd.s32 $0x1, s20;
	s18 =	smov.u32 s19;
	p0 =	por !p0, !p0  }
0x220: {  	p4 =	por !p4, !p4;
	s20 =	smov.u32 s31;
	s19 =	smov.u32 s1  }
.LBB3_1:
0x221: {  	p2 =	sge.u32 s20, s12  }
0x222: {  	s0 =	smulhi.u32 @!p2 $0xAAAAAAAB, s20  }
0x223: {  	s1 =	smov.u32 s19;
	p3 =	sgt.s32 @!p2 s19, $0x136D0  }
0x224: {  	s2 =	sshra.s32 @!p2 s19, $0x1F;
	p3 =	por !p3, p2;
	s0 =	sshrl.u32 @!p2 s0, $0x1  }
0x225: {  	s2 =	sand.u32 @!p2 s2, s19;
	s1 =	simm.s32 @p3 $0x136D0;
	s0 =	smul.u32 @!p2 $0x3, s0  }
0x226: {  	s1 =	ssub.s32 @!p2 s1, s2  }
0x227: {  	s23 =	sadd.s32 $0xFFFFFFFF, s20;
	s1 =	sadd.s32 @!p2 $0xFFFEC930, s1;
	s0 =	ssub.s32 @!p2 s20, s0  }
0x228: {  	s2 =	sshll.u32 @!p2 s1, $0x2;
	p3 =	sgt.s32 @!p2 s1, $0x1AF;
	s0 =	smul.u32 @!p2 $0x6C0, s0  }
0x229: {  	s5 =	sand.u32 @!p2 $0x7, s19;
	s1 =	ssub.s32 @!p2 $0x6C0, s2;
	p3 =	por !p3, p2  }
0x22a: {  	s2 =	sshrl.u32 @!p2 s19, $0x3;
	s1 =	sshrl.u32 @!p2 s1, $0x2;
	s0 =	sshrl.u32 @!p2 s0, $0x2  }
0x22b: {  	s2 =	sadd.s32 @!p2 s2, s14;
	s1 =	simm.s32 @!p3 $0x0;
	s0 =	sadd.s32 @!p2 $0x3888, s0  }
0x22c: {  	[tilespmem:s0], [sflag:$0xA] =	stream.linear.gather @!p2 [hbm4b:s2+s5], s1, $0x38;
	[tilespmem:$0x1F0F8] =	vst v63  }
0x22d: {  	p2 =	sge.u32 s23, s12  }
0x22e: {  	p3 =	sgt.s32 @!p2 s18, $0x136D0  }
0x22f: {  	s0 =	smov.u32 s18;
	s1 =	sshra.s32 @!p2 s18, $0x1F;
	p3 =	por !p3, p2  }
0x230: {  	s1 =	sand.u32 @!p2 s1, s18;
	s0 =	simm.s32 @p3 $0x136D0  }
0x231: {  	s0 =	ssub.s32 @!p2 s0, s1  }
0x232: {  	s0 =	sadd.s32 @!p2 $0xFFFEC930, s0  }
0x233: {  	s1 =	sshll.u32 @!p2 s0, $0x2  }
0x234: {  	p3 =	sgt.s32 @!p2 s0, $0x1AF;
	s0 =	ssub.s32 @!p2 $0x6C0, s1  }
0x235: {  	s22 =	ssub.s32 @!p2 $0x13880, s18;
	p3 =	por !p3, p2;
	s0 =	sshrl.u32 @!p2 s0, $0x2  }
0x236: {  	s1 =	sand.u32 @!p2 $0x1, s23;
	s0 =	simm.s32 @!p3 $0x0;
	p3 =	slt.s32 @!p2 s22, $0x1  }
0x237: {  	s2 =	simm.s32 @!p2 $0xA;
	s1 =	smul.u32 @!p2 $0x6C0, s1;
	p3 =	por p2, p3  }
.Ltmp9:
0x238: {  	_ =	swait.ge @!p2 [sflag:s2], s0;
	(pc) =	sbr.rel @p3 .LBB3_7-.Ltmp9, $4  }
0x239: {  	s5 =	ssub.s32 @!p2 $0x0, s0;
	[sflag:s2] =	ssyncset.done @!p2 $0x0  }
0x23a: {  	s1 =	sshrl.u32 @!p2 s1, $0x2;
	[sflag:s2] =	ssyncadd.s32 @!p2 s5;
	s2 =	sshrl.u32 @!p2 s18, $0x3  }
0x23b: {  	s1 =	sadd.s32 @!p2 $0x3D98, s1;
	s5 =	sand.u32 @!p2 $0x7, s18;
	s2 =	sadd.s32 @!p2 s2, s15  }
0x23c: {  	[tilespmem:s1], [sflag:$0xB] =	stream.linear.gather @!p2 [hbm4b:s2+s5], s0, $0x38;
	[tilespmem:$0x1F0F8] =	vst v63  }
0x23d: {  	s0 =	smulhi.u32 $0xAAAAAAAB, s23;
	_ =	sdelay $0x1  }
0x23e: {  	s0 =	sshrl.u32 s0, $0x1  }
0x23f: {  	s0 =	smul.u32 $0x3, s0;
	_ =	sdelay $0x1  }
0x240: {  	s0 =	ssub.s32 s23, s0  }
0x241: {  	s1 =	simm.s32 $0x1;
	s0 =	smul.u32 $0x6C0, s0  }
.Ltmp10:
0x242: {  	s1 =	simm.s32 @!p0 $0x0;
	(pc) =	sbr.rel .LBB3_4-.Ltmp10, $4  }
0x243: {  	s1 =	smul.u32 $0x36000, s1  }
0x244: {  	p3 =	slt.s32 @!p2 s22, $0x1B0;
	s0 =	sshrl.u32 s0, $0x2  }
0x245: {  	p2 =	por !p3, p2;
	s1 =	sshrl.u32 s1, $0x2;
	s0 =	sadd.s32 $0x3888, s0  }
0x246: {  	s24 =	simm.s32 $0x0;
	s22 =	simm.s32 @p2 $0x1B0;
	s23 =	sadd.s32 $0x40F8, s1;
	v1 =	vmov s0  }
.LBB3_3:
0x247: {  	p2 =	sge.s32 s24, s22  }
.Ltmp11:
0x248: {  	_ = 	snop;
	(pc) =	sbr.rel @p2 .LBB3_7-.Ltmp11, $2  }
0x249: {  	_ =	sdelay $0x2  }
0x24a: {  	s23 =	sadd.s32 $0x800, s23  }
.LBB3_4:
0x24b: {  	p2 =	sle.s32 s22, s24  }
.Ltmp12:
0x24c: {  	_ = 	snop;
	(pc) =	sbr.rel @p2 .LBB3_3-.Ltmp12, $2  }
0x24d: {  	_ =	sdelay $0x2  }
0x24e: {  	s0 =	smov.u32 s24;
	s24 =	sadd.s32 $0x10, s24  }
0x24f: {  	s1 =	ssub.s32 s22, s0  }
0x250: {  	p2 =	slt.s32 s1, $0x10  }
0x251: {  	s1 =	simm.s32 @!p2 $0x10  }
0x252: {  	v2 =	vmov s1  }
0x253: {  	vm0 =	vgt.s32 v2, v0;
	_ =	sdelay $0x5  }
0x254: {  	v2 =	vld.idx.msk [tilespmem:v1+s0+$0x0 ss:$0x1], vm0;
	_ =	sdelay $0x2  }
0x255: {  	p2 =	slt.s32 s24, s22;
	s1 =	smov.u32 s22  }
0x256: {  	s2 =	smov.u32 s23;
	s25 =	simm.s32 $0x0;
	s1 =	smov.u32 @p2 s24  }
.LBB3_6:
0x257: {  	(v2sf) =	vpush v2, s25;
	_ =	sdelay $0xc  }
0x258: {  	s25 =	sadd.s32 $0x1, s25  }
0x259: {  	s31 =	sadd.s32 s25, s0  }
0x25a: {  	p2 =	slt.s32 s31, s1;
	s5 =	spop (v2sf)  }
.Ltmp13:
0x25b: {  	s5 =	sshll.u32 s5, $0x4;
	(pc) =	sbr.rel @p2 .LBB3_6-.Ltmp13, $4  }
0x25c: {  	s5 =	sand.u32 $0x1FFFFFF0, s5  }
0x25d: {  	s5 =	sadd.s32 s11, s5  }
0x25e: {  	[tilespmem:s2], [sflag:$0x9] =	stream.linear.gather [hbm4b:s5+s16], $0x4, $0x38;
	[tilespmem:$0x1F0F8] =	vst v63  }
0x25f: {  	s2 =	sadd.s32 $0x80, s2  }
.Ltmp14:
0x260: {  	_ = 	snop;
	(pc) =	sbr.rel .LBB3_3-.Ltmp14, $1  }
0x261: {  	_ =	sdelay $0x3  }
.LBB3_7:
0x262: {  	p2 =	slt.u32 s20, $0x2  }
.Ltmp15:
0x263: {  	_ = 	snop;
	(pc) =	sbr.rel @p2 .LBB3_20-.Ltmp15, $1  }
0x264: {  	_ =	sdelay $0x3  }
0x265: {  	p2 =	sgt.s32 s21, $0x136D0  }
0x266: {  	s0 =	smov.u32 s21;
	s1 =	sshra.s32 s21, $0x1F;
	s2 =	ssub.s32 $0x13880, s21  }
0x267: {  	s0 =	simm.s32 @!p2 $0x136D0;
	s1 =	sand.u32 s1, s21;
	p2 =	slt.s32 s2, $0x1B0  }
0x268: {  	s0 =	ssub.s32 s0, s1;
	s2 =	simm.s32 @!p2 $0x1B0  }
0x269: {  	s0 =	sadd.s32 $0xFFFEC930, s0;
	s24 =	sshll.u32 s2, $0x2  }
0x26a: {  	s28 =	simm.s32 $0x9;
	s25 =	sshll.u32 s0, $0x2;
	s1 =	sand.u32 $0x3FFFFFFC, s24  }
0x26b: {  	p2 =	sgt.s32 s0, $0x1AF;
	s26 =	ssub.s32 $0x6C0, s25;
	_ =	swait.ge [sflag:s28], s1  }
0x26c: {  	s1 =	ssub.s32 $0x0, s1;
	[sflag:s28] =	ssyncset.done $0x0;
	s0 =	sshrl.u32 s26, $0x2  }
0x26d: {  	s30 =	simm.s32 $0xB;
	[sflag:s28] =	ssyncadd.s32 s1;
	s0 =	simm.s32 @p2 $0x0  }
0x26e: {  	_ =	swait.ge [sflag:s30], s0  }
0x26f: {  	s0 =	ssub.s32 $0x0, s0;
	[sflag:s30] =	ssyncset.done $0x0  }
0x270: {  	[sflag:s30] =	ssyncadd.s32 s0  }
0x271: {  	v1 =	vld [tilespmem:$0x3648];
	_ =	sdelay $0x4  }
0x272: {  	(v2sf) =	vpush v1, $0x0  }
0x273: {  	(v2sf) =	vpush v1, $0x1  }
0x274: {  	(v2sf) =	vpush v1, $0x2;
	_ =	sdelay $0x3  }
0x275: {  	s0 =	sadd.s32 $0x1B0, s21  }
0x276: {  	s1 =	ssub.s32 $0x27100, s21;
	p2 =	slt.s32 s7, s0  }
0x277: {  	s0 =	smov.u32 @p2 s7;
	p2 =	sgt.s32 s1, $0x0  }
0x278: {  	s25 =	ssub.s32 s0, s21;
	s1 =	simm.s32 @!p2 $0x0  }
0x279: {  	p2 =	slt.s32 s1, s25  }
0x27a: {  	s25 =	smov.u32 @p2 s1  }
0x27b: {  	s24 =	simm.s32 $0x1;
	p2 =	slt.s32 s25, $0x1  }
.Ltmp16:
0x27c: {  	s24 =	simm.s32 @!p4 $0x0;
	(pc) =	sbr.rel @p2 .LBB3_12-.Ltmp16, $4  }
0x27d: {  	s31 =	smul.u32 $0x6C0, s24  }
0x27e: {  	s26 =	spop (v2sf)  }
0x27f: {  	s0 =	sshrl.u32 s31, $0x2;
	s29 =	spop (v2sf)  }
0x280: {  	s22 =	sadd.s32 $0x3D98, s0;
	s21 =	spop (v2sf)  }
0x281: {  	s0 =	smin.u32 s25, $0x10  }
0x282: {  	v1 =	vmov s0  }
0x283: {  	p3 =	sgt.s32 s25, $0x10;
	vm1 =	vgt.u32 v1, v0  }
.Ltmp17:
0x284: {  	_ = 	snop;
	(pc) =	sbr.rel @!p3 .LBB3_11-.Ltmp17, $2  }
0x285: {  	_ =	sdelay $0x2  }
0x286: {  	s23 =	simm.s32 $0x10;
	s28 =	sadd.s32 $0xFFFFFFF0, s25;
	s0 =	smov.u32 s22;
	vm0 =	vmmov vm1  }
.LBB3_10:
0x287: {  	s1 =	smin.u32 s28, $0x10;
	s23 =	sadd.s32 $0x10, s23;
	v1 =	vld.msk [tilespmem:s0+$0x0 ss:$0x1], vm1  }
0x288: {  	v2 =	vmov s1;
	p3 =	slt.s32 s23, s25  }
0x289: {  	vm1 =	vgt.u32 v2, v0  }
.Ltmp18:
0x28a: {  	(pc) =	sbr.rel @p3 .LBB3_10-.Ltmp18, $3  }
0x28b: {  	_ =	sdelay $0x1  }
0x28c: {  	v1 =	vshll.u32 v1, $0x4  }
0x28d: {  	s28 =	sadd.s32 $0xFFFFFFF0, s28;
	[tilespmem:s0+$0x0] =	vst.msk vm0, v1;
	s0 =	sadd.s32 $0x10, s0;
	vm0 =	vmmov vm1  }
.LBB3_11:
0x28e: {  	_ =	sdelay $0x4  }
0x28f: {  	v1 =	vld.msk [tilespmem:s0+$0x0 ss:$0x1], vm1;
	_ =	sdelay $0x4  }
0x290: {  	v1 =	vshll.u32 v1, $0x4  }
0x291: {  	[tilespmem:s0+$0x0] =	vst.msk vm0, v1  }
.LBB3_12:
0x292: {  	s0 =	sand.u32 $0x1, s20  }
0x293: {  	s0 =	smul.u32 $0x1B0, s0  }
0x294: {  	p3 =	sne.s32 s29, $0xFFFFFFFF  }
0x295: {  	v1 =	vld.msk @!p3 [tilespmem:s0+$0x3D98], $0x1;
	_ =	sdelay $0x4  }
0x296: {  	(v2sf) =	vpush @!p3 v1, $0x0;
	_ =	sdelay $0xc  }
.Ltmp19:
0x297: {  	_ = 	snop;
	(pc) =	sbr.rel @p2 .LBB3_18-.Ltmp19, $4  }
0x298: {  	_ = 	snop  }
0x299: {  	s28 =	spop @!p3 (v2sf)  }
0x29a: {  	s21 =	simm.s32 @!p3 $0x0;
	s23 =	smov.u32 s28  }
0x29b: {  	[sflag:s17] =	ssyncpa.u1 $0x0;
	s28 =	smov.u32 @p3 s26;
	s23 =	smov.u32 @p3 s29  }
0x29c: {  	v1 =	vld.msk [tilespmem:s22+$0x0], $0x1;
	_ =	sdelay $0x4  }
0x29d: {  	(v2sf) =	vpush v1, $0x0;
	_ =	sdelay $0xe  }
0x29e: {  	s0 =	simm.s32 @!p4 $0x0;
	s26 =	smul.u32 $0x36000, s24;
	s31 =	spop (v2sf)  }
0x29f: {  	s29 =	ssub.s32 $0x0, s25;
	s0 =	simm.s32 @p4 $0x1;
	p2 =	seq.s32 s28, s31  }
0x2a0: {  	s1 =	smov.u32 s28;
	[smem:$0x7FD] =	sst s0;
	p3 =	sgt.s32 @!p2 s28, $0x0  }
0x2a1: {  	s0 =	sshrl.u32 s26, $0x2;
	s26 =	sadd.s32 $0x1, s29;
	p3 =	por !p3, p2  }
0x2a2: {  	s1 =	simm.s32 @p3 $0x0;
	p3 =	seq.s32 s26, $0x0  }
.Ltmp20:
0x2a3: {  	_ = 	snop;
	(pc) =	sbr.rel @p3 .LBB3_15-.Ltmp20, $4  }
0x2a4: {  	s6 =	smov.u32 s4;
	s25 =	simm.s32 $0x0  }
0x2a5: {  	s24 =	sadd.s32 $0x40F8, s0;
	s0 =	simm.s32 @!p2 $0x1;
	s2 =	smin.u32 @!p2 s1, $0x270FF  }
0x2a6: {  	s30 =	sadd.s32 $0x1, s22;
	s0 =	smov.u32 @p2 s25;
	s5 =	sand.u32 @!p2 $0x3FFF8, s2  }
0x2a7: {  	s1 =	simm.s32 @!p2 $0x1B38;
	s2 =	sand.u32 @!p2 $0x7, s2;
	s5 =	sadd.s32 @!p2 s3, s5  }
.LBB3_14:
0x2a8: {  	s4 =	smov.u32 s0  }
0x2a9: {  	[tilespmem:s1], [sflag:$0x2] =	stream.linear.gather @!p2 [hbm4b:s5+s2], $0x4, $0x38;
	[tilespmem:$0x1F0F8] =	vst v63  }
0x2aa: {  	s26 =	sadd.s32 $0x1, s26;
	s2 =	smov.u32 s31;
	v1 =	vld.msk [tilespmem:s30+$0x0], $0x1  }
0x2ab: {  	p3 =	seq.s32 s26, $0x0;
	_ =	sdelay $0x3  }
0x2ac: {  	(v2sf) =	vpush v1, $0x0;
	_ =	sdelay $0xe  }
0x2ad: {  	s31 =	spop (v2sf)  }
0x2ae: {  	p2 =	seq.s32 s2, s31  }
0x2af: {  	p4 =	sgt.s32 @!p2 s2, $0x0;
	s1 =	sshll.u32 @!p2 s0, $0x6;
	s0 =	sadd.s32 @!p2 $0x1, s0  }
.Ltmp21:
0x2b0: {  	p4 =	por !p4, p2;
	s1 =	sshra.s32 @!p2 s1, $0x2;
	(pc) =	sbr.rel @!p3 .LBB3_14-.Ltmp21, $4  }
0x2b1: {  	s0 =	smov.u32 @p2 s4;
	s2 =	simm.s32 @p4 $0x0;
	s1 =	sadd.s32 @!p2 $0x1B38, s1  }
0x2b2: {  	s2 =	smin.u32 @!p2 s2, $0x270FF  }
0x2b3: {  	s4 =	sand.u32 @!p2 $0x3FFF8, s2;
	s2 =	sand.u32 @!p2 $0x7, s2  }
0x2b4: {  	s30 =	sadd.s32 $0x1, s30;
	s5 =	sadd.s32 @!p2 s3, s4  }
.LBB3_15:
0x2b5: {  	[tilespmem:s1], [sflag:$0x2] =	stream.linear.gather @!p2 [hbm4b:s5+s2], $0x4, $0x38;
	[tilespmem:$0x1F0F8] =	vst v63  }
0x2b6: {  	s0 =	sshll.u32 s0, $0x2  }
0x2b7: {  	s31 =	simm.s32 $0x2;
	s0 =	sand.u32 $0x3FFFFFFC, s0  }
0x2b8: {  	_ =	swait.ge [sflag:s31], s0  }
0x2b9: {  	s0 =	ssub.s32 $0x0, s0;
	[sflag:s31] =	ssyncset.done $0x0  }
0x2ba: {  	[sflag:s31] =	ssyncadd.s32 s0  }
0x2bb: {  	v1 =	vld.msk [tilespmem:s22+$0x0], $0x1;
	_ =	sdelay $0x4  }
0x2bc: {  	(v2sf) =	vpush v1, $0x0;
	_ =	sdelay $0xe  }
0x2bd: {  	s26 =	spop (v2sf)  }
0x2be: {  	p2 =	sne.s32 s28, s26  }
0x2bf: {  	p4 =	sne.s32 @p2 s28, s23  }
0x2c0: {  	p3 =	por !p4, !p2  }
0x2c1: {  	s0 =	simm.s32 @!p3 $0x0  }
0x2c2: {  	v1 =	vld.msk @!p3 [tilespmem:s0+$0x1B38], $0xf  }
0x2c3: {  	p5 =	sgt.u32 @!p3 s28, $0x270FF  }
0x2c4: {  	s1 =	sshll.u32 @!p3 s21, $0x6;
	p6 =	por @p2 p5, !p4  }
0x2c5: {  	s1 =	sshra.s32 @!p3 s1, $0x2;
	p1 =	por p6, !p2;
	p6 =	por p4, !p2  }
0x2c6: {  	s2 =	sadd.s32 @!p3 $0x28, s1;
	s4 =	sand.u32 @!p1 $0x3FFF8, s28;
	s5 =	sshll.u32 @!p6 s21, $0x6  }
0x2c7: {  	s28 =	sand.u32 @!p1 $0x7, s28;
	[tilespmem:s1+$0x28] =	vst.add.f32.msk @!p3 $0xf, v1;
	s1 =	sadd.s32 @!p1 s3, s4;
	s4 =	sshra.s32 @!p6 s5, $0x2  }
0x2c8: {  	[hbm4b:s1+s28] =	stream.linear.scatter @!p1 [tilespmem:s2], [sflag:$0xC], $0x4, $0x38;
	[tilespmem:$0x1F0F8] =	vst v63  }
0x2c9: {  	s0 =	rddreg [dreg:$0x4];
	s1 =	sadd.s32 @!p6 $0x28, s4;
	s2 =	simm.s32 @!p6 $0x1  }
0x2ca: {  	[spmem:s0] =	stream.linear.scatter @!p6 [tilespmem:s1], [sflag:$0x1], $0x4, $0x38;
	[tilespmem:$0x1F0F8] =	vst v63  }
0x2cb: {  	s0 =	sadd.s32 @p2 $0x1, s21;
	_ =	swait.ge @!p6 [sflag:s2], $0x4  }
0x2cc: {  	s1 =	sshrl.u32 @p2 s0, $0x4;
	[sflag:s2] =	ssyncset.done @!p6 $0x0  }
0x2cd: {  	s1 =	smulhi.u32 @p2 $0x97B425F, s1;
	[sflag:s2] =	ssyncadd.s32 @!p6 $0xFFFFFFFC  }
0x2ce: {  	s28 =	sadd.s32 $0x1, s29;
	v1 =	vld.msk @p2 [tilespmem:s24+$0x0], $0xf  }
0x2cf: {  	p1 =	por @p2 !p5, !p4;
	p4 =	seq.s32 s28, $0x0;
	s1 =	smul.u32 @p2 $0x1B0, s1  }
.Ltmp22:
0x2d0: {  	p1 =	por !p1, !p2;
	s2 =	simm.s32 @!p3 $0x0;
	(pc) =	sbr.rel @p4 .LBB3_17-.Ltmp22, $4  }
0x2d1: {  	s4 =	sshll.u32 @!p2 s21, $0x6;
	s2 =	simm.s32 @!p1 $0x10;
	s0 =	ssub.s32 @p2 s0, s1  }
0x2d2: {  	s29 =	simm.s32 $0x0;
	s2 =	sadd.s32 @!p3 $0x0, s2;
	s5 =	sshll.u32 @p2 s0, $0x4  }
0x2d3: {  	s30 =	sshra.s32 @!p2 s4, $0x2;
	s1 =	simm.s32 @p2 $0x1;
	s2 =	smov.u32 @p3 s25;
	[tilespmem:s5+$0x28] =	vst.msk @p2 $0xf, v1  }
0x2d4: {  	s21 =	smov.u32 @p2 s0;
	s29 =	smov.u32 @p2 s2;
	s25 =	smov.u32 @p2 s1;
	v1 =	vld.msk @!p2 [tilespmem:s24+$0x0], $0xf  }
.LBB3_16:
0x2d5: {  	_ =	sdelay $0x3  }
0x2d6: {  	s22 =	sadd.s32 $0x1, s22;
	[tilespmem:s30+$0x28] =	vst.add.f32.msk @!p2 $0xf, v1  }
0x2d7: {  	v1 =	vld.msk [tilespmem:s22+$0x0], $0x1;
	_ =	sdelay $0x4  }
0x2d8: {  	(v2sf) =	vpush v1, $0x0;
	_ =	sdelay $0xe  }
0x2d9: {  	s0 =	smov.u32 s26;
	s26 =	spop (v2sf)  }
0x2da: {  	p2 =	sne.s32 s0, s26  }
0x2db: {  	p5 =	sne.s32 @p2 s0, s23  }
0x2dc: {  	s4 =	sshll.u32 @!p2 s21, $0x6;
	p4 =	por !p5, !p2  }
0x2dd: {  	s30 =	sshra.s32 @!p2 s4, $0x2;
	s4 =	sshll.u32 @!p4 s25, $0x6  }
0x2de: {  	s4 =	sshra.s32 @!p4 s4, $0x2  }
0x2df: {  	p1 =	sgt.u32 @!p4 s0, $0x270FF;
	v1 =	vld.msk @!p4 [tilespmem:s4+$0x1B38], $0xf  }
0x2e0: {  	s31 =	sshll.u32 @!p4 s21, $0x6;
	p6 =	por @p2 p1, !p5;
	p1 =	por @p2 !p1, !p5  }
0x2e1: {  	s8 =	simm.s32 @!p4 $0x0;
	s31 =	sshra.s32 @!p4 s31, $0x2;
	p1 =	por !p1, !p2  }
0x2e2: {  	p5 =	por p5, !p2;
	s8 =	simm.s32 @!p1 $0x10;
	p1 =	por p6, !p2  }
0x2e3: {  	s4 =	sadd.s32 @!p4 $0x28, s31;
	s13 =	sshll.u32 @!p5 s21, $0x6;
	s10 =	sand.u32 @!p1 $0x3FFF8, s0  }
0x2e4: {  	s13 =	sshra.s32 @!p5 s13, $0x2;
	s0 =	sand.u32 @!p1 $0x7, s0;
	s10 =	sadd.s32 @!p1 s3, s10;
	[tilespmem:s31+$0x28] =	vst.add.f32.msk @!p4 $0xf, v1  }
0x2e5: {  	[hbm4b:s10+s0] =	stream.linear.scatter @!p1 [tilespmem:s4], [sflag:$0xC], $0x4, $0x38;
	[tilespmem:$0x1F0F8] =	vst v63  }
0x2e6: {  	s1 =	rddreg [dreg:$0x4];
	s0 =	sadd.s32 @!p5 $0x28, s13;
	s4 =	simm.s32 @!p5 $0x1  }
0x2e7: {  	[spmem:s1] =	stream.linear.scatter @!p5 [tilespmem:s0], [sflag:$0x1], $0x4, $0x38;
	[tilespmem:$0x1F0F8] =	vst v63  }
0x2e8: {  	s2 =	sadd.s32 @p2 $0x1, s21;
	_ =	swait.ge @!p5 [sflag:s4], $0x4  }
0x2e9: {  	s5 =	sshrl.u32 @p2 s2, $0x4;
	[sflag:s4] =	ssyncset.done @!p5 $0x0  }
0x2ea: {  	s24 =	sadd.s32 $0x80, s24;
	s5 =	smulhi.u32 @p2 $0x97B425F, s5;
	[sflag:s4] =	ssyncadd.s32 @!p5 $0xFFFFFFFC  }
0x2eb: {  	s28 =	sadd.s32 $0x1, s28;
	v1 =	vld.msk @p2 [tilespmem:s24+$0x0], $0xf  }
0x2ec: {  	p3 =	seq.s32 s28, $0x0;
	s5 =	smul.u32 @p2 $0x1B0, s5  }
.Ltmp23:
0x2ed: {  	_ = 	snop;
	(pc) =	sbr.rel @!p3 .LBB3_16-.Ltmp23, $4  }
0x2ee: {  	s2 =	ssub.s32 @p2 s2, s5  }
0x2ef: {  	s8 =	sadd.s32 @!p4 s8, s29;
	s5 =	sshll.u32 @p2 s2, $0x4  }
0x2f0: {  	s9 =	sadd.s32 @p2 $0x1, s25;
	s8 =	smov.u32 @p4 s29;
	[tilespmem:s5+$0x28] =	vst.msk @p2 $0xf, v1  }
0x2f1: {  	s25 =	smov.u32 @p2 s9;
	s21 =	smov.u32 @p2 s2;
	s29 =	smov.u32 @p2 s8;
	v1 =	vld.msk @!p2 [tilespmem:s24+$0x0], $0xf  }
.LBB3_17:
.Ltmp24:
0x2f2: {  	_ = 	snop;
	(pc) =	sbr.rel .LBB3_19-.Ltmp24, $3  }
0x2f3: {  	s1 =	sld [smem:$0x7FD];
	_ =	sdelay $0x1  }
0x2f4: {  	s0 =	sshrl.u32 s29, $0x2;
	s28 =	smov.u32 s26  }
0x2f5: {  	s4 =	smov.u32 s6;
	s6 =	rddreg [dreg:$0x6];
	p4 =	seq.s32 s1, $0x1;
	[tilespmem:s30+$0x28] =	vst.add.f32.msk @!p2 $0xf, v1  }
.LBB3_21:
0x2f6: {  	_ =	sfence.sel $0x180000  }
0x2f7: {  	s0 =	simm.s32 $0x9;
	[bflag:$0x0] =	sbarrier.arrive $0xFFFF  }
0x2f8: {  	s24 =	simm.s32 $0xA;
	[sflag:s0] =	ssyncpa.u1 $0x1  }
0x2f9: {  	s25 =	simm.s32 $0xB;
	[sflag:s24] =	ssyncpa.u1 $0x1  }
0x2fa: {  	s26 =	simm.s32 $0x2;
	[sflag:s25] =	ssyncpa.u1 $0x1  }
0x2fb: {  	[sflag:s26] =	ssyncpa.u1 $0x1  }
0x2fc: {  	v0 =	vld [tilespmem:$0x3648];
	_ =	sdelay $0x4  }
0x2fd: {  	(v2sf) =	vpush v0, $0x0  }
0x2fe: {  	(v2sf) =	vpush v0, $0x1;
	_ =	sdelay $0x1  }
0x2ff: {  	(v2sf) =	vpush v0, $0x2;
	_ =	sdelay $0xb  }
0x300: {  	s0 =	spop (v2sf)  }
0x301: {  	s1 =	spop (v2sf)  }
0x302: {  	s2 =	smov.u32 s0;
	p0 =	sne.s32 s0, s1  }
0x303: {  	s4 =	spop (v2sf);
	s2 =	simm.s32 @!p0 $0xFFFFFFFF  }
0x304: {  	v2 =	vimm.s32 $0x1;
	v3 =	vlaneseq.u32;
	p0 =	seq.s32 s4, $0xFFFFFFFF;
	v1 =	vmov s2  }
0x305: {  	s16 =	stileid.u32;
	v0 =	vperm.xlane v0, v2;
	p1 =	sne.s32 @!p0 s0, s1;
	v1 =	vperm.xlane v1, v3  }
0x306: {  	vm0 =	vcmask $0x3F04;
	s6 =	simm.s32 $0x3648;
	s0 =	simm.s32 @!p0 $0x1;
	p1 =	por !p1, p0  }
0x307: {  	s2 =	sshll.u32 s16, $0x1;
	s1 =	sshll.u32 @!p0 s4, $0x6;
	s0 =	simm.s32 @p1 $0x0;
	v0 =	vsel vm0, v1, v0  }
0x308: {  	s5 =	sor.u32 $0x200, s2;
	s1 =	sshra.s32 @!p0 s1, $0x2;
	s0 =	sor.u32 @!p0 s0, s2;
	[tilespmem:$0x3648] =	vst v0  }
0x309: {  	[spmem:s5] =	stream.linear.scatter [tilespmem:s6], [sflag:$0x1], $0x2, $0x38;
	[tilespmem:$0x1F0F8] =	vst v63  }
0x30a: {  	s1 =	sadd.s32 @!p0 $0x28, s1;
	s0 =	sshll.u32 @!p0 s0, $0x4  }
0x30b: {  	[spmem:s0] =	stream.linear.scatter @!p0 [tilespmem:s1], [sflag:$0x1], $0x10, $0x38;
	[tilespmem:$0x1F0F8] =	vst v63  }
0x30c: {  	s0 =	simm.s32 @!p0 $0x12  }
0x30d: {  	s28 =	simm.s32 $0x1;
	s0 =	simm.s32 @p0 $0x2  }
0x30e: {  	_ =	swait.ge [sflag:s28], s0  }
0x30f: {  	s0 =	ssub.s32 $0x0, s0;
	[sflag:s28] =	ssyncset.done $0x0  }
0x310: {  	p0 =	sne.s32 s16, $0x0;
	[sflag:s28] =	ssyncadd.s32 s0  }
.Ltmp25:
0x311: {  	_ =	sfence.stream.spmem;
	(pc) =	sbr.rel @p0 .LBB3_38-.Ltmp25, $4  }
0x312: {  	s29 =	simm.s32 $0x3;
	[bflag:$0x0] =	sbarrier.arrive $0xFFFF  }
0x313: {  	s30 =	simm.s32 $0x4;
	[sflag:s29] =	ssyncpa.u1 $0x1  }
0x314: {  	s31 =	simm.s32 $0x3C;
	[sflag:s30] =	ssyncpa.u1 $0x1  }
0x315: {  	s17 =	rddreg [dreg:$0x5];
	[sflag:s31] =	ssyncpa.u1 $0x1  }
0x316: {  	_ =	sfence.stream.spmem;
	s0 =	simm.s32 $0x5  }
0x317: {  	s1 =	simm.s32 $0x200;
	s2 =	simm.s32 $0x3658;
	[sflag:s0] =	ssyncpa.u1 $0x0  }
0x318: {  	[tilespmem:s2], [sflag:$0x5] =	stream.linear.gather [spmem:s1], $0x20, $0x38;
	[tilespmem:$0x1F0F8] =	vst v63  }
0x319: {  	s26 =	simm.s32 $0x0;
	s28 =	simm.s32 $0x3678  }
0x31a: {  	[tilespmem:s28], [sflag:$0x5] =	stream.linear.gather [spmem:s26], $0x200, $0x38;
	[tilespmem:$0x1F0F8] =	vst v63  }
0x31b: {  	_ =	swait.ge [sflag:s0], $0x220  }
0x31c: {  	[sflag:s0] =	ssyncset.done $0x0  }
0x31d: {  	s29 =	simm.s32 $0x0;
	[sflag:s0] =	ssyncadd.s32 $0xFFFFFDE0  }
0x31e: {  	v0 =	vld.msk [tilespmem:s29+$0x3658], $0x1;
	_ =	sdelay $0x1  }
0x31f: {  	s30 =	simm.s32 $0x1  }
0x320: {  	v1 =	vld.msk [tilespmem:s30+$0x3658], $0x1;
	_ =	sdelay $0x1  }
0x321: {  	(v2sf) =	vpush v0, $0x0;
	_ =	sdelay $0x2  }
0x322: {  	(v2sf) =	vpush v1, $0x0;
	_ =	sdelay $0x2  }
0x323: {  	s31 =	simm.s32 $0x2  }
0x324: {  	v0 =	vld.msk [tilespmem:s31+$0x3658], $0x1;
	_ =	sdelay $0x2  }
0x325: {  	s6 =	simm.s32 $0xFFFFFFFF;
	s1 =	simm.s32 $0xFFFFFFFF;
	s0 =	simm.s32 $0xC  }
.LBB3_23:
0x326: {  	s2 =	smov.u32 s6;
	s4 =	smov.u32 s1  }
0x327: {  	s1 =	sshra.s32 s0, $0x2;
	p1 =	sne.s32 s0, $0x7C;
	s0 =	sadd.s32 $0x4, s0;
	(v2sf) =	vpush v0, $0x0  }
0x328: {  	v0 =	vld.msk [tilespmem:s1+$0x3658], $0x1  }
.Ltmp26:
0x329: {  	(pc) =	sbr.rel @p1 .LBB3_23-.Ltmp26, $4  }
0x32a: {  	s6 =	spop (v2sf)  }
0x32b: {  	p2 =	sne.s32 s4, $0xFFFFFFFF;
	s1 =	smov.u32 s6  }
0x32c: {  	p3 =	seq.s32 s6, $0xFFFFFFFF;
	s1 =	smov.u32 @p2 s4  }
0x32d: {  	s6 =	smov.u32 @p3 s2;
	s1 =	smov.u32 @p3 s4  }
0x32e: {  	(v2sf) =	vpush v0, $0x0;
	_ =	sdelay $0x8  }
0x32f: {  	s0 =	spop (v2sf)  }
0x330: {  	p1 =	sne.s32 s1, $0xFFFFFFFF;
	s2 =	smov.u32 s0  }
0x331: {  	s9 =	simm.s32 $0x6;
	p2 =	seq.s32 s0, $0xFFFFFFFF;
	s2 =	smov.u32 @p1 s1  }
0x332: {  	s10 =	simm.s32 $0x3638;
	s2 =	smov.u32 @p2 s1;
	s1 =	spop (v2sf)  }
0x333: {  	s0 =	smov.u32 @p2 s6;
	p1 =	sne.s32 s2, $0xFFFFFFFF;
	s4 =	smov.u32 s1  }
.Ltmp27:
0x334: {  	p2 =	seq.s32 s1, $0xFFFFFFFF;
	s4 =	smov.u32 @p1 s2;
	(pc) =	sbr.rel .LBB3_25-.Ltmp27, $4  }
0x335: {  	s11 =	simm.s32 $0x0;
	s4 =	smov.u32 @p2 s2;
	s7 =	spop (v2sf)  }
0x336: {  	[sflag:s9] =	ssyncpa.u1 $0x0;
	p1 =	sne.s32 s4, $0xFFFFFFFF;
	s8 =	smov.u32 s7  }
0x337: {  	s1 =	smov.u32 @p2 s0;
	p2 =	seq.s32 s7, $0xFFFFFFFF;
	s8 =	smov.u32 @p1 s4  }
0x338: {  	s6 =	simm.s32 $0x0;
	s7 =	smov.u32 @p2 s1;
	s8 =	smov.u32 @p2 s4  }
.LBB3_30:
0x339: {  	p1 =	sgt.u32 s12, $0x270FF  }
0x33a: {  	p2 =	seq.s32 @!p1 s12, s8  }
0x33b: {  	p1 =	por p1, p2  }
0x33c: {  	p2 =	sne.s32 @!p1 s12, s7  }
0x33d: {  	p1 =	por p1, !p2  }
0x33e: {  	s0 =	sshll.u32 @p1 s11, $0x6  }
0x33f: {  	s0 =	sand.u32 @!p1 $0x3FFF8, s12  }
0x340: {  	s1 =	sand.u32 @!p1 $0x7, s12;
	s0 =	sadd.s32 @!p1 s3, s0  }
0x341: {  	[tilespmem:s10], [sflag:$0x6] =	stream.linear.gather @!p1 [hbm4b:s0+s1], $0x4, $0x38;
	[tilespmem:$0x1F0F8] =	vst v63  }
0x342: {  	_ =	swait.ge @!p1 [sflag:s9], $0x4  }
0x343: {  	[sflag:s9] =	ssyncset.done @!p1 $0x0  }
0x344: {  	[sflag:s9] =	ssyncadd.s32 @!p1 $0xFFFFFFFC  }
0x345: {  	v1 =	vld @!p1 [tilespmem:$0x3638];
	_ =	sdelay $0x2  }
0x346: {  	s0 =	sshll.u32 @!p1 s11, $0x6  }
0x347: {  	s1 =	sshrl.u32 @!p1 s0, $0x2  }
0x348: {  	[tilespmem:s1+$0x3678] =	vst.add.f32.msk @!p1 $0xffff, v1  }
0x349: {  	s0 =	sshrl.u32 s0, $0x2;
	[tilespmem:s6+$0x3658] =	vst.msk $0x1, v0  }
0x34a: {  	v0 =	vld [tilespmem:s0+$0x3678];
	_ =	sdelay $0x2  }
0x34b: {  	s31 =	sshll.u32 s6, $0x6  }
0x34c: {  	s0 =	sshra.s32 s31, $0x2  }
0x34d: {  	s6 =	sadd.s32 $0x1, s6;
	[tilespmem:s0+$0x3678] =	vst v0  }
.LBB3_32:
0x34e: {  	s11 =	sadd.s32 $0x1, s11  }
0x34f: {  	p1 =	sne.s32 s11, $0x20  }
.Ltmp28:
0x350: {  	_ = 	snop;
	(pc) =	sbr.rel @!p1 .LBB3_33-.Ltmp28, $1  }
0x351: {  	_ =	sdelay $0x3  }
.LBB3_25:
0x352: {  	v0 =	vld.msk [tilespmem:s11+$0x3658], $0x1;
	_ =	sdelay $0x4  }
0x353: {  	(v2sf) =	vpush v0, $0x0;
	_ =	sdelay $0xe  }
0x354: {  	s12 =	spop (v2sf)  }
0x355: {  	p1 =	seq.s32 s12, $0xFFFFFFFF  }
.Ltmp29:
0x356: {  	_ = 	snop;
	(pc) =	sbr.rel @p1 .LBB3_32-.Ltmp29, $1  }
0x357: {  	_ =	sdelay $0x3  }
0x358: {  	p1 =	slt.s32 s6, $0x1  }
.Ltmp30:
0x359: {  	_ = 	snop;
	(pc) =	sbr.rel @p1 .LBB3_30-.Ltmp30, $1  }
0x35a: {  	_ =	sdelay $0x3  }
0x35b: {  	s13 =	simm.s32 $0x3658;
	p1 =	por $0x0, $0x0  }
0x35c: {  	v1 =	vld.msk @!p1 [tilespmem:s13+$0x0], $0x1;
	_ =	sdelay $0x4  }
0x35d: {  	(v2sf) =	vpush @!p1 v1, $0x0;
	_ =	sdelay $0xd  }
0x35e: {  	p3 =	sne.s32 s6, $0x1  }
.Ltmp31:
0x35f: {  	s0 =	spop @!p1 (v2sf);
	(pc) =	sbr.rel @!p3 .LBB3_29-.Ltmp31, $4  }
0x360: {  	p2 =	seq.s32 @!p1 s12, s0  }
0x361: {  	s14 =	simm.s32 $0x0;
	p2 =	por !p2, p1  }
0x362: {  	s0 =	simm.s32 $0xFFFFFFFF;
	s14 =	simm.s32 @p2 $0xFFFFFFFF  }
0x363: {  	s15 =	simm.s32 $0x1;
	s14 =	smov.u32 @p1 s0  }
.LBB3_28:
0x364: {  	s0 =	smov.u32 s14;
	p1 =	sne.s32 s14, $0xFFFFFFFF  }
0x365: {  	s13 =	sadd.s32 $0x1, s13;
	s14 =	smov.u32 s15;
	s15 =	sadd.s32 $0x1, s15  }
0x366: {  	p2 =	sne.s32 s6, s15;
	v1 =	vld.msk @!p1 [tilespmem:s13+$0x0], $0x1;
	_ =	sdelay $0x4  }
0x367: {  	(v2sf) =	vpush @!p1 v1, $0x0;
	_ =	sdelay $0xe  }
.Ltmp32:
0x368: {  	s1 =	spop @!p1 (v2sf);
	(pc) =	sbr.rel @p2 .LBB3_28-.Ltmp32, $4  }
0x369: {  	p3 =	seq.s32 @!p1 s12, s1  }
0x36a: {  	p3 =	por !p3, p1  }
0x36b: {  	s14 =	simm.s32 @p3 $0xFFFFFFFF  }
0x36c: {  	s14 =	smov.u32 @p1 s0  }
.LBB3_29:
0x36d: {  	p1 =	sne.s32 s14, $0xFFFFFFFF  }
.Ltmp33:
0x36e: {  	_ = 	snop;
	(pc) =	sbr.rel @!p1 .LBB3_30-.Ltmp33, $1  }
0x36f: {  	_ =	sdelay $0x3  }
0x370: {  	s0 =	sshll.u32 s11, $0x4  }
0x371: {  	s0 =	sand.u32 $0x3FFFFFF0, s0  }
0x372: {  	v0 =	vld [tilespmem:s0+$0x3678]  }
.Ltmp34:
0x373: {  	_ = 	snop;
	(pc) =	sbr.rel .LBB3_32-.Ltmp34, $4  }
0x374: {  	_ = 	snop  }
0x375: {  	s31 =	sshll.u32 s14, $0x6  }
0x376: {  	s0 =	sshra.s32 s31, $0x2  }
0x377: {  	[tilespmem:s0+$0x3678] =	vst.add.f32.msk $0xffff, v0  }
.LBB3_33:
0x378: {  	s0 =	simm.s32 $0x6;
	p1 =	seq.s32 s6, $0x0  }
0x379: {  	[sflag:s0] =	ssyncpa.u1 $0x1;
	v0 =	vimm.s32 @p1 $0xFFFFFFFF  }
0x37a: {  	s9 =	sadd.s32 $0xFFFFFFFF, s6;
	[tilespmem:$0x3878] =	vst @p1 v0  }
0x37b: {  	v0 =	vld.msk @!p1 [tilespmem:s9+$0x3658], $0x1;
	_ =	sdelay $0x1  }
0x37c: {  	v1 =	vld.msk @!p1 [tilespmem:$0x3658], $0x1;
	_ =	sdelay $0x2  }
0x37d: {  	p2 =	seq.s32 @!p1 s9, $0x0;
	v0 =	vbroadcast @!p1 v0, $0x0  }
0x37e: {  	vm0 =	vmmov @!p1 $0x1;
	p2 =	por !p2, p1  }
0x37f: {  	v1 =	vnsel @!p1 vm0, $0xFFFFFFFF, v1;
	vm0 =	vcmask @!p1 $0x308;
	v0 =	vpsel !p2, $0xFFFFFFFF, v0  }
0x380: {  	p2 =	sne.s32 @!p1 s8, s7;
	v0 =	vsel @!p1 vm0, v1, v0  }
0x381: {  	s0 =	simm.s32 @!p1 $0x3678;
	s1 =	simm.s32 @!p1 $0x0;
	p3 =	por !p2, p1;
	[tilespmem:$0x3878] =	vst @!p1 v0  }
0x382: {  	[spmem:s1] =	stream.linear.scatter @!p1 [tilespmem:s0], [sflag:$0x1], $0x10, $0x38;
	[tilespmem:$0x1F0F8] =	vst v63  }
0x383: {  	s0 =	sshll.u32 @!p3 s9, $0x6  }
0x384: {  	s0 =	sshra.s32 @!p3 s0, $0x2  }
0x385: {  	s1 =	simm.s32 @!p3 $0x10;
	s0 =	sadd.s32 @!p3 $0x3678, s0  }
0x386: {  	[spmem:s1] =	stream.linear.scatter @!p3 [tilespmem:s0], [sflag:$0x1], $0x10, $0x38;
	[tilespmem:$0x1F0F8] =	vst v63  }
0x387: {  	s0 =	simm.s32 @!p3 $0x1  }
0x388: {  	_ =	swait.ge @!p3 [sflag:s0], $0x20  }
0x389: {  	p1 =	por p2, p1;
	[sflag:s0] =	ssyncset.done @!p3 $0x0  }
0x38a: {  	[sflag:s0] =	ssyncadd.s32 @!p3 $0xFFFFFFE0;
	s0 =	simm.s32 @!p1 $0x1  }
0x38b: {  	_ =	swait.ge @!p1 [sflag:s0], $0x10  }
0x38c: {  	s29 =	simm.s32 $0x3878;
	[sflag:s0] =	ssyncset.done @!p1 $0x0  }
0x38d: {  	s30 =	simm.s32 $0x200;
	s31 =	simm.s32 $0x1;
	[sflag:s0] =	ssyncadd.s32 @!p1 $0xFFFFFFF0  }
0x38e: {  	[spmem:s30] =	stream.linear.scatter [tilespmem:s29], [sflag:$0x1], $0x10, $0x38;
	[tilespmem:$0x1F0F8] =	vst v63  }
0x38f: {  	_ =	swait.ge [sflag:s31], $0x10  }
0x390: {  	[sflag:s31] =	ssyncset.done $0x0  }
0x391: {  	p1 =	seq.s32 s17, $0x0;
	s8 =	rddreg [dreg:$0x1];
	[sflag:s31] =	ssyncadd.s32 $0xFFFFFFF0  }
0x392: {  	s1 =	sshll.u32 @p1 s8, $0xE;
	s7 =	rddreg [dreg:$0x2]  }
0x393: {  	s0 =	sadd.s32 @p1 $0x15C3C, s1;
	s1 =	sshll.u32 @p1 s7, $0x11  }
0x394: {  	_ =	sfence.stream.spmem;
	s0 =	sor.u32 @p1 s1, s0  }
0x395: {  	[sflag:s0] =	ssyncadd.remote.s32 @p1 $0x1;
	s0 =	simm.s32 @p1 $0x4  }
0x396: {  	s2 =	simm.s32 @!p1 $0x3C;
	s1 =	sand.u32 $0xFFFFFFFE, s8;
	_ =	swait.ge @p1 [sflag:s0], $0x6  }
0x397: {  	s4 =	simm.s32 @!p1 $0x0;
	s1 =	sadd.s32 @!p1 $0x4, s1;
	[sflag:s0] =	ssyncset.done @p1 $0x0  }
0x398: {  	s5 =	simm.s32 @!p1 $0x20;
	[sflag:s0] =	ssyncadd.s32 @p1 $0xFFFFFFFA;
	s0 =	sshll.u32 @!p1 s1, $0x1A  }
0x399: {  	s1 =	sshll.u32 @!p1 s1, $0xD;
	s0 =	sor.u32 @!p1 s0, s7;
	_ =	swait.eq @!p1 [sflag:s2], $0x1  }
0x39a: {  	s1 =	sor.u32 @!p1 $0x1C04, s1;
	s2 =	simm.s32 @!p1 $0x1C03;
	s0 =	sor.u32 @!p1 $0x80004000, s0  }
0x39b: {  	[spmem:s5], [sflag:s1] =	dma.general @!p1 [spmem:s4], [sflag:s2], length:$0x4, [dreg:$0x0], stride_count:$0x0, ici_dest:s0, dma_misc:DstOpCode:WRITE  }
0x39c: {  	p2 =	slt.s32 s9, $0x2;
	s4 =	simm.s32 @!p1 $0x40;
	s5 =	simm.s32 @!p1 $0x42  }
0x39d: {  	[spmem:s5], [sflag:s1] =	dma.general @!p1 [spmem:s4], [sflag:s2], length:$0x2, [dreg:$0x0], stride_count:$0x0, ici_dest:s0, dma_misc:DstOpCode:WRITE  }
.Ltmp35:
0x39e: {  	s0 =	simm.s32 @!p1 $0x3;
	(pc) =	sbr.rel @p2 .LBB3_37-.Ltmp35, $4  }
0x39f: {  	s1 =	sshll.u32 @!p1 s8, $0xE;
	_ =	swait.ge @!p1 [sflag:s0], $0x6  }
0x3a0: {  	s2 =	sshll.u32 @!p1 s7, $0x11;
	s1 =	sadd.s32 @!p1 $0x11C3C, s1;
	[sflag:s0] =	ssyncset.done @!p1 $0x0  }
0x3a1: {  	[sflag:s0] =	ssyncadd.s32 @!p1 $0xFFFFFFFA;
	s0 =	sor.u32 @!p1 s2, s1  }
0x3a2: {  	[sflag:s0] =	ssyncadd.remote.s32 @!p1 $0xFFFFFFFF;
	s0 =	simm.s32 $0x0  }
0x3a3: {  	s0 =	simm.s32 $0x3659  }
0x3a4: {  	v0 =	vld.msk [tilespmem:s0+$0x0], $0x1;
	_ =	sdelay $0x4  }
0x3a5: {  	(v2sf) =	vpush v0, $0x0;
	_ =	sdelay $0xd  }
0x3a6: {  	s2 =	sadd.s32 $0xFFFFFFFE, s6  }
0x3a7: {  	s2 =	sadd.s32 $0xFFFFFFFF, s2;
	s0 =	spop (v2sf)  }
0x3a8: {  	p2 =	sne.s32 s2, $0x0;
	p1 =	sgt.u32 s0, $0x270FF  }
.Ltmp36:
0x3a9: {  	s4 =	sand.u32 @!p1 $0x3FFF8, s0;
	(pc) =	sbr.rel @!p2 .LBB3_36-.Ltmp36, $4  }
0x3aa: {  	s1 =	simm.s32 $0x3688;
	s0 =	sand.u32 @!p1 $0x7, s0;
	s4 =	sadd.s32 @!p1 s3, s4  }
0x3ab: {  	[hbm4b:s4+s0] =	stream.linear.scatter @!p1 [tilespmem:s1], [sflag:$0x5], $0x4, $0x38;
	[tilespmem:$0x1F0F8] =	vst v63  }
0x3ac: {  	s0 =	simm.s32 $0x0  }
0x3ad: {  	s6 =	simm.s32 $0x0;
	s7 =	simm.s32 $0x365A;
	s0 =	simm.s32 @!p1 $0x10  }
.LBB3_35:
0x3ae: {  	v0 =	vld.msk [tilespmem:s7+$0x0], $0x1;
	s2 =	sadd.s32 $0xFFFFFFFF, s2;
	s6 =	sadd.s32 s6, s0  }
0x3af: {  	p1 =	sne.s32 s2, $0x0;
	_ =	sdelay $0x3  }
0x3b0: {  	(v2sf) =	vpush v0, $0x0;
	_ =	sdelay $0xe  }
.Ltmp37:
0x3b1: {  	s4 =	spop (v2sf);
	(pc) =	sbr.rel @p1 .LBB3_35-.Ltmp37, $4  }
0x3b2: {  	s0 =	simm.s32 $0x0;
	p2 =	sgt.u32 s4, $0x270FF  }
0x3b3: {  	s1 =	sadd.s32 $0x10, s1;
	s0 =	simm.s32 @!p2 $0x10;
	s5 =	sand.u32 @!p2 $0x3FFF8, s4  }
0x3b4: {  	s7 =	sadd.s32 $0x1, s7;
	s4 =	sand.u32 @!p2 $0x7, s4;
	s5 =	sadd.s32 @!p2 s3, s5  }
0x3b5: {  	[hbm4b:s5+s4] =	stream.linear.scatter @!p2 [tilespmem:s1], [sflag:$0x5], $0x4, $0x38;
	[tilespmem:$0x1F0F8] =	vst v63  }
.LBB3_36:
0x3b6: {  	s0 =	sadd.s32 s6, s0  }
0x3b7: {  	s0 =	sshrl.u32 s0, $0x2  }
.LBB3_37:
0x3b8: {  	s1 =	simm.s32 $0x5  }
0x3b9: {  	_ =	swait.ge [sflag:s1], s0  }
0x3ba: {  	s31 =	ssub.s32 $0x0, s0;
	[sflag:s1] =	ssyncset.done $0x0  }
0x3bb: {  	[sflag:s1] =	ssyncadd.s32 s31  }
0x3bc: {  	[sflag:s1] =	ssyncpa.u1 $0x1  }
.LBB3_38:
0x3bd: {  	s0 =	sor.u32 s17, s16  }
0x3be: {  	p1 =	sne.s32 s0, $0x0  }
.Ltmp38:
0x3bf: {  	_ = 	snop;
	(pc) =	sbr.rel @p1 .LBB3_53-.Ltmp38, $3  }
0x3c0: {  	_ =	sdelay $0x1  }
0x3c1: {  	[bflag:$0x0] =	sbarrier.arrive $0xFFFF  }
0x3c2: {  	_ =	sfence  }
0x3c3: {  	s0 =	simm.s32 $0x7  }
0x3c4: {  	s1 =	simm.s32 $0x200;
	s2 =	simm.s32 $0x3658;
	[sflag:s0] =	ssyncpa.u1 $0x0  }
0x3c5: {  	[tilespmem:s2], [sflag:$0x7] =	stream.linear.gather [spmem:s1], $0x20, $0x38;
	[tilespmem:$0x1F0F8] =	vst v63  }
0x3c6: {  	s30 =	simm.s32 $0x3678;
	s1 =	simm.s32 $0x0  }
0x3c7: {  	[tilespmem:s30], [sflag:$0x7] =	stream.linear.gather [spmem:s1], $0x200, $0x38;
	[tilespmem:$0x1F0F8] =	vst v63  }
.Ltmp39:
0x3c8: {  	_ = 	snop;
	(pc) =	sbr.rel .LBB3_40-.Ltmp39, $4  }
0x3c9: {  	_ =	swait.ge [sflag:s0], $0x220  }
0x3ca: {  	[sflag:s0] =	ssyncset.done $0x0  }
0x3cb: {  	s31 =	simm.s32 $0x8;
	[sflag:s0] =	ssyncadd.s32 $0xFFFFFDE0  }
0x3cc: {  	s2 =	simm.s32 $0x0;
	[sflag:s31] =	ssyncpa.u1 $0x0  }
.LBB3_45:
0x3cd: {  	p1 =	slt.u32 s4, $0x27100  }
0x3ce: {  	s0 =	sand.u32 @p1 $0x3FFF8, s4  }
0x3cf: {  	s4 =	sand.u32 @p1 $0x7, s4;
	s5 =	simm.s32 @p1 $0x3638;
	s0 =	sadd.s32 @p1 s3, s0  }
0x3d0: {  	[tilespmem:s5], [sflag:$0x8] =	stream.linear.gather @p1 [hbm4b:s0+s4], $0x4, $0x38;
	[tilespmem:$0x1F0F8] =	vst v63  }
0x3d1: {  	s0 =	simm.s32 @p1 $0x8  }
0x3d2: {  	_ =	swait.ge @p1 [sflag:s0], $0x4  }
0x3d3: {  	[sflag:s0] =	ssyncset.done @p1 $0x0  }
0x3d4: {  	[sflag:s0] =	ssyncadd.s32 @p1 $0xFFFFFFFC  }
0x3d5: {  	v1 =	vld @p1 [tilespmem:$0x3638];
	_ =	sdelay $0x2  }
0x3d6: {  	s0 =	sshll.u32 @p1 s2, $0x6  }
0x3d7: {  	s5 =	sshll.u32 @!p1 s2, $0x6;
	s4 =	sshrl.u32 @p1 s0, $0x2  }
0x3d8: {  	s5 =	smov.u32 @p1 s0;
	[tilespmem:s4+$0x3678] =	vst.add.f32.msk @p1 $0xffff, v1  }
0x3d9: {  	s0 =	sshrl.u32 s5, $0x2;
	[tilespmem:s1+$0x3658] =	vst.msk $0x1, v0  }
0x3da: {  	v0 =	vld [tilespmem:s0+$0x3678];
	_ =	sdelay $0x2  }
0x3db: {  	s31 =	sshll.u32 s1, $0x6  }
0x3dc: {  	s0 =	sshra.s32 s31, $0x2  }
0x3dd: {  	s1 =	sadd.s32 $0x1, s1;
	[tilespmem:s0+$0x3678] =	vst v0  }
.LBB3_47:
0x3de: {  	s2 =	sadd.s32 $0x1, s2  }
0x3df: {  	p1 =	sne.s32 s2, $0x20  }
.Ltmp40:
0x3e0: {  	_ = 	snop;
	(pc) =	sbr.rel @!p1 .LBB3_48-.Ltmp40, $1  }
0x3e1: {  	_ =	sdelay $0x3  }
.LBB3_40:
0x3e2: {  	v0 =	vld.msk [tilespmem:s2+$0x3658], $0x1;
	_ =	sdelay $0x4  }
0x3e3: {  	(v2sf) =	vpush v0, $0x0;
	_ =	sdelay $0xe  }
0x3e4: {  	s4 =	spop (v2sf)  }
0x3e5: {  	p1 =	seq.s32 s4, $0xFFFFFFFF  }
.Ltmp41:
0x3e6: {  	_ = 	snop;
	(pc) =	sbr.rel @p1 .LBB3_47-.Ltmp41, $1  }
0x3e7: {  	_ =	sdelay $0x3  }
0x3e8: {  	p1 =	slt.s32 s1, $0x1  }
.Ltmp42:
0x3e9: {  	_ = 	snop;
	(pc) =	sbr.rel @p1 .LBB3_45-.Ltmp42, $1  }
0x3ea: {  	_ =	sdelay $0x3  }
0x3eb: {  	s5 =	simm.s32 $0x3658;
	p1 =	por $0x0, $0x0  }
0x3ec: {  	v1 =	vld.msk @!p1 [tilespmem:s5+$0x0], $0x1;
	_ =	sdelay $0x4  }
0x3ed: {  	(v2sf) =	vpush @!p1 v1, $0x0;
	_ =	sdelay $0xd  }
0x3ee: {  	p3 =	sne.s32 s1, $0x1  }
.Ltmp43:
0x3ef: {  	s0 =	spop @!p1 (v2sf);
	(pc) =	sbr.rel @!p3 .LBB3_44-.Ltmp43, $4  }
0x3f0: {  	p2 =	seq.s32 @!p1 s4, s0  }
0x3f1: {  	s6 =	simm.s32 $0x0;
	p2 =	por !p2, p1  }
0x3f2: {  	s0 =	simm.s32 $0xFFFFFFFF;
	s6 =	simm.s32 @p2 $0xFFFFFFFF  }
0x3f3: {  	s7 =	simm.s32 $0x1;
	s6 =	smov.u32 @p1 s0  }
.LBB3_43:
0x3f4: {  	s0 =	smov.u32 s6;
	p1 =	sne.s32 s6, $0xFFFFFFFF  }
0x3f5: {  	s5 =	sadd.s32 $0x1, s5;
	s6 =	smov.u32 s7;
	s7 =	sadd.s32 $0x1, s7  }
0x3f6: {  	p2 =	sne.s32 s1, s7;
	v1 =	vld.msk @!p1 [tilespmem:s5+$0x0], $0x1;
	_ =	sdelay $0x4  }
0x3f7: {  	(v2sf) =	vpush @!p1 v1, $0x0;
	_ =	sdelay $0xe  }
.Ltmp44:
0x3f8: {  	s8 =	spop @!p1 (v2sf);
	(pc) =	sbr.rel @p2 .LBB3_43-.Ltmp44, $4  }
0x3f9: {  	p3 =	seq.s32 @!p1 s4, s8  }
0x3fa: {  	p3 =	por !p3, p1  }
0x3fb: {  	s6 =	simm.s32 @p3 $0xFFFFFFFF  }
0x3fc: {  	s6 =	smov.u32 @p1 s0  }
.LBB3_44:
0x3fd: {  	p1 =	sne.s32 s6, $0xFFFFFFFF  }
.Ltmp45:
0x3fe: {  	_ = 	snop;
	(pc) =	sbr.rel @!p1 .LBB3_45-.Ltmp45, $1  }
0x3ff: {  	_ =	sdelay $0x3  }
0x400: {  	s0 =	sshll.u32 s2, $0x4  }
0x401: {  	s0 =	sand.u32 $0x3FFFFFF0, s0  }
0x402: {  	v0 =	vld [tilespmem:s0+$0x3678]  }
.Ltmp46:
0x403: {  	_ = 	snop;
	(pc) =	sbr.rel .LBB3_47-.Ltmp46, $4  }
0x404: {  	_ = 	snop  }
0x405: {  	s31 =	sshll.u32 s6, $0x6  }
0x406: {  	s0 =	sshra.s32 s31, $0x2  }
0x407: {  	[tilespmem:s0+$0x3678] =	vst.add.f32.msk $0xffff, v0  }
.LBB3_48:
0x408: {  	p1 =	slt.s32 s1, $0x1  }
.Ltmp47:
0x409: {  	_ = 	snop;
	(pc) =	sbr.rel @p1 .LBB3_52-.Ltmp47, $3  }
0x40a: {  	_ =	sdelay $0x1  }
0x40b: {  	s0 =	simm.s32 $0x8  }
0x40c: {  	s2 =	simm.s32 $0x0;
	[sflag:s0] =	ssyncpa.u1 $0x1  }
0x40d: {  	s0 =	simm.s32 $0x3658  }
0x40e: {  	v0 =	vld.msk [tilespmem:s0+$0x0], $0x1;
	_ =	sdelay $0x4  }
0x40f: {  	(v2sf) =	vpush v0, $0x0;
	_ =	sdelay $0xe  }
0x410: {  	s1 =	sadd.s32 $0xFFFFFFFF, s1;
	s0 =	spop (v2sf)  }
0x411: {  	p2 =	sne.s32 s1, $0x0;
	p1 =	sgt.u32 s0, $0x270FF  }
.Ltmp48:
0x412: {  	s5 =	sand.u32 @!p1 $0x3FFF8, s0;
	(pc) =	sbr.rel @!p2 .LBB3_51-.Ltmp48, $4  }
0x413: {  	s4 =	simm.s32 $0x3678;
	s0 =	sand.u32 @!p1 $0x7, s0;
	s5 =	sadd.s32 @!p1 s3, s5  }
0x414: {  	[hbm4b:s5+s0] =	stream.linear.scatter @!p1 [tilespmem:s4], [sflag:$0x7], $0x4, $0x38;
	[tilespmem:$0x1F0F8] =	vst v63  }
0x415: {  	s0 =	simm.s32 $0x0  }
0x416: {  	s5 =	simm.s32 $0x3659;
	s0 =	simm.s32 @!p1 $0x10  }
.LBB3_50:
0x417: {  	v0 =	vld.msk [tilespmem:s5+$0x0], $0x1;
	s1 =	sadd.s32 $0xFFFFFFFF, s1;
	s2 =	sadd.s32 s2, s0  }
0x418: {  	p1 =	sne.s32 s1, $0x0;
	_ =	sdelay $0x3  }
0x419: {  	(v2sf) =	vpush v0, $0x0;
	_ =	sdelay $0xe  }
.Ltmp49:
0x41a: {  	s6 =	spop (v2sf);
	(pc) =	sbr.rel @p1 .LBB3_50-.Ltmp49, $4  }
0x41b: {  	s0 =	simm.s32 $0x0;
	p2 =	sgt.u32 s6, $0x270FF  }
0x41c: {  	s4 =	sadd.s32 $0x10, s4;
	s0 =	simm.s32 @!p2 $0x10;
	s7 =	sand.u32 @!p2 $0x3FFF8, s6  }
0x41d: {  	s5 =	sadd.s32 $0x1, s5;
	s6 =	sand.u32 @!p2 $0x7, s6;
	s7 =	sadd.s32 @!p2 s3, s7  }
0x41e: {  	[hbm4b:s7+s6] =	stream.linear.scatter @!p2 [tilespmem:s4], [sflag:$0x7], $0x4, $0x38;
	[tilespmem:$0x1F0F8] =	vst v63  }
.LBB3_51:
0x41f: {  	s0 =	sadd.s32 s2, s0  }
0x420: {  	s2 =	sshrl.u32 s0, $0x2  }
.LBB3_52:
0x421: {  	s0 =	simm.s32 $0x7  }
0x422: {  	_ =	swait.ge [sflag:s0], s2  }
0x423: {  	s1 =	ssub.s32 $0x0, s2;
	[sflag:s0] =	ssyncset.done $0x0  }
0x424: {  	[sflag:s0] =	ssyncadd.s32 s1  }
0x425: {  	[sflag:s0] =	ssyncpa.u1 $0x1  }
.LBB3_53:
0x426: {  	_ =	sfence;
	s0 =	simm.s32 $0x1  }
0x427: {  	[sflag:s0] =	ssyncpa.u1 $0x1  }
0x428: {  	_ =	strace $0x9000004D  }
0x429: {  	[bflag:$0x2] =	sbarrier.arrive $0xFFFF  }
0x42a: {  	s0 =	rddreg [dreg:$0x3]  }
0x42b: {  	s0 =	sadd.s32 @!p0 $0x100000, s0  }
0x42c: {  	[sflag:s0] =	ssyncadd.tile.s32 @!p0 $0x1;
	_ =	shalt  }
.Lfunc_end3:
_tile_overlayer_lowered:
.L_overlay_start_3:
0x42d: {  	(tag) =	ssettag $0x3  }
0x42e: {  	s0 =	rddreg [dreg:$0x0];
	s2 =	stileid.u32  }
0x42f: {  	s1 =	rddreg [dreg:$0x1];
	p0 =	sne.s32 s2, $0x0  }
0x430: {  	s3 =	rddreg [dreg:$0x2];
	[bflag:$0x3] =	sbarrier.arrive $0xFFFF;
	s2 =	simm.s32 @!p0 $0x1C01  }
0x431: {  	[timem:s3], [sflag:s2] =	dma.local @!p0 [hbm:s0], s1  }
0x432: {  	s0 =	simm.s32 @!p0 $0x1  }
0x433: {  	_ =	swait.ge @!p0 [sflag:s0], s1  }
0x434: {  	s1 =	ssub.s32 @!p0 $0x0, s1;
	[sflag:s0] =	ssyncset.done @!p0 $0x0  }
0x435: {  	[sflag:s0] =	ssyncadd.s32 @!p0 s1  }
0x436: {  	[bflag:$0x3] =	sbarrier.arrive $0xFFFF  }
0x437: {  	_ =	shalt  }

// kernel: scatter_offload_async_start.3
scs
__scs_entry_jumppad:
0x0: {  	(pc) =	sbr.rel $0x88, $3  }
0x1: {  	(tag) =	ssettag $0x0;
	lr =	simm.s32 $0x1  }
0x2: {  	[smem:$0x3F99] =	sst lr;
	_ =	strace $0xD0000000  }
0x3: {  	_ = 	snop  }
0x4: {  	_ = 	snop  }
0x5: {  	_ = 	snop  }
0x6: {  	_ = 	snop  }
0x7: {  	_ = 	snop  }
__scs_overlays_trampoline_lowered:
0x8: {  	[smem:$0x3FA8] =	sst s0  }
0x9: {  	[smem:$0x3FA9] =	sst s1  }
0xa: {  	[smem:$0x3FAA] =	sst s2  }
0xb: {  	[smem:$0x3FAB] =	sst s3  }
0xc: {  	[smem:$0x3FAC] =	sst s4  }
0xd: {  	[smem:$0x3FAD] =	sst s5  }
0xe: {  	[smem:$0x3FAE] =	sst s6  }
0xf: {  	[smem:$0x3FAF] =	sst s7  }
0x10: {  	[smem:$0x3FB0] =	sst s8  }
0x11: {  	[smem:$0x3FB1] =	sst s9;
	s0 =	simm.s32 @!p0 $0x0  }
0x12: {  	s1 =	sld [smem:$0x3F97];
	s0 =	simm.s32 @p0 $0x1  }
0x13: {  	[smem:$0x3FB2] =	sst s0;
	s0 =	simm.s32 @!p1 $0x0  }
0x14: {  	s2 =	sld [smem:$0x3F96];
	s0 =	simm.s32 @p1 $0x1  }
0x15: {  	[smem:$0x3FB3] =	sst s0;
	s0 =	simm.s32 @!p2 $0x0  }
0x16: {  	s3 =	sld [smem:$0x3FDB];
	s0 =	simm.s32 @p2 $0x1  }
0x17: {  	s4 =	simm.s32 $0x1BF5;
	[smem:$0x3FB5] =	sst s0  }
0x18: {  	s0 =	sld [smem:$0x3F98];
	_ =	swait.ge [sflag:s4], $0x0  }
0x19: {  	s7 =	sld [smem:$0x3F99]  }
0x1a: {  	s8 =	sadd.s32 $0xFFFFE003, lr  }
0x1b: {  	s9 =	sadd.s32 $0xFFFFFEF7, lr;
	s5 =	simm.s32 $0xFFFFFFFF;
	p2 =	slt.u32 s8, $0xFFFFF086  }
0x1c: {  	p1 =	slt.u32 s9, $0xF7A;
	s5 =	simm.s32 @!p2 $0x0  }
0x1d: {  	s5 =	simm.s32 @p1 $0x1;
	p0 =	seq.s32 s7, s2  }
0x1e: {  	s7 =	smul.u32 @!p0 $0xF7A, s2;
	p2 =	seq.s32 @!p0 s5, $0x0  }
0x1f: {  	s9 =	smul.u32 $0xF7A, s1;
	s8 =	simm.s32 @!p0 $0x1BF5;
	p2 =	por !p2, p0  }
0x20: {  	[sflag:s8] =	ssyncset.s32 @!p0 $0xFFFFF086;
	s6 =	sadd.s32 @!p0 s3, s7;
	s7 =	simm.s32 @!p0 $0x108  }
0x21: {  	s3 =	sadd.s32 s3, s9;
	s6 =	sadd.s32 @!p0 $0x88, s6;
	s7 =	simm.s32 @p2 $0x1082  }
0x22: {  	[simem:s7], [sflag:s8] =	dma.local @!p0 [hbm:s6], $0xF7A  }
0x23: {  	s9 =	sor.u32 $0xD0000000, s2;
	s6 =	simm.s32 $0x108;
	_ =	swait.ge @!p0 [sflag:s8], $0x0  }
0x24: {  	s3 =	sadd.s32 $0x88, s3;
	s6 =	simm.s32 @!p1 $0x1082;
	[sflag:s4] =	ssyncset.s32 $0xFFFFF086  }
0x25: {  	[simem:s6], [sflag:s4] =	dma.local [hbm:s3], $0xF7A  }
0x26: {  	[smem:$0x3F99] =	sst s1;
	(tag) =	ssettag s2;
	_ =	strace s9  }
0x27: {  	s1 =	sld [smem:$0x3FA9]  }
0x28: {  	s2 =	sld [smem:$0x3FAA]  }
0x29: {  	s4 =	sld [smem:$0x3FAC]  }
0x2a: {  	p0 =	seq.s32 s5, $0x0;
	s5 =	sld [smem:$0x3FAD]  }
0x2b: {  	s6 =	sld [smem:$0x3FAE]  }
0x2c: {  	s7 =	sld [smem:$0x3FAF]  }
0x2d: {  	s3 =	simm.s32 $0x108;
	s8 =	sld [smem:$0x3FB0]  }
0x2e: {  	s3 =	simm.s32 @!p0 $0x1082;
	s9 =	sld [smem:$0x3FB1]  }
0x2f: {  	lr =	sadd.s32 s0, s3;
	s0 =	sld [smem:$0x3FA8]  }
0x30: {  	s3 =	sld [smem:$0x3FAB]  }
0x31: {  	[smem:$0x3FB4] =	sst s10  }
0x32: {  	s10 =	sld [smem:$0x3FB2];
	_ =	sdelay $0x3  }
0x33: {  	p0 =	seq.s32 s10, $0x1;
	s10 =	sld [smem:$0x3FB4];
	_ =	sdelay $0x3  }
0x34: {  	[smem:$0x3FB4] =	sst s10  }
0x35: {  	s10 =	sld [smem:$0x3FB3];
	_ =	sdelay $0x3  }
0x36: {  	p1 =	seq.s32 s10, $0x1;
	s10 =	sld [smem:$0x3FB4];
	_ =	sdelay $0x3  }
0x37: {  	[smem:$0x3FB4] =	sst s10  }
0x38: {  	s10 =	sld [smem:$0x3FB5]  }
0x39: {  	_ = 	snop;
	(pc) =	sbr.ind lr, $3  }
0x3a: {  	_ = 	snop  }
0x3b: {  	_ = 	snop  }
0x3c: {  	p2 =	seq.s32 s10, $0x1;
	s10 =	sld [smem:$0x3FB4]  }
0x3d: {  	_ =	shalt  }
0x3e: {  	_ =	shalt  }
0x3f: {  	_ =	shalt  }
0x40: {  	_ =	shalt  }
0x41: {  	_ =	shalt  }
0x42: {  	_ =	shalt  }
0x43: {  	_ =	shalt  }
0x44: {  	_ =	shalt  }
0x45: {  	_ =	shalt  }
0x46: {  	_ =	shalt  }
0x47: {  	_ =	shalt  }
0x48: {  	_ =	shalt  }
0x49: {  	_ =	shalt  }
0x4a: {  	_ =	shalt  }
0x4b: {  	_ =	shalt  }
0x4c: {  	_ =	shalt  }
0x4d: {  	_ =	shalt  }
0x4e: {  	_ =	shalt  }
0x4f: {  	_ =	shalt  }
0x50: {  	_ =	shalt  }
0x51: {  	_ =	shalt  }
0x52: {  	_ =	shalt  }
0x53: {  	_ =	shalt  }
0x54: {  	_ =	shalt  }
0x55: {  	_ =	shalt  }
0x56: {  	_ =	shalt  }
0x57: {  	_ =	shalt  }
0x58: {  	_ =	shalt  }
0x59: {  	_ =	shalt  }
0x5a: {  	_ =	shalt  }
0x5b: {  	_ =	shalt  }
0x5c: {  	_ =	shalt  }
0x5d: {  	_ =	shalt  }
0x5e: {  	_ =	shalt  }
0x5f: {  	_ =	shalt  }
0x60: {  	_ =	shalt  }
0x61: {  	_ =	shalt  }
0x62: {  	_ =	shalt  }
0x63: {  	_ =	shalt  }
0x64: {  	_ =	shalt  }
0x65: {  	_ =	shalt  }
0x66: {  	_ =	shalt  }
0x67: {  	_ =	shalt  }
0x68: {  	_ =	shalt  }
0x69: {  	_ =	shalt  }
0x6a: {  	_ =	shalt  }
0x6b: {  	_ =	shalt  }
0x6c: {  	_ =	shalt  }
0x6d: {  	_ =	shalt  }
0x6e: {  	_ =	shalt  }
0x6f: {  	_ =	shalt  }
0x70: {  	_ =	shalt  }
0x71: {  	_ =	shalt  }
0x72: {  	_ =	shalt  }
0x73: {  	_ =	shalt  }
0x74: {  	_ =	shalt  }
0x75: {  	_ =	shalt  }
0x76: {  	_ =	shalt  }
0x77: {  	_ =	shalt  }
0x78: {  	_ =	shalt  }
0x79: {  	_ =	shalt  }
0x7a: {  	_ =	shalt  }
0x7b: {  	_ =	shalt  }
0x7c: {  	_ =	shalt  }
0x7d: {  	_ =	shalt  }
0x7e: {  	_ =	shalt  }
0x7f: {  	_ =	shalt  }
0x80: {  	_ =	shalt  }
0x81: {  	_ =	shalt  }
0x82: {  	_ =	shalt  }
0x83: {  	_ =	shalt  }
0x84: {  	_ =	shalt  }
0x85: {  	_ =	shalt  }
0x86: {  	_ =	shalt  }
0x87: {  	_ =	shalt  }
.Lfunc_end0:
.L_simem_size_0:
called_computation.3_lowered:
.L_overlay_start_0:
0x88: {  	s2 =	sld [smem:$0x3FD9]  }
0x89: {  	s3 =	sld [smem:$0x3FFE];
	_ =	sdelay $0x1  }
0x8a: {  	s1 =	srdreg.scid  }
0x8b: {  	s0 =	sand.u32 $0x1, s1  }
0x8c: {  	s12 =	sshll.u32 s0, $0xA;
	s2 =	sadd.s32 s3, s2  }
0x8d: {  	s2 =	sadd.s32 s2, s12  }
0x8e: {  	[smem:$0x3FC0] =	sst s2  }
0x8f: {  	_ = 	snop  }
0x90: {  	s4 =	sld [smem:$0x3FD0];
	(tm) =	ssettm $0x1  }
0x91: {  	s13 =	sld [smem:$0x3FFB];
	_ =	sdelay $0x3  }
0x92: {  	_ =	strace s13  }
0x93: {  	s2 =	sld [smem:$0x3FFC];
	_ =	sdelay $0x3  }
0x94: {  	_ =	strace s2  }
0x95: {  	s2 =	sld [smem:$0x3FFD];
	_ =	sdelay $0x3  }
0x96: {  	_ =	strace s2  }
0x97: {  	_ =	strace $0x8FFFFFFF  }
0x98: {  	s14 =	sld [smem:$0x3FDB];
	_ =	sdelay $0x1  }
0x99: {  	s15 =	simm.s32 $_scs_section_size  }
0x9a: {  	s5 =	simm.s32 $_size__tile_overlayer_lowered;
	s6 =	simm.s32 $_tile_overlayer_lowered  }
0x9b: {  	s19 =	simm.s32 $0x1BFF;
	s17 =	sshll.u32 s6, $0x1;
	s7 =	sadd.s32 s15, s14  }
0x9c: {  	s20 =	simm.s32 $0x0;
	s16 =	sshll.u32 s5, $0x1;
	s18 =	sadd.s32 s17, s7  }
0x9d: {  	[timem:s20], [sflag:s19] =	dma.local [hbm:s18], s16  }
0x9e: {  	_ =	swait.ge [sflag:s19], s16  }
0x9f: {  	s3 =	ssub.s32 $0x0, s16;
	[sflag:s19] =	ssyncset.done $0x0  }
0xa0: {  	[sflag:s19] =	ssyncadd.s32 s3;
	_ =	sdelay $0x1  }
0xa1: {  	s21 =	simm.s32 $0x1B8B  }
0xa2: {  	_ =	swait.ge [sflag:s21], $0x1  }
0xa3: {  	[sflag:s21] =	ssyncset.done $0x0  }
0xa4: {  	[sflag:s21] =	ssyncadd.s32 $0xFFFFFFFF  }
0xa5: {  	s3 =	sld [smem:$0x0]  }
0xa6: {  	s5 =	sand.u32 $0xFFFFFFFE, s1  }
0xa7: {  	p0 =	sne.s32 s1, s5  }
0xa8: {  	s5 =	sshll.u32 @p0 s5, $0xE  }
0xa9: {  	s6 =	sadd.s32 @p0 $0x11B8D, s5;
	s8 =	sshll.u32 @p0 s3, $0x11  }
0xaa: {  	s6 =	sor.u32 @p0 s8, s6  }
0xab: {  	[sflag:s6] =	ssyncadd.remote.s32 @p0 $0x1;
	_ =	sdelay $0x1  }
0xac: {  	s6 =	simm.s32 @p0 $0x1B8D  }
0xad: {  	_ =	swait.eq @p0 [sflag:s6], $0x1  }
0xae: {  	[sflag:s6] =	ssyncadd.s32 @p0 $0xFFFFFFFF  }
0xaf: {  	s8 =	sshll.u32 @!p0 s1, $0xE  }
0xb0: {  	s8 =	sor.u32 @!p0 $0x4000, s8;
	s6 =	simm.s32 @!p0 $0x1B8D  }
0xb1: {  	s10 =	sshll.u32 @!p0 s3, $0x11;
	s9 =	sadd.s32 @!p0 $0x11B8D, s8;
	_ =	swait.eq @!p0 [sflag:s6], $0x1  }
0xb2: {  	[sflag:s6] =	ssyncadd.s32 @!p0 $0xFFFFFFFF;
	s6 =	sor.u32 @!p0 s10, s9  }
0xb3: {  	s23 =	simm.s32 $0x1B8E;
	s22 =	sld [smem:$0x3FFE];
	[sflag:s6] =	ssyncadd.remote.s32 @!p0 $0x1  }
0xb4: {  	s24 =	simm.s32 $execute0_lowered;
	[smem:$0x3FD2] =	sst s23  }
0xb5: {  	s9 =	sshll.u32 s24, $0x1;
	_ =	strace $0x8000004F;
	[dreg:$0x1] =	wrdreg $0xFFFFFFFF  }
0xb6: {  	s25 =	simm.s32 $_size_execute0_lowered;
	s9 =	sadd.s32 s7, s9;
	[dreg:$0x0] =	wrdreg $0x0  }
0xb7: {  	s10 =	sshll.u32 s25, $0x1;
	[dreg:$0x2] =	wrdreg s9  }
0xb8: {  	[dreg:$0x3] =	wrdreg s10  }
0xb9: {  	[dreg:$0x4] =	wrdreg $0xC0  }
0xba: {  	s26 =	simm.s32 $execute1_lowered;
	_ =	task [dreg:s20], $0x5FFFF  }
0xbb: {  	s9 =	sshll.u32 s26, $0x1;
	[dreg:$0x1] =	wrdreg $0xFFFFFFFF  }
0xbc: {  	s7 =	sadd.s32 s7, s9;
	[dreg:$0x0] =	wrdreg $0x60  }
0xbd: {  	[dreg:$0x2] =	wrdreg s7  }
0xbe: {  	[dreg:$0x3] =	wrdreg s4  }
0xbf: {  	[dreg:$0x4] =	wrdreg s22  }
0xc0: {  	[dreg:$0x5] =	wrdreg $0xF  }
0xc1: {  	_ =	task.clear_ibuf [dreg:s20], $0x6FFFF;
	_ =	strace $0x9000004F  }
0xc2: {  	s28 =	simm.s32 $0xF;
	_ =	strace $0x80000051  }
0xc3: {  	_ =	swait.ge [sflag:s28], $0x1  }
0xc4: {  	[sflag:s28] =	ssyncadd.s32 $0xFFFFFFFF  }
0xc5: {  	_ =	strace $0x90000051  }
0xc6: {  	s4 =	sld [smem:$0x0];
	_ =	sdelay $0x3  }
0xc7: {  	s5 =	sadd.s32 @p0 $0x11BF3, s5;
	s7 =	sshll.u32 @p0 s4, $0x11  }
0xc8: {  	s5 =	sor.u32 @p0 s7, s5  }
0xc9: {  	[sflag:s5] =	ssyncadd.remote.s32 @p0 $0x1;
	_ =	sdelay $0x1  }
0xca: {  	s5 =	simm.s32 @p0 $0x1BF3  }
0xcb: {  	_ =	swait.eq @p0 [sflag:s5], $0x1  }
0xcc: {  	[sflag:s5] =	ssyncadd.s32 @p0 $0xFFFFFFFF;
	_ =	sdelay $0x1  }
0xcd: {  	s5 =	simm.s32 @!p0 $0x1BF3  }
0xce: {  	s4 =	sshll.u32 @!p0 s4, $0x11;
	s7 =	sadd.s32 @!p0 $0x11BF3, s8;
	_ =	swait.eq @!p0 [sflag:s5], $0x1  }
0xcf: {  	s4 =	sor.u32 @!p0 s4, s7;
	[sflag:s5] =	ssyncadd.s32 @!p0 $0xFFFFFFFF  }
0xd0: {  	[sflag:s4] =	ssyncadd.remote.s32 @!p0 $0x1  }
0xd1: {  	_ =	strace $0x80000052;
	[dreg:$0x1] =	wrdreg $0xFFFFFFFF  }
0xd2: {  	[dreg:$0x0] =	wrdreg $0x2030  }
0xd3: {  	[dreg:$0x2] =	wrdreg s22  }
0xd4: {  	[dreg:$0x3] =	wrdreg s1  }
0xd5: {  	[dreg:$0x4] =	wrdreg s3  }
0xd6: {  	[dreg:$0x5] =	wrdreg $0x10  }
0xd7: {  	_ =	task.clear_ibuf [dreg:s20], $0x6FFFF;
	_ =	strace $0x90000052  }
0xd8: {  	s29 =	simm.s32 $0x10;
	_ =	strace $0x80000054  }
0xd9: {  	_ =	swait.ge [sflag:s29], $0x1  }
0xda: {  	[sflag:s29] =	ssyncadd.s32 $0xFFFFFFFF  }
0xdb: {  	_ =	strace $0x90000054  }
0xdc: {  	_ =	sfence  }
0xdd: {  	s30 =	sld [smem:$0x0];
	_ =	sdelay $0x2  }
0xde: {  	s31 =	sshll.u32 s1, $0xD;
	s1 =	sshrl.u32 s1, $0x2  }
0xdf: {  	s4 =	sand.u32 $0x4000, s31;
	s1 =	sadd.s32 s1, s30  }
0xe0: {  	s0 =	sor.u32 s4, s0;
	s1 =	sshll.u32 s1, $0x11  }
0xe1: {  	s0 =	sor.u32 s1, s0  }
0xe2: {  	s0 =	sadd.s32 $0x8F2B, s0  }
0xe3: {  	[sflag:s0] =	ssyncadd.remote.s32 $0x1  }
0xe4: {  	_ =	sfence.sel $0xFFFF  }
0xe5: {  	[dreg:$0x0] =	wrdreg $0xFFFFFFFF;
	(pc) =	sbr.abs _section_cstart, $3  }
0xe6: {  	[dreg:$0x1] =	wrdreg $0xFFFFFFFF  }
0xe7: {  	_ =	task.clear_ibuf [dreg:s20], $0x2FFFF;
	_ =	strace $0x9FFFFFFF  }
0xe8: {  	(tm) =	ssettm $0x7FFFFFFF  }
0xe9: {  	_ =	shalt  }
tec
execute0_lowered:
.L_overlay_start_1:
0x0: {  	(tag) =	ssettag $0x1  }
0x1: {  	s2 =	rddreg [dreg:$0x0]  }
0x2: {  	s8 =	rddreg [dreg:$0x1]  }
0x3: {  	s3 =	rddreg [dreg:$0x2]  }
0x4: {  	s0 =	rddreg [dreg:$0x3];
	s4 =	stileid.u32;
	[bflag:$0x3] =	sbarrier.arrive $0xFFFF  }
0x5: {  	s1 =	simm.s32 $_size_execute1_lowered;
	s31 =	srdreg.scid;
	p0 =	sne.s32 s4, $0x0  }
0x6: {  	s1 =	sshll.u32 s1, $0x1;
	s5 =	simm.s32 @!p0 $0x1C3F;
	s6 =	simm.s32 @!p0 $0x4060  }
0x7: {  	[timem:s6], [sflag:s5] =	dma.local @!p0 [hbm:s2], s1  }
0x8: {  	s9 =	simm.s32 $0x2;
	s13 =	simm.s32 $0x0;
	s2 =	sshll.u32 s31, $0x9  }
0x9: {  	s12 =	simm.s32 $0x0;
	s4 =	sshll.u32 s4, $0xA;
	s2 =	sand.u32 $0x200, s2  }
0xa: {  	s3 =	sadd.s32 $0x27600, s3;
	s6 =	simm.s32 $0x3;
	s2 =	sor.u32 s4, s2  }
0xb: {  	_ =	strace $0x80000050;
	s4 =	simm.s32 $0x1;
	s5 =	ssub.s32 $0x2710, s2  }
0xc: {  	[sflag:s4] =	ssyncpa.u1 $0x0;
	s7 =	smax.u32 s2, $0x2510;
	s10 =	sshll.u32 s2, $0x4  }
0xd: {  	p2 =	sgt.u32 s2, $0x270F;
	p1 =	sgt.s32 s5, $0x0;
	s7 =	sshll.u32 s7, $0x7  }
0xe: {  	s11 =	sadd.s32 $0xFFFD8F00, s10;
	[sflag:s9] =	ssyncpa.u1 $0x0;
	s5 =	simm.s32 @!p1 $0x0  }
.Ltmp0:
0xf: {  	s7 =	ssub.s32 $0x138800, s7;
	s5 =	sand.u32 $0x3F10, s5;
	(pc) =	sbr.rel .LBB2_1-.Ltmp0, $4  }
0x10: {  	s7 =	sshrl.u32 s7, $0x2;
	p1 =	sne.s32 s5, $0x0;
	s5 =	simm.s32 $0x1  }
0x11: {  	s5 =	simm.s32 @!p1 $0x0;
	s6 =	simm.s32 @!p1 $0x2;
	p1 =	slt.u32 s2, $0x2710  }
0x12: {  	s9 =	simm.s32 $0x20;
	s7 =	simm.s32 @p2 $0x0;
	s11 =	smov.u32 @p1 s10  }
0x13: {  	s10 =	simm.s32 $0x80;
	s8 =	sadd.s32 s8, s11;
	s11 =	simm.s32 $0x0  }
.LBB2_5:
0x14: {  	_ =	sdelay $0x3  }
0x15: {  	[tilespmem:v1+s16+$0x0 ss:$0x1] =	vst.idx.msk $0xffff, v2  }
.LBB2_6:
0x16: {  	s16 =	smulhi.u32 $0xD1B71759, s12;
	_ =	sdelay $0x1  }
0x17: {  	s16 =	sshrl.u32 s16, $0xD  }
0x18: {  	s16 =	smul.u32 $0x2710, s16;
	_ =	sdelay $0x1  }
0x19: {  	s16 =	ssub.s32 s12, s16  }
0x1a: {  	s16 =	sshll.u32 s16, $0x4  }
0x1b: {  	s16 =	sadd.s32 s3, s16  }
0x1c: {  	[hbm4b:s16+s9] =	stream.strided.scatter [tilespmem:s15], [sflag:$0x2], s14, s10, s9, $0x38;
	[tilespmem:$0x10000] =	vst v63  }
.LBB2_7:
0x1d: {  	p1 =	slt.u32 s11, $0x2  }
0x1e: {  	p2 =	sgt.s32 @!p1 s13, $0x2510  }
0x1f: {  	p2 =	por !p2, p1  }
0x20: {  	p3 =	sgt.s32 @!p1 s13, $0x270F;
	s13 =	simm.s32 @p2 $0x2510  }
0x21: {  	s13 =	sshll.u32 @!p1 s13, $0x7  }
0x22: {  	s13 =	ssub.s32 @!p1 $0x138800, s13  }
0x23: {  	s11 =	sadd.s32 $0x1, s11;
	p2 =	por !p3, p1;
	s13 =	sshrl.u32 @!p1 s13, $0x2  }
0x24: {  	s13 =	simm.s32 @!p2 $0x0;
	p2 =	sne.s32 s11, s6  }
.Ltmp1:
0x25: {  	_ = 	snop;
	(pc) =	sbr.rel @!p2 .LBB2_8-.Ltmp1, $4  }
0x26: {  	s14 =	simm.s32 @!p1 $0x2  }
0x27: {  	_ =	swait.ge @!p1 [sflag:s14], s13  }
0x28: {  	s15 =	ssub.s32 @!p1 $0x0, s13;
	[sflag:s14] =	ssyncset.done @!p1 $0x0  }
0x29: {  	s13 =	smov.u32 s12;
	s12 =	smov.u32 s2;
	[sflag:s14] =	ssyncadd.s32 @!p1 s15  }
.LBB2_1:
0x2a: {  	p1 =	sge.u32 s11, s5;
	s31 =	sadd.s32 $0xFFFFFFFF, s11  }
0x2b: {  	s14 =	simm.s32 @!p1 $0x20;
	s15 =	simm.s32 @!p1 $0x80;
	s16 =	simm.s32 @!p1 $0x4000  }
0x2c: {  	[tilespmem:s16], [sflag:$0x1] =	stream.strided.gather @!p1 [hbm4b:s8+s14], s7, s15, s14, $0x38;
	[tilespmem:$0x10000] =	vst v63  }
0x2d: {  	p1 =	sge.u32 s31, s5  }
.Ltmp2:
0x2e: {  	_ = 	snop;
	(pc) =	sbr.rel @p1 .LBB2_7-.Ltmp2, $1  }
0x2f: {  	_ =	sdelay $0x3  }
0x30: {  	p1 =	sgt.s32 s12, $0x2510;
	s14 =	smov.u32 s12  }
0x31: {  	s14 =	simm.s32 @!p1 $0x2510  }
0x32: {  	s14 =	sshll.u32 s14, $0x7  }
0x33: {  	s14 =	ssub.s32 $0x138800, s14  }
0x34: {  	p1 =	sgt.u32 s12, $0x270F;
	s14 =	sshrl.u32 s14, $0x2  }
0x35: {  	s15 =	smov.u32 s12;
	s14 =	simm.s32 @p1 $0x0;
	p1 =	slt.s32 s12, $0x2510  }
0x36: {  	s15 =	simm.s32 @!p1 $0x2510  }
0x37: {  	s16 =	ssub.s32 s15, s12  }
0x38: {  	p1 =	slt.s32 s16, $0xFFFFFE01  }
.Ltmp3:
0x39: {  	_ = 	snop;
	(pc) =	sbr.rel @p1 .LBB2_6-.Ltmp3, $4  }
0x3a: {  	_ = 	snop  }
0x3b: {  	s17 =	sshll.u32 s11, $0xE;
	_ =	swait.ge [sflag:s4], s14  }
0x3c: {  	s17 =	sand.u32 $0x4000, s17;
	s18 =	ssub.s32 $0x0, s14;
	[sflag:s4] =	ssyncset.done $0x0  }
0x3d: {  	s15 =	sor.u32 $0x8000, s17;
	[sflag:s4] =	ssyncadd.s32 s18  }
0x3e: {  	v0 =	vmov s17;
	_ =	sdelay $0x1  }
0x3f: {  	s30 =	sadd.s32 $0x200, s16  }
0x40: {  	s31 =	simm.s32 $0x0;
	p1 =	sne.s32 s30, $0x1  }
.Ltmp4:
0x41: {  	s16 =	sand.u32 $0x3FE0, s31;
	(pc) =	sbr.rel @!p1 .LBB2_5-.Ltmp4, $2  }
0x42: {  	v1 =	vmov s15;
	v2 =	vld.idx.msk [tilespmem:v0+s16+$0x0 ss:$0x1], $0xffff;
	_ =	sdelay $0x2  }
0x43: {  	s18 =	simm.s32 $0x20;
	s17 =	sadd.s32 $0xFFFFFFFF, s30  }
.LBB2_4:
0x44: {  	s19 =	sand.u32 $0x3FE0, s18;
	p1 =	sne.s32 s17, $0x1;
	s17 =	sadd.s32 $0xFFFFFFFF, s17  }
.Ltmp5:
0x45: {  	[tilespmem:v1+s16+$0x0 ss:$0x1] =	vst.idx.msk $0xffff, v2;
	v2 =	vld.idx.msk [tilespmem:v0+s19+$0x0 ss:$0x1], $0xffff;
	s16 =	smov.u32 s19;
	(pc) =	sbr.rel @p1 .LBB2_4-.Ltmp5, $2  }
0x46: {  	_ =	sdelay $0x2  }
0x47: {  	s18 =	sadd.s32 $0x20, s18  }
.Ltmp6:
0x48: {  	_ = 	snop;
	(pc) =	sbr.rel .LBB2_5-.Ltmp6, $1  }
0x49: {  	_ =	sdelay $0x3  }
.LBB2_8:
0x4a: {  	_ =	sfence.sel $0x180000  }
0x4b: {  	s2 =	simm.s32 $0x1;
	[bflag:$0x0] =	sbarrier.arrive $0xFFFF  }
0x4c: {  	s31 =	simm.s32 $0x2;
	[sflag:s2] =	ssyncpa.u1 $0x1  }
0x4d: {  	[sflag:s31] =	ssyncpa.u1 $0x1  }
0x4e: {  	_ =	strace $0x90000050  }
0x4f: {  	s0 =	sadd.s32 @!p0 $0x100000, s0;
	[bflag:$0x2] =	sbarrier.arrive $0xFFFF  }
0x50: {  	[sflag:s0] =	ssyncadd.tile.s32 @!p0 $0x1;
	s0 =	simm.s32 @!p0 $0x3F  }
0x51: {  	_ =	swait.ge @!p0 [sflag:s0], s1  }
0x52: {  	s1 =	ssub.s32 @!p0 $0x0, s1;
	[sflag:s0] =	ssyncset.done @!p0 $0x0  }
0x53: {  	[sflag:s0] =	ssyncadd.s32 @!p0 s1  }
0x54: {  	[bflag:$0x3] =	sbarrier.arrive $0xFFFF  }
0x55: {  	_ =	shalt  }
.Lfunc_end2:
execute1_lowered:
.L_overlay_start_2:
0x56: {  	(tag) =	ssettag $0x2  }
0x57: {  	s11 =	rddreg [dreg:$0x0]  }
0x58: {  	s2 =	rddreg [dreg:$0x1];
	_ =	strace $0x80000053;
	s12 =	simm.s32 $0x1  }
0x59: {  	v0 =	vimm.s32 $0x0;
	[sflag:s12] =	ssyncpa.u1 $0x0  }
0x5a: {  	[tilespmem:$0x28] =	vst v0  }
0x5b: {  	[tilespmem:$0x38] =	vst v0  }
0x5c: {  	[tilespmem:$0x48] =	vst v0  }
0x5d: {  	[tilespmem:$0x58] =	vst v0  }
0x5e: {  	[tilespmem:$0x68] =	vst v0  }
0x5f: {  	[tilespmem:$0x78] =	vst v0  }
0x60: {  	[tilespmem:$0x88] =	vst v0  }
0x61: {  	[tilespmem:$0x98] =	vst v0  }
0x62: {  	[tilespmem:$0xA8] =	vst v0  }
0x63: {  	[tilespmem:$0xB8] =	vst v0  }
0x64: {  	[tilespmem:$0xC8] =	vst v0  }
0x65: {  	[tilespmem:$0xD8] =	vst v0  }
0x66: {  	[tilespmem:$0xE8] =	vst v0  }
0x67: {  	[tilespmem:$0xF8] =	vst v0  }
0x68: {  	[tilespmem:$0x108] =	vst v0  }
0x69: {  	[tilespmem:$0x118] =	vst v0  }
0x6a: {  	[tilespmem:$0x128] =	vst v0  }
0x6b: {  	[tilespmem:$0x138] =	vst v0  }
0x6c: {  	[tilespmem:$0x148] =	vst v0  }
0x6d: {  	[tilespmem:$0x158] =	vst v0  }
0x6e: {  	[tilespmem:$0x168] =	vst v0  }
0x6f: {  	[tilespmem:$0x178] =	vst v0  }
0x70: {  	[tilespmem:$0x188] =	vst v0  }
0x71: {  	[tilespmem:$0x198] =	vst v0  }
0x72: {  	[tilespmem:$0x1A8] =	vst v0  }
0x73: {  	[tilespmem:$0x1B8] =	vst v0  }
0x74: {  	[tilespmem:$0x1C8] =	vst v0  }
0x75: {  	[tilespmem:$0x1D8] =	vst v0  }
0x76: {  	[tilespmem:$0x1E8] =	vst v0  }
0x77: {  	[tilespmem:$0x1F8] =	vst v0  }
0x78: {  	[tilespmem:$0x208] =	vst v0  }
0x79: {  	[tilespmem:$0x218] =	vst v0  }
0x7a: {  	[tilespmem:$0x228] =	vst v0  }
0x7b: {  	[tilespmem:$0x238] =	vst v0  }
0x7c: {  	[tilespmem:$0x248] =	vst v0  }
0x7d: {  	[tilespmem:$0x258] =	vst v0  }
0x7e: {  	[tilespmem:$0x268] =	vst v0  }
0x7f: {  	[tilespmem:$0x278] =	vst v0  }
0x80: {  	[tilespmem:$0x288] =	vst v0  }
0x81: {  	[tilespmem:$0x298] =	vst v0  }
0x82: {  	[tilespmem:$0x2A8] =	vst v0  }
0x83: {  	[tilespmem:$0x2B8] =	vst v0  }
0x84: {  	[tilespmem:$0x2C8] =	vst v0  }
0x85: {  	[tilespmem:$0x2D8] =	vst v0  }
0x86: {  	[tilespmem:$0x2E8] =	vst v0  }
0x87: {  	[tilespmem:$0x2F8] =	vst v0  }
0x88: {  	[tilespmem:$0x308] =	vst v0  }
0x89: {  	[tilespmem:$0x318] =	vst v0  }
0x8a: {  	[tilespmem:$0x328] =	vst v0  }
0x8b: {  	[tilespmem:$0x338] =	vst v0  }
0x8c: {  	[tilespmem:$0x348] =	vst v0  }
0x8d: {  	[tilespmem:$0x358] =	vst v0  }
0x8e: {  	[tilespmem:$0x368] =	vst v0  }
0x8f: {  	[tilespmem:$0x378] =	vst v0  }
0x90: {  	[tilespmem:$0x388] =	vst v0  }
0x91: {  	[tilespmem:$0x398] =	vst v0  }
0x92: {  	[tilespmem:$0x3A8] =	vst v0  }
0x93: {  	[tilespmem:$0x3B8] =	vst v0  }
0x94: {  	[tilespmem:$0x3C8] =	vst v0  }
0x95: {  	[tilespmem:$0x3D8] =	vst v0  }
0x96: {  	[tilespmem:$0x3E8] =	vst v0  }
0x97: {  	[tilespmem:$0x3F8] =	vst v0  }
0x98: {  	[tilespmem:$0x408] =	vst v0  }
0x99: {  	[tilespmem:$0x418] =	vst v0  }
0x9a: {  	[tilespmem:$0x428] =	vst v0  }
0x9b: {  	[tilespmem:$0x438] =	vst v0  }
0x9c: {  	[tilespmem:$0x448] =	vst v0  }
0x9d: {  	[tilespmem:$0x458] =	vst v0  }
0x9e: {  	[tilespmem:$0x468] =	vst v0  }
0x9f: {  	[tilespmem:$0x478] =	vst v0  }
0xa0: {  	[tilespmem:$0x488] =	vst v0  }
0xa1: {  	[tilespmem:$0x498] =	vst v0  }
0xa2: {  	[tilespmem:$0x4A8] =	vst v0  }
0xa3: {  	[tilespmem:$0x4B8] =	vst v0  }
0xa4: {  	[tilespmem:$0x4C8] =	vst v0  }
0xa5: {  	[tilespmem:$0x4D8] =	vst v0  }
0xa6: {  	[tilespmem:$0x4E8] =	vst v0  }
0xa7: {  	[tilespmem:$0x4F8] =	vst v0  }
0xa8: {  	[tilespmem:$0x508] =	vst v0  }
0xa9: {  	[tilespmem:$0x518] =	vst v0  }
0xaa: {  	[tilespmem:$0x528] =	vst v0  }
0xab: {  	[tilespmem:$0x538] =	vst v0  }
0xac: {  	[tilespmem:$0x548] =	vst v0  }
0xad: {  	[tilespmem:$0x558] =	vst v0  }
0xae: {  	[tilespmem:$0x568] =	vst v0  }
0xaf: {  	[tilespmem:$0x578] =	vst v0  }
0xb0: {  	[tilespmem:$0x588] =	vst v0  }
0xb1: {  	[tilespmem:$0x598] =	vst v0  }
0xb2: {  	[tilespmem:$0x5A8] =	vst v0  }
0xb3: {  	[tilespmem:$0x5B8] =	vst v0  }
0xb4: {  	[tilespmem:$0x5C8] =	vst v0  }
0xb5: {  	[tilespmem:$0x5D8] =	vst v0  }
0xb6: {  	[tilespmem:$0x5E8] =	vst v0  }
0xb7: {  	[tilespmem:$0x5F8] =	vst v0  }
0xb8: {  	[tilespmem:$0x608] =	vst v0  }
0xb9: {  	[tilespmem:$0x618] =	vst v0  }
0xba: {  	[tilespmem:$0x628] =	vst v0  }
0xbb: {  	[tilespmem:$0x638] =	vst v0  }
0xbc: {  	[tilespmem:$0x648] =	vst v0  }
0xbd: {  	[tilespmem:$0x658] =	vst v0  }
0xbe: {  	[tilespmem:$0x668] =	vst v0  }
0xbf: {  	[tilespmem:$0x678] =	vst v0  }
0xc0: {  	[tilespmem:$0x688] =	vst v0  }
0xc1: {  	[tilespmem:$0x698] =	vst v0  }
0xc2: {  	[tilespmem:$0x6A8] =	vst v0  }
0xc3: {  	[tilespmem:$0x6B8] =	vst v0  }
0xc4: {  	[tilespmem:$0x6C8] =	vst v0  }
0xc5: {  	[tilespmem:$0x6D8] =	vst v0  }
0xc6: {  	[tilespmem:$0x6E8] =	vst v0  }
0xc7: {  	[tilespmem:$0x6F8] =	vst v0  }
0xc8: {  	[tilespmem:$0x708] =	vst v0  }
0xc9: {  	[tilespmem:$0x718] =	vst v0  }
0xca: {  	[tilespmem:$0x728] =	vst v0  }
0xcb: {  	[tilespmem:$0x738] =	vst v0  }
0xcc: {  	[tilespmem:$0x748] =	vst v0  }
0xcd: {  	[tilespmem:$0x758] =	vst v0  }
0xce: {  	[tilespmem:$0x768] =	vst v0  }
0xcf: {  	[tilespmem:$0x778] =	vst v0  }
0xd0: {  	[tilespmem:$0x788] =	vst v0  }
0xd1: {  	[tilespmem:$0x798] =	vst v0  }
0xd2: {  	[tilespmem:$0x7A8] =	vst v0  }
0xd3: {  	[tilespmem:$0x7B8] =	vst v0  }
0xd4: {  	[tilespmem:$0x7C8] =	vst v0  }
0xd5: {  	[tilespmem:$0x7D8] =	vst v0  }
0xd6: {  	[tilespmem:$0x7E8] =	vst v0  }
0xd7: {  	[tilespmem:$0x7F8] =	vst v0  }
0xd8: {  	[tilespmem:$0x808] =	vst v0  }
0xd9: {  	[tilespmem:$0x818] =	vst v0  }
0xda: {  	[tilespmem:$0x828] =	vst v0  }
0xdb: {  	[tilespmem:$0x838] =	vst v0  }
0xdc: {  	[tilespmem:$0x848] =	vst v0  }
0xdd: {  	[tilespmem:$0x858] =	vst v0  }
0xde: {  	[tilespmem:$0x868] =	vst v0  }
0xdf: {  	[tilespmem:$0x878] =	vst v0  }
0xe0: {  	[tilespmem:$0x888] =	vst v0  }
0xe1: {  	[tilespmem:$0x898] =	vst v0  }
0xe2: {  	[tilespmem:$0x8A8] =	vst v0  }
0xe3: {  	[tilespmem:$0x8B8] =	vst v0  }
0xe4: {  	[tilespmem:$0x8C8] =	vst v0  }
0xe5: {  	[tilespmem:$0x8D8] =	vst v0  }
0xe6: {  	[tilespmem:$0x8E8] =	vst v0  }
0xe7: {  	[tilespmem:$0x8F8] =	vst v0  }
0xe8: {  	[tilespmem:$0x908] =	vst v0  }
0xe9: {  	[tilespmem:$0x918] =	vst v0  }
0xea: {  	[tilespmem:$0x928] =	vst v0  }
0xeb: {  	[tilespmem:$0x938] =	vst v0  }
0xec: {  	[tilespmem:$0x948] =	vst v0  }
0xed: {  	[tilespmem:$0x958] =	vst v0  }
0xee: {  	[tilespmem:$0x968] =	vst v0  }
0xef: {  	[tilespmem:$0x978] =	vst v0  }
0xf0: {  	[tilespmem:$0x988] =	vst v0  }
0xf1: {  	[tilespmem:$0x998] =	vst v0  }
0xf2: {  	[tilespmem:$0x9A8] =	vst v0  }
0xf3: {  	[tilespmem:$0x9B8] =	vst v0  }
0xf4: {  	[tilespmem:$0x9C8] =	vst v0  }
0xf5: {  	[tilespmem:$0x9D8] =	vst v0  }
0xf6: {  	[tilespmem:$0x9E8] =	vst v0  }
0xf7: {  	[tilespmem:$0x9F8] =	vst v0  }
0xf8: {  	[tilespmem:$0xA08] =	vst v0  }
0xf9: {  	[tilespmem:$0xA18] =	vst v0  }
0xfa: {  	[tilespmem:$0xA28] =	vst v0  }
0xfb: {  	[tilespmem:$0xA38] =	vst v0  }
0xfc: {  	[tilespmem:$0xA48] =	vst v0  }
0xfd: {  	[tilespmem:$0xA58] =	vst v0  }
0xfe: {  	[tilespmem:$0xA68] =	vst v0  }
0xff: {  	[tilespmem:$0xA78] =	vst v0  }
0x100: {  	[tilespmem:$0xA88] =	vst v0  }
0x101: {  	[tilespmem:$0xA98] =	vst v0  }
0x102: {  	[tilespmem:$0xAA8] =	vst v0  }
0x103: {  	[tilespmem:$0xAB8] =	vst v0  }
0x104: {  	[tilespmem:$0xAC8] =	vst v0  }
0x105: {  	[tilespmem:$0xAD8] =	vst v0  }
0x106: {  	[tilespmem:$0xAE8] =	vst v0  }
0x107: {  	[tilespmem:$0xAF8] =	vst v0  }
0x108: {  	[tilespmem:$0xB08] =	vst v0  }
0x109: {  	[tilespmem:$0xB18] =	vst v0  }
0x10a: {  	[tilespmem:$0xB28] =	vst v0  }
0x10b: {  	[tilespmem:$0xB38] =	vst v0  }
0x10c: {  	[tilespmem:$0xB48] =	vst v0  }
0x10d: {  	[tilespmem:$0xB58] =	vst v0  }
0x10e: {  	[tilespmem:$0xB68] =	vst v0  }
0x10f: {  	[tilespmem:$0xB78] =	vst v0  }
0x110: {  	[tilespmem:$0xB88] =	vst v0  }
0x111: {  	[tilespmem:$0xB98] =	vst v0  }
0x112: {  	[tilespmem:$0xBA8] =	vst v0  }
0x113: {  	[tilespmem:$0xBB8] =	vst v0  }
0x114: {  	[tilespmem:$0xBC8] =	vst v0  }
0x115: {  	[tilespmem:$0xBD8] =	vst v0  }
0x116: {  	[tilespmem:$0xBE8] =	vst v0  }
0x117: {  	[tilespmem:$0xBF8] =	vst v0  }
0x118: {  	[tilespmem:$0xC08] =	vst v0  }
0x119: {  	[tilespmem:$0xC18] =	vst v0  }
0x11a: {  	[tilespmem:$0xC28] =	vst v0  }
0x11b: {  	[tilespmem:$0xC38] =	vst v0  }
0x11c: {  	[tilespmem:$0xC48] =	vst v0  }
0x11d: {  	[tilespmem:$0xC58] =	vst v0  }
0x11e: {  	[tilespmem:$0xC68] =	vst v0  }
0x11f: {  	[tilespmem:$0xC78] =	vst v0  }
0x120: {  	[tilespmem:$0xC88] =	vst v0  }
0x121: {  	[tilespmem:$0xC98] =	vst v0  }
0x122: {  	[tilespmem:$0xCA8] =	vst v0  }
0x123: {  	[tilespmem:$0xCB8] =	vst v0  }
0x124: {  	[tilespmem:$0xCC8] =	vst v0  }
0x125: {  	[tilespmem:$0xCD8] =	vst v0  }
0x126: {  	[tilespmem:$0xCE8] =	vst v0  }
0x127: {  	[tilespmem:$0xCF8] =	vst v0  }
0x128: {  	[tilespmem:$0xD08] =	vst v0  }
0x129: {  	[tilespmem:$0xD18] =	vst v0  }
0x12a: {  	[tilespmem:$0xD28] =	vst v0  }
0x12b: {  	[tilespmem:$0xD38] =	vst v0  }
0x12c: {  	[tilespmem:$0xD48] =	vst v0  }
0x12d: {  	[tilespmem:$0xD58] =	vst v0  }
0x12e: {  	[tilespmem:$0xD68] =	vst v0  }
0x12f: {  	[tilespmem:$0xD78] =	vst v0  }
0x130: {  	[tilespmem:$0xD88] =	vst v0  }
0x131: {  	[tilespmem:$0xD98] =	vst v0  }
0x132: {  	[tilespmem:$0xDA8] =	vst v0  }
0x133: {  	[tilespmem:$0xDB8] =	vst v0  }
0x134: {  	[tilespmem:$0xDC8] =	vst v0  }
0x135: {  	[tilespmem:$0xDD8] =	vst v0  }
0x136: {  	[tilespmem:$0xDE8] =	vst v0  }
0x137: {  	[tilespmem:$0xDF8] =	vst v0  }
0x138: {  	[tilespmem:$0xE08] =	vst v0  }
0x139: {  	[tilespmem:$0xE18] =	vst v0  }
0x13a: {  	[tilespmem:$0xE28] =	vst v0  }
0x13b: {  	[tilespmem:$0xE38] =	vst v0  }
0x13c: {  	[tilespmem:$0xE48] =	vst v0  }
0x13d: {  	[tilespmem:$0xE58] =	vst v0  }
0x13e: {  	[tilespmem:$0xE68] =	vst v0  }
0x13f: {  	[tilespmem:$0xE78] =	vst v0  }
0x140: {  	[tilespmem:$0xE88] =	vst v0  }
0x141: {  	[tilespmem:$0xE98] =	vst v0  }
0x142: {  	[tilespmem:$0xEA8] =	vst v0  }
0x143: {  	[tilespmem:$0xEB8] =	vst v0  }
0x144: {  	[tilespmem:$0xEC8] =	vst v0  }
0x145: {  	[tilespmem:$0xED8] =	vst v0  }
0x146: {  	[tilespmem:$0xEE8] =	vst v0  }
0x147: {  	[tilespmem:$0xEF8] =	vst v0  }
0x148: {  	[tilespmem:$0xF08] =	vst v0  }
0x149: {  	[tilespmem:$0xF18] =	vst v0  }
0x14a: {  	[tilespmem:$0xF28] =	vst v0  }
0x14b: {  	[tilespmem:$0xF38] =	vst v0  }
0x14c: {  	[tilespmem:$0xF48] =	vst v0  }
0x14d: {  	[tilespmem:$0xF58] =	vst v0  }
0x14e: {  	[tilespmem:$0xF68] =	vst v0  }
0x14f: {  	[tilespmem:$0xF78] =	vst v0  }
0x150: {  	[tilespmem:$0xF88] =	vst v0  }
0x151: {  	[tilespmem:$0xF98] =	vst v0  }
0x152: {  	[tilespmem:$0xFA8] =	vst v0  }
0x153: {  	[tilespmem:$0xFB8] =	vst v0  }
0x154: {  	[tilespmem:$0xFC8] =	vst v0  }
0x155: {  	[tilespmem:$0xFD8] =	vst v0  }
0x156: {  	[tilespmem:$0xFE8] =	vst v0  }
0x157: {  	[tilespmem:$0xFF8] =	vst v0  }
0x158: {  	[tilespmem:$0x1028] =	vst v0  }
0x159: {  	[tilespmem:$0x10E8] =	vst v0  }
0x15a: {  	[tilespmem:$0x1068] =	vst v0  }
0x15b: {  	[tilespmem:$0x1B28] =	vst v0  }
0x15c: {  	[tilespmem:$0x1B18] =	vst v0  }
0x15d: {  	[tilespmem:$0x1B08] =	vst v0  }
0x15e: {  	[tilespmem:$0x1AF8] =	vst v0  }
0x15f: {  	[tilespmem:$0x1AE8] =	vst v0  }
0x160: {  	[tilespmem:$0x1AD8] =	vst v0  }
0x161: {  	[tilespmem:$0x1AC8] =	vst v0  }
0x162: {  	[tilespmem:$0x1AB8] =	vst v0  }
0x163: {  	[tilespmem:$0x1AA8] =	vst v0  }
0x164: {  	[tilespmem:$0x1A98] =	vst v0  }
0x165: {  	[tilespmem:$0x1A88] =	vst v0  }
0x166: {  	[tilespmem:$0x1A78] =	vst v0  }
0x167: {  	[tilespmem:$0x1A68] =	vst v0  }
0x168: {  	[tilespmem:$0x1A58] =	vst v0  }
0x169: {  	[tilespmem:$0x1A48] =	vst v0  }
0x16a: {  	[tilespmem:$0x1A38] =	vst v0  }
0x16b: {  	[tilespmem:$0x1A28] =	vst v0  }
0x16c: {  	[tilespmem:$0x1A18] =	vst v0  }
0x16d: {  	[tilespmem:$0x1A08] =	vst v0  }
0x16e: {  	[tilespmem:$0x19F8] =	vst v0  }
0x16f: {  	[tilespmem:$0x19E8] =	vst v0  }
0x170: {  	[tilespmem:$0x19D8] =	vst v0  }
0x171: {  	[tilespmem:$0x19C8] =	vst v0  }
0x172: {  	[tilespmem:$0x19B8] =	vst v0  }
0x173: {  	[tilespmem:$0x19A8] =	vst v0  }
0x174: {  	[tilespmem:$0x1998] =	vst v0  }
0x175: {  	[tilespmem:$0x1988] =	vst v0  }
0x176: {  	[tilespmem:$0x1978] =	vst v0  }
0x177: {  	[tilespmem:$0x1968] =	vst v0  }
0x178: {  	[tilespmem:$0x1958] =	vst v0  }
0x179: {  	[tilespmem:$0x1948] =	vst v0  }
0x17a: {  	[tilespmem:$0x1938] =	vst v0  }
0x17b: {  	[tilespmem:$0x1928] =	vst v0  }
0x17c: {  	[tilespmem:$0x1918] =	vst v0  }
0x17d: {  	[tilespmem:$0x1908] =	vst v0  }
0x17e: {  	[tilespmem:$0x18F8] =	vst v0  }
0x17f: {  	[tilespmem:$0x18E8] =	vst v0  }
0x180: {  	[tilespmem:$0x18D8] =	vst v0  }
0x181: {  	[tilespmem:$0x18C8] =	vst v0  }
0x182: {  	[tilespmem:$0x18B8] =	vst v0  }
0x183: {  	[tilespmem:$0x18A8] =	vst v0  }
0x184: {  	[tilespmem:$0x1898] =	vst v0  }
0x185: {  	[tilespmem:$0x1888] =	vst v0  }
0x186: {  	[tilespmem:$0x1878] =	vst v0  }
0x187: {  	[tilespmem:$0x1868] =	vst v0  }
0x188: {  	[tilespmem:$0x1858] =	vst v0  }
0x189: {  	[tilespmem:$0x1848] =	vst v0  }
0x18a: {  	[tilespmem:$0x1838] =	vst v0  }
0x18b: {  	[tilespmem:$0x1828] =	vst v0  }
0x18c: {  	[tilespmem:$0x1818] =	vst v0  }
0x18d: {  	[tilespmem:$0x1808] =	vst v0  }
0x18e: {  	[tilespmem:$0x17F8] =	vst v0  }
0x18f: {  	[tilespmem:$0x17E8] =	vst v0  }
0x190: {  	[tilespmem:$0x17D8] =	vst v0  }
0x191: {  	[tilespmem:$0x17C8] =	vst v0  }
0x192: {  	[tilespmem:$0x17B8] =	vst v0  }
0x193: {  	[tilespmem:$0x17A8] =	vst v0  }
0x194: {  	[tilespmem:$0x1798] =	vst v0  }
0x195: {  	[tilespmem:$0x1788] =	vst v0  }
0x196: {  	[tilespmem:$0x1778] =	vst v0  }
0x197: {  	[tilespmem:$0x1768] =	vst v0  }
0x198: {  	[tilespmem:$0x1758] =	vst v0  }
0x199: {  	[tilespmem:$0x1748] =	vst v0  }
0x19a: {  	[tilespmem:$0x1738] =	vst v0  }
0x19b: {  	[tilespmem:$0x1728] =	vst v0  }
0x19c: {  	[tilespmem:$0x1718] =	vst v0  }
0x19d: {  	[tilespmem:$0x1708] =	vst v0  }
0x19e: {  	[tilespmem:$0x16F8] =	vst v0  }
0x19f: {  	[tilespmem:$0x16E8] =	vst v0  }
0x1a0: {  	[tilespmem:$0x16D8] =	vst v0  }
0x1a1: {  	[tilespmem:$0x16C8] =	vst v0  }
0x1a2: {  	[tilespmem:$0x16B8] =	vst v0  }
0x1a3: {  	[tilespmem:$0x16A8] =	vst v0  }
0x1a4: {  	[tilespmem:$0x1698] =	vst v0  }
0x1a5: {  	[tilespmem:$0x1688] =	vst v0  }
0x1a6: {  	[tilespmem:$0x1678] =	vst v0  }
0x1a7: {  	[tilespmem:$0x1668] =	vst v0  }
0x1a8: {  	[tilespmem:$0x1658] =	vst v0  }
0x1a9: {  	[tilespmem:$0x1648] =	vst v0  }
0x1aa: {  	[tilespmem:$0x1638] =	vst v0  }
0x1ab: {  	[tilespmem:$0x1628] =	vst v0  }
0x1ac: {  	[tilespmem:$0x1618] =	vst v0  }
0x1ad: {  	[tilespmem:$0x1608] =	vst v0  }
0x1ae: {  	[tilespmem:$0x15F8] =	vst v0  }
0x1af: {  	[tilespmem:$0x15E8] =	vst v0  }
0x1b0: {  	[tilespmem:$0x15D8] =	vst v0  }
0x1b1: {  	[tilespmem:$0x15C8] =	vst v0  }
0x1b2: {  	[tilespmem:$0x15B8] =	vst v0  }
0x1b3: {  	[tilespmem:$0x15A8] =	vst v0  }
0x1b4: {  	[tilespmem:$0x1598] =	vst v0  }
0x1b5: {  	[tilespmem:$0x1588] =	vst v0  }
0x1b6: {  	[tilespmem:$0x1578] =	vst v0  }
0x1b7: {  	[tilespmem:$0x1568] =	vst v0  }
0x1b8: {  	[tilespmem:$0x1558] =	vst v0  }
0x1b9: {  	[tilespmem:$0x1548] =	vst v0  }
0x1ba: {  	[tilespmem:$0x1538] =	vst v0  }
0x1bb: {  	[tilespmem:$0x1528] =	vst v0  }
0x1bc: {  	[tilespmem:$0x1518] =	vst v0  }
0x1bd: {  	[tilespmem:$0x1508] =	vst v0  }
0x1be: {  	[tilespmem:$0x14F8] =	vst v0  }
0x1bf: {  	[tilespmem:$0x14E8] =	vst v0  }
0x1c0: {  	[tilespmem:$0x14D8] =	vst v0  }
0x1c1: {  	[tilespmem:$0x14C8] =	vst v0  }
0x1c2: {  	[tilespmem:$0x14B8] =	vst v0  }
0x1c3: {  	[tilespmem:$0x14A8] =	vst v0  }
0x1c4: {  	[tilespmem:$0x1498] =	vst v0  }
0x1c5: {  	[tilespmem:$0x1488] =	vst v0  }
0x1c6: {  	[tilespmem:$0x1478] =	vst v0  }
0x1c7: {  	[tilespmem:$0x1468] =	vst v0  }
0x1c8: {  	[tilespmem:$0x1458] =	vst v0  }
0x1c9: {  	[tilespmem:$0x1448] =	vst v0  }
0x1ca: {  	[tilespmem:$0x1438] =	vst v0  }
0x1cb: {  	[tilespmem:$0x1428] =	vst v0  }
0x1cc: {  	[tilespmem:$0x1418] =	vst v0  }
0x1cd: {  	[tilespmem:$0x1408] =	vst v0  }
0x1ce: {  	[tilespmem:$0x13F8] =	vst v0  }
0x1cf: {  	[tilespmem:$0x13E8] =	vst v0  }
0x1d0: {  	[tilespmem:$0x13D8] =	vst v0  }
0x1d1: {  	[tilespmem:$0x13C8] =	vst v0  }
0x1d2: {  	[tilespmem:$0x13B8] =	vst v0  }
0x1d3: {  	[tilespmem:$0x13A8] =	vst v0  }
0x1d4: {  	[tilespmem:$0x1398] =	vst v0  }
0x1d5: {  	[tilespmem:$0x1388] =	vst v0  }
0x1d6: {  	[tilespmem:$0x1378] =	vst v0  }
0x1d7: {  	[tilespmem:$0x1368] =	vst v0  }
0x1d8: {  	[tilespmem:$0x1358] =	vst v0  }
0x1d9: {  	[tilespmem:$0x1348] =	vst v0  }
0x1da: {  	[tilespmem:$0x1338] =	vst v0  }
0x1db: {  	[tilespmem:$0x1328] =	vst v0  }
0x1dc: {  	[tilespmem:$0x1318] =	vst v0  }
0x1dd: {  	[tilespmem:$0x1308] =	vst v0  }
0x1de: {  	[tilespmem:$0x12F8] =	vst v0  }
0x1df: {  	[tilespmem:$0x12E8] =	vst v0  }
0x1e0: {  	[tilespmem:$0x12D8] =	vst v0  }
0x1e1: {  	[tilespmem:$0x12C8] =	vst v0  }
0x1e2: {  	[tilespmem:$0x12B8] =	vst v0  }
0x1e3: {  	[tilespmem:$0x12A8] =	vst v0  }
0x1e4: {  	[tilespmem:$0x1298] =	vst v0  }
0x1e5: {  	[tilespmem:$0x1288] =	vst v0  }
0x1e6: {  	[tilespmem:$0x1278] =	vst v0  }
0x1e7: {  	[tilespmem:$0x1268] =	vst v0  }
0x1e8: {  	[tilespmem:$0x1258] =	vst v0  }
0x1e9: {  	[tilespmem:$0x1248] =	vst v0  }
0x1ea: {  	[tilespmem:$0x1238] =	vst v0  }
0x1eb: {  	[tilespmem:$0x1228] =	vst v0  }
0x1ec: {  	[tilespmem:$0x1218] =	vst v0  }
0x1ed: {  	[tilespmem:$0x1208] =	vst v0  }
0x1ee: {  	[tilespmem:$0x11F8] =	vst v0  }
0x1ef: {  	[tilespmem:$0x11E8] =	vst v0  }
0x1f0: {  	[tilespmem:$0x11D8] =	vst v0  }
0x1f1: {  	[tilespmem:$0x11C8] =	vst v0  }
0x1f2: {  	[tilespmem:$0x11B8] =	vst v0  }
0x1f3: {  	[tilespmem:$0x11A8] =	vst v0  }
0x1f4: {  	[tilespmem:$0x1198] =	vst v0  }
0x1f5: {  	[tilespmem:$0x1188] =	vst v0  }
0x1f6: {  	[tilespmem:$0x1178] =	vst v0  }
0x1f7: {  	[tilespmem:$0x1168] =	vst v0  }
0x1f8: {  	[tilespmem:$0x1158] =	vst v0  }
0x1f9: {  	[tilespmem:$0x1148] =	vst v0  }
0x1fa: {  	[tilespmem:$0x1138] =	vst v0  }
0x1fb: {  	[tilespmem:$0x1128] =	vst v0  }
0x1fc: {  	[tilespmem:$0x1118] =	vst v0  }
0x1fd: {  	s4 =	stileid.u32;
	[tilespmem:$0x1108] =	vst v0  }
0x1fe: {  	s0 =	smul.u32 $0xB, s4;
	[tilespmem:$0x10F8] =	vst v0  }
0x1ff: {  	s1 =	smin.u32 s4, $0xA;
	[tilespmem:$0x10C8] =	vst v0  }
0x200: {  	[tilespmem:$0x10D8] =	vst v0;
	s0 =	sadd.s32 s1, s0  }
0x201: {  	p0 =	slt.u32 s4, $0xA;
	[tilespmem:$0x10B8] =	vst v0;
	s1 =	simm.s32 $0x1440;
	s6 =	smul.u32 $0x1B0, s0  }
0x202: {  	s1 =	simm.s32 @!p0 $0x1290;
	[tilespmem:$0x1038] =	vst v0  }
0x203: {  	[tilespmem:$0x10A8] =	vst v0;
	s0 =	sadd.s32 s1, s6  }
0x204: {  	s3 =	simm.s32 $0x2;
	s8 =	simm.s32 $0x9;
	[tilespmem:$0x1098] =	vst v0;
	s7 =	smin.u32 s0, $0x13880  }
0x205: {  	s10 =	simm.s32 $0xA;
	s30 =	simm.s32 $0xB;
	[tilespmem:$0x1088] =	vst v0;
	s0 =	ssub.s32 s7, s6  }
0x206: {  	s16 =	simm.s32 $0x0;
	p4 =	por $0x0, $0x0;
	[tilespmem:$0x1078] =	vst v0;
	p0 =	sgt.s32 s0, $0x0  }
0x207: {  	s17 =	simm.s32 $0xC;
	s21 =	simm.s32 $0x0;
	[tilespmem:$0x1058] =	vst v0;
	s0 =	simm.s32 @!p0 $0x0  }
0x208: {  	s18 =	simm.s32 $0x0;
	s2 =	sand.u32 $0x1, s2;
	[tilespmem:$0x1048] =	vst v0;
	s29 =	smulhi.u32 $0x4BDA12F7, s0  }
0x209: {  	s20 =	simm.s32 $0x0;
	s31 =	sshll.u32 s4, $0x5;
	[tilespmem:$0x1018] =	vst v0;
	[dreg:$0x5] =	wrdreg s2  }
0x20a: {  	s2 =	smul.u32 $0x2710, s2;
	[tilespmem:$0x1008] =	vst v0;
	[sflag:s3] =	ssyncpa.u1 $0x0;
	s1 =	sshrl.u32 s29, $0x7  }
0x20b: {  	v0 =	vimm.s32 $0xFFFFFFFF;
	s3 =	sadd.s32 $0x27600, s11;
	[dreg:$0x4] =	wrdreg s31;
	s5 =	smul.u32 $0x1B0, s1  }
.Ltmp7:
0x20c: {  	[tilespmem:$0x3648] =	vst v0;
	[sflag:s8] =	ssyncpa.u1 $0x0;
	s2 =	sadd.s32 s2, s11;
	(pc) =	sbr.rel .LBB3_1-.Ltmp7, $4  }
0x20d: {  	[sflag:s10] =	ssyncpa.u1 $0x0;
	s11 =	sadd.s32 $0xCEF400, s11;
	p0 =	sne.s32 s0, s5  }
0x20e: {  	[sflag:s30] =	ssyncpa.u1 $0x0;
	s14 =	sadd.s32 $0xA79400, s2;
	s12 =	simm.s32 @!p0 $0x0  }
0x20f: {  	s15 =	sadd.s32 $0xA74400, s2;
	s19 =	smov.u32 s6;
	s12 =	sadd.s32 s12, s1  }
0x210: {  	v0 =	vlaneseq.u32;
	[dreg:$0x6] =	wrdreg s6;
	p0 =	por $0x1, $0x1;
	s4 =	sadd.s32 $0x1, s12  }
.LBB3_18:
0x211: {  	s0 =	simm.s32 $0x2  }
0x212: {  	_ =	swait.ge [sflag:s0], $0x0  }
0x213: {  	[sflag:s0] =	ssyncset.done $0x0;
	s0 =	simm.s32 $0x0  }
.LBB3_19:
0x214: {  	_ =	swait.ge [sflag:s17], s0  }
0x215: {  	s31 =	ssub.s32 $0x0, s0;
	v1 =	vmov s23;
	vm0 =	veq.s32 v0, $0x0;
	[sflag:s17] =	ssyncset.done $0x0  }
0x216: {  	vm15 =	veq.s32 v0, $0x2;
	v1 =	vsel vm0, s28, v1;
	[sflag:s17] =	ssyncadd.s32 s31  }
0x217: {  	v1 =	vsel vm15, s21, v1;
	[sflag:s17] =	ssyncpa.u1 $0x1  }
0x218: {  	[tilespmem:$0x3648] =	vst v1  }
.LBB3_20:
0x219: {  	s0 =	sadd.s32 $0x1B0, s19  }
0x21a: {  	s1 =	smov.u32 s6;
	p1 =	slt.s32 s0, s7  }
0x21b: {  	s1 =	smov.u32 @p1 s0;
	p1 =	sne.s32 s20, s4  }
.Ltmp8:
0x21c: {  	_ = 	snop;
	(pc) =	sbr.rel @!p1 .LBB3_21-.Ltmp8, $4  }
0x21d: {  	_ = 	snop  }
0x21e: {  	s21 =	smov.u32 s18  }
0x21f: {  	s31 =	sadd.s32 $0x1, s20;
	s18 =	smov.u32 s19;
	p0 =	por !p0, !p0  }
0x220: {  	p4 =	por !p4, !p4;
	s20 =	smov.u32 s31;
	s19 =	smov.u32 s1  }
.LBB3_1:
0x221: {  	p2 =	sge.u32 s20, s12  }
0x222: {  	s0 =	smulhi.u32 @!p2 $0xAAAAAAAB, s20  }
0x223: {  	s1 =	smov.u32 s19;
	p3 =	sgt.s32 @!p2 s19, $0x136D0  }
0x224: {  	s2 =	sshra.s32 @!p2 s19, $0x1F;
	p3 =	por !p3, p2;
	s0 =	sshrl.u32 @!p2 s0, $0x1  }
0x225: {  	s2 =	sand.u32 @!p2 s2, s19;
	s1 =	simm.s32 @p3 $0x136D0;
	s0 =	smul.u32 @!p2 $0x3, s0  }
0x226: {  	s1 =	ssub.s32 @!p2 s1, s2  }
0x227: {  	s23 =	sadd.s32 $0xFFFFFFFF, s20;
	s1 =	sadd.s32 @!p2 $0xFFFEC930, s1;
	s0 =	ssub.s32 @!p2 s20, s0  }
0x228: {  	s2 =	sshll.u32 @!p2 s1, $0x2;
	p3 =	sgt.s32 @!p2 s1, $0x1AF;
	s0 =	smul.u32 @!p2 $0x6C0, s0  }
0x229: {  	s5 =	sand.u32 @!p2 $0x7, s19;
	s1 =	ssub.s32 @!p2 $0x6C0, s2;
	p3 =	por !p3, p2  }
0x22a: {  	s2 =	sshrl.u32 @!p2 s19, $0x3;
	s1 =	sshrl.u32 @!p2 s1, $0x2;
	s0 =	sshrl.u32 @!p2 s0, $0x2  }
0x22b: {  	s2 =	sadd.s32 @!p2 s2, s14;
	s1 =	simm.s32 @!p3 $0x0;
	s0 =	sadd.s32 @!p2 $0x3888, s0  }
0x22c: {  	[tilespmem:s0], [sflag:$0xA] =	stream.linear.gather @!p2 [hbm4b:s2+s5], s1, $0x38;
	[tilespmem:$0x1F0F8] =	vst v63  }
0x22d: {  	p2 =	sge.u32 s23, s12  }
0x22e: {  	p3 =	sgt.s32 @!p2 s18, $0x136D0  }
0x22f: {  	s0 =	smov.u32 s18;
	s1 =	sshra.s32 @!p2 s18, $0x1F;
	p3 =	por !p3, p2  }
0x230: {  	s1 =	sand.u32 @!p2 s1, s18;
	s0 =	simm.s32 @p3 $0x136D0  }
0x231: {  	s0 =	ssub.s32 @!p2 s0, s1  }
0x232: {  	s0 =	sadd.s32 @!p2 $0xFFFEC930, s0  }
0x233: {  	s1 =	sshll.u32 @!p2 s0, $0x2  }
0x234: {  	p3 =	sgt.s32 @!p2 s0, $0x1AF;
	s0 =	ssub.s32 @!p2 $0x6C0, s1  }
0x235: {  	s22 =	ssub.s32 @!p2 $0x13880, s18;
	p3 =	por !p3, p2;
	s0 =	sshrl.u32 @!p2 s0, $0x2  }
0x236: {  	s1 =	sand.u32 @!p2 $0x1, s23;
	s0 =	simm.s32 @!p3 $0x0;
	p3 =	slt.s32 @!p2 s22, $0x1  }
0x237: {  	s2 =	simm.s32 @!p2 $0xA;
	s1 =	smul.u32 @!p2 $0x6C0, s1;
	p3 =	por p2, p3  }
.Ltmp9:
0x238: {  	_ =	swait.ge @!p2 [sflag:s2], s0;
	(pc) =	sbr.rel @p3 .LBB3_7-.Ltmp9, $4  }
0x239: {  	s5 =	ssub.s32 @!p2 $0x0, s0;
	[sflag:s2] =	ssyncset.done @!p2 $0x0  }
0x23a: {  	s1 =	sshrl.u32 @!p2 s1, $0x2;
	[sflag:s2] =	ssyncadd.s32 @!p2 s5;
	s2 =	sshrl.u32 @!p2 s18, $0x3  }
0x23b: {  	s1 =	sadd.s32 @!p2 $0x3D98, s1;
	s5 =	sand.u32 @!p2 $0x7, s18;
	s2 =	sadd.s32 @!p2 s2, s15  }
0x23c: {  	[tilespmem:s1], [sflag:$0xB] =	stream.linear.gather @!p2 [hbm4b:s2+s5], s0, $0x38;
	[tilespmem:$0x1F0F8] =	vst v63  }
0x23d: {  	s0 =	smulhi.u32 $0xAAAAAAAB, s23;
	_ =	sdelay $0x1  }
0x23e: {  	s0 =	sshrl.u32 s0, $0x1  }
0x23f: {  	s0 =	smul.u32 $0x3, s0;
	_ =	sdelay $0x1  }
0x240: {  	s0 =	ssub.s32 s23, s0  }
0x241: {  	s1 =	simm.s32 $0x1;
	s0 =	smul.u32 $0x6C0, s0  }
.Ltmp10:
0x242: {  	s1 =	simm.s32 @!p0 $0x0;
	(pc) =	sbr.rel .LBB3_4-.Ltmp10, $4  }
0x243: {  	s1 =	smul.u32 $0x36000, s1  }
0x244: {  	p3 =	slt.s32 @!p2 s22, $0x1B0;
	s0 =	sshrl.u32 s0, $0x2  }
0x245: {  	p2 =	por !p3, p2;
	s1 =	sshrl.u32 s1, $0x2;
	s0 =	sadd.s32 $0x3888, s0  }
0x246: {  	s24 =	simm.s32 $0x0;
	s22 =	simm.s32 @p2 $0x1B0;
	s23 =	sadd.s32 $0x40F8, s1;
	v1 =	vmov s0  }
.LBB3_3:
0x247: {  	p2 =	sge.s32 s24, s22  }
.Ltmp11:
0x248: {  	_ = 	snop;
	(pc) =	sbr.rel @p2 .LBB3_7-.Ltmp11, $2  }
0x249: {  	_ =	sdelay $0x2  }
0x24a: {  	s23 =	sadd.s32 $0x800, s23  }
.LBB3_4:
0x24b: {  	p2 =	sle.s32 s22, s24  }
.Ltmp12:
0x24c: {  	_ = 	snop;
	(pc) =	sbr.rel @p2 .LBB3_3-.Ltmp12, $2  }
0x24d: {  	_ =	sdelay $0x2  }
0x24e: {  	s0 =	smov.u32 s24;
	s24 =	sadd.s32 $0x10, s24  }
0x24f: {  	s1 =	ssub.s32 s22, s0  }
0x250: {  	p2 =	slt.s32 s1, $0x10  }
0x251: {  	s1 =	simm.s32 @!p2 $0x10  }
0x252: {  	v2 =	vmov s1  }
0x253: {  	vm0 =	vgt.s32 v2, v0;
	_ =	sdelay $0x5  }
0x254: {  	v2 =	vld.idx.msk [tilespmem:v1+s0+$0x0 ss:$0x1], vm0;
	_ =	sdelay $0x2  }
0x255: {  	p2 =	slt.s32 s24, s22;
	s1 =	smov.u32 s22  }
0x256: {  	s2 =	smov.u32 s23;
	s25 =	simm.s32 $0x0;
	s1 =	smov.u32 @p2 s24  }
.LBB3_6:
0x257: {  	(v2sf) =	vpush v2, s25;
	_ =	sdelay $0xc  }
0x258: {  	s25 =	sadd.s32 $0x1, s25  }
0x259: {  	s31 =	sadd.s32 s25, s0  }
0x25a: {  	p2 =	slt.s32 s31, s1;
	s5 =	spop (v2sf)  }
.Ltmp13:
0x25b: {  	s5 =	sshll.u32 s5, $0x4;
	(pc) =	sbr.rel @p2 .LBB3_6-.Ltmp13, $4  }
0x25c: {  	s5 =	sand.u32 $0x1FFFFFF0, s5  }
0x25d: {  	s5 =	sadd.s32 s11, s5  }
0x25e: {  	[tilespmem:s2], [sflag:$0x9] =	stream.linear.gather [hbm4b:s5+s16], $0x4, $0x38;
	[tilespmem:$0x1F0F8] =	vst v63  }
0x25f: {  	s2 =	sadd.s32 $0x80, s2  }
.Ltmp14:
0x260: {  	_ = 	snop;
	(pc) =	sbr.rel .LBB3_3-.Ltmp14, $1  }
0x261: {  	_ =	sdelay $0x3  }
.LBB3_7:
0x262: {  	p2 =	slt.u32 s20, $0x2  }
.Ltmp15:
0x263: {  	_ = 	snop;
	(pc) =	sbr.rel @p2 .LBB3_20-.Ltmp15, $1  }
0x264: {  	_ =	sdelay $0x3  }
0x265: {  	p2 =	sgt.s32 s21, $0x136D0  }
0x266: {  	s0 =	smov.u32 s21;
	s1 =	sshra.s32 s21, $0x1F;
	s2 =	ssub.s32 $0x13880, s21  }
0x267: {  	s0 =	simm.s32 @!p2 $0x136D0;
	s1 =	sand.u32 s1, s21;
	p2 =	slt.s32 s2, $0x1B0  }
0x268: {  	s0 =	ssub.s32 s0, s1;
	s2 =	simm.s32 @!p2 $0x1B0  }
0x269: {  	s0 =	sadd.s32 $0xFFFEC930, s0;
	s24 =	sshll.u32 s2, $0x2  }
0x26a: {  	s28 =	simm.s32 $0x9;
	s25 =	sshll.u32 s0, $0x2;
	s1 =	sand.u32 $0x3FFFFFFC, s24  }
0x26b: {  	p2 =	sgt.s32 s0, $0x1AF;
	s26 =	ssub.s32 $0x6C0, s25;
	_ =	swait.ge [sflag:s28], s1  }
0x26c: {  	s1 =	ssub.s32 $0x0, s1;
	[sflag:s28] =	ssyncset.done $0x0;
	s0 =	sshrl.u32 s26, $0x2  }
0x26d: {  	s30 =	simm.s32 $0xB;
	[sflag:s28] =	ssyncadd.s32 s1;
	s0 =	simm.s32 @p2 $0x0  }
0x26e: {  	_ =	swait.ge [sflag:s30], s0  }
0x26f: {  	s0 =	ssub.s32 $0x0, s0;
	[sflag:s30] =	ssyncset.done $0x0  }
0x270: {  	[sflag:s30] =	ssyncadd.s32 s0  }
0x271: {  	v1 =	vld [tilespmem:$0x3648];
	_ =	sdelay $0x4  }
0x272: {  	(v2sf) =	vpush v1, $0x0  }
0x273: {  	(v2sf) =	vpush v1, $0x1  }
0x274: {  	(v2sf) =	vpush v1, $0x2;
	_ =	sdelay $0x3  }
0x275: {  	s0 =	sadd.s32 $0x1B0, s21  }
0x276: {  	s1 =	ssub.s32 $0x27100, s21;
	p2 =	slt.s32 s7, s0  }
0x277: {  	s0 =	smov.u32 @p2 s7;
	p2 =	sgt.s32 s1, $0x0  }
0x278: {  	s25 =	ssub.s32 s0, s21;
	s1 =	simm.s32 @!p2 $0x0  }
0x279: {  	p2 =	slt.s32 s1, s25  }
0x27a: {  	s25 =	smov.u32 @p2 s1  }
0x27b: {  	s24 =	simm.s32 $0x1;
	p2 =	slt.s32 s25, $0x1  }
.Ltmp16:
0x27c: {  	s24 =	simm.s32 @!p4 $0x0;
	(pc) =	sbr.rel @p2 .LBB3_12-.Ltmp16, $4  }
0x27d: {  	s31 =	smul.u32 $0x6C0, s24  }
0x27e: {  	s26 =	spop (v2sf)  }
0x27f: {  	s0 =	sshrl.u32 s31, $0x2;
	s29 =	spop (v2sf)  }
0x280: {  	s22 =	sadd.s32 $0x3D98, s0;
	s21 =	spop (v2sf)  }
0x281: {  	s0 =	smin.u32 s25, $0x10  }
0x282: {  	v1 =	vmov s0  }
0x283: {  	p3 =	sgt.s32 s25, $0x10;
	vm1 =	vgt.u32 v1, v0  }
.Ltmp17:
0x284: {  	_ = 	snop;
	(pc) =	sbr.rel @!p3 .LBB3_11-.Ltmp17, $2  }
0x285: {  	_ =	sdelay $0x2  }
0x286: {  	s23 =	simm.s32 $0x10;
	s28 =	sadd.s32 $0xFFFFFFF0, s25;
	s0 =	smov.u32 s22;
	vm0 =	vmmov vm1  }
.LBB3_10:
0x287: {  	s1 =	smin.u32 s28, $0x10;
	s23 =	sadd.s32 $0x10, s23;
	v1 =	vld.msk [tilespmem:s0+$0x0 ss:$0x1], vm1  }
0x288: {  	v2 =	vmov s1;
	p3 =	slt.s32 s23, s25  }
0x289: {  	vm1 =	vgt.u32 v2, v0  }
.Ltmp18:
0x28a: {  	(pc) =	sbr.rel @p3 .LBB3_10-.Ltmp18, $3  }
0x28b: {  	_ =	sdelay $0x1  }
0x28c: {  	v1 =	vshll.u32 v1, $0x4  }
0x28d: {  	s28 =	sadd.s32 $0xFFFFFFF0, s28;
	[tilespmem:s0+$0x0] =	vst.msk vm0, v1;
	s0 =	sadd.s32 $0x10, s0;
	vm0 =	vmmov vm1  }
.LBB3_11:
0x28e: {  	_ =	sdelay $0x4  }
0x28f: {  	v1 =	vld.msk [tilespmem:s0+$0x0 ss:$0x1], vm1;
	_ =	sdelay $0x4  }
0x290: {  	v1 =	vshll.u32 v1, $0x4  }
0x291: {  	[tilespmem:s0+$0x0] =	vst.msk vm0, v1  }
.LBB3_12:
0x292: {  	s0 =	sand.u32 $0x1, s20  }
0x293: {  	s0 =	smul.u32 $0x1B0, s0  }
0x294: {  	p3 =	sne.s32 s29, $0xFFFFFFFF  }
0x295: {  	v1 =	vld.msk @!p3 [tilespmem:s0+$0x3D98], $0x1;
	_ =	sdelay $0x4  }
0x296: {  	(v2sf) =	vpush @!p3 v1, $0x0;
	_ =	sdelay $0xc  }
.Ltmp19:
0x297: {  	_ = 	snop;
	(pc) =	sbr.rel @p2 .LBB3_18-.Ltmp19, $4  }
0x298: {  	_ = 	snop  }
0x299: {  	s28 =	spop @!p3 (v2sf)  }
0x29a: {  	s21 =	simm.s32 @!p3 $0x0;
	s23 =	smov.u32 s28  }
0x29b: {  	[sflag:s17] =	ssyncpa.u1 $0x0;
	s28 =	smov.u32 @p3 s26;
	s23 =	smov.u32 @p3 s29  }
0x29c: {  	v1 =	vld.msk [tilespmem:s22+$0x0], $0x1;
	_ =	sdelay $0x4  }
0x29d: {  	(v2sf) =	vpush v1, $0x0;
	_ =	sdelay $0xe  }
0x29e: {  	s0 =	simm.s32 @!p4 $0x0;
	s26 =	smul.u32 $0x36000, s24;
	s31 =	spop (v2sf)  }
0x29f: {  	s29 =	ssub.s32 $0x0, s25;
	s0 =	simm.s32 @p4 $0x1;
	p2 =	seq.s32 s28, s31  }
0x2a0: {  	s1 =	smov.u32 s28;
	[smem:$0x7FD] =	sst s0;
	p3 =	sgt.s32 @!p2 s28, $0x0  }
0x2a1: {  	s0 =	sshrl.u32 s26, $0x2;
	s26 =	sadd.s32 $0x1, s29;
	p3 =	por !p3, p2  }
0x2a2: {  	s1 =	simm.s32 @p3 $0x0;
	p3 =	seq.s32 s26, $0x0  }
.Ltmp20:
0x2a3: {  	_ = 	snop;
	(pc) =	sbr.rel @p3 .LBB3_15-.Ltmp20, $4  }
0x2a4: {  	s6 =	smov.u32 s4;
	s25 =	simm.s32 $0x0  }
0x2a5: {  	s24 =	sadd.s32 $0x40F8, s0;
	s0 =	simm.s32 @!p2 $0x1;
	s2 =	smin.u32 @!p2 s1, $0x270FF  }
0x2a6: {  	s30 =	sadd.s32 $0x1, s22;
	s0 =	smov.u32 @p2 s25;
	s5 =	sand.u32 @!p2 $0x3FFF8, s2  }
0x2a7: {  	s1 =	simm.s32 @!p2 $0x1B38;
	s2 =	sand.u32 @!p2 $0x7, s2;
	s5 =	sadd.s32 @!p2 s3, s5  }
.LBB3_14:
0x2a8: {  	s4 =	smov.u32 s0  }
0x2a9: {  	[tilespmem:s1], [sflag:$0x2] =	stream.linear.gather @!p2 [hbm4b:s5+s2], $0x4, $0x38;
	[tilespmem:$0x1F0F8] =	vst v63  }
0x2aa: {  	s26 =	sadd.s32 $0x1, s26;
	s2 =	smov.u32 s31;
	v1 =	vld.msk [tilespmem:s30+$0x0], $0x1  }
0x2ab: {  	p3 =	seq.s32 s26, $0x0;
	_ =	sdelay $0x3  }
0x2ac: {  	(v2sf) =	vpush v1, $0x0;
	_ =	sdelay $0xe  }
0x2ad: {  	s31 =	spop (v2sf)  }
0x2ae: {  	p2 =	seq.s32 s2, s31  }
0x2af: {  	p4 =	sgt.s32 @!p2 s2, $0x0;
	s1 =	sshll.u32 @!p2 s0, $0x6;
	s0 =	sadd.s32 @!p2 $0x1, s0  }
.Ltmp21:
0x2b0: {  	p4 =	por !p4, p2;
	s1 =	sshra.s32 @!p2 s1, $0x2;
	(pc) =	sbr.rel @!p3 .LBB3_14-.Ltmp21, $4  }
0x2b1: {  	s0 =	smov.u32 @p2 s4;
	s2 =	simm.s32 @p4 $0x0;
	s1 =	sadd.s32 @!p2 $0x1B38, s1  }
0x2b2: {  	s2 =	smin.u32 @!p2 s2, $0x270FF  }
0x2b3: {  	s4 =	sand.u32 @!p2 $0x3FFF8, s2;
	s2 =	sand.u32 @!p2 $0x7, s2  }
0x2b4: {  	s30 =	sadd.s32 $0x1, s30;
	s5 =	sadd.s32 @!p2 s3, s4  }
.LBB3_15:
0x2b5: {  	[tilespmem:s1], [sflag:$0x2] =	stream.linear.gather @!p2 [hbm4b:s5+s2], $0x4, $0x38;
	[tilespmem:$0x1F0F8] =	vst v63  }
0x2b6: {  	s0 =	sshll.u32 s0, $0x2  }
0x2b7: {  	s31 =	simm.s32 $0x2;
	s0 =	sand.u32 $0x3FFFFFFC, s0  }
0x2b8: {  	_ =	swait.ge [sflag:s31], s0  }
0x2b9: {  	s0 =	ssub.s32 $0x0, s0;
	[sflag:s31] =	ssyncset.done $0x0  }
0x2ba: {  	[sflag:s31] =	ssyncadd.s32 s0  }
0x2bb: {  	v1 =	vld.msk [tilespmem:s22+$0x0], $0x1;
	_ =	sdelay $0x4  }
0x2bc: {  	(v2sf) =	vpush v1, $0x0;
	_ =	sdelay $0xe  }
0x2bd: {  	s26 =	spop (v2sf)  }
0x2be: {  	p2 =	sne.s32 s28, s26  }
0x2bf: {  	p4 =	sne.s32 @p2 s28, s23  }
0x2c0: {  	p3 =	por !p4, !p2  }
0x2c1: {  	s0 =	simm.s32 @!p3 $0x0  }
0x2c2: {  	v1 =	vld.msk @!p3 [tilespmem:s0+$0x1B38], $0xf  }
0x2c3: {  	p5 =	sgt.u32 @!p3 s28, $0x270FF  }
0x2c4: {  	s1 =	sshll.u32 @!p3 s21, $0x6;
	p6 =	por @p2 p5, !p4  }
0x2c5: {  	s1 =	sshra.s32 @!p3 s1, $0x2;
	p1 =	por p6, !p2;
	p6 =	por p4, !p2  }
0x2c6: {  	s2 =	sadd.s32 @!p3 $0x28, s1;
	s4 =	sand.u32 @!p1 $0x3FFF8, s28;
	s5 =	sshll.u32 @!p6 s21, $0x6  }
0x2c7: {  	s28 =	sand.u32 @!p1 $0x7, s28;
	[tilespmem:s1+$0x28] =	vst.add.f32.msk @!p3 $0xf, v1;
	s1 =	sadd.s32 @!p1 s3, s4;
	s4 =	sshra.s32 @!p6 s5, $0x2  }
0x2c8: {  	[hbm4b:s1+s28] =	stream.linear.scatter @!p1 [tilespmem:s2], [sflag:$0xC], $0x4, $0x38;
	[tilespmem:$0x1F0F8] =	vst v63  }
0x2c9: {  	s0 =	rddreg [dreg:$0x4];
	s1 =	sadd.s32 @!p6 $0x28, s4;
	s2 =	simm.s32 @!p6 $0x1  }
0x2ca: {  	[spmem:s0] =	stream.linear.scatter @!p6 [tilespmem:s1], [sflag:$0x1], $0x4, $0x38;
	[tilespmem:$0x1F0F8] =	vst v63  }
0x2cb: {  	s0 =	sadd.s32 @p2 $0x1, s21;
	_ =	swait.ge @!p6 [sflag:s2], $0x4  }
0x2cc: {  	s1 =	sshrl.u32 @p2 s0, $0x4;
	[sflag:s2] =	ssyncset.done @!p6 $0x0  }
0x2cd: {  	s1 =	smulhi.u32 @p2 $0x97B425F, s1;
	[sflag:s2] =	ssyncadd.s32 @!p6 $0xFFFFFFFC  }
0x2ce: {  	s28 =	sadd.s32 $0x1, s29;
	v1 =	vld.msk @p2 [tilespmem:s24+$0x0], $0xf  }
0x2cf: {  	p1 =	por @p2 !p5, !p4;
	p4 =	seq.s32 s28, $0x0;
	s1 =	smul.u32 @p2 $0x1B0, s1  }
.Ltmp22:
0x2d0: {  	p1 =	por !p1, !p2;
	s2 =	simm.s32 @!p3 $0x0;
	(pc) =	sbr.rel @p4 .LBB3_17-.Ltmp22, $4  }
0x2d1: {  	s4 =	sshll.u32 @!p2 s21, $0x6;
	s2 =	simm.s32 @!p1 $0x10;
	s0 =	ssub.s32 @p2 s0, s1  }
0x2d2: {  	s29 =	simm.s32 $0x0;
	s2 =	sadd.s32 @!p3 $0x0, s2;
	s5 =	sshll.u32 @p2 s0, $0x4  }
0x2d3: {  	s30 =	sshra.s32 @!p2 s4, $0x2;
	s1 =	simm.s32 @p2 $0x1;
	s2 =	smov.u32 @p3 s25;
	[tilespmem:s5+$0x28] =	vst.msk @p2 $0xf, v1  }
0x2d4: {  	s21 =	smov.u32 @p2 s0;
	s29 =	smov.u32 @p2 s2;
	s25 =	smov.u32 @p2 s1;
	v1 =	vld.msk @!p2 [tilespmem:s24+$0x0], $0xf  }
.LBB3_16:
0x2d5: {  	_ =	sdelay $0x3  }
0x2d6: {  	s22 =	sadd.s32 $0x1, s22;
	[tilespmem:s30+$0x28] =	vst.add.f32.msk @!p2 $0xf, v1  }
0x2d7: {  	v1 =	vld.msk [tilespmem:s22+$0x0], $0x1;
	_ =	sdelay $0x4  }
0x2d8: {  	(v2sf) =	vpush v1, $0x0;
	_ =	sdelay $0xe  }
0x2d9: {  	s0 =	smov.u32 s26;
	s26 =	spop (v2sf)  }
0x2da: {  	p2 =	sne.s32 s0, s26  }
0x2db: {  	p5 =	sne.s32 @p2 s0, s23  }
0x2dc: {  	s4 =	sshll.u32 @!p2 s21, $0x6;
	p4 =	por !p5, !p2  }
0x2dd: {  	s30 =	sshra.s32 @!p2 s4, $0x2;
	s4 =	sshll.u32 @!p4 s25, $0x6  }
0x2de: {  	s4 =	sshra.s32 @!p4 s4, $0x2  }
0x2df: {  	p1 =	sgt.u32 @!p4 s0, $0x270FF;
	v1 =	vld.msk @!p4 [tilespmem:s4+$0x1B38], $0xf  }
0x2e0: {  	s31 =	sshll.u32 @!p4 s21, $0x6;
	p6 =	por @p2 p1, !p5;
	p1 =	por @p2 !p1, !p5  }
0x2e1: {  	s8 =	simm.s32 @!p4 $0x0;
	s31 =	sshra.s32 @!p4 s31, $0x2;
	p1 =	por !p1, !p2  }
0x2e2: {  	p5 =	por p5, !p2;
	s8 =	simm.s32 @!p1 $0x10;
	p1 =	por p6, !p2  }
0x2e3: {  	s4 =	sadd.s32 @!p4 $0x28, s31;
	s13 =	sshll.u32 @!p5 s21, $0x6;
	s10 =	sand.u32 @!p1 $0x3FFF8, s0  }
0x2e4: {  	s13 =	sshra.s32 @!p5 s13, $0x2;
	s0 =	sand.u32 @!p1 $0x7, s0;
	s10 =	sadd.s32 @!p1 s3, s10;
	[tilespmem:s31+$0x28] =	vst.add.f32.msk @!p4 $0xf, v1  }
0x2e5: {  	[hbm4b:s10+s0] =	stream.linear.scatter @!p1 [tilespmem:s4], [sflag:$0xC], $0x4, $0x38;
	[tilespmem:$0x1F0F8] =	vst v63  }
0x2e6: {  	s1 =	rddreg [dreg:$0x4];
	s0 =	sadd.s32 @!p5 $0x28, s13;
	s4 =	simm.s32 @!p5 $0x1  }
0x2e7: {  	[spmem:s1] =	stream.linear.scatter @!p5 [tilespmem:s0], [sflag:$0x1], $0x4, $0x38;
	[tilespmem:$0x1F0F8] =	vst v63  }
0x2e8: {  	s2 =	sadd.s32 @p2 $0x1, s21;
	_ =	swait.ge @!p5 [sflag:s4], $0x4  }
0x2e9: {  	s5 =	sshrl.u32 @p2 s2, $0x4;
	[sflag:s4] =	ssyncset.done @!p5 $0x0  }
0x2ea: {  	s24 =	sadd.s32 $0x80, s24;
	s5 =	smulhi.u32 @p2 $0x97B425F, s5;
	[sflag:s4] =	ssyncadd.s32 @!p5 $0xFFFFFFFC  }
0x2eb: {  	s28 =	sadd.s32 $0x1, s28;
	v1 =	vld.msk @p2 [tilespmem:s24+$0x0], $0xf  }
0x2ec: {  	p3 =	seq.s32 s28, $0x0;
	s5 =	smul.u32 @p2 $0x1B0, s5  }
.Ltmp23:
0x2ed: {  	_ = 	snop;
	(pc) =	sbr.rel @!p3 .LBB3_16-.Ltmp23, $4  }
0x2ee: {  	s2 =	ssub.s32 @p2 s2, s5  }
0x2ef: {  	s8 =	sadd.s32 @!p4 s8, s29;
	s5 =	sshll.u32 @p2 s2, $0x4  }
0x2f0: {  	s9 =	sadd.s32 @p2 $0x1, s25;
	s8 =	smov.u32 @p4 s29;
	[tilespmem:s5+$0x28] =	vst.msk @p2 $0xf, v1  }
0x2f1: {  	s25 =	smov.u32 @p2 s9;
	s21 =	smov.u32 @p2 s2;
	s29 =	smov.u32 @p2 s8;
	v1 =	vld.msk @!p2 [tilespmem:s24+$0x0], $0xf  }
.LBB3_17:
.Ltmp24:
0x2f2: {  	_ = 	snop;
	(pc) =	sbr.rel .LBB3_19-.Ltmp24, $3  }
0x2f3: {  	s1 =	sld [smem:$0x7FD];
	_ =	sdelay $0x1  }
0x2f4: {  	s0 =	sshrl.u32 s29, $0x2;
	s28 =	smov.u32 s26  }
0x2f5: {  	s4 =	smov.u32 s6;
	s6 =	rddreg [dreg:$0x6];
	p4 =	seq.s32 s1, $0x1;
	[tilespmem:s30+$0x28] =	vst.add.f32.msk @!p2 $0xf, v1  }
.LBB3_21:
0x2f6: {  	_ =	sfence.sel $0x180000  }
0x2f7: {  	s0 =	simm.s32 $0x9;
	[bflag:$0x0] =	sbarrier.arrive $0xFFFF  }
0x2f8: {  	s24 =	simm.s32 $0xA;
	[sflag:s0] =	ssyncpa.u1 $0x1  }
0x2f9: {  	s25 =	simm.s32 $0xB;
	[sflag:s24] =	ssyncpa.u1 $0x1  }
0x2fa: {  	s26 =	simm.s32 $0x2;
	[sflag:s25] =	ssyncpa.u1 $0x1  }
0x2fb: {  	[sflag:s26] =	ssyncpa.u1 $0x1  }
0x2fc: {  	v0 =	vld [tilespmem:$0x3648];
	_ =	sdelay $0x4  }
0x2fd: {  	(v2sf) =	vpush v0, $0x0  }
0x2fe: {  	(v2sf) =	vpush v0, $0x1;
	_ =	sdelay $0x1  }
0x2ff: {  	(v2sf) =	vpush v0, $0x2;
	_ =	sdelay $0xb  }
0x300: {  	s0 =	spop (v2sf)  }
0x301: {  	s1 =	spop (v2sf)  }
0x302: {  	s2 =	smov.u32 s0;
	p0 =	sne.s32 s0, s1  }
0x303: {  	s4 =	spop (v2sf);
	s2 =	simm.s32 @!p0 $0xFFFFFFFF  }
0x304: {  	v2 =	vimm.s32 $0x1;
	v3 =	vlaneseq.u32;
	p0 =	seq.s32 s4, $0xFFFFFFFF;
	v1 =	vmov s2  }
0x305: {  	s16 =	stileid.u32;
	v0 =	vperm.xlane v0, v2;
	p1 =	sne.s32 @!p0 s0, s1;
	v1 =	vperm.xlane v1, v3  }
0x306: {  	vm0 =	vcmask $0x3F04;
	s6 =	simm.s32 $0x3648;
	s0 =	simm.s32 @!p0 $0x1;
	p1 =	por !p1, p0  }
0x307: {  	s2 =	sshll.u32 s16, $0x1;
	s1 =	sshll.u32 @!p0 s4, $0x6;
	s0 =	simm.s32 @p1 $0x0;
	v0 =	vsel vm0, v1, v0  }
0x308: {  	s5 =	sor.u32 $0x200, s2;
	s1 =	sshra.s32 @!p0 s1, $0x2;
	s0 =	sor.u32 @!p0 s0, s2;
	[tilespmem:$0x3648] =	vst v0  }
0x309: {  	[spmem:s5] =	stream.linear.scatter [tilespmem:s6], [sflag:$0x1], $0x2, $0x38;
	[tilespmem:$0x1F0F8] =	vst v63  }
0x30a: {  	s1 =	sadd.s32 @!p0 $0x28, s1;
	s0 =	sshll.u32 @!p0 s0, $0x4  }
0x30b: {  	[spmem:s0] =	stream.linear.scatter @!p0 [tilespmem:s1], [sflag:$0x1], $0x10, $0x38;
	[tilespmem:$0x1F0F8] =	vst v63  }
0x30c: {  	s0 =	simm.s32 @!p0 $0x12  }
0x30d: {  	s28 =	simm.s32 $0x1;
	s0 =	simm.s32 @p0 $0x2  }
0x30e: {  	_ =	swait.ge [sflag:s28], s0  }
0x30f: {  	s0 =	ssub.s32 $0x0, s0;
	[sflag:s28] =	ssyncset.done $0x0  }
0x310: {  	p0 =	sne.s32 s16, $0x0;
	[sflag:s28] =	ssyncadd.s32 s0  }
.Ltmp25:
0x311: {  	_ =	sfence.stream.spmem;
	(pc) =	sbr.rel @p0 .LBB3_38-.Ltmp25, $4  }
0x312: {  	s29 =	simm.s32 $0x3;
	[bflag:$0x0] =	sbarrier.arrive $0xFFFF  }
0x313: {  	s30 =	simm.s32 $0x4;
	[sflag:s29] =	ssyncpa.u1 $0x1  }
0x314: {  	s31 =	simm.s32 $0x3C;
	[sflag:s30] =	ssyncpa.u1 $0x1  }
0x315: {  	s17 =	rddreg [dreg:$0x5];
	[sflag:s31] =	ssyncpa.u1 $0x1  }
0x316: {  	_ =	sfence.stream.spmem;
	s0 =	simm.s32 $0x5  }
0x317: {  	s1 =	simm.s32 $0x200;
	s2 =	simm.s32 $0x3658;
	[sflag:s0] =	ssyncpa.u1 $0x0  }
0x318: {  	[tilespmem:s2], [sflag:$0x5] =	stream.linear.gather [spmem:s1], $0x20, $0x38;
	[tilespmem:$0x1F0F8] =	vst v63  }
0x319: {  	s26 =	simm.s32 $0x0;
	s28 =	simm.s32 $0x3678  }
0x31a: {  	[tilespmem:s28], [sflag:$0x5] =	stream.linear.gather [spmem:s26], $0x200, $0x38;
	[tilespmem:$0x1F0F8] =	vst v63  }
0x31b: {  	_ =	swait.ge [sflag:s0], $0x220  }
0x31c: {  	[sflag:s0] =	ssyncset.done $0x0  }
0x31d: {  	s29 =	simm.s32 $0x0;
	[sflag:s0] =	ssyncadd.s32 $0xFFFFFDE0  }
0x31e: {  	v0 =	vld.msk [tilespmem:s29+$0x3658], $0x1;
	_ =	sdelay $0x1  }
0x31f: {  	s30 =	simm.s32 $0x1  }
0x320: {  	v1 =	vld.msk [tilespmem:s30+$0x3658], $0x1;
	_ =	sdelay $0x1  }
0x321: {  	(v2sf) =	vpush v0, $0x0;
	_ =	sdelay $0x2  }
0x322: {  	(v2sf) =	vpush v1, $0x0;
	_ =	sdelay $0x2  }
0x323: {  	s31 =	simm.s32 $0x2  }
0x324: {  	v0 =	vld.msk [tilespmem:s31+$0x3658], $0x1;
	_ =	sdelay $0x2  }
0x325: {  	s6 =	simm.s32 $0xFFFFFFFF;
	s1 =	simm.s32 $0xFFFFFFFF;
	s0 =	simm.s32 $0xC  }
.LBB3_23:
0x326: {  	s2 =	smov.u32 s6;
	s4 =	smov.u32 s1  }
0x327: {  	s1 =	sshra.s32 s0, $0x2;
	p1 =	sne.s32 s0, $0x7C;
	s0 =	sadd.s32 $0x4, s0;
	(v2sf) =	vpush v0, $0x0  }
0x328: {  	v0 =	vld.msk [tilespmem:s1+$0x3658], $0x1  }
.Ltmp26:
0x329: {  	(pc) =	sbr.rel @p1 .LBB3_23-.Ltmp26, $4  }
0x32a: {  	s6 =	spop (v2sf)  }
0x32b: {  	p2 =	sne.s32 s4, $0xFFFFFFFF;
	s1 =	smov.u32 s6  }
0x32c: {  	p3 =	seq.s32 s6, $0xFFFFFFFF;
	s1 =	smov.u32 @p2 s4  }
0x32d: {  	s6 =	smov.u32 @p3 s2;
	s1 =	smov.u32 @p3 s4  }
0x32e: {  	(v2sf) =	vpush v0, $0x0;
	_ =	sdelay $0x8  }
0x32f: {  	s0 =	spop (v2sf)  }
0x330: {  	p1 =	sne.s32 s1, $0xFFFFFFFF;
	s2 =	smov.u32 s0  }
0x331: {  	s9 =	simm.s32 $0x6;
	p2 =	seq.s32 s0, $0xFFFFFFFF;
	s2 =	smov.u32 @p1 s1  }
0x332: {  	s10 =	simm.s32 $0x3638;
	s2 =	smov.u32 @p2 s1;
	s1 =	spop (v2sf)  }
0x333: {  	s0 =	smov.u32 @p2 s6;
	p1 =	sne.s32 s2, $0xFFFFFFFF;
	s4 =	smov.u32 s1  }
.Ltmp27:
0x334: {  	p2 =	seq.s32 s1, $0xFFFFFFFF;
	s4 =	smov.u32 @p1 s2;
	(pc) =	sbr.rel .LBB3_25-.Ltmp27, $4  }
0x335: {  	s11 =	simm.s32 $0x0;
	s4 =	smov.u32 @p2 s2;
	s7 =	spop (v2sf)  }
0x336: {  	[sflag:s9] =	ssyncpa.u1 $0x0;
	p1 =	sne.s32 s4, $0xFFFFFFFF;
	s8 =	smov.u32 s7  }
0x337: {  	s1 =	smov.u32 @p2 s0;
	p2 =	seq.s32 s7, $0xFFFFFFFF;
	s8 =	smov.u32 @p1 s4  }
0x338: {  	s6 =	simm.s32 $0x0;
	s7 =	smov.u32 @p2 s1;
	s8 =	smov.u32 @p2 s4  }
.LBB3_30:
0x339: {  	p1 =	sgt.u32 s12, $0x270FF  }
0x33a: {  	p2 =	seq.s32 @!p1 s12, s8  }
0x33b: {  	p1 =	por p1, p2  }
0x33c: {  	p2 =	sne.s32 @!p1 s12, s7  }
0x33d: {  	p1 =	por p1, !p2  }
0x33e: {  	s0 =	sshll.u32 @p1 s11, $0x6  }
0x33f: {  	s0 =	sand.u32 @!p1 $0x3FFF8, s12  }
0x340: {  	s1 =	sand.u32 @!p1 $0x7, s12;
	s0 =	sadd.s32 @!p1 s3, s0  }
0x341: {  	[tilespmem:s10], [sflag:$0x6] =	stream.linear.gather @!p1 [hbm4b:s0+s1], $0x4, $0x38;
	[tilespmem:$0x1F0F8] =	vst v63  }
0x342: {  	_ =	swait.ge @!p1 [sflag:s9], $0x4  }
0x343: {  	[sflag:s9] =	ssyncset.done @!p1 $0x0  }
0x344: {  	[sflag:s9] =	ssyncadd.s32 @!p1 $0xFFFFFFFC  }
0x345: {  	v1 =	vld @!p1 [tilespmem:$0x3638];
	_ =	sdelay $0x2  }
0x346: {  	s0 =	sshll.u32 @!p1 s11, $0x6  }
0x347: {  	s1 =	sshrl.u32 @!p1 s0, $0x2  }
0x348: {  	[tilespmem:s1+$0x3678] =	vst.add.f32.msk @!p1 $0xffff, v1  }
0x349: {  	s0 =	sshrl.u32 s0, $0x2;
	[tilespmem:s6+$0x3658] =	vst.msk $0x1, v0  }
0x34a: {  	v0 =	vld [tilespmem:s0+$0x3678];
	_ =	sdelay $0x2  }
0x34b: {  	s31 =	sshll.u32 s6, $0x6  }
0x34c: {  	s0 =	sshra.s32 s31, $0x2  }
0x34d: {  	s6 =	sadd.s32 $0x1, s6;
	[tilespmem:s0+$0x3678] =	vst v0  }
.LBB3_32:
0x34e: {  	s11 =	sadd.s32 $0x1, s11  }
0x34f: {  	p1 =	sne.s32 s11, $0x20  }
.Ltmp28:
0x350: {  	_ = 	snop;
	(pc) =	sbr.rel @!p1 .LBB3_33-.Ltmp28, $1  }
0x351: {  	_ =	sdelay $0x3  }
.LBB3_25:
0x352: {  	v0 =	vld.msk [tilespmem:s11+$0x3658], $0x1;
	_ =	sdelay $0x4  }
0x353: {  	(v2sf) =	vpush v0, $0x0;
	_ =	sdelay $0xe  }
0x354: {  	s12 =	spop (v2sf)  }
0x355: {  	p1 =	seq.s32 s12, $0xFFFFFFFF  }
.Ltmp29:
0x356: {  	_ = 	snop;
	(pc) =	sbr.rel @p1 .LBB3_32-.Ltmp29, $1  }
0x357: {  	_ =	sdelay $0x3  }
0x358: {  	p1 =	slt.s32 s6, $0x1  }
.Ltmp30:
0x359: {  	_ = 	snop;
	(pc) =	sbr.rel @p1 .LBB3_30-.Ltmp30, $1  }
0x35a: {  	_ =	sdelay $0x3  }
0x35b: {  	s13 =	simm.s32 $0x3658;
	p1 =	por $0x0, $0x0  }
0x35c: {  	v1 =	vld.msk @!p1 [tilespmem:s13+$0x0], $0x1;
	_ =	sdelay $0x4  }
0x35d: {  	(v2sf) =	vpush @!p1 v1, $0x0;
	_ =	sdelay $0xd  }
0x35e: {  	p3 =	sne.s32 s6, $0x1  }
.Ltmp31:
0x35f: {  	s0 =	spop @!p1 (v2sf);
	(pc) =	sbr.rel @!p3 .LBB3_29-.Ltmp31, $4  }
0x360: {  	p2 =	seq.s32 @!p1 s12, s0  }
0x361: {  	s14 =	simm.s32 $0x0;
	p2 =	por !p2, p1  }
0x362: {  	s0 =	simm.s32 $0xFFFFFFFF;
	s14 =	simm.s32 @p2 $0xFFFFFFFF  }
0x363: {  	s15 =	simm.s32 $0x1;
	s14 =	smov.u32 @p1 s0  }
.LBB3_28:
0x364: {  	s0 =	smov.u32 s14;
	p1 =	sne.s32 s14, $0xFFFFFFFF  }
0x365: {  	s13 =	sadd.s32 $0x1, s13;
	s14 =	smov.u32 s15;
	s15 =	sadd.s32 $0x1, s15  }
0x366: {  	p2 =	sne.s32 s6, s15;
	v1 =	vld.msk @!p1 [tilespmem:s13+$0x0], $0x1;
	_ =	sdelay $0x4  }
0x367: {  	(v2sf) =	vpush @!p1 v1, $0x0;
	_ =	sdelay $0xe  }
.Ltmp32:
0x368: {  	s1 =	spop @!p1 (v2sf);
	(pc) =	sbr.rel @p2 .LBB3_28-.Ltmp32, $4  }
0x369: {  	p3 =	seq.s32 @!p1 s12, s1  }
0x36a: {  	p3 =	por !p3, p1  }
0x36b: {  	s14 =	simm.s32 @p3 $0xFFFFFFFF  }
0x36c: {  	s14 =	smov.u32 @p1 s0  }
.LBB3_29:
0x36d: {  	p1 =	sne.s32 s14, $0xFFFFFFFF  }
.Ltmp33:
0x36e: {  	_ = 	snop;
	(pc) =	sbr.rel @!p1 .LBB3_30-.Ltmp33, $1  }
0x36f: {  	_ =	sdelay $0x3  }
0x370: {  	s0 =	sshll.u32 s11, $0x4  }
0x371: {  	s0 =	sand.u32 $0x3FFFFFF0, s0  }
0x372: {  	v0 =	vld [tilespmem:s0+$0x3678]  }
.Ltmp34:
0x373: {  	_ = 	snop;
	(pc) =	sbr.rel .LBB3_32-.Ltmp34, $4  }
0x374: {  	_ = 	snop  }
0x375: {  	s31 =	sshll.u32 s14, $0x6  }
0x376: {  	s0 =	sshra.s32 s31, $0x2  }
0x377: {  	[tilespmem:s0+$0x3678] =	vst.add.f32.msk $0xffff, v0  }
.LBB3_33:
0x378: {  	s0 =	simm.s32 $0x6;
	p1 =	seq.s32 s6, $0x0  }
0x379: {  	[sflag:s0] =	ssyncpa.u1 $0x1;
	v0 =	vimm.s32 @p1 $0xFFFFFFFF  }
0x37a: {  	s9 =	sadd.s32 $0xFFFFFFFF, s6;
	[tilespmem:$0x3878] =	vst @p1 v0  }
0x37b: {  	v0 =	vld.msk @!p1 [tilespmem:s9+$0x3658], $0x1;
	_ =	sdelay $0x1  }
0x37c: {  	v1 =	vld.msk @!p1 [tilespmem:$0x3658], $0x1;
	_ =	sdelay $0x2  }
0x37d: {  	p2 =	seq.s32 @!p1 s9, $0x0;
	v0 =	vbroadcast @!p1 v0, $0x0  }
0x37e: {  	vm0 =	vmmov @!p1 $0x1;
	p2 =	por !p2, p1  }
0x37f: {  	v1 =	vnsel @!p1 vm0, $0xFFFFFFFF, v1;
	vm0 =	vcmask @!p1 $0x308;
	v0 =	vpsel !p2, $0xFFFFFFFF, v0  }
0x380: {  	p2 =	sne.s32 @!p1 s8, s7;
	v0 =	vsel @!p1 vm0, v1, v0  }
0x381: {  	s0 =	simm.s32 @!p1 $0x3678;
	s1 =	simm.s32 @!p1 $0x0;
	p3 =	por !p2, p1;
	[tilespmem:$0x3878] =	vst @!p1 v0  }
0x382: {  	[spmem:s1] =	stream.linear.scatter @!p1 [tilespmem:s0], [sflag:$0x1], $0x10, $0x38;
	[tilespmem:$0x1F0F8] =	vst v63  }
0x383: {  	s0 =	sshll.u32 @!p3 s9, $0x6  }
0x384: {  	s0 =	sshra.s32 @!p3 s0, $0x2  }
0x385: {  	s1 =	simm.s32 @!p3 $0x10;
	s0 =	sadd.s32 @!p3 $0x3678, s0  }
0x386: {  	[spmem:s1] =	stream.linear.scatter @!p3 [tilespmem:s0], [sflag:$0x1], $0x10, $0x38;
	[tilespmem:$0x1F0F8] =	vst v63  }
0x387: {  	s0 =	simm.s32 @!p3 $0x1  }
0x388: {  	_ =	swait.ge @!p3 [sflag:s0], $0x20  }
0x389: {  	p1 =	por p2, p1;
	[sflag:s0] =	ssyncset.done @!p3 $0x0  }
0x38a: {  	[sflag:s0] =	ssyncadd.s32 @!p3 $0xFFFFFFE0;
	s0 =	simm.s32 @!p1 $0x1  }
0x38b: {  	_ =	swait.ge @!p1 [sflag:s0], $0x10  }
0x38c: {  	s29 =	simm.s32 $0x3878;
	[sflag:s0] =	ssyncset.done @!p1 $0x0  }
0x38d: {  	s30 =	simm.s32 $0x200;
	s31 =	simm.s32 $0x1;
	[sflag:s0] =	ssyncadd.s32 @!p1 $0xFFFFFFF0  }
0x38e: {  	[spmem:s30] =	stream.linear.scatter [tilespmem:s29], [sflag:$0x1], $0x10, $0x38;
	[tilespmem:$0x1F0F8] =	vst v63  }
0x38f: {  	_ =	swait.ge [sflag:s31], $0x10  }
0x390: {  	[sflag:s31] =	ssyncset.done $0x0  }
0x391: {  	p1 =	seq.s32 s17, $0x0;
	s8 =	rddreg [dreg:$0x1];
	[sflag:s31] =	ssyncadd.s32 $0xFFFFFFF0  }
0x392: {  	s1 =	sshll.u32 @p1 s8, $0xE;
	s7 =	rddreg [dreg:$0x2]  }
0x393: {  	s0 =	sadd.s32 @p1 $0x15C3C, s1;
	s1 =	sshll.u32 @p1 s7, $0x11  }
0x394: {  	_ =	sfence.stream.spmem;
	s0 =	sor.u32 @p1 s1, s0  }
0x395: {  	[sflag:s0] =	ssyncadd.remote.s32 @p1 $0x1;
	s0 =	simm.s32 @p1 $0x4  }
0x396: {  	s2 =	simm.s32 @!p1 $0x3C;
	s1 =	sand.u32 $0xFFFFFFFE, s8;
	_ =	swait.ge @p1 [sflag:s0], $0x6  }
0x397: {  	s4 =	simm.s32 @!p1 $0x0;
	s1 =	sadd.s32 @!p1 $0x4, s1;
	[sflag:s0] =	ssyncset.done @p1 $0x0  }
0x398: {  	s5 =	simm.s32 @!p1 $0x20;
	[sflag:s0] =	ssyncadd.s32 @p1 $0xFFFFFFFA;
	s0 =	sshll.u32 @!p1 s1, $0x1A  }
0x399: {  	s1 =	sshll.u32 @!p1 s1, $0xD;
	s0 =	sor.u32 @!p1 s0, s7;
	_ =	swait.eq @!p1 [sflag:s2], $0x1  }
0x39a: {  	s1 =	sor.u32 @!p1 $0x1C04, s1;
	s2 =	simm.s32 @!p1 $0x1C03;
	s0 =	sor.u32 @!p1 $0x80004000, s0  }
0x39b: {  	[spmem:s5], [sflag:s1] =	dma.general @!p1 [spmem:s4], [sflag:s2], length:$0x4, [dreg:$0x0], stride_count:$0x0, ici_dest:s0, dma_misc:DstOpCode:WRITE  }
0x39c: {  	p2 =	slt.s32 s9, $0x2;
	s4 =	simm.s32 @!p1 $0x40;
	s5 =	simm.s32 @!p1 $0x42  }
0x39d: {  	[spmem:s5], [sflag:s1] =	dma.general @!p1 [spmem:s4], [sflag:s2], length:$0x2, [dreg:$0x0], stride_count:$0x0, ici_dest:s0, dma_misc:DstOpCode:WRITE  }
.Ltmp35:
0x39e: {  	s0 =	simm.s32 @!p1 $0x3;
	(pc) =	sbr.rel @p2 .LBB3_37-.Ltmp35, $4  }
0x39f: {  	s1 =	sshll.u32 @!p1 s8, $0xE;
	_ =	swait.ge @!p1 [sflag:s0], $0x6  }
0x3a0: {  	s2 =	sshll.u32 @!p1 s7, $0x11;
	s1 =	sadd.s32 @!p1 $0x11C3C, s1;
	[sflag:s0] =	ssyncset.done @!p1 $0x0  }
0x3a1: {  	[sflag:s0] =	ssyncadd.s32 @!p1 $0xFFFFFFFA;
	s0 =	sor.u32 @!p1 s2, s1  }
0x3a2: {  	[sflag:s0] =	ssyncadd.remote.s32 @!p1 $0xFFFFFFFF;
	s0 =	simm.s32 $0x0  }
0x3a3: {  	s0 =	simm.s32 $0x3659  }
0x3a4: {  	v0 =	vld.msk [tilespmem:s0+$0x0], $0x1;
	_ =	sdelay $0x4  }
0x3a5: {  	(v2sf) =	vpush v0, $0x0;
	_ =	sdelay $0xd  }
0x3a6: {  	s2 =	sadd.s32 $0xFFFFFFFE, s6  }
0x3a7: {  	s2 =	sadd.s32 $0xFFFFFFFF, s2;
	s0 =	spop (v2sf)  }
0x3a8: {  	p2 =	sne.s32 s2, $0x0;
	p1 =	sgt.u32 s0, $0x270FF  }
.Ltmp36:
0x3a9: {  	s4 =	sand.u32 @!p1 $0x3FFF8, s0;
	(pc) =	sbr.rel @!p2 .LBB3_36-.Ltmp36, $4  }
0x3aa: {  	s1 =	simm.s32 $0x3688;
	s0 =	sand.u32 @!p1 $0x7, s0;
	s4 =	sadd.s32 @!p1 s3, s4  }
0x3ab: {  	[hbm4b:s4+s0] =	stream.linear.scatter @!p1 [tilespmem:s1], [sflag:$0x5], $0x4, $0x38;
	[tilespmem:$0x1F0F8] =	vst v63  }
0x3ac: {  	s0 =	simm.s32 $0x0  }
0x3ad: {  	s6 =	simm.s32 $0x0;
	s7 =	simm.s32 $0x365A;
	s0 =	simm.s32 @!p1 $0x10  }
.LBB3_35:
0x3ae: {  	v0 =	vld.msk [tilespmem:s7+$0x0], $0x1;
	s2 =	sadd.s32 $0xFFFFFFFF, s2;
	s6 =	sadd.s32 s6, s0  }
0x3af: {  	p1 =	sne.s32 s2, $0x0;
	_ =	sdelay $0x3  }
0x3b0: {  	(v2sf) =	vpush v0, $0x0;
	_ =	sdelay $0xe  }
.Ltmp37:
0x3b1: {  	s4 =	spop (v2sf);
	(pc) =	sbr.rel @p1 .LBB3_35-.Ltmp37, $4  }
0x3b2: {  	s0 =	simm.s32 $0x0;
	p2 =	sgt.u32 s4, $0x270FF  }
0x3b3: {  	s1 =	sadd.s32 $0x10, s1;
	s0 =	simm.s32 @!p2 $0x10;
	s5 =	sand.u32 @!p2 $0x3FFF8, s4  }
0x3b4: {  	s7 =	sadd.s32 $0x1, s7;
	s4 =	sand.u32 @!p2 $0x7, s4;
	s5 =	sadd.s32 @!p2 s3, s5  }
0x3b5: {  	[hbm4b:s5+s4] =	stream.linear.scatter @!p2 [tilespmem:s1], [sflag:$0x5], $0x4, $0x38;
	[tilespmem:$0x1F0F8] =	vst v63  }
.LBB3_36:
0x3b6: {  	s0 =	sadd.s32 s6, s0  }
0x3b7: {  	s0 =	sshrl.u32 s0, $0x2  }
.LBB3_37:
0x3b8: {  	s1 =	simm.s32 $0x5  }
0x3b9: {  	_ =	swait.ge [sflag:s1], s0  }
0x3ba: {  	s31 =	ssub.s32 $0x0, s0;
	[sflag:s1] =	ssyncset.done $0x0  }
0x3bb: {  	[sflag:s1] =	ssyncadd.s32 s31  }
0x3bc: {  	[sflag:s1] =	ssyncpa.u1 $0x1  }
.LBB3_38:
0x3bd: {  	s0 =	sor.u32 s17, s16  }
0x3be: {  	p1 =	sne.s32 s0, $0x0  }
.Ltmp38:
0x3bf: {  	_ = 	snop;
	(pc) =	sbr.rel @p1 .LBB3_53-.Ltmp38, $3  }
0x3c0: {  	_ =	sdelay $0x1  }
0x3c1: {  	[bflag:$0x0] =	sbarrier.arrive $0xFFFF  }
0x3c2: {  	_ =	sfence  }
0x3c3: {  	s0 =	simm.s32 $0x7  }
0x3c4: {  	s1 =	simm.s32 $0x200;
	s2 =	simm.s32 $0x3658;
	[sflag:s0] =	ssyncpa.u1 $0x0  }
0x3c5: {  	[tilespmem:s2], [sflag:$0x7] =	stream.linear.gather [spmem:s1], $0x20, $0x38;
	[tilespmem:$0x1F0F8] =	vst v63  }
0x3c6: {  	s30 =	simm.s32 $0x3678;
	s1 =	simm.s32 $0x0  }
0x3c7: {  	[tilespmem:s30], [sflag:$0x7] =	stream.linear.gather [spmem:s1], $0x200, $0x38;
	[tilespmem:$0x1F0F8] =	vst v63  }
.Ltmp39:
0x3c8: {  	_ = 	snop;
	(pc) =	sbr.rel .LBB3_40-.Ltmp39, $4  }
0x3c9: {  	_ =	swait.ge [sflag:s0], $0x220  }
0x3ca: {  	[sflag:s0] =	ssyncset.done $0x0  }
0x3cb: {  	s31 =	simm.s32 $0x8;
	[sflag:s0] =	ssyncadd.s32 $0xFFFFFDE0  }
0x3cc: {  	s2 =	simm.s32 $0x0;
	[sflag:s31] =	ssyncpa.u1 $0x0  }
.LBB3_45:
0x3cd: {  	p1 =	slt.u32 s4, $0x27100  }
0x3ce: {  	s0 =	sand.u32 @p1 $0x3FFF8, s4  }
0x3cf: {  	s4 =	sand.u32 @p1 $0x7, s4;
	s5 =	simm.s32 @p1 $0x3638;
	s0 =	sadd.s32 @p1 s3, s0  }
0x3d0: {  	[tilespmem:s5], [sflag:$0x8] =	stream.linear.gather @p1 [hbm4b:s0+s4], $0x4, $0x38;
	[tilespmem:$0x1F0F8] =	vst v63  }
0x3d1: {  	s0 =	simm.s32 @p1 $0x8  }
0x3d2: {  	_ =	swait.ge @p1 [sflag:s0], $0x4  }
0x3d3: {  	[sflag:s0] =	ssyncset.done @p1 $0x0  }
0x3d4: {  	[sflag:s0] =	ssyncadd.s32 @p1 $0xFFFFFFFC  }
0x3d5: {  	v1 =	vld @p1 [tilespmem:$0x3638];
	_ =	sdelay $0x2  }
0x3d6: {  	s0 =	sshll.u32 @p1 s2, $0x6  }
0x3d7: {  	s5 =	sshll.u32 @!p1 s2, $0x6;
	s4 =	sshrl.u32 @p1 s0, $0x2  }
0x3d8: {  	s5 =	smov.u32 @p1 s0;
	[tilespmem:s4+$0x3678] =	vst.add.f32.msk @p1 $0xffff, v1  }
0x3d9: {  	s0 =	sshrl.u32 s5, $0x2;
	[tilespmem:s1+$0x3658] =	vst.msk $0x1, v0  }
0x3da: {  	v0 =	vld [tilespmem:s0+$0x3678];
	_ =	sdelay $0x2  }
0x3db: {  	s31 =	sshll.u32 s1, $0x6  }
0x3dc: {  	s0 =	sshra.s32 s31, $0x2  }
0x3dd: {  	s1 =	sadd.s32 $0x1, s1;
	[tilespmem:s0+$0x3678] =	vst v0  }
.LBB3_47:
0x3de: {  	s2 =	sadd.s32 $0x1, s2  }
0x3df: {  	p1 =	sne.s32 s2, $0x20  }
.Ltmp40:
0x3e0: {  	_ = 	snop;
	(pc) =	sbr.rel @!p1 .LBB3_48-.Ltmp40, $1  }
0x3e1: {  	_ =	sdelay $0x3  }
.LBB3_40:
0x3e2: {  	v0 =	vld.msk [tilespmem:s2+$0x3658], $0x1;
	_ =	sdelay $0x4  }
0x3e3: {  	(v2sf) =	vpush v0, $0x0;
	_ =	sdelay $0xe  }
0x3e4: {  	s4 =	spop (v2sf)  }
0x3e5: {  	p1 =	seq.s32 s4, $0xFFFFFFFF  }
.Ltmp41:
0x3e6: {  	_ = 	snop;
	(pc) =	sbr.rel @p1 .LBB3_47-.Ltmp41, $1  }
0x3e7: {  	_ =	sdelay $0x3  }
0x3e8: {  	p1 =	slt.s32 s1, $0x1  }
.Ltmp42:
0x3e9: {  	_ = 	snop;
	(pc) =	sbr.rel @p1 .LBB3_45-.Ltmp42, $1  }
0x3ea: {  	_ =	sdelay $0x3  }
0x3eb: {  	s5 =	simm.s32 $0x3658;
	p1 =	por $0x0, $0x0  }
0x3ec: {  	v1 =	vld.msk @!p1 [tilespmem:s5+$0x0], $0x1;
	_ =	sdelay $0x4  }
0x3ed: {  	(v2sf) =	vpush @!p1 v1, $0x0;
	_ =	sdelay $0xd  }
0x3ee: {  	p3 =	sne.s32 s1, $0x1  }
.Ltmp43:
0x3ef: {  	s0 =	spop @!p1 (v2sf);
	(pc) =	sbr.rel @!p3 .LBB3_44-.Ltmp43, $4  }
0x3f0: {  	p2 =	seq.s32 @!p1 s4, s0  }
0x3f1: {  	s6 =	simm.s32 $0x0;
	p2 =	por !p2, p1  }
0x3f2: {  	s0 =	simm.s32 $0xFFFFFFFF;
	s6 =	simm.s32 @p2 $0xFFFFFFFF  }
0x3f3: {  	s7 =	simm.s32 $0x1;
	s6 =	smov.u32 @p1 s0  }
.LBB3_43:
0x3f4: {  	s0 =	smov.u32 s6;
	p1 =	sne.s32 s6, $0xFFFFFFFF  }
0x3f5: {  	s5 =	sadd.s32 $0x1, s5;
	s6 =	smov.u32 s7;
	s7 =	sadd.s32 $0x1, s7  }
0x3f6: {  	p2 =	sne.s32 s1, s7;
	v1 =	vld.msk @!p1 [tilespmem:s5+$0x0], $0x1;
	_ =	sdelay $0x4  }
0x3f7: {  	(v2sf) =	vpush @!p1 v1, $0x0;
	_ =	sdelay $0xe  }
.Ltmp44:
0x3f8: {  	s8 =	spop @!p1 (v2sf);
	(pc) =	sbr.rel @p2 .LBB3_43-.Ltmp44, $4  }
0x3f9: {  	p3 =	seq.s32 @!p1 s4, s8  }
0x3fa: {  	p3 =	por !p3, p1  }
0x3fb: {  	s6 =	simm.s32 @p3 $0xFFFFFFFF  }
0x3fc: {  	s6 =	smov.u32 @p1 s0  }
.LBB3_44:
0x3fd: {  	p1 =	sne.s32 s6, $0xFFFFFFFF  }
.Ltmp45:
0x3fe: {  	_ = 	snop;
	(pc) =	sbr.rel @!p1 .LBB3_45-.Ltmp45, $1  }
0x3ff: {  	_ =	sdelay $0x3  }
0x400: {  	s0 =	sshll.u32 s2, $0x4  }
0x401: {  	s0 =	sand.u32 $0x3FFFFFF0, s0  }
0x402: {  	v0 =	vld [tilespmem:s0+$0x3678]  }
.Ltmp46:
0x403: {  	_ = 	snop;
	(pc) =	sbr.rel .LBB3_47-.Ltmp46, $4  }
0x404: {  	_ = 	snop  }
0x405: {  	s31 =	sshll.u32 s6, $0x6  }
0x406: {  	s0 =	sshra.s32 s31, $0x2  }
0x407: {  	[tilespmem:s0+$0x3678] =	vst.add.f32.msk $0xffff, v0  }
.LBB3_48:
0x408: {  	p1 =	slt.s32 s1, $0x1  }
.Ltmp47:
0x409: {  	_ = 	snop;
	(pc) =	sbr.rel @p1 .LBB3_52-.Ltmp47, $3  }
0x40a: {  	_ =	sdelay $0x1  }
0x40b: {  	s0 =	simm.s32 $0x8  }
0x40c: {  	s2 =	simm.s32 $0x0;
	[sflag:s0] =	ssyncpa.u1 $0x1  }
0x40d: {  	s0 =	simm.s32 $0x3658  }
0x40e: {  	v0 =	vld.msk [tilespmem:s0+$0x0], $0x1;
	_ =	sdelay $0x4  }
0x40f: {  	(v2sf) =	vpush v0, $0x0;
	_ =	sdelay $0xe  }
0x410: {  	s1 =	sadd.s32 $0xFFFFFFFF, s1;
	s0 =	spop (v2sf)  }
0x411: {  	p2 =	sne.s32 s1, $0x0;
	p1 =	sgt.u32 s0, $0x270FF  }
.Ltmp48:
0x412: {  	s5 =	sand.u32 @!p1 $0x3FFF8, s0;
	(pc) =	sbr.rel @!p2 .LBB3_51-.Ltmp48, $4  }
0x413: {  	s4 =	simm.s32 $0x3678;
	s0 =	sand.u32 @!p1 $0x7, s0;
	s5 =	sadd.s32 @!p1 s3, s5  }
0x414: {  	[hbm4b:s5+s0] =	stream.linear.scatter @!p1 [tilespmem:s4], [sflag:$0x7], $0x4, $0x38;
	[tilespmem:$0x1F0F8] =	vst v63  }
0x415: {  	s0 =	simm.s32 $0x0  }
0x416: {  	s5 =	simm.s32 $0x3659;
	s0 =	simm.s32 @!p1 $0x10  }
.LBB3_50:
0x417: {  	v0 =	vld.msk [tilespmem:s5+$0x0], $0x1;
	s1 =	sadd.s32 $0xFFFFFFFF, s1;
	s2 =	sadd.s32 s2, s0  }
0x418: {  	p1 =	sne.s32 s1, $0x0;
	_ =	sdelay $0x3  }
0x419: {  	(v2sf) =	vpush v0, $0x0;
	_ =	sdelay $0xe  }
.Ltmp49:
0x41a: {  	s6 =	spop (v2sf);
	(pc) =	sbr.rel @p1 .LBB3_50-.Ltmp49, $4  }
0x41b: {  	s0 =	simm.s32 $0x0;
	p2 =	sgt.u32 s6, $0x270FF  }
0x41c: {  	s4 =	sadd.s32 $0x10, s4;
	s0 =	simm.s32 @!p2 $0x10;
	s7 =	sand.u32 @!p2 $0x3FFF8, s6  }
0x41d: {  	s5 =	sadd.s32 $0x1, s5;
	s6 =	sand.u32 @!p2 $0x7, s6;
	s7 =	sadd.s32 @!p2 s3, s7  }
0x41e: {  	[hbm4b:s7+s6] =	stream.linear.scatter @!p2 [tilespmem:s4], [sflag:$0x7], $0x4, $0x38;
	[tilespmem:$0x1F0F8] =	vst v63  }
.LBB3_51:
0x41f: {  	s0 =	sadd.s32 s2, s0  }
0x420: {  	s2 =	sshrl.u32 s0, $0x2  }
.LBB3_52:
0x421: {  	s0 =	simm.s32 $0x7  }
0x422: {  	_ =	swait.ge [sflag:s0], s2  }
0x423: {  	s1 =	ssub.s32 $0x0, s2;
	[sflag:s0] =	ssyncset.done $0x0  }
0x424: {  	[sflag:s0] =	ssyncadd.s32 s1  }
0x425: {  	[sflag:s0] =	ssyncpa.u1 $0x1  }
.LBB3_53:
0x426: {  	_ =	sfence;
	s0 =	simm.s32 $0x1  }
0x427: {  	[sflag:s0] =	ssyncpa.u1 $0x1  }
0x428: {  	_ =	strace $0x90000053  }
0x429: {  	[bflag:$0x2] =	sbarrier.arrive $0xFFFF  }
0x42a: {  	s0 =	rddreg [dreg:$0x3]  }
0x42b: {  	s0 =	sadd.s32 @!p0 $0x100000, s0  }
0x42c: {  	[sflag:s0] =	ssyncadd.tile.s32 @!p0 $0x1;
	_ =	shalt  }
.Lfunc_end3:
_tile_overlayer_lowered:
.L_overlay_start_3:
0x42d: {  	(tag) =	ssettag $0x3  }
0x42e: {  	s0 =	rddreg [dreg:$0x0];
	s2 =	stileid.u32  }
0x42f: {  	s1 =	rddreg [dreg:$0x1];
	p0 =	sne.s32 s2, $0x0  }
0x430: {  	s3 =	rddreg [dreg:$0x2];
	[bflag:$0x3] =	sbarrier.arrive $0xFFFF;
	s2 =	simm.s32 @!p0 $0x1C01  }
0x431: {  	[timem:s3], [sflag:s2] =	dma.local @!p0 [hbm:s0], s1  }
0x432: {  	s0 =	simm.s32 @!p0 $0x1  }
0x433: {  	_ =	swait.ge @!p0 [sflag:s0], s1  }
0x434: {  	s1 =	ssub.s32 @!p0 $0x0, s1;
	[sflag:s0] =	ssyncset.done @!p0 $0x0  }
0x435: {  	[sflag:s0] =	ssyncadd.s32 @!p0 s1  }
0x436: {  	[bflag:$0x3] =	sbarrier.arrive $0xFFFF  }
0x437: {  	_ =	shalt  }

// kernel: scatter_offload_async_start
scs
__scs_entry_jumppad:
0x0: {  	(pc) =	sbr.rel $0x88, $3  }
0x1: {  	(tag) =	ssettag $0x0;
	lr =	simm.s32 $0x1  }
0x2: {  	[smem:$0x3F99] =	sst lr;
	_ =	strace $0xD0000000  }
0x3: {  	_ = 	snop  }
0x4: {  	_ = 	snop  }
0x5: {  	_ = 	snop  }
0x6: {  	_ = 	snop  }
0x7: {  	_ = 	snop  }
__scs_overlays_trampoline_lowered:
0x8: {  	[smem:$0x3FA8] =	sst s0  }
0x9: {  	[smem:$0x3FA9] =	sst s1  }
0xa: {  	[smem:$0x3FAA] =	sst s2  }
0xb: {  	[smem:$0x3FAB] =	sst s3  }
0xc: {  	[smem:$0x3FAC] =	sst s4  }
0xd: {  	[smem:$0x3FAD] =	sst s5  }
0xe: {  	[smem:$0x3FAE] =	sst s6  }
0xf: {  	[smem:$0x3FAF] =	sst s7  }
0x10: {  	[smem:$0x3FB0] =	sst s8  }
0x11: {  	[smem:$0x3FB1] =	sst s9;
	s0 =	simm.s32 @!p0 $0x0  }
0x12: {  	s1 =	sld [smem:$0x3F97];
	s0 =	simm.s32 @p0 $0x1  }
0x13: {  	[smem:$0x3FB2] =	sst s0;
	s0 =	simm.s32 @!p1 $0x0  }
0x14: {  	s2 =	sld [smem:$0x3F96];
	s0 =	simm.s32 @p1 $0x1  }
0x15: {  	[smem:$0x3FB3] =	sst s0;
	s0 =	simm.s32 @!p2 $0x0  }
0x16: {  	s3 =	sld [smem:$0x3FDB];
	s0 =	simm.s32 @p2 $0x1  }
0x17: {  	s4 =	simm.s32 $0x1BF5;
	[smem:$0x3FB5] =	sst s0  }
0x18: {  	s0 =	sld [smem:$0x3F98];
	_ =	swait.ge [sflag:s4], $0x0  }
0x19: {  	s7 =	sld [smem:$0x3F99]  }
0x1a: {  	s8 =	sadd.s32 $0xFFFFE003, lr  }
0x1b: {  	s9 =	sadd.s32 $0xFFFFFEF7, lr;
	s5 =	simm.s32 $0xFFFFFFFF;
	p2 =	slt.u32 s8, $0xFFFFF086  }
0x1c: {  	p1 =	slt.u32 s9, $0xF7A;
	s5 =	simm.s32 @!p2 $0x0  }
0x1d: {  	s5 =	simm.s32 @p1 $0x1;
	p0 =	seq.s32 s7, s2  }
0x1e: {  	s7 =	smul.u32 @!p0 $0xF7A, s2;
	p2 =	seq.s32 @!p0 s5, $0x0  }
0x1f: {  	s9 =	smul.u32 $0xF7A, s1;
	s8 =	simm.s32 @!p0 $0x1BF5;
	p2 =	por !p2, p0  }
0x20: {  	[sflag:s8] =	ssyncset.s32 @!p0 $0xFFFFF086;
	s6 =	sadd.s32 @!p0 s3, s7;
	s7 =	simm.s32 @!p0 $0x108  }
0x21: {  	s3 =	sadd.s32 s3, s9;
	s6 =	sadd.s32 @!p0 $0x88, s6;
	s7 =	simm.s32 @p2 $0x1082  }
0x22: {  	[simem:s7], [sflag:s8] =	dma.local @!p0 [hbm:s6], $0xF7A  }
0x23: {  	s9 =	sor.u32 $0xD0000000, s2;
	s6 =	simm.s32 $0x108;
	_ =	swait.ge @!p0 [sflag:s8], $0x0  }
0x24: {  	s3 =	sadd.s32 $0x88, s3;
	s6 =	simm.s32 @!p1 $0x1082;
	[sflag:s4] =	ssyncset.s32 $0xFFFFF086  }
0x25: {  	[simem:s6], [sflag:s4] =	dma.local [hbm:s3], $0xF7A  }
0x26: {  	[smem:$0x3F99] =	sst s1;
	(tag) =	ssettag s2;
	_ =	strace s9  }
0x27: {  	s1 =	sld [smem:$0x3FA9]  }
0x28: {  	s2 =	sld [smem:$0x3FAA]  }
0x29: {  	s4 =	sld [smem:$0x3FAC]  }
0x2a: {  	p0 =	seq.s32 s5, $0x0;
	s5 =	sld [smem:$0x3FAD]  }
0x2b: {  	s6 =	sld [smem:$0x3FAE]  }
0x2c: {  	s7 =	sld [smem:$0x3FAF]  }
0x2d: {  	s3 =	simm.s32 $0x108;
	s8 =	sld [smem:$0x3FB0]  }
0x2e: {  	s3 =	simm.s32 @!p0 $0x1082;
	s9 =	sld [smem:$0x3FB1]  }
0x2f: {  	lr =	sadd.s32 s0, s3;
	s0 =	sld [smem:$0x3FA8]  }
0x30: {  	s3 =	sld [smem:$0x3FAB]  }
0x31: {  	[smem:$0x3FB4] =	sst s10  }
0x32: {  	s10 =	sld [smem:$0x3FB2];
	_ =	sdelay $0x3  }
0x33: {  	p0 =	seq.s32 s10, $0x1;
	s10 =	sld [smem:$0x3FB4];
	_ =	sdelay $0x3  }
0x34: {  	[smem:$0x3FB4] =	sst s10  }
0x35: {  	s10 =	sld [smem:$0x3FB3];
	_ =	sdelay $0x3  }
0x36: {  	p1 =	seq.s32 s10, $0x1;
	s10 =	sld [smem:$0x3FB4];
	_ =	sdelay $0x3  }
0x37: {  	[smem:$0x3FB4] =	sst s10  }
0x38: {  	s10 =	sld [smem:$0x3FB5]  }
0x39: {  	_ = 	snop;
	(pc) =	sbr.ind lr, $3  }
0x3a: {  	_ = 	snop  }
0x3b: {  	_ = 	snop  }
0x3c: {  	p2 =	seq.s32 s10, $0x1;
	s10 =	sld [smem:$0x3FB4]  }
0x3d: {  	_ =	shalt  }
0x3e: {  	_ =	shalt  }
0x3f: {  	_ =	shalt  }
0x40: {  	_ =	shalt  }
0x41: {  	_ =	shalt  }
0x42: {  	_ =	shalt  }
0x43: {  	_ =	shalt  }
0x44: {  	_ =	shalt  }
0x45: {  	_ =	shalt  }
0x46: {  	_ =	shalt  }
0x47: {  	_ =	shalt  }
0x48: {  	_ =	shalt  }
0x49: {  	_ =	shalt  }
0x4a: {  	_ =	shalt  }
0x4b: {  	_ =	shalt  }
0x4c: {  	_ =	shalt  }
0x4d: {  	_ =	shalt  }
0x4e: {  	_ =	shalt  }
0x4f: {  	_ =	shalt  }
0x50: {  	_ =	shalt  }
0x51: {  	_ =	shalt  }
0x52: {  	_ =	shalt  }
0x53: {  	_ =	shalt  }
0x54: {  	_ =	shalt  }
0x55: {  	_ =	shalt  }
0x56: {  	_ =	shalt  }
0x57: {  	_ =	shalt  }
0x58: {  	_ =	shalt  }
0x59: {  	_ =	shalt  }
0x5a: {  	_ =	shalt  }
0x5b: {  	_ =	shalt  }
0x5c: {  	_ =	shalt  }
0x5d: {  	_ =	shalt  }
0x5e: {  	_ =	shalt  }
0x5f: {  	_ =	shalt  }
0x60: {  	_ =	shalt  }
0x61: {  	_ =	shalt  }
0x62: {  	_ =	shalt  }
0x63: {  	_ =	shalt  }
0x64: {  	_ =	shalt  }
0x65: {  	_ =	shalt  }
0x66: {  	_ =	shalt  }
0x67: {  	_ =	shalt  }
0x68: {  	_ =	shalt  }
0x69: {  	_ =	shalt  }
0x6a: {  	_ =	shalt  }
0x6b: {  	_ =	shalt  }
0x6c: {  	_ =	shalt  }
0x6d: {  	_ =	shalt  }
0x6e: {  	_ =	shalt  }
0x6f: {  	_ =	shalt  }
0x70: {  	_ =	shalt  }
0x71: {  	_ =	shalt  }
0x72: {  	_ =	shalt  }
0x73: {  	_ =	shalt  }
0x74: {  	_ =	shalt  }
0x75: {  	_ =	shalt  }
0x76: {  	_ =	shalt  }
0x77: {  	_ =	shalt  }
0x78: {  	_ =	shalt  }
0x79: {  	_ =	shalt  }
0x7a: {  	_ =	shalt  }
0x7b: {  	_ =	shalt  }
0x7c: {  	_ =	shalt  }
0x7d: {  	_ =	shalt  }
0x7e: {  	_ =	shalt  }
0x7f: {  	_ =	shalt  }
0x80: {  	_ =	shalt  }
0x81: {  	_ =	shalt  }
0x82: {  	_ =	shalt  }
0x83: {  	_ =	shalt  }
0x84: {  	_ =	shalt  }
0x85: {  	_ =	shalt  }
0x86: {  	_ =	shalt  }
0x87: {  	_ =	shalt  }
.Lfunc_end0:
.L_simem_size_0:
called_computation_lowered:
.L_overlay_start_0:
0x88: {  	s2 =	sld [smem:$0x3FD9]  }
0x89: {  	s3 =	sld [smem:$0x3FFE];
	_ =	sdelay $0x1  }
0x8a: {  	s1 =	srdreg.scid  }
0x8b: {  	s0 =	sand.u32 $0x1, s1  }
0x8c: {  	s12 =	sshll.u32 s0, $0xA;
	s2 =	sadd.s32 s3, s2  }
0x8d: {  	s2 =	sadd.s32 s2, s12  }
0x8e: {  	[smem:$0x3FC0] =	sst s2  }
0x8f: {  	_ = 	snop  }
0x90: {  	(tm) =	ssettm $0x1  }
0x91: {  	s13 =	sld [smem:$0x3FFB];
	_ =	sdelay $0x3  }
0x92: {  	_ =	strace s13  }
0x93: {  	s2 =	sld [smem:$0x3FFC];
	_ =	sdelay $0x3  }
0x94: {  	_ =	strace s2  }
0x95: {  	s2 =	sld [smem:$0x3FFD];
	_ =	sdelay $0x3  }
0x96: {  	_ =	strace s2  }
0x97: {  	_ =	strace $0x8FFFFFFF  }
0x98: {  	s14 =	sld [smem:$0x3FDB];
	_ =	sdelay $0x1  }
0x99: {  	s15 =	simm.s32 $_scs_section_size  }
0x9a: {  	s4 =	simm.s32 $_size__tile_overlayer_lowered;
	s5 =	simm.s32 $_tile_overlayer_lowered  }
0x9b: {  	s19 =	simm.s32 $0x1BFF;
	s17 =	sshll.u32 s5, $0x1;
	s6 =	sadd.s32 s15, s14  }
0x9c: {  	s20 =	simm.s32 $0x0;
	s16 =	sshll.u32 s4, $0x1;
	s18 =	sadd.s32 s17, s6  }
0x9d: {  	[timem:s20], [sflag:s19] =	dma.local [hbm:s18], s16  }
0x9e: {  	_ =	swait.ge [sflag:s19], s16  }
0x9f: {  	s3 =	ssub.s32 $0x0, s16;
	[sflag:s19] =	ssyncset.done $0x0  }
0xa0: {  	[sflag:s19] =	ssyncadd.s32 s3;
	_ =	sdelay $0x1  }
0xa1: {  	s21 =	simm.s32 $0x1B8B  }
0xa2: {  	_ =	swait.ge [sflag:s21], $0x1  }
0xa3: {  	[sflag:s21] =	ssyncset.done $0x0  }
0xa4: {  	[sflag:s21] =	ssyncadd.s32 $0xFFFFFFFF  }
0xa5: {  	s3 =	sld [smem:$0x0]  }
0xa6: {  	s4 =	sand.u32 $0xFFFFFFFE, s1  }
0xa7: {  	p0 =	sne.s32 s1, s4  }
0xa8: {  	s4 =	sshll.u32 @p0 s4, $0xE  }
0xa9: {  	s5 =	sadd.s32 @p0 $0x11B8D, s4;
	s7 =	sshll.u32 @p0 s3, $0x11  }
0xaa: {  	s5 =	sor.u32 @p0 s7, s5  }
0xab: {  	[sflag:s5] =	ssyncadd.remote.s32 @p0 $0x1;
	_ =	sdelay $0x1  }
0xac: {  	s5 =	simm.s32 @p0 $0x1B8D  }
0xad: {  	_ =	swait.eq @p0 [sflag:s5], $0x1  }
0xae: {  	[sflag:s5] =	ssyncadd.s32 @p0 $0xFFFFFFFF  }
0xaf: {  	s7 =	sshll.u32 @!p0 s1, $0xE  }
0xb0: {  	s7 =	sor.u32 @!p0 $0x4000, s7;
	s5 =	simm.s32 @!p0 $0x1B8D  }
0xb1: {  	s9 =	sshll.u32 @!p0 s3, $0x11;
	s8 =	sadd.s32 @!p0 $0x11B8D, s7;
	_ =	swait.eq @!p0 [sflag:s5], $0x1  }
0xb2: {  	[sflag:s5] =	ssyncadd.s32 @!p0 $0xFFFFFFFF;
	s5 =	sor.u32 @!p0 s9, s8  }
0xb3: {  	s23 =	simm.s32 $0x1B8E;
	s22 =	sld [smem:$0x3FFE];
	[sflag:s5] =	ssyncadd.remote.s32 @!p0 $0x1  }
0xb4: {  	s24 =	simm.s32 $execute0_lowered;
	[smem:$0x3FD2] =	sst s23  }
0xb5: {  	s8 =	sshll.u32 s24, $0x1;
	_ =	strace $0x80000055;
	[dreg:$0x1] =	wrdreg $0xFFFFFFFF  }
0xb6: {  	s25 =	simm.s32 $_size_execute0_lowered;
	s8 =	sadd.s32 s6, s8;
	[dreg:$0x0] =	wrdreg $0x0  }
0xb7: {  	s9 =	sshll.u32 s25, $0x1;
	[dreg:$0x2] =	wrdreg s8  }
0xb8: {  	[dreg:$0x3] =	wrdreg s9  }
0xb9: {  	[dreg:$0x4] =	wrdreg $0xC0  }
0xba: {  	s26 =	simm.s32 $execute1_lowered;
	_ =	task [dreg:s20], $0x5FFFF  }
0xbb: {  	s8 =	sshll.u32 s26, $0x1;
	[dreg:$0x1] =	wrdreg $0xFFFFFFFF  }
0xbc: {  	s6 =	sadd.s32 s6, s8;
	[dreg:$0x0] =	wrdreg $0x60  }
0xbd: {  	[dreg:$0x2] =	wrdreg s6  }
0xbe: {  	[dreg:$0x3] =	wrdreg s22  }
0xbf: {  	[dreg:$0x4] =	wrdreg $0x9  }
0xc0: {  	_ =	task.clear_ibuf [dreg:s20], $0x5FFFF;
	_ =	strace $0x90000055  }
0xc1: {  	s28 =	simm.s32 $0x9;
	_ =	strace $0x80000057  }
0xc2: {  	_ =	swait.ge [sflag:s28], $0x1  }
0xc3: {  	[sflag:s28] =	ssyncadd.s32 $0xFFFFFFFF  }
0xc4: {  	_ =	strace $0x90000057  }
0xc5: {  	s6 =	sld [smem:$0x0];
	_ =	sdelay $0x3  }
0xc6: {  	s4 =	sadd.s32 @p0 $0x11BF3, s4;
	s8 =	sshll.u32 @p0 s6, $0x11  }
0xc7: {  	s4 =	sor.u32 @p0 s8, s4  }
0xc8: {  	[sflag:s4] =	ssyncadd.remote.s32 @p0 $0x1;
	_ =	sdelay $0x1  }
0xc9: {  	s4 =	simm.s32 @p0 $0x1BF3  }
0xca: {  	_ =	swait.eq @p0 [sflag:s4], $0x1  }
0xcb: {  	[sflag:s4] =	ssyncadd.s32 @p0 $0xFFFFFFFF;
	_ =	sdelay $0x1  }
0xcc: {  	s4 =	simm.s32 @!p0 $0x1BF3  }
0xcd: {  	s7 =	sadd.s32 @!p0 $0x11BF3, s7;
	s6 =	sshll.u32 @!p0 s6, $0x11;
	_ =	swait.eq @!p0 [sflag:s4], $0x1  }
0xce: {  	[sflag:s4] =	ssyncadd.s32 @!p0 $0xFFFFFFFF;
	s4 =	sor.u32 @!p0 s6, s7  }
0xcf: {  	[sflag:s4] =	ssyncadd.remote.s32 @!p0 $0x1  }
0xd0: {  	_ =	strace $0x80000058;
	[dreg:$0x1] =	wrdreg $0xFFFFFFFF  }
0xd1: {  	[dreg:$0x0] =	wrdreg $0x2030  }
0xd2: {  	[dreg:$0x2] =	wrdreg s22  }
0xd3: {  	[dreg:$0x3] =	wrdreg s1  }
0xd4: {  	[dreg:$0x4] =	wrdreg s3  }
0xd5: {  	[dreg:$0x5] =	wrdreg $0xA  }
0xd6: {  	_ =	task.clear_ibuf [dreg:s20], $0x6FFFF;
	_ =	strace $0x90000058  }
0xd7: {  	s29 =	simm.s32 $0xA;
	_ =	strace $0x8000005A  }
0xd8: {  	_ =	swait.ge [sflag:s29], $0x1  }
0xd9: {  	[sflag:s29] =	ssyncadd.s32 $0xFFFFFFFF  }
0xda: {  	_ =	strace $0x9000005A  }
0xdb: {  	_ =	sfence  }
0xdc: {  	s30 =	sld [smem:$0x0];
	_ =	sdelay $0x2  }
0xdd: {  	s31 =	sshll.u32 s1, $0xD;
	s1 =	sshrl.u32 s1, $0x2  }
0xde: {  	s4 =	sand.u32 $0x4000, s31;
	s1 =	sadd.s32 s1, s30  }
0xdf: {  	s0 =	sor.u32 s4, s0;
	s1 =	sshll.u32 s1, $0x11  }
0xe0: {  	s0 =	sor.u32 s1, s0  }
0xe1: {  	s0 =	sadd.s32 $0x8F2B, s0  }
0xe2: {  	[sflag:s0] =	ssyncadd.remote.s32 $0x1  }
0xe3: {  	_ =	sfence.sel $0xFFFF  }
0xe4: {  	[dreg:$0x0] =	wrdreg $0xFFFFFFFF;
	(pc) =	sbr.abs _section_cstart, $3  }
0xe5: {  	[dreg:$0x1] =	wrdreg $0xFFFFFFFF  }
0xe6: {  	_ =	task.clear_ibuf [dreg:s20], $0x2FFFF;
	_ =	strace $0x9FFFFFFF  }
0xe7: {  	(tm) =	ssettm $0x7FFFFFFF  }
tec
execute0_lowered:
.L_overlay_start_1:
0x0: {  	(tag) =	ssettag $0x1  }
0x1: {  	s2 =	rddreg [dreg:$0x0]  }
0x2: {  	s4 =	rddreg [dreg:$0x1]  }
0x3: {  	s0 =	rddreg [dreg:$0x2];
	s3 =	stileid.u32  }
0x4: {  	[bflag:$0x3] =	sbarrier.arrive $0xFFFF;
	s1 =	simm.s32 $_size_execute1_lowered;
	s29 =	srdreg.scid  }
0x5: {  	s7 =	simm.s32 $0x2;
	s8 =	simm.s32 $0x0;
	p0 =	sne.s32 s3, $0x0  }
0x6: {  	s1 =	sshll.u32 s1, $0x1;
	s5 =	simm.s32 @!p0 $0x1C3F;
	s6 =	simm.s32 @!p0 $0x4060  }
0x7: {  	[timem:s6], [sflag:s5] =	dma.local @!p0 [hbm:s2], s1  }
0x8: {  	s12 =	simm.s32 $0x0;
	s10 =	simm.s32 $0x0;
	s2 =	sshll.u32 s29, $0x7  }
.Ltmp0:
0x9: {  	s3 =	sshll.u32 s3, $0x8;
	s30 =	sand.u32 $0x80, s2;
	(pc) =	sbr.rel .LBB2_1-.Ltmp0, $4  }
0xa: {  	s11 =	simm.s32 $0x0;
	_ =	strace $0x80000056;
	s3 =	sor.u32 s3, s30  }
0xb: {  	s5 =	simm.s32 $0x1;
	s2 =	sadd.s32 $0x530800, s4;
	s31 =	ssub.s32 $0x2700, s3  }
0xc: {  	s4 =	sadd.s32 $0x557A00, s4;
	[sflag:s5] =	ssyncpa.u1 $0x0;
	s6 =	sshrl.u32 s31, $0xC  }
0xd: {  	[sflag:s7] =	ssyncpa.u1 $0x0;
	s9 =	smov.u32 s3;
	s7 =	sadd.s32 $0x2, s6  }
.LBB2_4:
0xe: {  	_ = 	snop  }
.LBB2_7:
0xf: {  	_ =	sdelay $0x3  }
0x10: {  	[tilespmem:v0+s16+$0x0 ss:$0x1] =	vst.idx.msk @p1 $0xffff, v2  }
0x11: {  	v56 =	vld.idx.msk [tilespmem:v1+s15+$0x0 ss:$0x1], $0xffff;
	s24 =	sor.u32 $0x70, s15;
	[tilespmem:v0+s17+$0x0 ss:$0x1] =	vst.idx.msk @p1 $0xffff, v4  }
0x12: {  	s25 =	sor.u32 $0x10, s15;
	[tilespmem:v0+s18+$0x0 ss:$0x1] =	vst.idx.msk @p1 $0xffff, v3;
	v57 =	vld.idx.msk [tilespmem:v1+s24+$0x0 ss:$0x1], $0xffff  }
0x13: {  	s26 =	sor.u32 $0x20, s15;
	[tilespmem:v0+s19+$0x0 ss:$0x1] =	vst.idx.msk @p1 $0xffff, v5;
	v58 =	vld.idx.msk [tilespmem:v1+s25+$0x0 ss:$0x1], $0xffff  }
0x14: {  	s28 =	sor.u32 $0x30, s15;
	[tilespmem:v0+s20+$0x0 ss:$0x1] =	vst.idx.msk @p1 $0xffff, v6;
	v59 =	vld.idx.msk [tilespmem:v1+s26+$0x0 ss:$0x1], $0xffff  }
0x15: {  	s29 =	sor.u32 $0x40, s15;
	[tilespmem:v0+s21+$0x0 ss:$0x1] =	vst.idx.msk @p1 $0xffff, v7;
	v60 =	vld.idx.msk [tilespmem:v1+s28+$0x0 ss:$0x1], $0xffff  }
0x16: {  	s30 =	sor.u32 $0x50, s15;
	v61 =	vld.idx.msk [tilespmem:v1+s29+$0x0 ss:$0x1], $0xffff;
	[tilespmem:v0+s15+$0x0 ss:$0x1] =	vst.idx.msk $0xffff, v56  }
0x17: {  	s31 =	sor.u32 $0x60, s15;
	v62 =	vld.idx.msk [tilespmem:v1+s30+$0x0 ss:$0x1], $0xffff;
	[tilespmem:v0+s24+$0x0 ss:$0x1] =	vst.idx.msk $0xffff, v57  }
0x18: {  	v63 =	vld.idx.msk [tilespmem:v1+s31+$0x0 ss:$0x1], $0xffff;
	[tilespmem:v0+s25+$0x0 ss:$0x1] =	vst.idx.msk $0xffff, v58  }
0x19: {  	[tilespmem:v0+s26+$0x0 ss:$0x1] =	vst.idx.msk $0xffff, v59  }
0x1a: {  	[tilespmem:v0+s28+$0x0 ss:$0x1] =	vst.idx.msk $0xffff, v60  }
0x1b: {  	[tilespmem:v0+s29+$0x0 ss:$0x1] =	vst.idx.msk $0xffff, v61  }
0x1c: {  	[tilespmem:v0+s30+$0x0 ss:$0x1] =	vst.idx.msk $0xffff, v62  }
0x1d: {  	[tilespmem:v0+s31+$0x0 ss:$0x1] =	vst.idx.msk $0xffff, v63  }
.LBB2_8:
0x1e: {  	s15 =	sand.u32 $0x1FFFFFF, s10  }
0x1f: {  	s16 =	smulhi.u32 $0x1A36E2F, s15;
	_ =	sdelay $0x1  }
0x20: {  	s16 =	sshrl.u32 s16, $0x6  }
0x21: {  	s16 =	smul.u32 $0x2710, s16;
	_ =	sdelay $0x1  }
0x22: {  	s15 =	ssub.s32 s15, s16  }
0x23: {  	s15 =	sshll.u32 s15, $0x4  }
0x24: {  	s15 =	sadd.s32 s4, s15  }
0x25: {  	[hbm4b:s15+s8] =	stream.linear.scatter [tilespmem:s14], [sflag:$0x2], s13, $0x38;
	[tilespmem:$0x10000] =	vst v63  }
.LBB2_9:
0x26: {  	p1 =	slt.u32 s11, $0x2  }
0x27: {  	p2 =	sgt.s32 @!p1 s12, $0x2690  }
0x28: {  	s13 =	smov.u32 s12;
	s14 =	sshra.s32 @!p1 s12, $0x1F;
	p2 =	por !p2, p1  }
0x29: {  	s12 =	sand.u32 @!p1 s14, s12;
	s13 =	simm.s32 @p2 $0x2690  }
0x2a: {  	s12 =	ssub.s32 @!p1 s13, s12  }
0x2b: {  	s12 =	sadd.s32 @!p1 $0xFFFFD970, s12  }
0x2c: {  	s13 =	sshll.u32 @!p1 s12, $0x9  }
0x2d: {  	p2 =	sgt.s32 @!p1 s12, $0x7F;
	s12 =	ssub.s32 @!p1 $0x10000, s13  }
0x2e: {  	s14 =	sadd.s32 $0x1000, s9;
	p2 =	por !p2, p1;
	s12 =	sshrl.u32 @!p1 s12, $0x2  }
0x2f: {  	s12 =	simm.s32 @!p2 $0x0;
	p2 =	sgt.s32 s14, $0x270F  }
0x30: {  	s14 =	smov.u32 @p2 s3;
	p2 =	sne.s32 s11, s7  }
.Ltmp1:
0x31: {  	_ = 	snop;
	(pc) =	sbr.rel @!p2 .LBB2_10-.Ltmp1, $4  }
0x32: {  	s13 =	simm.s32 @!p1 $0x2  }
0x33: {  	_ =	swait.ge @!p1 [sflag:s13], s12;
	s15 =	ssub.s32 @!p1 $0x0, s12  }
0x34: {  	s12 =	smov.u32 s10;
	s11 =	sadd.s32 $0x1, s11;
	[sflag:s13] =	ssyncset.done @!p1 $0x0  }
0x35: {  	s10 =	smov.u32 s9;
	s9 =	smov.u32 s14;
	[sflag:s13] =	ssyncadd.s32 @!p1 s15  }
.LBB2_1:
0x36: {  	p1 =	sgt.u32 s11, s6  }
0x37: {  	s13 =	sand.u32 @!p1 $0x1FFFFFF, s9  }
0x38: {  	p2 =	sgt.s32 @!p1 s9, $0x2690;
	s14 =	smulhi.u32 @!p1 $0x1A36E2F, s13  }
0x39: {  	s15 =	smov.u32 s9;
	s16 =	sshra.s32 @!p1 s9, $0x1F;
	p2 =	por !p2, p1  }
0x3a: {  	s16 =	sand.u32 @!p1 s16, s9;
	s15 =	simm.s32 @p2 $0x2690;
	s14 =	sshrl.u32 @!p1 s14, $0x6  }
0x3b: {  	s15 =	ssub.s32 @!p1 s15, s16;
	s14 =	smul.u32 @!p1 $0x2710, s14  }
0x3c: {  	s16 =	sxor.u32 @!p1 $0xFFFFFFFF, s11;
	s15 =	sadd.s32 @!p1 $0xFFFFD970, s15  }
0x3d: {  	s16 =	sshll.u32 @!p1 s16, $0xE;
	s13 =	ssub.s32 @!p1 s13, s14;
	s14 =	sshll.u32 @!p1 s15, $0x9  }
0x3e: {  	s16 =	sand.u32 @!p1 $0x4000, s16;
	p2 =	sgt.s32 @!p1 s15, $0x7F;
	s14 =	ssub.s32 @!p1 $0x10000, s14  }
0x3f: {  	p2 =	por !p2, p1;
	s13 =	sshll.u32 @!p1 s13, $0x4;
	s14 =	sshrl.u32 @!p1 s14, $0x2  }
0x40: {  	s15 =	simm.s32 @!p1 $0x0;
	s13 =	sadd.s32 @!p1 s2, s13;
	s14 =	simm.s32 @!p2 $0x0  }
0x41: {  	[tilespmem:s16], [sflag:$0x1] =	stream.linear.gather @!p1 [hbm4b:s13+s15], s14, $0x38;
	[tilespmem:$0x10000] =	vst v63  }
0x42: {  	p1 =	seq.s32 s11, $0x0  }
0x43: {  	p2 =	sge.u32 @!p1 s11, s7  }
0x44: {  	p1 =	por p1, p2  }
.Ltmp2:
0x45: {  	_ = 	snop;
	(pc) =	sbr.rel @p1 .LBB2_9-.Ltmp2, $1  }
0x46: {  	_ =	sdelay $0x3  }
0x47: {  	p1 =	sgt.s32 s10, $0x2690;
	s13 =	smov.u32 s10;
	s14 =	sshra.s32 s10, $0x1F  }
0x48: {  	s13 =	simm.s32 @!p1 $0x2690;
	s14 =	sand.u32 s14, s10  }
0x49: {  	s13 =	ssub.s32 s13, s14  }
0x4a: {  	s13 =	sadd.s32 $0xFFFFD970, s13  }
0x4b: {  	s31 =	sshll.u32 s13, $0x9  }
0x4c: {  	s14 =	ssub.s32 $0x10000, s31  }
0x4d: {  	p1 =	sgt.s32 s13, $0x7F;
	s13 =	sshrl.u32 s14, $0x2;
	s14 =	sadd.s32 $0x80, s10  }
0x4e: {  	s13 =	simm.s32 @p1 $0x0;
	p1 =	slt.s32 s14, $0x2710  }
0x4f: {  	s14 =	simm.s32 @!p1 $0x2710  }
0x50: {  	s16 =	ssub.s32 s14, s10  }
0x51: {  	p1 =	slt.s32 s16, $0x1  }
.Ltmp3:
0x52: {  	_ = 	snop;
	(pc) =	sbr.rel @p1 .LBB2_8-.Ltmp3, $4  }
0x53: {  	_ = 	snop  }
0x54: {  	s15 =	sshll.u32 s11, $0xE;
	_ =	swait.ge [sflag:s5], s13  }
0x55: {  	s15 =	sand.u32 $0x4000, s15;
	s17 =	ssub.s32 $0x0, s13;
	[sflag:s5] =	ssyncset.done $0x0  }
0x56: {  	s14 =	sor.u32 $0x8000, s15;
	[sflag:s5] =	ssyncadd.s32 s17  }
0x57: {  	p2 =	sne.s32 s16, $0x1  }
.Ltmp4:
0x58: {  	v1 =	vmov s15;
	v0 =	vmov s14;
	(pc) =	sbr.rel @!p2 .LBB2_4-.Ltmp4, $3  }
0x59: {  	_ =	sdelay $0x1  }
0x5a: {  	s17 =	simm.s32 $0x0  }
0x5b: {  	s23 =	sadd.s32 $0xFFFFFFFF, s16;
	p1 =	por $0x0, $0x0;
	s15 =	sand.u32 $0x3F80, s17  }
0x5c: {  	_ =	sdelay $0x3  }
0x5d: {  	v6 =	vld.idx.msk [tilespmem:v1+s15+$0x0 ss:$0x1], $0xffff;
	s24 =	sor.u32 $0x70, s15  }
0x5e: {  	s16 =	sor.u32 $0x10, s15;
	v8 =	vld.idx.msk [tilespmem:v1+s24+$0x0 ss:$0x1], $0xffff  }
0x5f: {  	s17 =	sor.u32 $0x20, s15;
	p2 =	sne.s32 s23, $0x1;
	v2 =	vld.idx.msk [tilespmem:v1+s16+$0x0 ss:$0x1], $0xffff  }
.Ltmp5:
0x60: {  	s18 =	sor.u32 $0x30, s15;
	v4 =	vld.idx.msk [tilespmem:v1+s17+$0x0 ss:$0x1], $0xffff;
	(pc) =	sbr.rel @!p2 .LBB2_7-.Ltmp5, $4  }
0x61: {  	s19 =	sor.u32 $0x40, s15;
	v3 =	vld.idx.msk [tilespmem:v1+s18+$0x0 ss:$0x1], $0xffff  }
0x62: {  	s21 =	sor.u32 $0x60, s15;
	v5 =	vld.idx.msk [tilespmem:v1+s19+$0x0 ss:$0x1], $0xffff  }
0x63: {  	s20 =	sor.u32 $0x50, s15;
	s22 =	simm.s32 $0x80;
	v7 =	vld.idx.msk [tilespmem:v1+s21+$0x0 ss:$0x1], $0xffff;
	[tilespmem:v0+s15+$0x0 ss:$0x1] =	vst.idx.msk $0xffff, v6  }
0x64: {  	s23 =	sadd.s32 $0xFFFFFFFF, s23;
	p1 =	por $0x1, $0x1;
	v6 =	vld.idx.msk [tilespmem:v1+s20+$0x0 ss:$0x1], $0xffff;
	s15 =	sand.u32 $0x3F80, s22;
	[tilespmem:v0+s24+$0x0 ss:$0x1] =	vst.idx.msk $0xffff, v8  }
.LBB2_6:
0x65: {  	p2 =	sne.s32 s23, $0x1;
	v8 =	vld.idx.msk [tilespmem:v1+s15+$0x0 ss:$0x1], $0xffff;
	s24 =	sor.u32 $0x70, s15;
	[tilespmem:v0+s16+$0x0 ss:$0x1] =	vst.idx.msk $0xffff, v2;
	s16 =	sor.u32 $0x10, s15  }
0x66: {  	s25 =	sor.u32 $0x30, s15;
	s26 =	sor.u32 $0x40, s15;
	v9 =	vld.idx.msk [tilespmem:v1+s24+$0x0 ss:$0x1], $0xffff;
	[tilespmem:v0+s17+$0x0 ss:$0x1] =	vst.idx.msk $0xffff, v4;
	s17 =	sor.u32 $0x20, s15  }
0x67: {  	s28 =	sor.u32 $0x50, s15;
	s29 =	sor.u32 $0x60, s15;
	v2 =	vld.idx.msk [tilespmem:v1+s16+$0x0 ss:$0x1], $0xffff;
	[tilespmem:v0+s18+$0x0 ss:$0x1] =	vst.idx.msk $0xffff, v3;
	s18 =	smov.u32 s25  }
.Ltmp6:
0x68: {  	v4 =	vld.idx.msk [tilespmem:v1+s17+$0x0 ss:$0x1], $0xffff;
	[tilespmem:v0+s19+$0x0 ss:$0x1] =	vst.idx.msk $0xffff, v5;
	s19 =	smov.u32 s26;
	(pc) =	sbr.rel @p2 .LBB2_6-.Ltmp6, $4  }
0x69: {  	v3 =	vld.idx.msk [tilespmem:v1+s18+$0x0 ss:$0x1], $0xffff;
	[tilespmem:v0+s20+$0x0 ss:$0x1] =	vst.idx.msk $0xffff, v6;
	s20 =	smov.u32 s28  }
0x6a: {  	v5 =	vld.idx.msk [tilespmem:v1+s19+$0x0 ss:$0x1], $0xffff;
	[tilespmem:v0+s21+$0x0 ss:$0x1] =	vst.idx.msk $0xffff, v7;
	s21 =	smov.u32 s29  }
0x6b: {  	s22 =	sadd.s32 $0x80, s22;
	[tilespmem:v0+s15+$0x0 ss:$0x1] =	vst.idx.msk $0xffff, v8;
	v6 =	vld.idx.msk [tilespmem:v1+s20+$0x0 ss:$0x1], $0xffff  }
0x6c: {  	s23 =	sadd.s32 $0xFFFFFFFF, s23;
	s15 =	sand.u32 $0x3F80, s22;
	v7 =	vld.idx.msk [tilespmem:v1+s21+$0x0 ss:$0x1], $0xffff;
	[tilespmem:v0+s24+$0x0 ss:$0x1] =	vst.idx.msk $0xffff, v9  }
.Ltmp7:
0x6d: {  	_ = 	snop;
	(pc) =	sbr.rel .LBB2_7-.Ltmp7, $1  }
0x6e: {  	_ =	sdelay $0x3  }
.LBB2_10:
0x6f: {  	_ =	sfence.sel $0x180000  }
0x70: {  	s2 =	simm.s32 $0x1;
	[bflag:$0x0] =	sbarrier.arrive $0xFFFF  }
0x71: {  	s31 =	simm.s32 $0x2;
	[sflag:s2] =	ssyncpa.u1 $0x1  }
0x72: {  	[sflag:s31] =	ssyncpa.u1 $0x1  }
0x73: {  	_ =	strace $0x90000056  }
0x74: {  	s0 =	sadd.s32 @!p0 $0x100000, s0;
	[bflag:$0x2] =	sbarrier.arrive $0xFFFF  }
0x75: {  	[sflag:s0] =	ssyncadd.tile.s32 @!p0 $0x1;
	s0 =	simm.s32 @!p0 $0x3F  }
0x76: {  	_ =	swait.ge @!p0 [sflag:s0], s1  }
0x77: {  	s1 =	ssub.s32 @!p0 $0x0, s1;
	[sflag:s0] =	ssyncset.done @!p0 $0x0  }
0x78: {  	[sflag:s0] =	ssyncadd.s32 @!p0 s1  }
0x79: {  	[bflag:$0x3] =	sbarrier.arrive $0xFFFF  }
0x7a: {  	_ =	shalt  }
.Lfunc_end2:
execute1_lowered:
.L_overlay_start_2:
0x7b: {  	(tag) =	ssettag $0x2  }
0x7c: {  	s2 =	rddreg [dreg:$0x0]  }
0x7d: {  	s3 =	rddreg [dreg:$0x1];
	_ =	strace $0x80000059;
	s0 =	simm.s32 $0x1  }
0x7e: {  	v0 =	vimm.s32 $0x0;
	[sflag:s0] =	ssyncpa.u1 $0x0;
	s0 =	simm.s32 $0x108  }
0x7f: {  	[tilespmem:s0+$0x70] =	vst v0  }
0x80: {  	[tilespmem:s0+$0x60] =	vst v0  }
0x81: {  	[tilespmem:s0+$0x50] =	vst v0  }
0x82: {  	[tilespmem:s0+$0x40] =	vst v0  }
0x83: {  	s1 =	sadd.s32 $0x557A00, s2;
	[tilespmem:s0+$0x30] =	vst v0  }
0x84: {  	s15 =	sadd.s32 $0xA74400, s2;
	s6 =	sadd.s32 $0x4E800, s2;
	[tilespmem:s0+$0x20] =	vst v0  }
0x85: {  	s14 =	sadd.s32 $0xA79400, s2;
	s5 =	sand.u32 $0x1, s3;
	s3 =	simm.s32 $0x40;
	[tilespmem:s0+$0x10] =	vst v0  }
.LBB3_1:
0x86: {  	s3 =	sadd.s32 $0x40, s3;
	[tilespmem:s0+$0x0] =	vst v0;
	s0 =	sadd.s32 $0x80, s0  }
0x87: {  	p0 =	slt.u32 s3, $0x3C40;
	[tilespmem:s0+$0x70] =	vst v0  }
0x88: {  	[tilespmem:s0+$0x60] =	vst v0  }
.Ltmp8:
0x89: {  	[tilespmem:s0+$0x50] =	vst v0;
	(pc) =	sbr.rel @p0 .LBB3_1-.Ltmp8, $4  }
0x8a: {  	[tilespmem:s0+$0x40] =	vst v0  }
0x8b: {  	[tilespmem:s0+$0x30] =	vst v0  }
0x8c: {  	[tilespmem:s0+$0x20] =	vst v0  }
0x8d: {  	[tilespmem:s0+$0x10] =	vst v0  }
0x8e: {  	s9 =	stileid.u32  }
0x8f: {  	s2 =	smul.u32 $0x14, s9  }
0x90: {  	s3 =	smin.u32 s9, $0xE  }
0x91: {  	s2 =	sadd.s32 s3, s2  }
0x92: {  	p0 =	slt.u32 s9, $0xE;
	s7 =	smul.u32 $0xF0, s2;
	s2 =	simm.s32 $0x13B0  }
0x93: {  	s2 =	simm.s32 @!p0 $0x12C0  }
0x94: {  	s2 =	sadd.s32 s2, s7  }
0x95: {  	s8 =	smin.u32 s2, $0x13880  }
0x96: {  	s2 =	ssub.s32 s8, s7  }
0x97: {  	p0 =	sgt.s32 s2, $0x0  }
0x98: {  	s29 =	simm.s32 $0x2;
	s10 =	simm.s32 $0x9;
	s2 =	simm.s32 @!p0 $0x0  }
0x99: {  	s4 =	simm.s32 $0xA;
	s11 =	simm.s32 $0xB;
	s28 =	smulhi.u32 $0x88888889, s2  }
0x9a: {  	[dreg:$0x4] =	wrdreg s5;
	s31 =	smul.u32 $0x2710, s5;
	s12 =	simm.s32 $0x1  }
0x9b: {  	s22 =	simm.s32 $0x0;
	s18 =	simm.s32 $0xC;
	s30 =	sshrl.u32 s28, $0x7  }
0x9c: {  	s20 =	simm.s32 $0x0;
	s21 =	simm.s32 $0x0;
	s3 =	smul.u32 $0xF0, s30  }
.Ltmp9:
0x9d: {  	[tilespmem:s0+$0x0] =	vst v0;
	v0 =	vimm.s32 $0xFFFFFFFF;
	[sflag:s29] =	ssyncpa.u1 $0x0;
	s16 =	sshll.u32 s9, $0x8;
	(pc) =	sbr.rel .LBB3_3-.Ltmp9, $4  }
0x9e: {  	[tilespmem:$0xF208] =	vst v0;
	[sflag:s10] =	ssyncpa.u1 $0x0;
	p0 =	sne.s32 s2, s3;
	s2 =	simm.s32 $0x1  }
0x9f: {  	s14 =	sadd.s32 s31, s14;
	[sflag:s4] =	ssyncpa.u1 $0x0;
	s2 =	simm.s32 @!p0 $0x0  }
0xa0: {  	s15 =	sadd.s32 s31, s15;
	[sflag:s11] =	ssyncpa.u1 $0x0;
	s13 =	sadd.s32 s2, s30  }
0xa1: {  	v0 =	vlaneseq.u32;
	s19 =	smov.u32 s7;
	p0 =	por $0x0, $0x0;
	s17 =	sadd.s32 $0x1, s13  }
.LBB3_18:
0xa2: {  	s0 =	sshrl.u32 s31, $0x2  }
.LBB3_20:
0xa3: {  	_ =	swait.ge [sflag:s18], s0  }
0xa4: {  	s31 =	ssub.s32 $0x0, s0;
	v1 =	vmov s24;
	vm0 =	veq.s32 v0, $0x0;
	[sflag:s18] =	ssyncset.done $0x0  }
0xa5: {  	vm15 =	veq.s32 v0, $0x2;
	v1 =	vsel vm0, s30, v1;
	[sflag:s18] =	ssyncadd.s32 s31  }
0xa6: {  	v1 =	vsel vm15, s22, v1;
	[sflag:s18] =	ssyncpa.u1 $0x1  }
0xa7: {  	[tilespmem:$0xF208] =	vst v1  }
.LBB3_21:
0xa8: {  	s0 =	sadd.s32 $0xF0, s19  }
0xa9: {  	s2 =	smov.u32 s7;
	p1 =	slt.s32 s0, s8  }
0xaa: {  	s2 =	smov.u32 @p1 s0;
	p1 =	sne.s32 s21, s17  }
.Ltmp10:
0xab: {  	_ = 	snop;
	(pc) =	sbr.rel @!p1 .LBB3_22-.Ltmp10, $3  }
0xac: {  	_ =	sdelay $0x1  }
0xad: {  	s22 =	smov.u32 s20;
	s31 =	sadd.s32 $0x1, s21;
	s20 =	smov.u32 s19  }
0xae: {  	p0 =	por !p0, !p0;
	s21 =	smov.u32 s31;
	s19 =	smov.u32 s2  }
.LBB3_3:
0xaf: {  	p1 =	sge.u32 s21, s13  }
0xb0: {  	s0 =	smulhi.u32 @!p1 $0xAAAAAAAB, s21  }
0xb1: {  	s2 =	smov.u32 s19;
	p2 =	sgt.s32 @!p1 s19, $0x13790  }
0xb2: {  	s3 =	sshra.s32 @!p1 s19, $0x1F;
	p2 =	por !p2, p1;
	s0 =	sshrl.u32 @!p1 s0, $0x1  }
0xb3: {  	s3 =	sand.u32 @!p1 s3, s19;
	s2 =	simm.s32 @p2 $0x13790;
	s0 =	smul.u32 @!p1 $0x3, s0  }
0xb4: {  	s2 =	ssub.s32 @!p1 s2, s3  }
0xb5: {  	s2 =	sadd.s32 @!p1 $0xFFFEC870, s2;
	s0 =	ssub.s32 @!p1 s21, s0  }
0xb6: {  	s3 =	sshll.u32 @!p1 s2, $0x2;
	p2 =	sgt.s32 @!p1 s2, $0xEF;
	s0 =	smul.u32 @!p1 $0x3C0, s0  }
0xb7: {  	s4 =	sand.u32 @!p1 $0x7, s19;
	s2 =	ssub.s32 @!p1 $0x3C0, s3;
	p2 =	por !p2, p1  }
0xb8: {  	s3 =	sshrl.u32 @!p1 s19, $0x3;
	s2 =	sshrl.u32 @!p1 s2, $0x2;
	s0 =	sshrl.u32 @!p1 s0, $0x2  }
0xb9: {  	s3 =	sadd.s32 @!p1 s3, s14;
	s2 =	simm.s32 @!p2 $0x0;
	s0 =	sadd.s32 @!p1 $0x10248, s0  }
0xba: {  	[tilespmem:s0], [sflag:$0xA] =	stream.linear.gather @!p1 [hbm4b:s3+s4], s2, $0x38;
	[tilespmem:$0x1F6F8] =	vst v63  }
0xbb: {  	s0 =	sadd.s32 $0xFFFFFFFF, s21  }
0xbc: {  	p1 =	sge.u32 s0, s13  }
0xbd: {  	p2 =	sgt.s32 @!p1 s20, $0x13790  }
0xbe: {  	s2 =	smov.u32 s20;
	s3 =	sshra.s32 @!p1 s20, $0x1F;
	p2 =	por !p2, p1  }
0xbf: {  	s3 =	sand.u32 @!p1 s3, s20;
	s2 =	simm.s32 @p2 $0x13790  }
0xc0: {  	s2 =	ssub.s32 @!p1 s2, s3  }
0xc1: {  	s2 =	sadd.s32 @!p1 $0xFFFEC870, s2  }
0xc2: {  	s4 =	sand.u32 @!p1 $0x1, s0;
	s3 =	sshll.u32 @!p1 s2, $0x2  }
0xc3: {  	p2 =	sgt.s32 @!p1 s2, $0xEF;
	s2 =	ssub.s32 @!p1 $0x3C0, s3;
	s3 =	smulhi.u32 @!p1 $0xAAAAAAAB, s0  }
0xc4: {  	s23 =	smul.u32 @!p1 $0x3C0, s4;
	p2 =	por !p2, p1;
	s2 =	sshrl.u32 @!p1 s2, $0x2  }
0xc5: {  	s5 =	simm.s32 @!p1 $0xA;
	s2 =	simm.s32 @!p2 $0x0;
	s3 =	sshrl.u32 @!p1 s3, $0x1  }
0xc6: {  	s23 =	sshrl.u32 @!p1 s23, $0x2;
	_ =	swait.ge @!p1 [sflag:s5], s2;
	s3 =	smul.u32 @!p1 $0x3, s3  }
0xc7: {  	s23 =	sadd.s32 @!p1 $0x10518, s23;
	s24 =	ssub.s32 @!p1 $0x0, s2;
	[sflag:s5] =	ssyncset.done @!p1 $0x0  }
0xc8: {  	[sflag:s5] =	ssyncadd.s32 @!p1 s24;
	s5 =	sshrl.u32 @!p1 s20, $0x3;
	s0 =	ssub.s32 @!p1 s0, s3  }
0xc9: {  	s24 =	sand.u32 @!p1 $0x7, s20;
	s5 =	sadd.s32 @!p1 s5, s15;
	s0 =	smul.u32 @!p1 $0x3C0, s0  }
0xca: {  	[tilespmem:s23], [sflag:$0xB] =	stream.linear.gather @!p1 [hbm4b:s5+s24], s2, $0x38;
	[tilespmem:$0x1F6F8] =	vst v63  }
0xcb: {  	s3 =	ssub.s32 @!p1 $0x13880, s20;
	s2 =	smul.u32 @!p1 $0x1E000, s4  }
0xcc: {  	p2 =	slt.s32 @!p1 s3, $0xF0  }
0xcd: {  	p2 =	por !p2, p1;
	s0 =	sshrl.u32 @!p1 s0, $0x2;
	s2 =	sshrl.u32 @!p1 s2, $0x2  }
0xce: {  	s3 =	simm.s32 @p2 $0xF0;
	s0 =	sadd.s32 @!p1 $0x10248, s0;
	s2 =	sor.u32 @!p1 $0x106F8, s2  }
0xcf: {  	[tilespmem:s2], [sflag:$0x9] =	stream.indirect.gather @!p1 [hbm4b:s6+s3], $0x80, s0, s3, $0xb8;
	[tilespmem:$0x1F6F8] =	vst v63  }
0xd0: {  	p1 =	slt.u32 s21, $0x2  }
.Ltmp11:
0xd1: {  	_ = 	snop;
	(pc) =	sbr.rel @p1 .LBB3_21-.Ltmp11, $1  }
0xd2: {  	_ =	sdelay $0x3  }
0xd3: {  	p1 =	sgt.s32 s22, $0x13790  }
0xd4: {  	s0 =	smov.u32 s22;
	s2 =	sshra.s32 s22, $0x1F;
	s3 =	ssub.s32 $0x13880, s22  }
0xd5: {  	s0 =	simm.s32 @!p1 $0x13790;
	s2 =	sand.u32 s2, s22;
	p1 =	slt.s32 s3, $0xF0  }
0xd6: {  	s0 =	ssub.s32 s0, s2;
	s3 =	simm.s32 @!p1 $0xF0  }
0xd7: {  	s0 =	sadd.s32 $0xFFFEC870, s0;
	s25 =	sshll.u32 s3, $0x7  }
0xd8: {  	s26 =	sshll.u32 s0, $0x2;
	s2 =	sand.u32 $0x3FFFFF80, s25  }
0xd9: {  	p1 =	sgt.s32 s0, $0xEF;
	s29 =	ssub.s32 $0x3C0, s26;
	_ =	swait.ge [sflag:s10], s2  }
0xda: {  	s2 =	ssub.s32 $0x0, s2;
	[sflag:s10] =	ssyncset.done $0x0;
	s0 =	sshrl.u32 s29, $0x2  }
0xdb: {  	[sflag:s10] =	ssyncadd.s32 s2;
	s0 =	simm.s32 @p1 $0x0  }
0xdc: {  	_ =	swait.ge [sflag:s11], s0  }
0xdd: {  	s0 =	ssub.s32 $0x0, s0;
	[sflag:s11] =	ssyncset.done $0x0  }
0xde: {  	[sflag:s11] =	ssyncadd.s32 s0  }
0xdf: {  	v1 =	vld [tilespmem:$0xF208];
	_ =	sdelay $0x4  }
0xe0: {  	(v2sf) =	vpush v1, $0x0  }
0xe1: {  	(v2sf) =	vpush v1, $0x1  }
0xe2: {  	(v2sf) =	vpush v1, $0x2;
	_ =	sdelay $0x3  }
0xe3: {  	s0 =	sadd.s32 $0xF0, s22  }
0xe4: {  	s2 =	ssub.s32 $0x27100, s22;
	p1 =	slt.s32 s8, s0  }
0xe5: {  	s0 =	smov.u32 @p1 s8;
	p1 =	sgt.s32 s2, $0x0  }
0xe6: {  	s26 =	ssub.s32 s0, s22;
	s2 =	simm.s32 @!p1 $0x0  }
0xe7: {  	p1 =	slt.s32 s2, s26  }
0xe8: {  	s26 =	smov.u32 @p1 s2  }
0xe9: {  	s25 =	simm.s32 $0x1;
	p1 =	slt.s32 s26, $0x1  }
.Ltmp12:
0xea: {  	s25 =	simm.s32 @!p0 $0x0;
	(pc) =	sbr.rel @p1 .LBB3_8-.Ltmp12, $4  }
0xeb: {  	s31 =	smul.u32 $0x3C0, s25  }
0xec: {  	s28 =	spop (v2sf)  }
0xed: {  	s0 =	sshrl.u32 s31, $0x2;
	s30 =	spop (v2sf)  }
0xee: {  	s23 =	sadd.s32 $0x10518, s0;
	s22 =	spop (v2sf)  }
0xef: {  	s0 =	smin.u32 s26, $0x10  }
0xf0: {  	v1 =	vmov s0  }
0xf1: {  	p2 =	sgt.s32 s26, $0x10;
	vm1 =	vgt.u32 v1, v0  }
.Ltmp13:
0xf2: {  	_ = 	snop;
	(pc) =	sbr.rel @!p2 .LBB3_7-.Ltmp13, $2  }
0xf3: {  	_ =	sdelay $0x2  }
0xf4: {  	s4 =	simm.s32 $0x10;
	s24 =	sadd.s32 $0xFFFFFFF0, s26;
	s0 =	smov.u32 s23;
	vm0 =	vmmov vm1  }
.LBB3_6:
0xf5: {  	s2 =	smin.u32 s24, $0x10;
	s4 =	sadd.s32 $0x10, s4;
	v1 =	vld.msk [tilespmem:s0+$0x0 ss:$0x1], vm1  }
0xf6: {  	v2 =	vmov s2;
	p2 =	slt.s32 s4, s26  }
0xf7: {  	vm1 =	vgt.u32 v2, v0  }
.Ltmp14:
0xf8: {  	(pc) =	sbr.rel @p2 .LBB3_6-.Ltmp14, $3  }
0xf9: {  	_ =	sdelay $0x1  }
0xfa: {  	v1 =	vshll.u32 v1, $0x4  }
0xfb: {  	s24 =	sadd.s32 $0xFFFFFFF0, s24;
	[tilespmem:s0+$0x0] =	vst.msk vm0, v1;
	s0 =	sadd.s32 $0x10, s0;
	vm0 =	vmmov vm1  }
.LBB3_7:
0xfc: {  	_ =	sdelay $0x4  }
0xfd: {  	v1 =	vld.msk [tilespmem:s0+$0x0 ss:$0x1], vm1;
	_ =	sdelay $0x4  }
0xfe: {  	v1 =	vshll.u32 v1, $0x4  }
0xff: {  	[tilespmem:s0+$0x0] =	vst.msk vm0, v1  }
.LBB3_8:
0x100: {  	s0 =	sand.u32 $0x1, s21  }
0x101: {  	s0 =	smul.u32 $0xF0, s0  }
0x102: {  	p2 =	sne.s32 s30, $0xFFFFFFFF  }
0x103: {  	v1 =	vld.msk @!p2 [tilespmem:s0+$0x10518], $0x1;
	_ =	sdelay $0x4  }
0x104: {  	(v2sf) =	vpush @!p2 v1, $0x0;
	_ =	sdelay $0xc  }
.Ltmp15:
0x105: {  	_ = 	snop;
	(pc) =	sbr.rel @p1 .LBB3_19-.Ltmp15, $4  }
0x106: {  	_ = 	snop  }
0x107: {  	s29 =	spop @!p2 (v2sf)  }
0x108: {  	s22 =	simm.s32 @!p2 $0x0;
	s24 =	smov.u32 s29  }
0x109: {  	[sflag:s18] =	ssyncpa.u1 $0x0;
	s29 =	smov.u32 @p2 s28;
	s24 =	smov.u32 @p2 s30  }
0x10a: {  	v1 =	vld.msk [tilespmem:s23+$0x0], $0x1;
	_ =	sdelay $0x4  }
0x10b: {  	(v2sf) =	vpush v1, $0x0;
	_ =	sdelay $0xe  }
0x10c: {  	s2 =	smul.u32 $0x1E000, s25;
	s0 =	spop (v2sf)  }
0x10d: {  	s26 =	ssub.s32 $0x0, s26;
	p1 =	seq.s32 s29, s0  }
0x10e: {  	s30 =	sadd.s32 $0x1, s26;
	s2 =	sshrl.u32 s2, $0x2;
	p2 =	sgt.s32 @!p1 s29, $0x0  }
0x10f: {  	s25 =	sor.u32 $0x10738, s2;
	s2 =	smov.u32 s29;
	p2 =	por !p2, p1  }
0x110: {  	s2 =	simm.s32 @p2 $0x0;
	p2 =	seq.s32 s30, $0x0  }
.Ltmp16:
0x111: {  	_ = 	snop;
	(pc) =	sbr.rel @p2 .LBB3_11-.Ltmp16, $4  }
0x112: {  	_ = 	snop  }
0x113: {  	s28 =	simm.s32 $0x0;
	s31 =	sadd.s32 $0x1, s23;
	s2 =	smin.u32 @!p1 s2, $0x270F0  }
0x114: {  	s4 =	simm.s32 @!p1 $0x1;
	s5 =	simm.s32 @!p1 $0x7988;
	s3 =	sand.u32 @!p1 $0x3FFF8, s2  }
0x115: {  	s4 =	smov.u32 @p1 s28;
	s2 =	sand.u32 @!p1 $0x7, s2;
	s3 =	sadd.s32 @!p1 s1, s3  }
.LBB3_10:
0x116: {  	s9 =	smov.u32 s4  }
0x117: {  	[tilespmem:s5], [sflag:$0x2] =	stream.linear.gather @!p1 [hbm4b:s3+s2], $0x80, $0x38;
	[tilespmem:$0x1F6F8] =	vst v63  }
0x118: {  	s30 =	sadd.s32 $0x1, s30;
	s2 =	smov.u32 s0;
	v1 =	vld.msk [tilespmem:s31+$0x0], $0x1  }
0x119: {  	p2 =	seq.s32 s30, $0x0;
	_ =	sdelay $0x3  }
0x11a: {  	(v2sf) =	vpush v1, $0x0;
	_ =	sdelay $0xe  }
0x11b: {  	s0 =	spop (v2sf)  }
0x11c: {  	p1 =	seq.s32 s2, s0  }
0x11d: {  	p3 =	sgt.s32 @!p1 s2, $0x0;
	s3 =	sshll.u32 @!p1 s4, $0x9;
	s4 =	sadd.s32 @!p1 $0x1, s4  }
.Ltmp17:
0x11e: {  	p3 =	por !p3, p1;
	s3 =	sshra.s32 @!p1 s3, $0x2;
	(pc) =	sbr.rel @!p2 .LBB3_10-.Ltmp17, $4  }
0x11f: {  	s4 =	smov.u32 @p1 s9;
	s2 =	simm.s32 @p3 $0x0;
	s5 =	sadd.s32 @!p1 $0x7988, s3  }
0x120: {  	s2 =	smin.u32 @!p1 s2, $0x270F0  }
0x121: {  	s3 =	sand.u32 @!p1 $0x3FFF8, s2;
	s2 =	sand.u32 @!p1 $0x7, s2  }
0x122: {  	s31 =	sadd.s32 $0x1, s31;
	s3 =	sadd.s32 @!p1 s1, s3  }
.LBB3_11:
0x123: {  	[tilespmem:s5], [sflag:$0x2] =	stream.linear.gather @!p1 [hbm4b:s3+s2], $0x80, $0x38;
	[tilespmem:$0x1F6F8] =	vst v63  }
.Ltmp18:
0x124: {  	s0 =	sshll.u32 s4, $0x7;
	(pc) =	sbr.rel .LBB3_12-.Ltmp18, $4  }
0x125: {  	s30 =	simm.s32 $0x2;
	s0 =	sand.u32 $0x3FFFFF80, s0  }
0x126: {  	_ =	swait.ge [sflag:s30], s0  }
0x127: {  	s0 =	ssub.s32 $0x0, s0;
	[sflag:s30] =	ssyncset.done $0x0  }
0x128: {  	s31 =	simm.s32 $0x0;
	[sflag:s30] =	ssyncadd.s32 s0  }
.LBB3_13:
0x129: {  	v1 =	vld [tilespmem:s25+$0xFFFFFFC0];
	_ =	sdelay $0x3  }
0x12a: {  	s0 =	sshra.s32 s0, $0x2  }
0x12b: {  	[tilespmem:s0+$0x108] =	vst.add.f32.msk $0xffff, v1  }
0x12c: {  	v1 =	vld [tilespmem:s25+$0xFFFFFFD0];
	_ =	sdelay $0x4  }
0x12d: {  	[tilespmem:s0+$0x118] =	vst.add.f32.msk $0xffff, v1  }
0x12e: {  	v1 =	vld [tilespmem:s25+$0xFFFFFFE0];
	_ =	sdelay $0x4  }
0x12f: {  	[tilespmem:s0+$0x128] =	vst.add.f32.msk $0xffff, v1  }
0x130: {  	v1 =	vld [tilespmem:s25+$0xFFFFFFF0];
	_ =	sdelay $0x4  }
0x131: {  	[tilespmem:s0+$0x138] =	vst.add.f32.msk $0xffff, v1  }
0x132: {  	v1 =	vld [tilespmem:s25+$0x0];
	_ =	sdelay $0x4  }
0x133: {  	[tilespmem:s0+$0x148] =	vst.add.f32.msk $0xffff, v1  }
0x134: {  	v1 =	vld [tilespmem:s25+$0x10];
	_ =	sdelay $0x4  }
0x135: {  	[tilespmem:s0+$0x158] =	vst.add.f32.msk $0xffff, v1  }
0x136: {  	v1 =	vld [tilespmem:s25+$0x20];
	_ =	sdelay $0x4  }
0x137: {  	[tilespmem:s0+$0x168] =	vst.add.f32.msk $0xffff, v1  }
0x138: {  	v1 =	vld [tilespmem:s25+$0x30];
	_ =	sdelay $0x4  }
0x139: {  	[tilespmem:s0+$0x178] =	vst.add.f32.msk $0xffff, v1  }
.LBB3_17:
0x13a: {  	s26 =	sadd.s32 $0x1, s26  }
0x13b: {  	p1 =	seq.s32 s26, $0x0  }
.Ltmp19:
0x13c: {  	_ = 	snop;
	(pc) =	sbr.rel @p1 .LBB3_18-.Ltmp19, $2  }
0x13d: {  	_ =	sdelay $0x2  }
0x13e: {  	s23 =	sadd.s32 $0x1, s23;
	s25 =	sadd.s32 $0x80, s25;
	s29 =	smov.u32 s30  }
.LBB3_12:
0x13f: {  	v1 =	vld.msk [tilespmem:s23+$0x0], $0x1;
	_ =	sdelay $0x4  }
0x140: {  	(v2sf) =	vpush v1, $0x0;
	_ =	sdelay $0xe  }
0x141: {  	s30 =	spop (v2sf)  }
0x142: {  	p1 =	sne.s32 s29, s30  }
.Ltmp20:
0x143: {  	_ = 	snop;
	(pc) =	sbr.rel @!p1 .LBB3_13-.Ltmp20, $2  }
0x144: {  	_ =	sdelay $0x2  }
0x145: {  	s0 =	sshll.u32 s22, $0x9  }
0x146: {  	p1 =	seq.s32 s29, s24  }
.Ltmp21:
0x147: {  	_ = 	snop;
	(pc) =	sbr.rel @!p1 .LBB3_15-.Ltmp21, $1  }
0x148: {  	_ =	sdelay $0x3  }
0x149: {  	s0 =	sshra.s32 s0, $0x2  }
.Ltmp22:
0x14a: {  	s0 =	sadd.s32 $0x108, s0;
	(pc) =	sbr.rel .LBB3_16-.Ltmp22, $4  }
0x14b: {  	[spmem:s16] =	stream.linear.scatter [tilespmem:s0], [sflag:$0x1], $0x80, $0x38;
	[tilespmem:$0x1F6F8] =	vst v63  }
0x14c: {  	_ =	swait.ge [sflag:s12], $0x80  }
0x14d: {  	[sflag:s12] =	ssyncset.done $0x0  }
0x14e: {  	[sflag:s12] =	ssyncadd.s32 $0xFFFFFF80  }
.LBB3_15:
0x14f: {  	s2 =	sshll.u32 s28, $0x9  }
0x150: {  	s2 =	sshra.s32 s2, $0x2  }
0x151: {  	v1 =	vld [tilespmem:s2+$0x7988];
	_ =	sdelay $0x3  }
0x152: {  	s0 =	sshra.s32 s0, $0x2  }
0x153: {  	[tilespmem:s0+$0x108] =	vst.add.f32.msk $0xffff, v1  }
0x154: {  	v1 =	vld [tilespmem:s2+$0x7998];
	_ =	sdelay $0x4  }
0x155: {  	[tilespmem:s0+$0x118] =	vst.add.f32.msk $0xffff, v1  }
0x156: {  	v1 =	vld [tilespmem:s2+$0x79A8];
	_ =	sdelay $0x4  }
0x157: {  	[tilespmem:s0+$0x128] =	vst.add.f32.msk $0xffff, v1  }
0x158: {  	v1 =	vld [tilespmem:s2+$0x79B8];
	_ =	sdelay $0x4  }
0x159: {  	[tilespmem:s0+$0x138] =	vst.add.f32.msk $0xffff, v1  }
0x15a: {  	v1 =	vld [tilespmem:s2+$0x79C8];
	_ =	sdelay $0x4  }
0x15b: {  	[tilespmem:s0+$0x148] =	vst.add.f32.msk $0xffff, v1  }
0x15c: {  	v1 =	vld [tilespmem:s2+$0x79D8];
	_ =	sdelay $0x4  }
0x15d: {  	[tilespmem:s0+$0x158] =	vst.add.f32.msk $0xffff, v1  }
0x15e: {  	v1 =	vld [tilespmem:s2+$0x79E8];
	_ =	sdelay $0x4  }
0x15f: {  	[tilespmem:s0+$0x168] =	vst.add.f32.msk $0xffff, v1  }
0x160: {  	v1 =	vld [tilespmem:s2+$0x79F8];
	_ =	sdelay $0x2  }
0x161: {  	p1 =	sgt.u32 s29, $0x270F0  }
0x162: {  	s2 =	sand.u32 @!p1 $0x3FFF8, s29  }
0x163: {  	s3 =	sadd.s32 $0x108, s0;
	[tilespmem:s0+$0x178] =	vst.add.f32.msk $0xffff, v1;
	s0 =	sadd.s32 @!p1 s1, s2;
	s2 =	sand.u32 @!p1 $0x7, s29  }
0x164: {  	[hbm4b:s0+s2] =	stream.linear.scatter @!p1 [tilespmem:s3], [sflag:$0xC], $0x80, $0x38;
	[tilespmem:$0x1F6F8] =	vst v63  }
0x165: {  	s0 =	simm.s32 $0x0  }
0x166: {  	s0 =	simm.s32 @!p1 $0x200  }
0x167: {  	s31 =	sadd.s32 s0, s31  }
.LBB3_16:
0x168: {  	s0 =	sadd.s32 $0x1, s22  }
0x169: {  	s2 =	smulhi.u32 $0x88888889, s0;
	_ =	sdelay $0x1  }
0x16a: {  	v1 =	vld [tilespmem:s25+$0xFFFFFFC0];
	s2 =	sshrl.u32 s2, $0x7  }
0x16b: {  	s2 =	smul.u32 $0xF0, s2;
	_ =	sdelay $0x1  }
0x16c: {  	s22 =	ssub.s32 s0, s2  }
0x16d: {  	s0 =	sshll.u32 s22, $0x7  }
0x16e: {  	[tilespmem:s0+$0x108] =	vst v1  }
0x16f: {  	v1 =	vld [tilespmem:s25+$0xFFFFFFD0];
	_ =	sdelay $0x4  }
0x170: {  	[tilespmem:s0+$0x118] =	vst v1  }
0x171: {  	v1 =	vld [tilespmem:s25+$0xFFFFFFE0];
	_ =	sdelay $0x4  }
0x172: {  	[tilespmem:s0+$0x128] =	vst v1  }
0x173: {  	v1 =	vld [tilespmem:s25+$0xFFFFFFF0];
	_ =	sdelay $0x4  }
0x174: {  	[tilespmem:s0+$0x138] =	vst v1  }
0x175: {  	v1 =	vld [tilespmem:s25+$0x0];
	_ =	sdelay $0x4  }
0x176: {  	[tilespmem:s0+$0x148] =	vst v1  }
0x177: {  	v1 =	vld [tilespmem:s25+$0x10];
	_ =	sdelay $0x4  }
0x178: {  	[tilespmem:s0+$0x158] =	vst v1  }
0x179: {  	v1 =	vld [tilespmem:s25+$0x20];
	_ =	sdelay $0x4  }
0x17a: {  	[tilespmem:s0+$0x168] =	vst v1  }
0x17b: {  	v1 =	vld [tilespmem:s25+$0x30]  }
.Ltmp23:
0x17c: {  	_ = 	snop;
	(pc) =	sbr.rel .LBB3_17-.Ltmp23, $2  }
0x17d: {  	_ =	sdelay $0x2  }
0x17e: {  	s28 =	sadd.s32 $0x1, s28;
	[tilespmem:s0+$0x178] =	vst v1  }
.LBB3_19:
.Ltmp24:
0x17f: {  	(pc) =	sbr.rel .LBB3_20-.Ltmp24, $4  }
0x180: {  	_ = 	snop  }
0x181: {  	s0 =	simm.s32 $0x2  }
0x182: {  	_ =	swait.ge [sflag:s0], $0x0  }
0x183: {  	s30 =	smov.u32 s29;
	[sflag:s0] =	ssyncset.done $0x0;
	s0 =	simm.s32 $0x0  }
.LBB3_22:
0x184: {  	_ =	sfence.sel $0x180000  }
0x185: {  	s0 =	simm.s32 $0x9;
	[bflag:$0x0] =	sbarrier.arrive $0xFFFF  }
0x186: {  	s24 =	simm.s32 $0xA;
	[sflag:s0] =	ssyncpa.u1 $0x1  }
0x187: {  	s25 =	simm.s32 $0xB;
	[sflag:s24] =	ssyncpa.u1 $0x1  }
0x188: {  	s26 =	simm.s32 $0x2;
	[sflag:s25] =	ssyncpa.u1 $0x1  }
0x189: {  	[sflag:s26] =	ssyncpa.u1 $0x1  }
0x18a: {  	v0 =	vld [tilespmem:$0xF208];
	_ =	sdelay $0x4  }
0x18b: {  	(v2sf) =	vpush v0, $0x0  }
0x18c: {  	(v2sf) =	vpush v0, $0x1;
	_ =	sdelay $0x1  }
0x18d: {  	(v2sf) =	vpush v0, $0x2;
	_ =	sdelay $0xb  }
0x18e: {  	s0 =	spop (v2sf)  }
0x18f: {  	s2 =	spop (v2sf)  }
0x190: {  	s3 =	smov.u32 s0;
	p0 =	sne.s32 s0, s2  }
0x191: {  	s4 =	spop (v2sf);
	s3 =	simm.s32 @!p0 $0xFFFFFFFF  }
0x192: {  	v2 =	vimm.s32 $0x1;
	v3 =	vlaneseq.u32;
	p0 =	seq.s32 s4, $0xFFFFFFFF;
	v1 =	vmov s3  }
0x193: {  	s16 =	stileid.u32;
	v0 =	vperm.xlane v0, v2;
	p1 =	sne.s32 @!p0 s0, s2;
	v1 =	vperm.xlane v1, v3  }
0x194: {  	vm0 =	vcmask $0x3F04;
	s6 =	simm.s32 $0xF208;
	s0 =	simm.s32 @!p0 $0x1;
	p1 =	por !p1, p0  }
0x195: {  	s3 =	sshll.u32 s16, $0x1;
	s2 =	sshll.u32 @!p0 s4, $0x9;
	s0 =	simm.s32 @p1 $0x0;
	v0 =	vsel vm0, v1, v0  }
0x196: {  	s5 =	sor.u32 $0x1000, s3;
	s2 =	sshra.s32 @!p0 s2, $0x2;
	s0 =	sor.u32 @!p0 s0, s3;
	[tilespmem:$0xF208] =	vst v0  }
0x197: {  	[spmem:s5] =	stream.linear.scatter [tilespmem:s6], [sflag:$0x1], $0x2, $0x38;
	[tilespmem:$0x1F6F8] =	vst v63  }
0x198: {  	s2 =	sadd.s32 @!p0 $0x108, s2;
	s0 =	sshll.u32 @!p0 s0, $0x7  }
0x199: {  	[spmem:s0] =	stream.linear.scatter @!p0 [tilespmem:s2], [sflag:$0x1], $0x80, $0x38;
	[tilespmem:$0x1F6F8] =	vst v63  }
0x19a: {  	s0 =	simm.s32 @!p0 $0x82  }
0x19b: {  	s28 =	simm.s32 $0x1;
	s0 =	simm.s32 @p0 $0x2  }
0x19c: {  	_ =	swait.ge [sflag:s28], s0  }
0x19d: {  	s0 =	ssub.s32 $0x0, s0;
	[sflag:s28] =	ssyncset.done $0x0  }
0x19e: {  	p0 =	sne.s32 s16, $0x0;
	[sflag:s28] =	ssyncadd.s32 s0  }
.Ltmp25:
0x19f: {  	_ =	sfence.stream.spmem;
	(pc) =	sbr.rel @p0 .LBB3_39-.Ltmp25, $4  }
0x1a0: {  	s29 =	simm.s32 $0x3;
	[bflag:$0x0] =	sbarrier.arrive $0xFFFF  }
0x1a1: {  	s30 =	simm.s32 $0x4;
	[sflag:s29] =	ssyncpa.u1 $0x1  }
0x1a2: {  	s31 =	simm.s32 $0x3C;
	[sflag:s30] =	ssyncpa.u1 $0x1  }
0x1a3: {  	s15 =	rddreg [dreg:$0x4];
	[sflag:s31] =	ssyncpa.u1 $0x1  }
0x1a4: {  	_ =	sfence.stream.spmem;
	s0 =	simm.s32 $0x5  }
0x1a5: {  	s2 =	simm.s32 $0x1000;
	s3 =	simm.s32 $0xF218;
	[sflag:s0] =	ssyncpa.u1 $0x0  }
0x1a6: {  	[tilespmem:s3], [sflag:$0x5] =	stream.linear.gather [spmem:s2], $0x20, $0x38;
	[tilespmem:$0x1F6F8] =	vst v63  }
0x1a7: {  	s26 =	simm.s32 $0x0;
	s28 =	simm.s32 $0xF238  }
0x1a8: {  	[tilespmem:s28], [sflag:$0x5] =	stream.linear.gather [spmem:s26], $0x1000, $0x38;
	[tilespmem:$0x1F6F8] =	vst v63  }
0x1a9: {  	_ =	swait.ge [sflag:s0], $0x1020  }
0x1aa: {  	[sflag:s0] =	ssyncset.done $0x0  }
0x1ab: {  	s29 =	simm.s32 $0x0;
	[sflag:s0] =	ssyncadd.s32 $0xFFFFEFE0  }
0x1ac: {  	v0 =	vld.msk [tilespmem:s29+$0xF218], $0x1;
	_ =	sdelay $0x1  }
0x1ad: {  	s30 =	simm.s32 $0x1  }
0x1ae: {  	v1 =	vld.msk [tilespmem:s30+$0xF218], $0x1;
	_ =	sdelay $0x1  }
0x1af: {  	(v2sf) =	vpush v0, $0x0;
	_ =	sdelay $0x2  }
0x1b0: {  	(v2sf) =	vpush v1, $0x0;
	_ =	sdelay $0x2  }
0x1b1: {  	s31 =	simm.s32 $0x2  }
0x1b2: {  	v0 =	vld.msk [tilespmem:s31+$0xF218], $0x1;
	_ =	sdelay $0x2  }
0x1b3: {  	s4 =	simm.s32 $0xFFFFFFFF;
	s5 =	simm.s32 $0xFFFFFFFF;
	s0 =	simm.s32 $0xC  }
.LBB3_24:
0x1b4: {  	s2 =	smov.u32 s5;
	s3 =	smov.u32 s4  }
0x1b5: {  	s4 =	sshra.s32 s0, $0x2;
	p1 =	sne.s32 s0, $0x7C;
	s0 =	sadd.s32 $0x4, s0;
	(v2sf) =	vpush v0, $0x0  }
0x1b6: {  	v0 =	vld.msk [tilespmem:s4+$0xF218], $0x1  }
.Ltmp26:
0x1b7: {  	(pc) =	sbr.rel @p1 .LBB3_24-.Ltmp26, $4  }
0x1b8: {  	s5 =	spop (v2sf)  }
0x1b9: {  	p2 =	sne.s32 s3, $0xFFFFFFFF;
	s4 =	smov.u32 s5  }
0x1ba: {  	p3 =	seq.s32 s5, $0xFFFFFFFF;
	s4 =	smov.u32 @p2 s3  }
0x1bb: {  	s5 =	smov.u32 @p3 s2;
	s4 =	smov.u32 @p3 s3  }
0x1bc: {  	(v2sf) =	vpush v0, $0x0;
	_ =	sdelay $0x8  }
0x1bd: {  	s0 =	spop (v2sf)  }
0x1be: {  	p1 =	sne.s32 s4, $0xFFFFFFFF;
	s2 =	smov.u32 s0  }
0x1bf: {  	s9 =	simm.s32 $0x6;
	p2 =	seq.s32 s0, $0xFFFFFFFF;
	s2 =	smov.u32 @p1 s4  }
0x1c0: {  	s6 =	simm.s32 $0x0;
	s2 =	smov.u32 @p2 s4;
	s3 =	spop (v2sf)  }
0x1c1: {  	s0 =	smov.u32 @p2 s5;
	p1 =	sne.s32 s2, $0xFFFFFFFF;
	s4 =	smov.u32 s3  }
.Ltmp27:
0x1c2: {  	p2 =	seq.s32 s3, $0xFFFFFFFF;
	s4 =	smov.u32 @p1 s2;
	(pc) =	sbr.rel .LBB3_26-.Ltmp27, $4  }
0x1c3: {  	s10 =	simm.s32 $0xF188;
	s4 =	smov.u32 @p2 s2;
	s7 =	spop (v2sf)  }
0x1c4: {  	s11 =	simm.s32 $0x0;
	p1 =	sne.s32 s4, $0xFFFFFFFF;
	s8 =	smov.u32 s7  }
0x1c5: {  	s3 =	smov.u32 @p2 s0;
	p2 =	seq.s32 s7, $0xFFFFFFFF;
	s8 =	smov.u32 @p1 s4  }
0x1c6: {  	[sflag:s9] =	ssyncpa.u1 $0x0;
	s7 =	smov.u32 @p2 s3;
	s8 =	smov.u32 @p2 s4  }
.LBB3_32:
0x1c7: {  	p1 =	sgt.u32 s12, $0x270F0  }
0x1c8: {  	p2 =	seq.s32 @!p1 s12, s8  }
0x1c9: {  	p1 =	por p1, p2  }
0x1ca: {  	p2 =	sne.s32 @!p1 s12, s7  }
0x1cb: {  	p1 =	por p1, !p2  }
0x1cc: {  	s0 =	sshll.u32 @p1 s11, $0x9  }
0x1cd: {  	s0 =	sand.u32 @!p1 $0x3FFF8, s12  }
0x1ce: {  	s2 =	sand.u32 @!p1 $0x7, s12;
	s0 =	sadd.s32 @!p1 s1, s0  }
0x1cf: {  	[tilespmem:s10], [sflag:$0x6] =	stream.linear.gather @!p1 [hbm4b:s0+s2], $0x80, $0x38;
	[tilespmem:$0x1F6F8] =	vst v63  }
0x1d0: {  	_ =	swait.ge @!p1 [sflag:s9], $0x80  }
0x1d1: {  	[sflag:s9] =	ssyncset.done @!p1 $0x0  }
0x1d2: {  	[sflag:s9] =	ssyncadd.s32 @!p1 $0xFFFFFF80  }
0x1d3: {  	v1 =	vld @!p1 [tilespmem:$0xF188];
	_ =	sdelay $0x2  }
0x1d4: {  	s0 =	sshll.u32 @!p1 s11, $0x9  }
0x1d5: {  	s2 =	sshrl.u32 @!p1 s0, $0x2  }
0x1d6: {  	[tilespmem:s2+$0xF238] =	vst.add.f32.msk @!p1 $0xffff, v1  }
0x1d7: {  	v1 =	vld @!p1 [tilespmem:$0xF198];
	_ =	sdelay $0x4  }
0x1d8: {  	[tilespmem:s2+$0xF248] =	vst.add.f32.msk @!p1 $0xffff, v1  }
0x1d9: {  	v1 =	vld @!p1 [tilespmem:$0xF1A8];
	_ =	sdelay $0x4  }
0x1da: {  	[tilespmem:s2+$0xF258] =	vst.add.f32.msk @!p1 $0xffff, v1  }
0x1db: {  	v1 =	vld @!p1 [tilespmem:$0xF1B8];
	_ =	sdelay $0x4  }
0x1dc: {  	[tilespmem:s2+$0xF268] =	vst.add.f32.msk @!p1 $0xffff, v1  }
0x1dd: {  	v1 =	vld @!p1 [tilespmem:$0xF1C8];
	_ =	sdelay $0x4  }
0x1de: {  	[tilespmem:s2+$0xF278] =	vst.add.f32.msk @!p1 $0xffff, v1  }
0x1df: {  	v1 =	vld @!p1 [tilespmem:$0xF1D8];
	_ =	sdelay $0x4  }
0x1e0: {  	[tilespmem:s2+$0xF288] =	vst.add.f32.msk @!p1 $0xffff, v1  }
0x1e1: {  	v1 =	vld @!p1 [tilespmem:$0xF1E8];
	_ =	sdelay $0x4  }
0x1e2: {  	[tilespmem:s2+$0xF298] =	vst.add.f32.msk @!p1 $0xffff, v1  }
0x1e3: {  	v1 =	vld @!p1 [tilespmem:$0xF1F8];
	_ =	sdelay $0x4  }
0x1e4: {  	[tilespmem:s2+$0xF2A8] =	vst.add.f32.msk @!p1 $0xffff, v1  }
0x1e5: {  	s0 =	sshrl.u32 s0, $0x2;
	[tilespmem:s6+$0xF218] =	vst.msk $0x1, v0  }
0x1e6: {  	v0 =	vld [tilespmem:s0+$0xF238];
	_ =	sdelay $0x2  }
0x1e7: {  	s31 =	sshll.u32 s6, $0x9  }
0x1e8: {  	s2 =	sshra.s32 s31, $0x2  }
0x1e9: {  	[tilespmem:s2+$0xF238] =	vst v0  }
0x1ea: {  	v0 =	vld [tilespmem:s0+$0xF248];
	_ =	sdelay $0x4  }
0x1eb: {  	[tilespmem:s2+$0xF248] =	vst v0  }
0x1ec: {  	v0 =	vld [tilespmem:s0+$0xF258];
	_ =	sdelay $0x4  }
0x1ed: {  	[tilespmem:s2+$0xF258] =	vst v0  }
0x1ee: {  	v0 =	vld [tilespmem:s0+$0xF268];
	_ =	sdelay $0x4  }
0x1ef: {  	[tilespmem:s2+$0xF268] =	vst v0  }
0x1f0: {  	v0 =	vld [tilespmem:s0+$0xF278];
	_ =	sdelay $0x4  }
0x1f1: {  	[tilespmem:s2+$0xF278] =	vst v0  }
0x1f2: {  	v0 =	vld [tilespmem:s0+$0xF288];
	_ =	sdelay $0x4  }
0x1f3: {  	[tilespmem:s2+$0xF288] =	vst v0  }
0x1f4: {  	v0 =	vld [tilespmem:s0+$0xF298];
	_ =	sdelay $0x4  }
0x1f5: {  	[tilespmem:s2+$0xF298] =	vst v0  }
0x1f6: {  	v0 =	vld [tilespmem:s0+$0xF2A8];
	_ =	sdelay $0x4  }
0x1f7: {  	s6 =	sadd.s32 $0x1, s6;
	[tilespmem:s2+$0xF2A8] =	vst v0  }
.LBB3_33:
0x1f8: {  	s11 =	sadd.s32 $0x1, s11  }
0x1f9: {  	p1 =	sne.s32 s11, $0x20  }
.Ltmp28:
0x1fa: {  	_ = 	snop;
	(pc) =	sbr.rel @!p1 .LBB3_34-.Ltmp28, $1  }
0x1fb: {  	_ =	sdelay $0x3  }
.LBB3_26:
0x1fc: {  	v0 =	vld.msk [tilespmem:s11+$0xF218], $0x1;
	_ =	sdelay $0x4  }
0x1fd: {  	(v2sf) =	vpush v0, $0x0;
	_ =	sdelay $0xe  }
0x1fe: {  	s12 =	spop (v2sf)  }
0x1ff: {  	p1 =	seq.s32 s12, $0xFFFFFFFF  }
.Ltmp29:
0x200: {  	_ = 	snop;
	(pc) =	sbr.rel @p1 .LBB3_33-.Ltmp29, $1  }
0x201: {  	_ =	sdelay $0x3  }
0x202: {  	p1 =	slt.s32 s6, $0x1  }
.Ltmp30:
0x203: {  	_ = 	snop;
	(pc) =	sbr.rel @p1 .LBB3_32-.Ltmp30, $1  }
0x204: {  	_ =	sdelay $0x3  }
0x205: {  	s13 =	simm.s32 $0xF218;
	p1 =	por $0x0, $0x0  }
0x206: {  	v1 =	vld.msk @!p1 [tilespmem:s13+$0x0], $0x1;
	_ =	sdelay $0x4  }
0x207: {  	(v2sf) =	vpush @!p1 v1, $0x0;
	_ =	sdelay $0xd  }
0x208: {  	p3 =	sne.s32 s6, $0x1  }
.Ltmp31:
0x209: {  	s0 =	spop @!p1 (v2sf);
	(pc) =	sbr.rel @!p3 .LBB3_30-.Ltmp31, $4  }
0x20a: {  	p2 =	seq.s32 @!p1 s12, s0  }
0x20b: {  	s14 =	simm.s32 $0x0;
	p2 =	por !p2, p1  }
0x20c: {  	s2 =	simm.s32 $0xFFFFFFFF;
	s14 =	simm.s32 @p2 $0xFFFFFFFF  }
0x20d: {  	s0 =	simm.s32 $0x1;
	s14 =	smov.u32 @p1 s2  }
.LBB3_29:
0x20e: {  	s2 =	smov.u32 s14;
	p1 =	sne.s32 s14, $0xFFFFFFFF  }
0x20f: {  	s13 =	sadd.s32 $0x1, s13;
	s14 =	smov.u32 s0;
	s0 =	sadd.s32 $0x1, s0  }
0x210: {  	p2 =	sne.s32 s6, s0;
	v1 =	vld.msk @!p1 [tilespmem:s13+$0x0], $0x1;
	_ =	sdelay $0x4  }
0x211: {  	(v2sf) =	vpush @!p1 v1, $0x0;
	_ =	sdelay $0xe  }
.Ltmp32:
0x212: {  	s3 =	spop @!p1 (v2sf);
	(pc) =	sbr.rel @p2 .LBB3_29-.Ltmp32, $4  }
0x213: {  	p3 =	seq.s32 @!p1 s12, s3  }
0x214: {  	p3 =	por !p3, p1  }
0x215: {  	s14 =	simm.s32 @p3 $0xFFFFFFFF  }
0x216: {  	s14 =	smov.u32 @p1 s2  }
.LBB3_30:
0x217: {  	p1 =	seq.s32 s14, $0xFFFFFFFF  }
.Ltmp33:
0x218: {  	_ = 	snop;
	(pc) =	sbr.rel @p1 .LBB3_32-.Ltmp33, $1  }
0x219: {  	_ =	sdelay $0x3  }
0x21a: {  	s0 =	sshll.u32 s11, $0x7  }
0x21b: {  	s0 =	sand.u32 $0x3FFFFF80, s0  }
0x21c: {  	v0 =	vld [tilespmem:s0+$0xF238];
	_ =	sdelay $0x2  }
0x21d: {  	s2 =	sshll.u32 s14, $0x9  }
0x21e: {  	s2 =	sshra.s32 s2, $0x2  }
0x21f: {  	[tilespmem:s2+$0xF238] =	vst.add.f32.msk $0xffff, v0  }
0x220: {  	v0 =	vld [tilespmem:s0+$0xF248];
	_ =	sdelay $0x4  }
0x221: {  	[tilespmem:s2+$0xF248] =	vst.add.f32.msk $0xffff, v0  }
0x222: {  	v0 =	vld [tilespmem:s0+$0xF258];
	_ =	sdelay $0x4  }
0x223: {  	[tilespmem:s2+$0xF258] =	vst.add.f32.msk $0xffff, v0  }
0x224: {  	v0 =	vld [tilespmem:s0+$0xF268];
	_ =	sdelay $0x4  }
0x225: {  	[tilespmem:s2+$0xF268] =	vst.add.f32.msk $0xffff, v0  }
0x226: {  	v0 =	vld [tilespmem:s0+$0xF278];
	_ =	sdelay $0x4  }
0x227: {  	[tilespmem:s2+$0xF278] =	vst.add.f32.msk $0xffff, v0  }
0x228: {  	v0 =	vld [tilespmem:s0+$0xF288];
	_ =	sdelay $0x4  }
0x229: {  	[tilespmem:s2+$0xF288] =	vst.add.f32.msk $0xffff, v0  }
0x22a: {  	v0 =	vld [tilespmem:s0+$0xF298];
	_ =	sdelay $0x4  }
0x22b: {  	[tilespmem:s2+$0xF298] =	vst.add.f32.msk $0xffff, v0  }
0x22c: {  	v0 =	vld [tilespmem:s0+$0xF2A8]  }
.Ltmp34:
0x22d: {  	_ = 	snop;
	(pc) =	sbr.rel .LBB3_33-.Ltmp34, $2  }
0x22e: {  	_ =	sdelay $0x2  }
0x22f: {  	[tilespmem:s2+$0xF2A8] =	vst.add.f32.msk $0xffff, v0  }
.LBB3_34:
0x230: {  	s0 =	simm.s32 $0x6;
	p1 =	seq.s32 s6, $0x0  }
0x231: {  	[sflag:s0] =	ssyncpa.u1 $0x1;
	v0 =	vimm.s32 @p1 $0xFFFFFFFF  }
0x232: {  	s9 =	sadd.s32 $0xFFFFFFFF, s6;
	[tilespmem:$0x10238] =	vst @p1 v0  }
0x233: {  	v0 =	vld.msk @!p1 [tilespmem:s9+$0xF218], $0x1;
	_ =	sdelay $0x1  }
0x234: {  	v1 =	vld.msk @!p1 [tilespmem:$0xF218], $0x1;
	_ =	sdelay $0x2  }
0x235: {  	p2 =	seq.s32 @!p1 s9, $0x0;
	v0 =	vbroadcast @!p1 v0, $0x0  }
0x236: {  	vm0 =	vmmov @!p1 $0x1;
	p2 =	por !p2, p1  }
0x237: {  	v1 =	vnsel @!p1 vm0, $0xFFFFFFFF, v1;
	vm0 =	vcmask @!p1 $0x308;
	v0 =	vpsel !p2, $0xFFFFFFFF, v0  }
0x238: {  	p2 =	sne.s32 @!p1 s8, s7;
	v0 =	vsel @!p1 vm0, v1, v0  }
0x239: {  	s0 =	simm.s32 @!p1 $0xF238;
	s2 =	simm.s32 @!p1 $0x0;
	p3 =	por !p2, p1;
	[tilespmem:$0x10238] =	vst @!p1 v0  }
0x23a: {  	[spmem:s2] =	stream.linear.scatter @!p1 [tilespmem:s0], [sflag:$0x1], $0x80, $0x38;
	[tilespmem:$0x1F6F8] =	vst v63  }
0x23b: {  	s0 =	sshll.u32 @!p3 s9, $0x9  }
0x23c: {  	s0 =	sshra.s32 @!p3 s0, $0x2  }
0x23d: {  	s2 =	simm.s32 @!p3 $0x80;
	s0 =	sadd.s32 @!p3 $0xF238, s0  }
0x23e: {  	[spmem:s2] =	stream.linear.scatter @!p3 [tilespmem:s0], [sflag:$0x1], $0x80, $0x38;
	[tilespmem:$0x1F6F8] =	vst v63  }
0x23f: {  	s0 =	simm.s32 @!p3 $0x1  }
0x240: {  	_ =	swait.ge @!p3 [sflag:s0], $0x100  }
0x241: {  	p1 =	por p2, p1;
	[sflag:s0] =	ssyncset.done @!p3 $0x0  }
0x242: {  	[sflag:s0] =	ssyncadd.s32 @!p3 $0xFFFFFF00;
	s0 =	simm.s32 @!p1 $0x1  }
0x243: {  	_ =	swait.ge @!p1 [sflag:s0], $0x80  }
0x244: {  	s29 =	simm.s32 $0x10238;
	[sflag:s0] =	ssyncset.done @!p1 $0x0  }
0x245: {  	s30 =	simm.s32 $0x1000;
	s31 =	simm.s32 $0x1;
	[sflag:s0] =	ssyncadd.s32 @!p1 $0xFFFFFF80  }
0x246: {  	[spmem:s30] =	stream.linear.scatter [tilespmem:s29], [sflag:$0x1], $0x10, $0x38;
	[tilespmem:$0x1F6F8] =	vst v63  }
0x247: {  	_ =	swait.ge [sflag:s31], $0x10  }
0x248: {  	[sflag:s31] =	ssyncset.done $0x0  }
0x249: {  	p1 =	seq.s32 s15, $0x0;
	s8 =	rddreg [dreg:$0x1];
	[sflag:s31] =	ssyncadd.s32 $0xFFFFFFF0  }
0x24a: {  	s2 =	sshll.u32 @p1 s8, $0xE;
	s7 =	rddreg [dreg:$0x2]  }
0x24b: {  	s0 =	sadd.s32 @p1 $0x15C3C, s2;
	s2 =	sshll.u32 @p1 s7, $0x11  }
0x24c: {  	_ =	sfence.stream.spmem;
	s0 =	sor.u32 @p1 s2, s0  }
0x24d: {  	[sflag:s0] =	ssyncadd.remote.s32 @p1 $0x1;
	s0 =	simm.s32 @p1 $0x4  }
0x24e: {  	s3 =	simm.s32 @!p1 $0x3C;
	s2 =	sand.u32 $0xFFFFFFFE, s8;
	_ =	swait.ge @p1 [sflag:s0], $0x22  }
0x24f: {  	s4 =	simm.s32 @!p1 $0x0;
	s2 =	sadd.s32 @!p1 $0x4, s2;
	[sflag:s0] =	ssyncset.done @p1 $0x0  }
0x250: {  	s5 =	simm.s32 @!p1 $0x100;
	[sflag:s0] =	ssyncadd.s32 @p1 $0xFFFFFFDE;
	s0 =	sshll.u32 @!p1 s2, $0x1A  }
0x251: {  	s2 =	sshll.u32 @!p1 s2, $0xD;
	s0 =	sor.u32 @!p1 s0, s7;
	_ =	swait.eq @!p1 [sflag:s3], $0x1  }
0x252: {  	s2 =	sor.u32 @!p1 $0x1C04, s2;
	s3 =	simm.s32 @!p1 $0x1C03;
	s0 =	sor.u32 @!p1 $0x80004000, s0  }
0x253: {  	[spmem:s5], [sflag:s2] =	dma.general @!p1 [spmem:s4], [sflag:s3], length:$0x20, [dreg:$0x0], stride_count:$0x0, ici_dest:s0, dma_misc:DstOpCode:WRITE  }
0x254: {  	p2 =	slt.s32 s9, $0x2;
	s4 =	simm.s32 @!p1 $0x200;
	s5 =	simm.s32 @!p1 $0x202  }
0x255: {  	[spmem:s5], [sflag:s2] =	dma.general @!p1 [spmem:s4], [sflag:s3], length:$0x2, [dreg:$0x0], stride_count:$0x0, ici_dest:s0, dma_misc:DstOpCode:WRITE  }
.Ltmp35:
0x256: {  	s0 =	simm.s32 @!p1 $0x3;
	(pc) =	sbr.rel @p2 .LBB3_38-.Ltmp35, $4  }
0x257: {  	s2 =	sshll.u32 @!p1 s8, $0xE;
	_ =	swait.ge @!p1 [sflag:s0], $0x22  }
0x258: {  	s3 =	sshll.u32 @!p1 s7, $0x11;
	s2 =	sadd.s32 @!p1 $0x11C3C, s2;
	[sflag:s0] =	ssyncset.done @!p1 $0x0  }
0x259: {  	[sflag:s0] =	ssyncadd.s32 @!p1 $0xFFFFFFDE;
	s0 =	sor.u32 @!p1 s3, s2  }
0x25a: {  	[sflag:s0] =	ssyncadd.remote.s32 @!p1 $0xFFFFFFFF;
	s0 =	simm.s32 $0x0  }
0x25b: {  	s0 =	simm.s32 $0xF219  }
0x25c: {  	v0 =	vld.msk [tilespmem:s0+$0x0], $0x1;
	_ =	sdelay $0x4  }
0x25d: {  	(v2sf) =	vpush v0, $0x0;
	_ =	sdelay $0xb  }
0x25e: {  	s31 =	sadd.s32 $0xFFFFFFFE, s6  }
0x25f: {  	s0 =	sadd.s32 $0xFFFFFFFF, s31  }
0x260: {  	p2 =	sne.s32 s0, $0x0  }
.Ltmp36:
0x261: {  	s2 =	spop (v2sf);
	(pc) =	sbr.rel @!p2 .LBB3_37-.Ltmp36, $4  }
0x262: {  	s4 =	simm.s32 $0xF2B8;
	s7 =	simm.s32 $0x0;
	p1 =	sgt.u32 s2, $0x270F0  }
0x263: {  	s5 =	simm.s32 $0x0;
	s6 =	simm.s32 $0xF21A;
	s3 =	sand.u32 @!p1 $0x3FFF8, s2  }
0x264: {  	s2 =	sand.u32 @!p1 $0x7, s2;
	s7 =	simm.s32 @!p1 $0x200;
	s3 =	sadd.s32 @!p1 s1, s3  }
0x265: {  	[hbm4b:s3+s2] =	stream.linear.scatter @!p1 [tilespmem:s4], [sflag:$0x5], $0x80, $0x38;
	[tilespmem:$0x1F6F8] =	vst v63  }
.LBB3_36:
0x266: {  	v0 =	vld.msk [tilespmem:s6+$0x0], $0x1;
	s0 =	sadd.s32 $0xFFFFFFFF, s0;
	s5 =	sadd.s32 s5, s7  }
0x267: {  	p1 =	sne.s32 s0, $0x0;
	_ =	sdelay $0x3  }
0x268: {  	(v2sf) =	vpush v0, $0x0;
	_ =	sdelay $0xe  }
.Ltmp37:
0x269: {  	s2 =	spop (v2sf);
	(pc) =	sbr.rel @p1 .LBB3_36-.Ltmp37, $4  }
0x26a: {  	s7 =	simm.s32 $0x0;
	p2 =	sgt.u32 s2, $0x270F0  }
0x26b: {  	s4 =	sadd.s32 $0x80, s4;
	s7 =	simm.s32 @!p2 $0x200;
	s3 =	sand.u32 @!p2 $0x3FFF8, s2  }
0x26c: {  	s6 =	sadd.s32 $0x1, s6;
	s2 =	sand.u32 @!p2 $0x7, s2;
	s3 =	sadd.s32 @!p2 s1, s3  }
0x26d: {  	[hbm4b:s3+s2] =	stream.linear.scatter @!p2 [tilespmem:s4], [sflag:$0x5], $0x80, $0x38;
	[tilespmem:$0x1F6F8] =	vst v63  }
.LBB3_37:
0x26e: {  	s0 =	sadd.s32 s5, s7  }
0x26f: {  	s0 =	sshrl.u32 s0, $0x2  }
.LBB3_38:
0x270: {  	s2 =	simm.s32 $0x5  }
0x271: {  	_ =	swait.ge [sflag:s2], s0  }
0x272: {  	s31 =	ssub.s32 $0x0, s0;
	[sflag:s2] =	ssyncset.done $0x0  }
0x273: {  	[sflag:s2] =	ssyncadd.s32 s31  }
0x274: {  	[sflag:s2] =	ssyncpa.u1 $0x1  }
.LBB3_39:
0x275: {  	s0 =	sor.u32 s15, s16  }
0x276: {  	p1 =	sne.s32 s0, $0x0  }
.Ltmp38:
0x277: {  	_ = 	snop;
	(pc) =	sbr.rel @p1 .LBB3_54-.Ltmp38, $3  }
0x278: {  	_ =	sdelay $0x1  }
0x279: {  	[bflag:$0x0] =	sbarrier.arrive $0xFFFF  }
0x27a: {  	_ =	sfence  }
0x27b: {  	s0 =	simm.s32 $0x7  }
0x27c: {  	s2 =	simm.s32 $0x1000;
	s3 =	simm.s32 $0xF218;
	[sflag:s0] =	ssyncpa.u1 $0x0  }
0x27d: {  	[tilespmem:s3], [sflag:$0x7] =	stream.linear.gather [spmem:s2], $0x20, $0x38;
	[tilespmem:$0x1F6F8] =	vst v63  }
0x27e: {  	s30 =	simm.s32 $0xF238;
	s2 =	simm.s32 $0x0  }
0x27f: {  	[tilespmem:s30], [sflag:$0x7] =	stream.linear.gather [spmem:s2], $0x1000, $0x38;
	[tilespmem:$0x1F6F8] =	vst v63  }
.Ltmp39:
0x280: {  	_ = 	snop;
	(pc) =	sbr.rel .LBB3_41-.Ltmp39, $4  }
0x281: {  	_ =	swait.ge [sflag:s0], $0x1020  }
0x282: {  	[sflag:s0] =	ssyncset.done $0x0  }
0x283: {  	s31 =	simm.s32 $0x8;
	[sflag:s0] =	ssyncadd.s32 $0xFFFFEFE0  }
0x284: {  	s3 =	simm.s32 $0x0;
	[sflag:s31] =	ssyncpa.u1 $0x0  }
.LBB3_47:
0x285: {  	p1 =	slt.u32 s4, $0x270F1  }
0x286: {  	s0 =	sand.u32 @p1 $0x3FFF8, s4  }
0x287: {  	s4 =	sand.u32 @p1 $0x7, s4;
	s5 =	simm.s32 @p1 $0xF188;
	s0 =	sadd.s32 @p1 s1, s0  }
0x288: {  	[tilespmem:s5], [sflag:$0x8] =	stream.linear.gather @p1 [hbm4b:s0+s4], $0x80, $0x38;
	[tilespmem:$0x1F6F8] =	vst v63  }
0x289: {  	s0 =	simm.s32 @p1 $0x8  }
0x28a: {  	_ =	swait.ge @p1 [sflag:s0], $0x80  }
0x28b: {  	[sflag:s0] =	ssyncset.done @p1 $0x0  }
0x28c: {  	[sflag:s0] =	ssyncadd.s32 @p1 $0xFFFFFF80  }
0x28d: {  	v1 =	vld @p1 [tilespmem:$0xF188];
	_ =	sdelay $0x2  }
0x28e: {  	s0 =	sshll.u32 @p1 s3, $0x9  }
0x28f: {  	s4 =	sshrl.u32 @p1 s0, $0x2  }
0x290: {  	[tilespmem:s4+$0xF238] =	vst.add.f32.msk @p1 $0xffff, v1  }
0x291: {  	v1 =	vld @p1 [tilespmem:$0xF198];
	_ =	sdelay $0x4  }
0x292: {  	[tilespmem:s4+$0xF248] =	vst.add.f32.msk @p1 $0xffff, v1  }
0x293: {  	v1 =	vld @p1 [tilespmem:$0xF1A8];
	_ =	sdelay $0x4  }
0x294: {  	[tilespmem:s4+$0xF258] =	vst.add.f32.msk @p1 $0xffff, v1  }
0x295: {  	v1 =	vld @p1 [tilespmem:$0xF1B8];
	_ =	sdelay $0x4  }
0x296: {  	[tilespmem:s4+$0xF268] =	vst.add.f32.msk @p1 $0xffff, v1  }
0x297: {  	v1 =	vld @p1 [tilespmem:$0xF1C8];
	_ =	sdelay $0x4  }
0x298: {  	[tilespmem:s4+$0xF278] =	vst.add.f32.msk @p1 $0xffff, v1  }
0x299: {  	v1 =	vld @p1 [tilespmem:$0xF1D8];
	_ =	sdelay $0x4  }
0x29a: {  	[tilespmem:s4+$0xF288] =	vst.add.f32.msk @p1 $0xffff, v1  }
0x29b: {  	v1 =	vld @p1 [tilespmem:$0xF1E8];
	_ =	sdelay $0x4  }
0x29c: {  	[tilespmem:s4+$0xF298] =	vst.add.f32.msk @p1 $0xffff, v1  }
0x29d: {  	v1 =	vld @p1 [tilespmem:$0xF1F8];
	_ =	sdelay $0x3  }
0x29e: {  	s5 =	sshll.u32 @!p1 s3, $0x9  }
0x29f: {  	s5 =	smov.u32 @p1 s0;
	[tilespmem:s4+$0xF2A8] =	vst.add.f32.msk @p1 $0xffff, v1  }
0x2a0: {  	s0 =	sshrl.u32 s5, $0x2;
	[tilespmem:s2+$0xF218] =	vst.msk $0x1, v0  }
0x2a1: {  	v0 =	vld [tilespmem:s0+$0xF238];
	_ =	sdelay $0x2  }
0x2a2: {  	s31 =	sshll.u32 s2, $0x9  }
0x2a3: {  	s4 =	sshra.s32 s31, $0x2  }
0x2a4: {  	[tilespmem:s4+$0xF238] =	vst v0  }
0x2a5: {  	v0 =	vld [tilespmem:s0+$0xF248];
	_ =	sdelay $0x4  }
0x2a6: {  	[tilespmem:s4+$0xF248] =	vst v0  }
0x2a7: {  	v0 =	vld [tilespmem:s0+$0xF258];
	_ =	sdelay $0x4  }
0x2a8: {  	[tilespmem:s4+$0xF258] =	vst v0  }
0x2a9: {  	v0 =	vld [tilespmem:s0+$0xF268];
	_ =	sdelay $0x4  }
0x2aa: {  	[tilespmem:s4+$0xF268] =	vst v0  }
0x2ab: {  	v0 =	vld [tilespmem:s0+$0xF278];
	_ =	sdelay $0x4  }
0x2ac: {  	[tilespmem:s4+$0xF278] =	vst v0  }
0x2ad: {  	v0 =	vld [tilespmem:s0+$0xF288];
	_ =	sdelay $0x4  }
0x2ae: {  	[tilespmem:s4+$0xF288] =	vst v0  }
0x2af: {  	v0 =	vld [tilespmem:s0+$0xF298];
	_ =	sdelay $0x4  }
0x2b0: {  	[tilespmem:s4+$0xF298] =	vst v0  }
0x2b1: {  	v0 =	vld [tilespmem:s0+$0xF2A8];
	_ =	sdelay $0x4  }
0x2b2: {  	s2 =	sadd.s32 $0x1, s2;
	[tilespmem:s4+$0xF2A8] =	vst v0  }
.LBB3_48:
0x2b3: {  	s3 =	sadd.s32 $0x1, s3  }
0x2b4: {  	p1 =	sne.s32 s3, $0x20  }
.Ltmp40:
0x2b5: {  	_ = 	snop;
	(pc) =	sbr.rel @!p1 .LBB3_49-.Ltmp40, $1  }
0x2b6: {  	_ =	sdelay $0x3  }
.LBB3_41:
0x2b7: {  	v0 =	vld.msk [tilespmem:s3+$0xF218], $0x1;
	_ =	sdelay $0x4  }
0x2b8: {  	(v2sf) =	vpush v0, $0x0;
	_ =	sdelay $0xe  }
0x2b9: {  	s4 =	spop (v2sf)  }
0x2ba: {  	p1 =	seq.s32 s4, $0xFFFFFFFF  }
.Ltmp41:
0x2bb: {  	_ = 	snop;
	(pc) =	sbr.rel @p1 .LBB3_48-.Ltmp41, $1  }
0x2bc: {  	_ =	sdelay $0x3  }
0x2bd: {  	p1 =	slt.s32 s2, $0x1  }
.Ltmp42:
0x2be: {  	_ = 	snop;
	(pc) =	sbr.rel @p1 .LBB3_47-.Ltmp42, $1  }
0x2bf: {  	_ =	sdelay $0x3  }
0x2c0: {  	s5 =	simm.s32 $0xF218;
	p1 =	por $0x0, $0x0  }
0x2c1: {  	v1 =	vld.msk @!p1 [tilespmem:s5+$0x0], $0x1;
	_ =	sdelay $0x4  }
0x2c2: {  	(v2sf) =	vpush @!p1 v1, $0x0;
	_ =	sdelay $0xd  }
0x2c3: {  	p3 =	sne.s32 s2, $0x1  }
.Ltmp43:
0x2c4: {  	s0 =	spop @!p1 (v2sf);
	(pc) =	sbr.rel @!p3 .LBB3_45-.Ltmp43, $4  }
0x2c5: {  	p2 =	seq.s32 @!p1 s4, s0  }
0x2c6: {  	s6 =	simm.s32 $0x0;
	p2 =	por !p2, p1  }
0x2c7: {  	s7 =	simm.s32 $0xFFFFFFFF;
	s6 =	simm.s32 @p2 $0xFFFFFFFF  }
0x2c8: {  	s0 =	simm.s32 $0x1;
	s6 =	smov.u32 @p1 s7  }
.LBB3_44:
0x2c9: {  	s7 =	smov.u32 s6;
	p1 =	sne.s32 s6, $0xFFFFFFFF  }
0x2ca: {  	s5 =	sadd.s32 $0x1, s5;
	s6 =	smov.u32 s0;
	s0 =	sadd.s32 $0x1, s0  }
0x2cb: {  	p2 =	sne.s32 s2, s0;
	v1 =	vld.msk @!p1 [tilespmem:s5+$0x0], $0x1;
	_ =	sdelay $0x4  }
0x2cc: {  	(v2sf) =	vpush @!p1 v1, $0x0;
	_ =	sdelay $0xe  }
.Ltmp44:
0x2cd: {  	s8 =	spop @!p1 (v2sf);
	(pc) =	sbr.rel @p2 .LBB3_44-.Ltmp44, $4  }
0x2ce: {  	p3 =	seq.s32 @!p1 s4, s8  }
0x2cf: {  	p3 =	por !p3, p1  }
0x2d0: {  	s6 =	simm.s32 @p3 $0xFFFFFFFF  }
0x2d1: {  	s6 =	smov.u32 @p1 s7  }
.LBB3_45:
0x2d2: {  	p1 =	seq.s32 s6, $0xFFFFFFFF  }
.Ltmp45:
0x2d3: {  	_ = 	snop;
	(pc) =	sbr.rel @p1 .LBB3_47-.Ltmp45, $1  }
0x2d4: {  	_ =	sdelay $0x3  }
0x2d5: {  	s0 =	sshll.u32 s3, $0x7  }
0x2d6: {  	s0 =	sand.u32 $0x3FFFFF80, s0  }
0x2d7: {  	v0 =	vld [tilespmem:s0+$0xF238];
	_ =	sdelay $0x2  }
0x2d8: {  	s4 =	sshll.u32 s6, $0x9  }
0x2d9: {  	s4 =	sshra.s32 s4, $0x2  }
0x2da: {  	[tilespmem:s4+$0xF238] =	vst.add.f32.msk $0xffff, v0  }
0x2db: {  	v0 =	vld [tilespmem:s0+$0xF248];
	_ =	sdelay $0x4  }
0x2dc: {  	[tilespmem:s4+$0xF248] =	vst.add.f32.msk $0xffff, v0  }
0x2dd: {  	v0 =	vld [tilespmem:s0+$0xF258];
	_ =	sdelay $0x4  }
0x2de: {  	[tilespmem:s4+$0xF258] =	vst.add.f32.msk $0xffff, v0  }
0x2df: {  	v0 =	vld [tilespmem:s0+$0xF268];
	_ =	sdelay $0x4  }
0x2e0: {  	[tilespmem:s4+$0xF268] =	vst.add.f32.msk $0xffff, v0  }
0x2e1: {  	v0 =	vld [tilespmem:s0+$0xF278];
	_ =	sdelay $0x4  }
0x2e2: {  	[tilespmem:s4+$0xF278] =	vst.add.f32.msk $0xffff, v0  }
0x2e3: {  	v0 =	vld [tilespmem:s0+$0xF288];
	_ =	sdelay $0x4  }
0x2e4: {  	[tilespmem:s4+$0xF288] =	vst.add.f32.msk $0xffff, v0  }
0x2e5: {  	v0 =	vld [tilespmem:s0+$0xF298];
	_ =	sdelay $0x4  }
0x2e6: {  	[tilespmem:s4+$0xF298] =	vst.add.f32.msk $0xffff, v0  }
0x2e7: {  	v0 =	vld [tilespmem:s0+$0xF2A8]  }
.Ltmp46:
0x2e8: {  	_ = 	snop;
	(pc) =	sbr.rel .LBB3_48-.Ltmp46, $2  }
0x2e9: {  	_ =	sdelay $0x2  }
0x2ea: {  	[tilespmem:s4+$0xF2A8] =	vst.add.f32.msk $0xffff, v0  }
.LBB3_49:
0x2eb: {  	p1 =	slt.s32 s2, $0x1  }
.Ltmp47:
0x2ec: {  	_ = 	snop;
	(pc) =	sbr.rel @p1 .LBB3_53-.Ltmp47, $3  }
0x2ed: {  	_ =	sdelay $0x1  }
0x2ee: {  	s0 =	simm.s32 $0x8  }
0x2ef: {  	s3 =	simm.s32 $0x0;
	[sflag:s0] =	ssyncpa.u1 $0x1  }
0x2f0: {  	s0 =	simm.s32 $0xF218  }
0x2f1: {  	v0 =	vld.msk [tilespmem:s0+$0x0], $0x1;
	_ =	sdelay $0x4  }
0x2f2: {  	(v2sf) =	vpush v0, $0x0;
	_ =	sdelay $0xe  }
0x2f3: {  	s0 =	sadd.s32 $0xFFFFFFFF, s2;
	s5 =	spop (v2sf)  }
0x2f4: {  	p2 =	sne.s32 s0, $0x0;
	p1 =	sgt.u32 s5, $0x270F0  }
.Ltmp48:
0x2f5: {  	s6 =	sand.u32 @!p1 $0x3FFF8, s5;
	(pc) =	sbr.rel @!p2 .LBB3_52-.Ltmp48, $4  }
0x2f6: {  	s4 =	simm.s32 $0xF238;
	s5 =	sand.u32 @!p1 $0x7, s5;
	s2 =	sadd.s32 @!p1 s1, s6  }
0x2f7: {  	[hbm4b:s2+s5] =	stream.linear.scatter @!p1 [tilespmem:s4], [sflag:$0x7], $0x80, $0x38;
	[tilespmem:$0x1F6F8] =	vst v63  }
0x2f8: {  	s5 =	simm.s32 $0x0  }
0x2f9: {  	s2 =	simm.s32 $0xF219;
	s5 =	simm.s32 @!p1 $0x200  }
.LBB3_51:
0x2fa: {  	v0 =	vld.msk [tilespmem:s2+$0x0], $0x1;
	s0 =	sadd.s32 $0xFFFFFFFF, s0;
	s3 =	sadd.s32 s3, s5  }
0x2fb: {  	p1 =	sne.s32 s0, $0x0;
	_ =	sdelay $0x3  }
0x2fc: {  	(v2sf) =	vpush v0, $0x0;
	_ =	sdelay $0xe  }
.Ltmp49:
0x2fd: {  	s6 =	spop (v2sf);
	(pc) =	sbr.rel @p1 .LBB3_51-.Ltmp49, $4  }
0x2fe: {  	s5 =	simm.s32 $0x0;
	p2 =	sgt.u32 s6, $0x270F0  }
0x2ff: {  	s4 =	sadd.s32 $0x80, s4;
	s5 =	simm.s32 @!p2 $0x200;
	s7 =	sand.u32 @!p2 $0x3FFF8, s6  }
0x300: {  	s2 =	sadd.s32 $0x1, s2;
	s6 =	sand.u32 @!p2 $0x7, s6;
	s7 =	sadd.s32 @!p2 s1, s7  }
0x301: {  	[hbm4b:s7+s6] =	stream.linear.scatter @!p2 [tilespmem:s4], [sflag:$0x7], $0x80, $0x38;
	[tilespmem:$0x1F6F8] =	vst v63  }
.LBB3_52:
0x302: {  	s0 =	sadd.s32 s3, s5  }
0x303: {  	s3 =	sshrl.u32 s0, $0x2  }
.LBB3_53:
0x304: {  	s0 =	simm.s32 $0x7  }
0x305: {  	_ =	swait.ge [sflag:s0], s3  }
0x306: {  	s1 =	ssub.s32 $0x0, s3;
	[sflag:s0] =	ssyncset.done $0x0  }
0x307: {  	[sflag:s0] =	ssyncadd.s32 s1  }
0x308: {  	[sflag:s0] =	ssyncpa.u1 $0x1  }
.LBB3_54:
0x309: {  	_ =	sfence;
	s0 =	simm.s32 $0x1  }
0x30a: {  	[sflag:s0] =	ssyncpa.u1 $0x1  }
0x30b: {  	_ =	strace $0x90000059  }
0x30c: {  	[bflag:$0x2] =	sbarrier.arrive $0xFFFF  }
0x30d: {  	s0 =	rddreg [dreg:$0x3]  }
0x30e: {  	s0 =	sadd.s32 @!p0 $0x100000, s0  }
0x30f: {  	[sflag:s0] =	ssyncadd.tile.s32 @!p0 $0x1;
	_ =	shalt  }
.Lfunc_end3:
_tile_overlayer_lowered:
.L_overlay_start_3:
0x310: {  	(tag) =	ssettag $0x3  }
0x311: {  	s0 =	rddreg [dreg:$0x0];
	s2 =	stileid.u32  }
0x312: {  	s1 =	rddreg [dreg:$0x1];
	p0 =	sne.s32 s2, $0x0  }
0x313: {  	s3 =	rddreg [dreg:$0x2];
	[bflag:$0x3] =	sbarrier.arrive $0xFFFF;
	s2 =	simm.s32 @!p0 $0x1C01  }
0x314: {  	[timem:s3], [sflag:s2] =	dma.local @!p0 [hbm:s0], s1  }
0x315: {  	s0 =	simm.s32 @!p0 $0x1  }
0x316: {  	_ =	swait.ge @!p0 [sflag:s0], s1  }
0x317: {  	s1 =	ssub.s32 @!p0 $0x0, s1;
	[sflag:s0] =	ssyncset.done @!p0 $0x0  }
0x318: {  	[sflag:s0] =	ssyncadd.s32 @!p0 s1  }
0x319: {  	[bflag:$0x3] =	sbarrier.arrive $0xFFFF  }
0x31a: {  	_ =	shalt  }

</sc_bundles>
